<compile_context>
chip_gen: v7x
topology: tpu7x:2x2x1
jax: 0.10.2.dev20260603
libtpu: 0.0.44.dev20260713+nightly
codegen_flags: <defaults>
</compile_context>

<pallas_src>
import functools

import jax
import jax.numpy as jnp
from jax import lax
from jax.experimental import pallas as pl
from jax.experimental.pallas import tpu as pltpu
from jax.experimental.pallas import tpu_sc as plsc

N = 10000
NP = 10240
E = 320000
EP = 327680
EROWS = EP // 128
RT = EROWS // 16
RW = EROWS // 32
SL = NP // 16
CH = 32
CW = 16
RB = 2048

_f32 = jnp.float32
_i32 = jnp.int32


def _xw_body(x_ref, w_ref, oa_ref, ob_ref):
    xl = jnp.dot(x_ref[...], w_ref[...], preferred_element_type=_f32)
    oa_ref[...] = xl[:, :128]
    ob_ref[...] = xl[:, 128:]


def _mlp_body(agg_a, agg_b, xa, xb, dv, b_ref, w1, b1_ref, w2, b2_ref, o_ref):
    d2 = dv[...] * dv[...]
    h_a = agg_a[...] + d2 * xa[...] + b_ref[0:1, :128]
    h_b = agg_b[...] + d2 * xb[...] + b_ref[0:1, 128:]
    w1f = w1[...]
    m = (jnp.dot(h_a, w1f[:128, :], preferred_element_type=_f32)
         + jnp.dot(h_b, w1f[128:, :], preferred_element_type=_f32)
         + b1_ref[...])
    h1 = jnp.maximum(m, 0.0)
    o_ref[...] = jnp.dot(h1, w2[...], preferred_element_type=_f32) + b2_ref[...]


_dnums = lax.GatherDimensionNumbers(
    offset_dims=(), collapsed_slice_dims=(0,), start_index_map=(0,))


def _splat(v, e):
    return lax.gather(v, jnp.full((16, 1), e, _i32), _dnums, (1,),
                      mode=lax.GatherScatterMode.PROMISE_IN_BOUNDS)


def _pre_body(row_h, col_h, w_h, nw_h, dinv_h,
              col_c, w_c, row_c2, col_c2, w_c2, nw_c,
              deg_l, dinv_v, tmp, dvv, stage_sp, dinv_sp):
    c = lax.axis_index("c")
    s = lax.axis_index("s")
    ebase = s * RT
    nbase = s * SL
    z16 = jnp.zeros((16,), _f32)

    def _z1(i, carry):
        deg_l[pl.ds(i * 16, 16)] = z16
        return carry

    lax.fori_loop(0, NP // 16, _z1, 0)

    def _deg_chunk(ch, carry):
        pltpu.sync_copy(col_h.at[pl.ds(ebase + ch * CH, CH)], col_c)
        pltpu.sync_copy(w_h.at[pl.ds(ebase + ch * CH, CH)], w_c)

        def _deg(g, carry2):
            def _grp(j, carry3):
                ic = col_c[g, pl.ds(j * 16, 16)]
                wv = w_c[g, pl.ds(j * 16, 16)]
                plsc.addupdate_scatter(deg_l, [ic], wv)
                return carry3

            return lax.fori_loop(0, 8, _grp, carry2)

        return lax.fori_loop(0, CH, _deg, carry)

    lax.fori_loop(0, RT // CH, _deg_chunk, 0)

    pltpu.sync_copy(deg_l, stage_sp.at[s])
    plsc.subcore_barrier()

    def _zv(i, carry):
        dvv[pl.ds(i * 16, 16)] = z16
        return carry

    lax.fori_loop(0, SL // 16, _zv, 0)

    def _comb(r, carry):
        pltpu.sync_copy(stage_sp.at[r, pl.ds(nbase, SL)], tmp)

        def _add(v, carry2):
            sl = pl.ds(v * 16, 16)
            dvv[sl] = dvv[sl] + tmp[sl]
            return carry2

        return lax.fori_loop(0, SL // 16, _add, carry)

    lax.fori_loop(0, 16, _comb, 0)

    def _rsq(i, carry):
        sl = pl.ds(i * 16, 16)
        dg = dvv[sl] + 1.0
        bi = lax.bitcast_convert_type(dg, _i32)
        y = lax.bitcast_convert_type(jnp.int32(0x5F3759DF) - (bi >> 1), _f32)
        y = y * (1.5 - 0.5 * dg * y * y)
        y = y * (1.5 - 0.5 * dg * y * y)
        y = y * (1.5 - 0.5 * dg * y * y)
        dvv[sl] = y
        return carry

    lax.fori_loop(0, SL // 16, _rsq, 0)
    pltpu.sync_copy(dvv, dinv_sp.at[pl.ds(nbase, SL)])

    @pl.when(c == 0)
    def _():
        pltpu.sync_copy(dvv, dinv_h.at[pl.ds(nbase, SL)])

    plsc.subcore_barrier()
    pltpu.sync_copy(dinv_sp, dinv_v)

    wbase = (c * 16 + s) * RW

    def _nw_chunk(ch, carry):
        eb = wbase + ch * CW
        pltpu.sync_copy(row_h.at[pl.ds(eb, CW)], row_c2)
        pltpu.sync_copy(col_h.at[pl.ds(eb, CW)], col_c2)
        pltpu.sync_copy(w_h.at[pl.ds(eb, CW)], w_c2)

        def _nw(g, carry2):
            def _grp(j, carry3):
                sl = pl.ds(j * 16, 16)
                ir = row_c2[g, sl]
                ic = col_c2[g, sl]
                wv = w_c2[g, sl]
                dr = plsc.load_gather(dinv_v, [ir])
                dc = plsc.load_gather(dinv_v, [ic])
                nw_c[g, sl] = dr * wv * dc
                return carry3

            return lax.fori_loop(0, 8, _grp, carry2)

        lax.fori_loop(0, CW, _nw, carry)
        pltpu.sync_copy(nw_c, nw_h.at[pl.ds(eb, CW)])
        return carry

    lax.fori_loop(0, RW // CW, _nw_chunk, 0)


_sc_pre = functools.partial(
    pl.kernel,
    out_type=(jax.ShapeDtypeStruct((EROWS, 128), _f32),
              jax.ShapeDtypeStruct((NP,), _f32)),
    mesh=plsc.VectorSubcoreMesh(core_axis_name="c", subcore_axis_name="s"),
    compiler_params=pltpu.CompilerParams(needs_layout_passes=False),
    scratch_types=[
        pltpu.VMEM((CH, 128), _i32),
        pltpu.VMEM((CH, 128), _f32),
        pltpu.VMEM((CW, 128), _i32),
        pltpu.VMEM((CW, 128), _i32),
        pltpu.VMEM((CW, 128), _f32),
        pltpu.VMEM((CW, 128), _f32),
        pltpu.VMEM((NP,), _f32),
        pltpu.VMEM((NP,), _f32),
        pltpu.VMEM((SL,), _f32),
        pltpu.VMEM((SL,), _f32),
        pltpu.VMEM_SHARED((16, NP), _f32),
        pltpu.VMEM_SHARED((NP,), _f32),
    ],
)(_pre_body)


def _agg_body(row_h, col_h, nw_h, xa_h, xb_h, agg_h,
              row_c, col_c, nw_c, rows0, rows1, zero_b,
              acc_sp, gsem0, gsem1, ssem0, ssem1):
    c = lax.axis_index("c")
    s = lax.axis_index("s")
    ebase = s * RT
    nbase = s * SL
    z16 = jnp.zeros((16,), _f32)

    def _z2(i, carry):
        zero_b[i // 8, pl.ds((i % 8) * 16, 16)] = z16
        return carry

    lax.fori_loop(0, 16 * 8, _z2, 0)
    for k in range(SL // 16):
        pltpu.sync_copy(zero_b, acc_sp.at[pl.ds(nbase + k * 16, 16)])
    plsc.subcore_barrier()

    def _wait(sem):
        pltpu.make_async_copy(xa_h.at[pl.ds(0, 128)], rows0, sem).wait()

    def _gather(buf, g, sem):
        @pl.when(c == 0)
        def _():
            pltpu.async_copy(xa_h.at[row_c.at[g]], buf, sem)

        @pl.when(c != 0)
        def _():
            pltpu.async_copy(xb_h.at[row_c.at[g]], buf, sem)

    def _scale(buf, g):
        def _grp(j, carry):
            nv = nw_c[g, pl.ds(j * 16, 16)]
            for e in range(16):
                sp = _splat(nv, e)
                ri = j * 16 + e
                for k in range(8):
                    sl = pl.ds(k * 16, 16)
                    buf[ri, sl] = buf[ri, sl] * sp
            return carry

        lax.fori_loop(0, 8, _grp, 0)

    def _scatter(buf, g, sem):
        pltpu.async_copy(buf, acc_sp.at[col_c.at[g]], sem, add=True)

    def _chunk(ch, carry):
        pltpu.sync_copy(row_h.at[pl.ds(ebase + ch * CH, CH)], row_c)
        pltpu.sync_copy(col_h.at[pl.ds(ebase + ch * CH, CH)], col_c)
        pltpu.sync_copy(nw_h.at[pl.ds(ebase + ch * CH, CH)], nw_c)

        @pl.when(ch > 0)
        def _():
            _wait(ssem0)

        _gather(rows0, 0, gsem0)

        def _pair(t, carry2):
            @pl.when(ch * (CH // 2) + t > 0)
            def _():
                _wait(ssem1)

            _gather(rows1, 2 * t + 1, gsem1)
            _wait(gsem0)
            _scale(rows0, 2 * t)
            _scatter(rows0, 2 * t, ssem0)
            _wait(gsem1)
            _scale(rows1, 2 * t + 1)

            @pl.when(t < CH // 2 - 1)
            def _():
                _wait(ssem0)
                _gather(rows0, 2 * t + 2, gsem0)

            _scatter(rows1, 2 * t + 1, ssem1)
            return carry2

        return lax.fori_loop(0, CH // 2, _pair, carry)

    lax.fori_loop(0, RT // CH, _chunk, 0)
    _wait(ssem0)
    _wait(ssem1)
    plsc.subcore_barrier()

    pltpu.sync_copy(acc_sp.at[pl.ds(nbase, SL)],
                    agg_h.at[pl.ds(c * NP + nbase, SL)])


_sc_agg = functools.partial(
    pl.kernel,
    out_type=jax.ShapeDtypeStruct((2 * NP, 128), _f32),
    mesh=plsc.VectorSubcoreMesh(core_axis_name="c", subcore_axis_name="s"),
    compiler_params=pltpu.CompilerParams(needs_layout_passes=False),
    scratch_types=[
        pltpu.VMEM((CH, 128), _i32),
        pltpu.VMEM((CH, 128), _i32),
        pltpu.VMEM((CH, 128), _f32),
        pltpu.VMEM((128, 128), _f32),
        pltpu.VMEM((128, 128), _f32),
        pltpu.VMEM((16, 128), _f32),
        pltpu.VMEM_SHARED((NP, 128), _f32),
        pltpu.SemaphoreType.DMA,
        pltpu.SemaphoreType.DMA,
        pltpu.SemaphoreType.DMA,
        pltpu.SemaphoreType.DMA,
    ],
)(_agg_body)


def kernel(x, edge_index, edge_weight, W, b, W1, b1, W2, b2):
    row = edge_index[0].astype(_i32)
    col = edge_index[1].astype(_i32)
    w = edge_weight.astype(_f32)
    row2 = jnp.pad(row, (0, EP - E)).reshape(EROWS, 128)
    col2 = jnp.pad(col, (0, EP - E)).reshape(EROWS, 128)
    w2 = jnp.pad(w, (0, EP - E)).reshape(EROWS, 128)
    x_p = jnp.pad(x, ((0, NP - N), (0, 0)))

    xlin_a, xlin_b = pl.pallas_call(
        _xw_body,
        grid=(NP // RB,),
        in_specs=[pl.BlockSpec((RB, 128), lambda i: (i, 0)),
                  pl.BlockSpec((128, 256), lambda i: (0, 0))],
        out_specs=[pl.BlockSpec((RB, 128), lambda i: (i, 0)),
                   pl.BlockSpec((RB, 128), lambda i: (i, 0))],
        out_shape=[jax.ShapeDtypeStruct((NP, 128), _f32),
                   jax.ShapeDtypeStruct((NP, 128), _f32)],
    )(x_p, W)

    nw2, dinv = _sc_pre(row2, col2, w2)
    agg = _sc_agg(row2, col2, nw2, xlin_a, xlin_b)

    out = pl.pallas_call(
        _mlp_body,
        grid=(NP // RB,),
        in_specs=[pl.BlockSpec((RB, 128), lambda i: (i, 0)),
                  pl.BlockSpec((RB, 128), lambda i: (i + NP // RB, 0)),
                  pl.BlockSpec((RB, 128), lambda i: (i, 0)),
                  pl.BlockSpec((RB, 128), lambda i: (i, 0)),
                  pl.BlockSpec((RB, 1), lambda i: (i, 0)),
                  pl.BlockSpec((1, 256), lambda i: (0, 0)),
                  pl.BlockSpec((256, 256), lambda i: (0, 0)),
                  pl.BlockSpec((1, 256), lambda i: (0, 0)),
                  pl.BlockSpec((256, 256), lambda i: (0, 0)),
                  pl.BlockSpec((1, 256), lambda i: (0, 0))],
        out_specs=pl.BlockSpec((RB, 256), lambda i: (i, 0)),
        out_shape=jax.ShapeDtypeStruct((NP, 256), _f32),
    )(agg, agg, xlin_a, xlin_b, dinv.reshape(NP, 1), b.reshape(1, 256),
      W1, b1.reshape(1, 256), W2, b2.reshape(1, 256))

    return out[:N]

# --- scband reference (transcript-rebuilt; emitter-appended) ---
"""Pipeline reference for scband-node-encoder-58334245814300 (READ-ONLY COPY).

The authoritative reference and input builder live on the scoring server;
editing this copy changes nothing except your own understanding.
"""

import jax, jax.numpy as jnp
import numpy as np

N_NODES = 10000
N_EDGES = 320000
IN_DIM = 128
GNN_DIM = 256
OUT_DIM = 256


def setup_inputs(seed: int = 0) -> dict:
    key = jax.random.key(seed)
    ks = jax.random.split(key, 10)
    x = jax.random.normal(ks[0], (N_NODES, IN_DIM), dtype=jnp.float32)
    edge_index = jax.random.randint(ks[1], (2, N_EDGES), 0, N_NODES, dtype=jnp.int64)
    edge_weight = jax.random.uniform(ks[2], (N_EDGES,), dtype=jnp.float32)
    # GCNConv params (glorot-ish init)
    W = jax.random.normal(ks[3], (IN_DIM, GNN_DIM), dtype=jnp.float32) / np.sqrt(IN_DIM)
    b = jnp.zeros((GNN_DIM,), dtype=jnp.float32)
    # shared_mlp = Linear(256,256) -> ReLU -> Linear(256,256)
    W1 = jax.random.normal(ks[4], (GNN_DIM, GNN_DIM), dtype=jnp.float32) / np.sqrt(GNN_DIM)
    b1 = jnp.zeros((GNN_DIM,), dtype=jnp.float32)
    W2 = jax.random.normal(ks[5], (GNN_DIM, OUT_DIM), dtype=jnp.float32) / np.sqrt(GNN_DIM)
    b2 = jnp.zeros((OUT_DIM,), dtype=jnp.float32)
    return {"x": x, "edge_index": edge_index, "edge_weight": edge_weight,
            "W": W, "b": b, "W1": W1, "b1": b1, "W2": W2, "b2": b2}


def _gcn_conv(x, edge_index, edge_weight, W, b):
    N = x.shape[0]
    # add self-loops with weight 1 (PyG GCNConv default: add_self_loops=True, normalize=True)
    loop = jnp.arange(N, dtype=edge_index.dtype)
    row = jnp.concatenate([edge_index[0], loop])  # src
    col = jnp.concatenate([edge_index[1], loop])  # dst
    w = jnp.concatenate([edge_weight, jnp.ones((N,), dtype=edge_weight.dtype)])
    # symmetric normalization: deg computed on dst
    deg = jax.ops.segment_sum(w, col, num_segments=N)
    deg_inv_sqrt = jnp.where(deg > 0, jax.lax.rsqrt(jnp.maximum(deg, 1e-12)), 0.0)
    norm = deg_inv_sqrt[row] * w * deg_inv_sqrt[col]
    x_lin = x @ W
    msg = norm[:, None] * jnp.take(x_lin, row, axis=0)
    out = jax.ops.segment_sum(msg, col, num_segments=N)
    return out + b


def reference(x, edge_index, edge_weight, W, b, W1, b1, W2, b2):
    h = _gcn_conv(x, edge_index, edge_weight, W, b)
    h = h @ W1 + b1
    h = jax.nn.relu(h)
    h = h @ W2 + b2
    return h

if __name__ == "__main__":
    import jax
    _d = setup_inputs()
    print(jax.jit(kernel)(*tuple(_d.values())))

</pallas_src>

<mosaic_0001>
#map = affine_map<(d0, d1) -> (0, 0)>
#map1 = affine_map<(d0, d1) -> (0)>
module attributes {stable_mosaic.version = 14 : i64} {
  func.func @_pre_body(%arg0: i32, %arg1: i32, %arg2: memref<2560x128xi32, #tpu.memory_space<hbm>>, %arg3: memref<2560x128xi32, #tpu.memory_space<hbm>>, %arg4: memref<2560x128xf32, #tpu.memory_space<hbm>>, %arg5: memref<2560x128xf32, #tpu.memory_space<hbm>>, %arg6: memref<10240xf32, #tpu.memory_space<hbm>>, %arg7: memref<32x128xi32, #tpu.memory_space<vmem>>, %arg8: memref<32x128xf32, #tpu.memory_space<vmem>>, %arg9: memref<16x128xi32, #tpu.memory_space<vmem>>, %arg10: memref<16x128xi32, #tpu.memory_space<vmem>>, %arg11: memref<16x128xf32, #tpu.memory_space<vmem>>, %arg12: memref<16x128xf32, #tpu.memory_space<vmem>>, %arg13: memref<10240xf32, #tpu.memory_space<vmem>>, %arg14: memref<10240xf32, #tpu.memory_space<vmem>>, %arg15: memref<640xf32, #tpu.memory_space<vmem>>, %arg16: memref<640xf32, #tpu.memory_space<vmem>>, %arg17: memref<16x10240xf32, #tpu.memory_space<vmem_shared>>, %arg18: memref<10240xf32, #tpu.memory_space<vmem_shared>>) attributes {dimension_semantics = [#tpu.dimension_semantics<core_parallel>, #tpu.dimension_semantics<subcore_parallel>], iteration_bounds = array<i64: 2, 16>, scalar_prefetch = 0 : i64, scratch_operands = 12 : i64, tpu.core_type = #tpu.core_type<sc_vector_subcore>, window_params = [{transform_indices = #map}, {transform_indices = #map}, {transform_indices = #map}, {transform_indices = #map}, {transform_indices = #map1}]} {
    %mul3A = arith.constant 160 : i32
    %mul3A_0 = arith.muli %arg1, %mul3A : i32
    %mul3A_1 = arith.constant 640 : i32
    %mul3A_2 = arith.muli %arg1, %mul3A_1 : i32
    %broadcast_in_dim3A = arith.constant 0.000000e+00 : f32
    %broadcast_in_dim3A_3 = vector.broadcast %broadcast_in_dim3A : f32 to vector<16xf32>
    %scan3A = arith.constant 0 : i32
    %scan3A_4 = arith.constant 0 : i32
    %scan3A_5 = arith.constant 640 : i32
    %scan3A_6 = arith.addi %scan3A_4, %scan3A_5 : i32
    %scan3A_7 = arith.constant 1 : i32
    scf.for %scan3A_46 = %scan3A_4 to %scan3A_6 step %scan3A_7  : i32 {
      %mul3A_47 = arith.constant 16 : i32
      %mul3A_48 = arith.muli %scan3A_46, %mul3A_47 : i32
      %swap3A = arith.index_cast %mul3A_48 : i32 to index
      %swap3A_49 = tpu.vector_load %arg13[%swap3A] {strides = array<i32>} : memref<10240xf32, #tpu.memory_space<vmem>>, vector<16xf32>,
      tpu.vector_store %arg13[%swap3A], %broadcast_in_dim3A_3 {strides = array<i32>} : memref<10240xf32, #tpu.memory_space<vmem>>, vector<16xf32>,
    }
    %scan3A_8 = arith.constant 640 : i32
    %scan3A_9 = arith.constant 0 : i32
    %scan3A_10 = arith.constant 0 : i32
    %scan3A_11 = arith.constant 5 : i32
    %scan3A_12 = arith.addi %scan3A_10, %scan3A_11 : i32
    %scan3A_13 = arith.constant 1 : i32
    scf.for %scan3A_46 = %scan3A_10 to %scan3A_12 step %scan3A_13  : i32 {
      %mul3A_47 = arith.constant 32 : i32
      %mul3A_48 = arith.muli %scan3A_46, %mul3A_47 : i32
      %add3A_49 = arith.addi %mul3A_0, %mul3A_48 : i32
      "tpu.region"() ({
        %run_scoped3A = tpu.sem_alloc : memref<!tpu.dma_semaphore, #tpu.memory_space<semaphore_mem>>
        %dma_start3A = arith.constant 0 : i32
        %dma_start3A_58 = tpu.memref_slice %arg3[%add3A_49, %dma_start3A] : memref<2560x128xi32, #tpu.memory_space<hbm>> -> memref<32x128xi32, #tpu.memory_space<hbm>>
        %dma_start3A_59 = arith.constant 0 : i32
        %dma_start3A_60 = tpu.memref_slice %arg3[%add3A_49, %dma_start3A_59] : memref<2560x128xi32, #tpu.memory_space<hbm>> -> memref<32x128xi32, #tpu.memory_space<hbm>>
        tpu.enqueue_dma source(%dma_start3A_60 : memref<32x128xi32, #tpu.memory_space<hbm>>) target(%arg7 : memref<32x128xi32, #tpu.memory_space<vmem>>) target_semaphore(%run_scoped3A : memref<!tpu.dma_semaphore, #tpu.memory_space<semaphore_mem>>)
        %dma_wait3A = arith.constant 0 : i32
        %dma_wait3A_61 = tpu.memref_slice %arg3[%add3A_49, %dma_wait3A] : memref<2560x128xi32, #tpu.memory_space<hbm>> -> memref<32x128xi32, #tpu.memory_space<hbm>>
        %dma_wait3A_62 = arith.constant 0 : i32
        %dma_wait3A_63 = tpu.memref_slice %arg3[%add3A_49, %dma_wait3A_62] : memref<2560x128xi32, #tpu.memory_space<hbm>> -> memref<32x128xi32, #tpu.memory_space<hbm>>
        tpu.wait_dma2 semaphore(%run_scoped3A : memref<!tpu.dma_semaphore, #tpu.memory_space<semaphore_mem>>) src(%dma_wait3A_63 : memref<32x128xi32, #tpu.memory_space<hbm>>) dst(%arg7 : memref<32x128xi32, #tpu.memory_space<vmem>>)
        tpu.yield
      }) : () -> ()
      %mul3A_50 = arith.constant 32 : i32
      %mul3A_51 = arith.muli %scan3A_46, %mul3A_50 : i32
      %add3A_52 = arith.addi %mul3A_0, %mul3A_51 : i32
      "tpu.region"() ({
        %run_scoped3A = tpu.sem_alloc : memref<!tpu.dma_semaphore, #tpu.memory_space<semaphore_mem>>
        %dma_start3A = arith.constant 0 : i32
        %dma_start3A_58 = tpu.memref_slice %arg4[%add3A_52, %dma_start3A] : memref<2560x128xf32, #tpu.memory_space<hbm>> -> memref<32x128xf32, #tpu.memory_space<hbm>>
        %dma_start3A_59 = arith.constant 0 : i32
        %dma_start3A_60 = tpu.memref_slice %arg4[%add3A_52, %dma_start3A_59] : memref<2560x128xf32, #tpu.memory_space<hbm>> -> memref<32x128xf32, #tpu.memory_space<hbm>>
        tpu.enqueue_dma source(%dma_start3A_60 : memref<32x128xf32, #tpu.memory_space<hbm>>) target(%arg8 : memref<32x128xf32, #tpu.memory_space<vmem>>) target_semaphore(%run_scoped3A : memref<!tpu.dma_semaphore, #tpu.memory_space<semaphore_mem>>)
        %dma_wait3A = arith.constant 0 : i32
        %dma_wait3A_61 = tpu.memref_slice %arg4[%add3A_52, %dma_wait3A] : memref<2560x128xf32, #tpu.memory_space<hbm>> -> memref<32x128xf32, #tpu.memory_space<hbm>>
        %dma_wait3A_62 = arith.constant 0 : i32
        %dma_wait3A_63 = tpu.memref_slice %arg4[%add3A_52, %dma_wait3A_62] : memref<2560x128xf32, #tpu.memory_space<hbm>> -> memref<32x128xf32, #tpu.memory_space<hbm>>
        tpu.wait_dma2 semaphore(%run_scoped3A : memref<!tpu.dma_semaphore, #tpu.memory_space<semaphore_mem>>) src(%dma_wait3A_63 : memref<32x128xf32, #tpu.memory_space<hbm>>) dst(%arg8 : memref<32x128xf32, #tpu.memory_space<vmem>>)
        tpu.yield
      }) : () -> ()
      %scan3A_53 = arith.constant 0 : i32
      %scan3A_54 = arith.constant 32 : i32
      %scan3A_55 = arith.addi %scan3A_53, %scan3A_54 : i32
      %scan3A_56 = arith.constant 1 : i32
      scf.for %scan3A_58 = %scan3A_53 to %scan3A_55 step %scan3A_56  : i32 {
        %scan3A_59 = arith.constant 0 : i32
        %scan3A_60 = arith.constant 8 : i32
        %scan3A_61 = arith.addi %scan3A_59, %scan3A_60 : i32
        %scan3A_62 = arith.constant 1 : i32
        scf.for %scan3A_64 = %scan3A_59 to %scan3A_61 step %scan3A_62  : i32 {
          %mul3A_65 = arith.constant 16 : i32
          %mul3A_66 = arith.muli %scan3A_64, %mul3A_65 : i32
          %get3A = arith.index_cast %scan3A_58 : i32 to index
          %get3A_67 = arith.index_cast %mul3A_66 : i32 to index
          %get3A_68 = tpu.vector_load %arg7[%get3A, %get3A_67] {strides = array<i32>} : memref<32x128xi32, #tpu.memory_space<vmem>>, vector<16xi32>,
          %mul3A_69 = arith.constant 16 : i32
          %mul3A_70 = arith.muli %scan3A_64, %mul3A_69 : i32
          %get3A_71 = arith.index_cast %scan3A_58 : i32 to index
          %get3A_72 = arith.index_cast %mul3A_70 : i32 to index
          %get3A_73 = tpu.vector_load %arg8[%get3A_71, %get3A_72] {strides = array<i32>} : memref<32x128xf32, #tpu.memory_space<vmem>>, vector<16xf32>,
          tpu.vector_store_idx %arg13[%get3A_68], %get3A_73 {add = true} : memref<10240xf32, #tpu.memory_space<vmem>>[vector<16xi32>], vector<16xf32>,
        }
        %scan3A_63 = arith.constant 8 : i32
      }
      %scan3A_57 = arith.constant 32 : i32
    }
    %scan3A_14 = arith.constant 5 : i32
    "tpu.region"() ({
      %run_scoped3A = tpu.sem_alloc : memref<!tpu.dma_semaphore, #tpu.memory_space<semaphore_mem>>
      %dma_start3A = arith.constant 0 : i32
      %dma_start3A_46 = tpu.memref_slice %arg17[%arg1, %dma_start3A] : memref<16x10240xf32, #tpu.memory_space<vmem_shared>> -> memref<1x10240xf32, #tpu.memory_space<vmem_shared>>
      %dma_start3A_47 = tpu.memref_squeeze %dma_start3A_46 : memref<1x10240xf32, #tpu.memory_space<vmem_shared>> -> memref<10240xf32, #tpu.memory_space<vmem_shared>>
      %dma_start3A_48 = arith.constant 0 : i32
      %dma_start3A_49 = tpu.memref_slice %arg17[%arg1, %dma_start3A_48] : memref<16x10240xf32, #tpu.memory_space<vmem_shared>> -> memref<1x10240xf32, #tpu.memory_space<vmem_shared>>
      %dma_start3A_50 = tpu.memref_squeeze %dma_start3A_49 : memref<1x10240xf32, #tpu.memory_space<vmem_shared>> -> memref<10240xf32, #tpu.memory_space<vmem_shared>>
      tpu.enqueue_dma source(%arg13 : memref<10240xf32, #tpu.memory_space<vmem>>) target(%dma_start3A_50 : memref<10240xf32, #tpu.memory_space<vmem_shared>>) target_semaphore(%run_scoped3A : memref<!tpu.dma_semaphore, #tpu.memory_space<semaphore_mem>>)
      %dma_wait3A = arith.constant 0 : i32
      %dma_wait3A_51 = tpu.memref_slice %arg17[%arg1, %dma_wait3A] : memref<16x10240xf32, #tpu.memory_space<vmem_shared>> -> memref<1x10240xf32, #tpu.memory_space<vmem_shared>>
      %dma_wait3A_52 = tpu.memref_squeeze %dma_wait3A_51 : memref<1x10240xf32, #tpu.memory_space<vmem_shared>> -> memref<10240xf32, #tpu.memory_space<vmem_shared>>
      %dma_wait3A_53 = arith.constant 0 : i32
      %dma_wait3A_54 = tpu.memref_slice %arg17[%arg1, %dma_wait3A_53] : memref<16x10240xf32, #tpu.memory_space<vmem_shared>> -> memref<1x10240xf32, #tpu.memory_space<vmem_shared>>
      %dma_wait3A_55 = tpu.memref_squeeze %dma_wait3A_54 : memref<1x10240xf32, #tpu.memory_space<vmem_shared>> -> memref<10240xf32, #tpu.memory_space<vmem_shared>>
      tpu.wait_dma2 semaphore(%run_scoped3A : memref<!tpu.dma_semaphore, #tpu.memory_space<semaphore_mem>>) src(%arg13 : memref<10240xf32, #tpu.memory_space<vmem>>) dst(%dma_wait3A_55 : memref<10240xf32, #tpu.memory_space<vmem_shared>>)
      tpu.yield
    }) : () -> ()
    %barrier3A = arith.constant 0 : index
    tpu.barrier barrier_id(%barrier3A)
    %scan3A_15 = arith.constant 0 : i32
    %scan3A_16 = arith.constant 0 : i32
    %scan3A_17 = arith.constant 40 : i32
    %scan3A_18 = arith.addi %scan3A_16, %scan3A_17 : i32
    %scan3A_19 = arith.constant 1 : i32
    scf.for %scan3A_46 = %scan3A_16 to %scan3A_18 step %scan3A_19  : i32 {
      %mul3A_47 = arith.constant 16 : i32
      %mul3A_48 = arith.muli %scan3A_46, %mul3A_47 : i32
      %swap3A = arith.index_cast %mul3A_48 : i32 to index
      %swap3A_49 = tpu.vector_load %arg16[%swap3A] {strides = array<i32>} : memref<640xf32, #tpu.memory_space<vmem>>, vector<16xf32>,
      tpu.vector_store %arg16[%swap3A], %broadcast_in_dim3A_3 {strides = array<i32>} : memref<640xf32, #tpu.memory_space<vmem>>, vector<16xf32>,
    }
    %scan3A_20 = arith.constant 40 : i32
    %scan3A_21 = arith.constant 0 : i32
    %scan3A_22 = arith.constant 0 : i32
    %scan3A_23 = arith.constant 16 : i32
    %scan3A_24 = arith.addi %scan3A_22, %scan3A_23 : i32
    %scan3A_25 = arith.constant 1 : i32
    scf.for %scan3A_46 = %scan3A_22 to %scan3A_24 step %scan3A_25  : i32 {
      "tpu.region"() ({
        %run_scoped3A = tpu.sem_alloc : memref<!tpu.dma_semaphore, #tpu.memory_space<semaphore_mem>>
        %dma_start3A = tpu.memref_slice %arg17[%scan3A_46, %mul3A_2] : memref<16x10240xf32, #tpu.memory_space<vmem_shared>> -> memref<1x640xf32, #tpu.memory_space<vmem_shared>>
        %dma_start3A_52 = tpu.memref_squeeze %dma_start3A : memref<1x640xf32, #tpu.memory_space<vmem_shared>> -> memref<640xf32, #tpu.memory_space<vmem_shared>>
        %dma_start3A_53 = tpu.memref_slice %arg17[%scan3A_46, %mul3A_2] : memref<16x10240xf32, #tpu.memory_space<vmem_shared>> -> memref<1x640xf32, #tpu.memory_space<vmem_shared>>
        %dma_start3A_54 = tpu.memref_squeeze %dma_start3A_53 : memref<1x640xf32, #tpu.memory_space<vmem_shared>> -> memref<640xf32, #tpu.memory_space<vmem_shared>>
        tpu.enqueue_dma source(%dma_start3A_54 : memref<640xf32, #tpu.memory_space<vmem_shared>>) target(%arg15 : memref<640xf32, #tpu.memory_space<vmem>>) target_semaphore(%run_scoped3A : memref<!tpu.dma_semaphore, #tpu.memory_space<semaphore_mem>>)
        %dma_wait3A = tpu.memref_slice %arg17[%scan3A_46, %mul3A_2] : memref<16x10240xf32, #tpu.memory_space<vmem_shared>> -> memref<1x640xf32, #tpu.memory_space<vmem_shared>>
        %dma_wait3A_55 = tpu.memref_squeeze %dma_wait3A : memref<1x640xf32, #tpu.memory_space<vmem_shared>> -> memref<640xf32, #tpu.memory_space<vmem_shared>>
        %dma_wait3A_56 = tpu.memref_slice %arg17[%scan3A_46, %mul3A_2] : memref<16x10240xf32, #tpu.memory_space<vmem_shared>> -> memref<1x640xf32, #tpu.memory_space<vmem_shared>>
        %dma_wait3A_57 = tpu.memref_squeeze %dma_wait3A_56 : memref<1x640xf32, #tpu.memory_space<vmem_shared>> -> memref<640xf32, #tpu.memory_space<vmem_shared>>
        tpu.wait_dma2 semaphore(%run_scoped3A : memref<!tpu.dma_semaphore, #tpu.memory_space<semaphore_mem>>) src(%dma_wait3A_57 : memref<640xf32, #tpu.memory_space<vmem_shared>>) dst(%arg15 : memref<640xf32, #tpu.memory_space<vmem>>)
        tpu.yield
      }) : () -> ()
      %scan3A_47 = arith.constant 0 : i32
      %scan3A_48 = arith.constant 40 : i32
      %scan3A_49 = arith.addi %scan3A_47, %scan3A_48 : i32
      %scan3A_50 = arith.constant 1 : i32
      scf.for %scan3A_52 = %scan3A_47 to %scan3A_49 step %scan3A_50  : i32 {
        %mul3A_53 = arith.constant 16 : i32
        %mul3A_54 = arith.muli %scan3A_52, %mul3A_53 : i32
        %get3A = arith.index_cast %mul3A_54 : i32 to index
        %get3A_55 = tpu.vector_load %arg16[%get3A] {strides = array<i32>} : memref<640xf32, #tpu.memory_space<vmem>>, vector<16xf32>,
        %get3A_56 = arith.index_cast %mul3A_54 : i32 to index
        %get3A_57 = tpu.vector_load %arg15[%get3A_56] {strides = array<i32>} : memref<640xf32, #tpu.memory_space<vmem>>, vector<16xf32>,
        %add3A_58 = arith.addf %get3A_55, %get3A_57 : vector<16xf32>
        %swap3A = arith.index_cast %mul3A_54 : i32 to index
        %swap3A_59 = tpu.vector_load %arg16[%swap3A] {strides = array<i32>} : memref<640xf32, #tpu.memory_space<vmem>>, vector<16xf32>,
        tpu.vector_store %arg16[%swap3A], %add3A_58 {strides = array<i32>} : memref<640xf32, #tpu.memory_space<vmem>>, vector<16xf32>,
      }
      %scan3A_51 = arith.constant 40 : i32
    }
    %scan3A_26 = arith.constant 16 : i32
    %scan3A_27 = arith.constant 0 : i32
    %scan3A_28 = arith.constant 0 : i32
    %scan3A_29 = arith.constant 40 : i32
    %scan3A_30 = arith.addi %scan3A_28, %scan3A_29 : i32
    %scan3A_31 = arith.constant 1 : i32
    scf.for %scan3A_46 = %scan3A_28 to %scan3A_30 step %scan3A_31  : i32 {
      %mul3A_47 = arith.constant 16 : i32
      %mul3A_48 = arith.muli %scan3A_46, %mul3A_47 : i32
      %get3A = arith.index_cast %mul3A_48 : i32 to index
      %get3A_49 = tpu.vector_load %arg16[%get3A] {strides = array<i32>} : memref<640xf32, #tpu.memory_space<vmem>>, vector<16xf32>,
      %add3A_50 = arith.constant 1.000000e+00 : f32
      %add3A_51 = vector.broadcast %add3A_50 : f32 to vector<16xf32>
      %add3A_52 = arith.addf %get3A_49, %add3A_51 : vector<16xf32>
      %bitcast_convert_type3A = tpu.bitcast %add3A_52 : vector<16xf32> -> vector<16xi32>
      %shift_right_arithmetic3A = arith.constant 1 : i32
      %shift_right_arithmetic3A_53 = vector.broadcast %shift_right_arithmetic3A : i32 to vector<16xi32>
      %shift_right_arithmetic3A_54 = arith.shrsi %bitcast_convert_type3A, %shift_right_arithmetic3A_53 : vector<16xi32>
      %sub3A = arith.constant 1597463007 : i32
      %sub3A_55 = vector.broadcast %sub3A : i32 to vector<16xi32>
      %sub3A_56 = arith.subi %sub3A_55, %shift_right_arithmetic3A_54 : vector<16xi32>
      %bitcast_convert_type3A_57 = tpu.bitcast %sub3A_56 : vector<16xi32> -> vector<16xf32>
      %mul3A_58 = arith.constant 5.000000e-01 : f32
      %mul3A_59 = vector.broadcast %mul3A_58 : f32 to vector<16xf32>
      %mul3A_60 = arith.mulf %mul3A_59, %add3A_52 : vector<16xf32>
      %mul3A_61 = arith.mulf %mul3A_60, %bitcast_convert_type3A_57 : vector<16xf32>
      %mul3A_62 = arith.mulf %mul3A_61, %bitcast_convert_type3A_57 : vector<16xf32>
      %sub3A_63 = arith.constant 1.500000e+00 : f32
      %sub3A_64 = vector.broadcast %sub3A_63 : f32 to vector<16xf32>
      %sub3A_65 = arith.subf %sub3A_64, %mul3A_62 : vector<16xf32>
      %mul3A_66 = arith.mulf %bitcast_convert_type3A_57, %sub3A_65 : vector<16xf32>
      %mul3A_67 = arith.constant 5.000000e-01 : f32
      %mul3A_68 = vector.broadcast %mul3A_67 : f32 to vector<16xf32>
      %mul3A_69 = arith.mulf %mul3A_68, %add3A_52 : vector<16xf32>
      %mul3A_70 = arith.mulf %mul3A_69, %mul3A_66 : vector<16xf32>
      %mul3A_71 = arith.mulf %mul3A_70, %mul3A_66 : vector<16xf32>
      %sub3A_72 = arith.constant 1.500000e+00 : f32
      %sub3A_73 = vector.broadcast %sub3A_72 : f32 to vector<16xf32>
      %sub3A_74 = arith.subf %sub3A_73, %mul3A_71 : vector<16xf32>
      %mul3A_75 = arith.mulf %mul3A_66, %sub3A_74 : vector<16xf32>
      %mul3A_76 = arith.constant 5.000000e-01 : f32
      %mul3A_77 = vector.broadcast %mul3A_76 : f32 to vector<16xf32>
      %mul3A_78 = arith.mulf %mul3A_77, %add3A_52 : vector<16xf32>
      %mul3A_79 = arith.mulf %mul3A_78, %mul3A_75 : vector<16xf32>
      %mul3A_80 = arith.mulf %mul3A_79, %mul3A_75 : vector<16xf32>
      %sub3A_81 = arith.constant 1.500000e+00 : f32
      %sub3A_82 = vector.broadcast %sub3A_81 : f32 to vector<16xf32>
      %sub3A_83 = arith.subf %sub3A_82, %mul3A_80 : vector<16xf32>
      %mul3A_84 = arith.mulf %mul3A_75, %sub3A_83 : vector<16xf32>
      %swap3A = arith.index_cast %mul3A_48 : i32 to index
      %swap3A_85 = tpu.vector_load %arg16[%swap3A] {strides = array<i32>} : memref<640xf32, #tpu.memory_space<vmem>>, vector<16xf32>,
      tpu.vector_store %arg16[%swap3A], %mul3A_84 {strides = array<i32>} : memref<640xf32, #tpu.memory_space<vmem>>, vector<16xf32>,
    }
    %scan3A_32 = arith.constant 40 : i32
    "tpu.region"() ({
      %run_scoped3A = tpu.sem_alloc : memref<!tpu.dma_semaphore, #tpu.memory_space<semaphore_mem>>
      %dma_start3A = tpu.memref_slice %arg18[%mul3A_2] : memref<10240xf32, #tpu.memory_space<vmem_shared>> -> memref<640xf32, #tpu.memory_space<vmem_shared>>
      %dma_start3A_46 = tpu.memref_slice %arg18[%mul3A_2] : memref<10240xf32, #tpu.memory_space<vmem_shared>> -> memref<640xf32, #tpu.memory_space<vmem_shared>>
      tpu.enqueue_dma source(%arg16 : memref<640xf32, #tpu.memory_space<vmem>>) target(%dma_start3A_46 : memref<640xf32, #tpu.memory_space<vmem_shared>>) target_semaphore(%run_scoped3A : memref<!tpu.dma_semaphore, #tpu.memory_space<semaphore_mem>>)
      %dma_wait3A = tpu.memref_slice %arg18[%mul3A_2] : memref<10240xf32, #tpu.memory_space<vmem_shared>> -> memref<640xf32, #tpu.memory_space<vmem_shared>>
      %dma_wait3A_47 = tpu.memref_slice %arg18[%mul3A_2] : memref<10240xf32, #tpu.memory_space<vmem_shared>> -> memref<640xf32, #tpu.memory_space<vmem_shared>>
      tpu.wait_dma2 semaphore(%run_scoped3A : memref<!tpu.dma_semaphore, #tpu.memory_space<semaphore_mem>>) src(%arg16 : memref<640xf32, #tpu.memory_space<vmem>>) dst(%dma_wait3A_47 : memref<640xf32, #tpu.memory_space<vmem_shared>>)
      tpu.yield
    }) : () -> ()
    %eq3A = arith.constant 0 : i32
    %eq3A_33 = arith.cmpi eq, %arg0, %eq3A : i32
    %convert_element_type3A = arith.extui %eq3A_33 : i1 to i32
    %cond3A = arith.constant 0 : i32
    %cond3A_34 = arith.cmpi ne, %convert_element_type3A, %cond3A : i32
    scf.if %cond3A_34 {
      "tpu.region"() ({
        %run_scoped3A = tpu.sem_alloc : memref<!tpu.dma_semaphore, #tpu.memory_space<semaphore_mem>>
        %dma_start3A = tpu.memref_slice %arg6[%mul3A_2] : memref<10240xf32, #tpu.memory_space<hbm>> -> memref<640xf32, #tpu.memory_space<hbm>>
        %dma_start3A_46 = tpu.memref_slice %arg6[%mul3A_2] : memref<10240xf32, #tpu.memory_space<hbm>> -> memref<640xf32, #tpu.memory_space<hbm>>
        tpu.enqueue_dma source(%arg16 : memref<640xf32, #tpu.memory_space<vmem>>) target(%dma_start3A_46 : memref<640xf32, #tpu.memory_space<hbm>>) target_semaphore(%run_scoped3A : memref<!tpu.dma_semaphore, #tpu.memory_space<semaphore_mem>>)
        %dma_wait3A = tpu.memref_slice %arg6[%mul3A_2] : memref<10240xf32, #tpu.memory_space<hbm>> -> memref<640xf32, #tpu.memory_space<hbm>>
        %dma_wait3A_47 = tpu.memref_slice %arg6[%mul3A_2] : memref<10240xf32, #tpu.memory_space<hbm>> -> memref<640xf32, #tpu.memory_space<hbm>>
        tpu.wait_dma2 semaphore(%run_scoped3A : memref<!tpu.dma_semaphore, #tpu.memory_space<semaphore_mem>>) src(%arg16 : memref<640xf32, #tpu.memory_space<vmem>>) dst(%dma_wait3A_47 : memref<640xf32, #tpu.memory_space<hbm>>)
        tpu.yield
      }) : () -> ()
    } else {
    }
    %barrier3A_35 = arith.constant 0 : index
    tpu.barrier barrier_id(%barrier3A_35)
    "tpu.region"() ({
      %run_scoped3A = tpu.sem_alloc : memref<!tpu.dma_semaphore, #tpu.memory_space<semaphore_mem>>
      tpu.enqueue_dma source(%arg18 : memref<10240xf32, #tpu.memory_space<vmem_shared>>) target(%arg14 : memref<10240xf32, #tpu.memory_space<vmem>>) target_semaphore(%run_scoped3A : memref<!tpu.dma_semaphore, #tpu.memory_space<semaphore_mem>>)
      tpu.wait_dma2 semaphore(%run_scoped3A : memref<!tpu.dma_semaphore, #tpu.memory_space<semaphore_mem>>) src(%arg18 : memref<10240xf32, #tpu.memory_space<vmem_shared>>) dst(%arg14 : memref<10240xf32, #tpu.memory_space<vmem>>)
      tpu.yield
    }) : () -> ()
    %mul3A_36 = arith.constant 16 : i32
    %mul3A_37 = arith.muli %arg0, %mul3A_36 : i32
    %add3A = arith.addi %mul3A_37, %arg1 : i32
    %mul3A_38 = arith.constant 80 : i32
    %mul3A_39 = arith.muli %add3A, %mul3A_38 : i32
    %scan3A_40 = arith.constant 0 : i32
    %scan3A_41 = arith.constant 0 : i32
    %scan3A_42 = arith.constant 5 : i32
    %scan3A_43 = arith.addi %scan3A_41, %scan3A_42 : i32
    %scan3A_44 = arith.constant 1 : i32
    scf.for %scan3A_46 = %scan3A_41 to %scan3A_43 step %scan3A_44  : i32 {
      %mul3A_47 = arith.constant 16 : i32
      %mul3A_48 = arith.muli %scan3A_46, %mul3A_47 : i32
      %add3A_49 = arith.addi %mul3A_39, %mul3A_48 : i32
      "tpu.region"() ({
        %run_scoped3A = tpu.sem_alloc : memref<!tpu.dma_semaphore, #tpu.memory_space<semaphore_mem>>
        %dma_start3A = arith.constant 0 : i32
        %dma_start3A_55 = tpu.memref_slice %arg2[%add3A_49, %dma_start3A] : memref<2560x128xi32, #tpu.memory_space<hbm>> -> memref<16x128xi32, #tpu.memory_space<hbm>>
        %dma_start3A_56 = arith.constant 0 : i32
        %dma_start3A_57 = tpu.memref_slice %arg2[%add3A_49, %dma_start3A_56] : memref<2560x128xi32, #tpu.memory_space<hbm>> -> memref<16x128xi32, #tpu.memory_space<hbm>>
        tpu.enqueue_dma source(%dma_start3A_57 : memref<16x128xi32, #tpu.memory_space<hbm>>) target(%arg9 : memref<16x128xi32, #tpu.memory_space<vmem>>) target_semaphore(%run_scoped3A : memref<!tpu.dma_semaphore, #tpu.memory_space<semaphore_mem>>)
        %dma_wait3A = arith.constant 0 : i32
        %dma_wait3A_58 = tpu.memref_slice %arg2[%add3A_49, %dma_wait3A] : memref<2560x128xi32, #tpu.memory_space<hbm>> -> memref<16x128xi32, #tpu.memory_space<hbm>>
        %dma_wait3A_59 = arith.constant 0 : i32
        %dma_wait3A_60 = tpu.memref_slice %arg2[%add3A_49, %dma_wait3A_59] : memref<2560x128xi32, #tpu.memory_space<hbm>> -> memref<16x128xi32, #tpu.memory_space<hbm>>
        tpu.wait_dma2 semaphore(%run_scoped3A : memref<!tpu.dma_semaphore, #tpu.memory_space<semaphore_mem>>) src(%dma_wait3A_60 : memref<16x128xi32, #tpu.memory_space<hbm>>) dst(%arg9 : memref<16x128xi32, #tpu.memory_space<vmem>>)
        tpu.yield
      }) : () -> ()
      "tpu.region"() ({
        %run_scoped3A = tpu.sem_alloc : memref<!tpu.dma_semaphore, #tpu.memory_space<semaphore_mem>>
        %dma_start3A = arith.constant 0 : i32
        %dma_start3A_55 = tpu.memref_slice %arg3[%add3A_49, %dma_start3A] : memref<2560x128xi32, #tpu.memory_space<hbm>> -> memref<16x128xi32, #tpu.memory_space<hbm>>
        %dma_start3A_56 = arith.constant 0 : i32
        %dma_start3A_57 = tpu.memref_slice %arg3[%add3A_49, %dma_start3A_56] : memref<2560x128xi32, #tpu.memory_space<hbm>> -> memref<16x128xi32, #tpu.memory_space<hbm>>
        tpu.enqueue_dma source(%dma_start3A_57 : memref<16x128xi32, #tpu.memory_space<hbm>>) target(%arg10 : memref<16x128xi32, #tpu.memory_space<vmem>>) target_semaphore(%run_scoped3A : memref<!tpu.dma_semaphore, #tpu.memory_space<semaphore_mem>>)
        %dma_wait3A = arith.constant 0 : i32
        %dma_wait3A_58 = tpu.memref_slice %arg3[%add3A_49, %dma_wait3A] : memref<2560x128xi32, #tpu.memory_space<hbm>> -> memref<16x128xi32, #tpu.memory_space<hbm>>
        %dma_wait3A_59 = arith.constant 0 : i32
        %dma_wait3A_60 = tpu.memref_slice %arg3[%add3A_49, %dma_wait3A_59] : memref<2560x128xi32, #tpu.memory_space<hbm>> -> memref<16x128xi32, #tpu.memory_space<hbm>>
        tpu.wait_dma2 semaphore(%run_scoped3A : memref<!tpu.dma_semaphore, #tpu.memory_space<semaphore_mem>>) src(%dma_wait3A_60 : memref<16x128xi32, #tpu.memory_space<hbm>>) dst(%arg10 : memref<16x128xi32, #tpu.memory_space<vmem>>)
        tpu.yield
      }) : () -> ()
      "tpu.region"() ({
        %run_scoped3A = tpu.sem_alloc : memref<!tpu.dma_semaphore, #tpu.memory_space<semaphore_mem>>
        %dma_start3A = arith.constant 0 : i32
        %dma_start3A_55 = tpu.memref_slice %arg4[%add3A_49, %dma_start3A] : memref<2560x128xf32, #tpu.memory_space<hbm>> -> memref<16x128xf32, #tpu.memory_space<hbm>>
        %dma_start3A_56 = arith.constant 0 : i32
        %dma_start3A_57 = tpu.memref_slice %arg4[%add3A_49, %dma_start3A_56] : memref<2560x128xf32, #tpu.memory_space<hbm>> -> memref<16x128xf32, #tpu.memory_space<hbm>>
        tpu.enqueue_dma source(%dma_start3A_57 : memref<16x128xf32, #tpu.memory_space<hbm>>) target(%arg11 : memref<16x128xf32, #tpu.memory_space<vmem>>) target_semaphore(%run_scoped3A : memref<!tpu.dma_semaphore, #tpu.memory_space<semaphore_mem>>)
        %dma_wait3A = arith.constant 0 : i32
        %dma_wait3A_58 = tpu.memref_slice %arg4[%add3A_49, %dma_wait3A] : memref<2560x128xf32, #tpu.memory_space<hbm>> -> memref<16x128xf32, #tpu.memory_space<hbm>>
        %dma_wait3A_59 = arith.constant 0 : i32
        %dma_wait3A_60 = tpu.memref_slice %arg4[%add3A_49, %dma_wait3A_59] : memref<2560x128xf32, #tpu.memory_space<hbm>> -> memref<16x128xf32, #tpu.memory_space<hbm>>
        tpu.wait_dma2 semaphore(%run_scoped3A : memref<!tpu.dma_semaphore, #tpu.memory_space<semaphore_mem>>) src(%dma_wait3A_60 : memref<16x128xf32, #tpu.memory_space<hbm>>) dst(%arg11 : memref<16x128xf32, #tpu.memory_space<vmem>>)
        tpu.yield
      }) : () -> ()
      %scan3A_50 = arith.constant 0 : i32
      %scan3A_51 = arith.constant 16 : i32
      %scan3A_52 = arith.addi %scan3A_50, %scan3A_51 : i32
      %scan3A_53 = arith.constant 1 : i32
      scf.for %scan3A_55 = %scan3A_50 to %scan3A_52 step %scan3A_53  : i32 {
        %scan3A_56 = arith.constant 0 : i32
        %scan3A_57 = arith.constant 8 : i32
        %scan3A_58 = arith.addi %scan3A_56, %scan3A_57 : i32
        %scan3A_59 = arith.constant 1 : i32
        scf.for %scan3A_61 = %scan3A_56 to %scan3A_58 step %scan3A_59  : i32 {
          %mul3A_62 = arith.constant 16 : i32
          %mul3A_63 = arith.muli %scan3A_61, %mul3A_62 : i32
          %get3A = arith.index_cast %scan3A_55 : i32 to index
          %get3A_64 = arith.index_cast %mul3A_63 : i32 to index
          %get3A_65 = tpu.vector_load %arg9[%get3A, %get3A_64] {strides = array<i32>} : memref<16x128xi32, #tpu.memory_space<vmem>>, vector<16xi32>,
          %get3A_66 = arith.index_cast %scan3A_55 : i32 to index
          %get3A_67 = arith.index_cast %mul3A_63 : i32 to index
          %get3A_68 = tpu.vector_load %arg10[%get3A_66, %get3A_67] {strides = array<i32>} : memref<16x128xi32, #tpu.memory_space<vmem>>, vector<16xi32>,
          %get3A_69 = arith.index_cast %scan3A_55 : i32 to index
          %get3A_70 = arith.index_cast %mul3A_63 : i32 to index
          %get3A_71 = tpu.vector_load %arg11[%get3A_69, %get3A_70] {strides = array<i32>} : memref<16x128xf32, #tpu.memory_space<vmem>>, vector<16xf32>,
          %gather3A = tpu.vector_load_idx %arg14[%get3A_65] : memref<10240xf32, #tpu.memory_space<vmem>>[vector<16xi32>], vector<16xf32>,
          %gather3A_72 = tpu.vector_load_idx %arg14[%get3A_68] : memref<10240xf32, #tpu.memory_space<vmem>>[vector<16xi32>], vector<16xf32>,
          %mul3A_73 = arith.mulf %gather3A, %get3A_71 : vector<16xf32>
          %mul3A_74 = arith.mulf %mul3A_73, %gather3A_72 : vector<16xf32>
          %swap3A = arith.index_cast %scan3A_55 : i32 to index
          %swap3A_75 = arith.index_cast %mul3A_63 : i32 to index
          %swap3A_76 = tpu.vector_load %arg12[%swap3A, %swap3A_75] {strides = array<i32>} : memref<16x128xf32, #tpu.memory_space<vmem>>, vector<16xf32>,
          tpu.vector_store %arg12[%swap3A, %swap3A_75], %mul3A_74 {strides = array<i32>} : memref<16x128xf32, #tpu.memory_space<vmem>>, vector<16xf32>,
        }
        %scan3A_60 = arith.constant 8 : i32
      }
      %scan3A_54 = arith.constant 16 : i32
      "tpu.region"() ({
        %run_scoped3A = tpu.sem_alloc : memref<!tpu.dma_semaphore, #tpu.memory_space<semaphore_mem>>
        %dma_start3A = arith.constant 0 : i32
        %dma_start3A_55 = tpu.memref_slice %arg5[%add3A_49, %dma_start3A] : memref<2560x128xf32, #tpu.memory_space<hbm>> -> memref<16x128xf32, #tpu.memory_space<hbm>>
        %dma_start3A_56 = arith.constant 0 : i32
        %dma_start3A_57 = tpu.memref_slice %arg5[%add3A_49, %dma_start3A_56] : memref<2560x128xf32, #tpu.memory_space<hbm>> -> memref<16x128xf32, #tpu.memory_space<hbm>>
        tpu.enqueue_dma source(%arg12 : memref<16x128xf32, #tpu.memory_space<vmem>>) target(%dma_start3A_57 : memref<16x128xf32, #tpu.memory_space<hbm>>) target_semaphore(%run_scoped3A : memref<!tpu.dma_semaphore, #tpu.memory_space<semaphore_mem>>)
        %dma_wait3A = arith.constant 0 : i32
        %dma_wait3A_58 = tpu.memref_slice %arg5[%add3A_49, %dma_wait3A] : memref<2560x128xf32, #tpu.memory_space<hbm>> -> memref<16x128xf32, #tpu.memory_space<hbm>>
        %dma_wait3A_59 = arith.constant 0 : i32
        %dma_wait3A_60 = tpu.memref_slice %arg5[%add3A_49, %dma_wait3A_59] : memref<2560x128xf32, #tpu.memory_space<hbm>> -> memref<16x128xf32, #tpu.memory_space<hbm>>
        tpu.wait_dma2 semaphore(%run_scoped3A : memref<!tpu.dma_semaphore, #tpu.memory_space<semaphore_mem>>) src(%arg12 : memref<16x128xf32, #tpu.memory_space<vmem>>) dst(%dma_wait3A_60 : memref<16x128xf32, #tpu.memory_space<hbm>>)
        tpu.yield
      }) : () -> ()
    }
    %scan3A_45 = arith.constant 5 : i32
    return
  }
}

#map = affine_map<(d0, d1) -> (0, 0)>
module attributes {stable_mosaic.version = 14 : i64} {
  func.func @_agg_body(%arg0: i32, %arg1: i32, %arg2: memref<2560x128xi32, #tpu.memory_space<hbm>>, %arg3: memref<2560x128xi32, #tpu.memory_space<hbm>>, %arg4: memref<2560x128xf32, #tpu.memory_space<hbm>>, %arg5: memref<10240x128xf32, #tpu.memory_space<hbm>>, %arg6: memref<10240x128xf32, #tpu.memory_space<hbm>>, %arg7: memref<20480x128xf32, #tpu.memory_space<hbm>>, %arg8: memref<32x128xi32, #tpu.memory_space<vmem>>, %arg9: memref<32x128xi32, #tpu.memory_space<vmem>>, %arg10: memref<32x128xf32, #tpu.memory_space<vmem>>, %arg11: memref<128x128xf32, #tpu.memory_space<vmem>>, %arg12: memref<128x128xf32, #tpu.memory_space<vmem>>, %arg13: memref<16x128xf32, #tpu.memory_space<vmem>>, %arg14: memref<10240x128xf32, #tpu.memory_space<vmem_shared>>, %arg15: memref<!tpu.dma_semaphore, #tpu.memory_space<semaphore_mem>>, %arg16: memref<!tpu.dma_semaphore, #tpu.memory_space<semaphore_mem>>, %arg17: memref<!tpu.dma_semaphore, #tpu.memory_space<semaphore_mem>>, %arg18: memref<!tpu.dma_semaphore, #tpu.memory_space<semaphore_mem>>) attributes {dimension_semantics = [#tpu.dimension_semantics<core_parallel>, #tpu.dimension_semantics<subcore_parallel>], iteration_bounds = array<i64: 2, 16>, scalar_prefetch = 0 : i64, scratch_operands = 11 : i64, tpu.core_type = #tpu.core_type<sc_vector_subcore>, window_params = [{transform_indices = #map}, {transform_indices = #map}, {transform_indices = #map}, {transform_indices = #map}, {transform_indices = #map}, {transform_indices = #map}]} {
    %mul3A = arith.constant 160 : i32
    %mul3A_0 = arith.muli %arg1, %mul3A : i32
    %mul3A_1 = arith.constant 640 : i32
    %mul3A_2 = arith.muli %arg1, %mul3A_1 : i32
    %broadcast_in_dim3A = arith.constant 0.000000e+00 : f32
    %broadcast_in_dim3A_3 = vector.broadcast %broadcast_in_dim3A : f32 to vector<16xf32>
    %scan3A = arith.constant 0 : i32
    %scan3A_4 = arith.constant 0 : i32
    %scan3A_5 = arith.constant 128 : i32
    %scan3A_6 = arith.addi %scan3A_4, %scan3A_5 : i32
    %scan3A_7 = arith.constant 1 : i32
    scf.for %scan3A_109 = %scan3A_4 to %scan3A_6 step %scan3A_7  : i32 {
      %jit3A = arith.constant 8 : i32
      %div3A = arith.divsi %scan3A_109, %jit3A : i32
      %sign3A = arith.constant 0 : i32
      %sign3A_110 = arith.cmpi sgt, %scan3A_109, %sign3A : i32
      %sign3A_111 = arith.extui %sign3A_110 : i1 to i32
      %sign3A_112 = arith.constant 0 : i32
      %sign3A_113 = arith.cmpi slt, %scan3A_109, %sign3A_112 : i32
      %sign3A_114 = arith.extui %sign3A_113 : i1 to i32
      %sign3A_115 = arith.subi %sign3A_111, %sign3A_114 : i32
      %sign3A_116 = arith.constant 0 : i32
      %sign3A_117 = arith.cmpi sgt, %jit3A, %sign3A_116 : i32
      %sign3A_118 = arith.extui %sign3A_117 : i1 to i32
      %sign3A_119 = arith.constant 0 : i32
      %sign3A_120 = arith.cmpi slt, %jit3A, %sign3A_119 : i32
      %sign3A_121 = arith.extui %sign3A_120 : i1 to i32
      %sign3A_122 = arith.subi %sign3A_118, %sign3A_121 : i32
      %ne3A = arith.cmpi ne, %sign3A_115, %sign3A_122 : i32
      %rem3A = arith.remsi %scan3A_109, %jit3A : i32
      %ne3A_123 = arith.constant 0 : i32
      %ne3A_124 = arith.cmpi ne, %rem3A, %ne3A_123 : i32
      %and3A = arith.andi %ne3A, %ne3A_124 : i1
      %sub3A = arith.constant 1 : i32
      %sub3A_125 = arith.subi %div3A, %sub3A : i32
      %select_n3A = arith.select %and3A, %sub3A_125, %div3A : i32
      %jit3A_126 = arith.constant 8 : i32
      %eq3A = arith.constant 0 : i32
      %eq3A_127 = arith.cmpi eq, %jit3A_126, %eq3A : i32
      %jit3A_128 = arith.constant 1 : i32
      %select_n3A_129 = arith.select %eq3A_127, %jit3A_128, %jit3A_126 : i32
      %rem3A_130 = arith.remsi %scan3A_109, %select_n3A_129 : i32
      %ne3A_131 = arith.constant 0 : i32
      %ne3A_132 = arith.cmpi ne, %rem3A_130, %ne3A_131 : i32
      %lt3A = arith.constant 0 : i32
      %lt3A_133 = arith.cmpi slt, %rem3A_130, %lt3A : i32
      %lt3A_134 = arith.constant 0 : i32
      %lt3A_135 = arith.cmpi slt, %select_n3A_129, %lt3A_134 : i32
      %ne3A_136 = arith.xori %lt3A_133, %lt3A_135 : i1
      %and3A_137 = arith.andi %ne3A_136, %ne3A_132 : i1
      %add3A_138 = arith.addi %rem3A_130, %select_n3A_129 : i32
      %select_n3A_139 = arith.select %and3A_137, %add3A_138, %rem3A_130 : i32
      %mul3A_140 = arith.constant 16 : i32
      %mul3A_141 = arith.muli %select_n3A_139, %mul3A_140 : i32
      %swap3A = arith.index_cast %select_n3A : i32 to index
      %swap3A_142 = arith.index_cast %mul3A_141 : i32 to index
      %swap3A_143 = tpu.vector_load %arg13[%swap3A, %swap3A_142] {strides = array<i32>} : memref<16x128xf32, #tpu.memory_space<vmem>>, vector<16xf32>,
      tpu.vector_store %arg13[%swap3A, %swap3A_142], %broadcast_in_dim3A_3 {strides = array<i32>} : memref<16x128xf32, #tpu.memory_space<vmem>>, vector<16xf32>,
    }
    %scan3A_8 = arith.constant 128 : i32
    %add3A = arith.constant 0 : i32
    %add3A_9 = arith.addi %mul3A_2, %add3A : i32
    "tpu.region"() ({
      %run_scoped3A = tpu.sem_alloc : memref<!tpu.dma_semaphore, #tpu.memory_space<semaphore_mem>>
      %dma_start3A = arith.constant 0 : i32
      %dma_start3A_109 = tpu.memref_slice %arg14[%add3A_9, %dma_start3A] : memref<10240x128xf32, #tpu.memory_space<vmem_shared>> -> memref<16x128xf32, #tpu.memory_space<vmem_shared>>
      %dma_start3A_110 = arith.constant 0 : i32
      %dma_start3A_111 = tpu.memref_slice %arg14[%add3A_9, %dma_start3A_110] : memref<10240x128xf32, #tpu.memory_space<vmem_shared>> -> memref<16x128xf32, #tpu.memory_space<vmem_shared>>
      tpu.enqueue_dma source(%arg13 : memref<16x128xf32, #tpu.memory_space<vmem>>) target(%dma_start3A_111 : memref<16x128xf32, #tpu.memory_space<vmem_shared>>) target_semaphore(%run_scoped3A : memref<!tpu.dma_semaphore, #tpu.memory_space<semaphore_mem>>)
      %dma_wait3A_112 = arith.constant 0 : i32
      %dma_wait3A_113 = tpu.memref_slice %arg14[%add3A_9, %dma_wait3A_112] : memref<10240x128xf32, #tpu.memory_space<vmem_shared>> -> memref<16x128xf32, #tpu.memory_space<vmem_shared>>
      %dma_wait3A_114 = arith.constant 0 : i32
      %dma_wait3A_115 = tpu.memref_slice %arg14[%add3A_9, %dma_wait3A_114] : memref<10240x128xf32, #tpu.memory_space<vmem_shared>> -> memref<16x128xf32, #tpu.memory_space<vmem_shared>>
      tpu.wait_dma2 semaphore(%run_scoped3A : memref<!tpu.dma_semaphore, #tpu.memory_space<semaphore_mem>>) src(%arg13 : memref<16x128xf32, #tpu.memory_space<vmem>>) dst(%dma_wait3A_115 : memref<16x128xf32, #tpu.memory_space<vmem_shared>>)
      tpu.yield
    }) : () -> ()
    %add3A_10 = arith.constant 16 : i32
    %add3A_11 = arith.addi %mul3A_2, %add3A_10 : i32
    "tpu.region"() ({
      %run_scoped3A = tpu.sem_alloc : memref<!tpu.dma_semaphore, #tpu.memory_space<semaphore_mem>>
      %dma_start3A = arith.constant 0 : i32
      %dma_start3A_109 = tpu.memref_slice %arg14[%add3A_11, %dma_start3A] : memref<10240x128xf32, #tpu.memory_space<vmem_shared>> -> memref<16x128xf32, #tpu.memory_space<vmem_shared>>
      %dma_start3A_110 = arith.constant 0 : i32
      %dma_start3A_111 = tpu.memref_slice %arg14[%add3A_11, %dma_start3A_110] : memref<10240x128xf32, #tpu.memory_space<vmem_shared>> -> memref<16x128xf32, #tpu.memory_space<vmem_shared>>
      tpu.enqueue_dma source(%arg13 : memref<16x128xf32, #tpu.memory_space<vmem>>) target(%dma_start3A_111 : memref<16x128xf32, #tpu.memory_space<vmem_shared>>) target_semaphore(%run_scoped3A : memref<!tpu.dma_semaphore, #tpu.memory_space<semaphore_mem>>)
      %dma_wait3A_112 = arith.constant 0 : i32
      %dma_wait3A_113 = tpu.memref_slice %arg14[%add3A_11, %dma_wait3A_112] : memref<10240x128xf32, #tpu.memory_space<vmem_shared>> -> memref<16x128xf32, #tpu.memory_space<vmem_shared>>
      %dma_wait3A_114 = arith.constant 0 : i32
      %dma_wait3A_115 = tpu.memref_slice %arg14[%add3A_11, %dma_wait3A_114] : memref<10240x128xf32, #tpu.memory_space<vmem_shared>> -> memref<16x128xf32, #tpu.memory_space<vmem_shared>>
      tpu.wait_dma2 semaphore(%run_scoped3A : memref<!tpu.dma_semaphore, #tpu.memory_space<semaphore_mem>>) src(%arg13 : memref<16x128xf32, #tpu.memory_space<vmem>>) dst(%dma_wait3A_115 : memref<16x128xf32, #tpu.memory_space<vmem_shared>>)
      tpu.yield
    }) : () -> ()
    %add3A_12 = arith.constant 32 : i32
    %add3A_13 = arith.addi %mul3A_2, %add3A_12 : i32
    "tpu.region"() ({
      %run_scoped3A = tpu.sem_alloc : memref<!tpu.dma_semaphore, #tpu.memory_space<semaphore_mem>>
      %dma_start3A = arith.constant 0 : i32
      %dma_start3A_109 = tpu.memref_slice %arg14[%add3A_13, %dma_start3A] : memref<10240x128xf32, #tpu.memory_space<vmem_shared>> -> memref<16x128xf32, #tpu.memory_space<vmem_shared>>
      %dma_start3A_110 = arith.constant 0 : i32
      %dma_start3A_111 = tpu.memref_slice %arg14[%add3A_13, %dma_start3A_110] : memref<10240x128xf32, #tpu.memory_space<vmem_shared>> -> memref<16x128xf32, #tpu.memory_space<vmem_shared>>
      tpu.enqueue_dma source(%arg13 : memref<16x128xf32, #tpu.memory_space<vmem>>) target(%dma_start3A_111 : memref<16x128xf32, #tpu.memory_space<vmem_shared>>) target_semaphore(%run_scoped3A : memref<!tpu.dma_semaphore, #tpu.memory_space<semaphore_mem>>)
      %dma_wait3A_112 = arith.constant 0 : i32
      %dma_wait3A_113 = tpu.memref_slice %arg14[%add3A_13, %dma_wait3A_112] : memref<10240x128xf32, #tpu.memory_space<vmem_shared>> -> memref<16x128xf32, #tpu.memory_space<vmem_shared>>
      %dma_wait3A_114 = arith.constant 0 : i32
      %dma_wait3A_115 = tpu.memref_slice %arg14[%add3A_13, %dma_wait3A_114] : memref<10240x128xf32, #tpu.memory_space<vmem_shared>> -> memref<16x128xf32, #tpu.memory_space<vmem_shared>>
      tpu.wait_dma2 semaphore(%run_scoped3A : memref<!tpu.dma_semaphore, #tpu.memory_space<semaphore_mem>>) src(%arg13 : memref<16x128xf32, #tpu.memory_space<vmem>>) dst(%dma_wait3A_115 : memref<16x128xf32, #tpu.memory_space<vmem_shared>>)
      tpu.yield
    }) : () -> ()
    %add3A_14 = arith.constant 48 : i32
    %add3A_15 = arith.addi %mul3A_2, %add3A_14 : i32
    "tpu.region"() ({
      %run_scoped3A = tpu.sem_alloc : memref<!tpu.dma_semaphore, #tpu.memory_space<semaphore_mem>>
      %dma_start3A = arith.constant 0 : i32
      %dma_start3A_109 = tpu.memref_slice %arg14[%add3A_15, %dma_start3A] : memref<10240x128xf32, #tpu.memory_space<vmem_shared>> -> memref<16x128xf32, #tpu.memory_space<vmem_shared>>
      %dma_start3A_110 = arith.constant 0 : i32
      %dma_start3A_111 = tpu.memref_slice %arg14[%add3A_15, %dma_start3A_110] : memref<10240x128xf32, #tpu.memory_space<vmem_shared>> -> memref<16x128xf32, #tpu.memory_space<vmem_shared>>
      tpu.enqueue_dma source(%arg13 : memref<16x128xf32, #tpu.memory_space<vmem>>) target(%dma_start3A_111 : memref<16x128xf32, #tpu.memory_space<vmem_shared>>) target_semaphore(%run_scoped3A : memref<!tpu.dma_semaphore, #tpu.memory_space<semaphore_mem>>)
      %dma_wait3A_112 = arith.constant 0 : i32
      %dma_wait3A_113 = tpu.memref_slice %arg14[%add3A_15, %dma_wait3A_112] : memref<10240x128xf32, #tpu.memory_space<vmem_shared>> -> memref<16x128xf32, #tpu.memory_space<vmem_shared>>
      %dma_wait3A_114 = arith.constant 0 : i32
      %dma_wait3A_115 = tpu.memref_slice %arg14[%add3A_15, %dma_wait3A_114] : memref<10240x128xf32, #tpu.memory_space<vmem_shared>> -> memref<16x128xf32, #tpu.memory_space<vmem_shared>>
      tpu.wait_dma2 semaphore(%run_scoped3A : memref<!tpu.dma_semaphore, #tpu.memory_space<semaphore_mem>>) src(%arg13 : memref<16x128xf32, #tpu.memory_space<vmem>>) dst(%dma_wait3A_115 : memref<16x128xf32, #tpu.memory_space<vmem_shared>>)
      tpu.yield
    }) : () -> ()
    %add3A_16 = arith.constant 64 : i32
    %add3A_17 = arith.addi %mul3A_2, %add3A_16 : i32
    "tpu.region"() ({
      %run_scoped3A = tpu.sem_alloc : memref<!tpu.dma_semaphore, #tpu.memory_space<semaphore_mem>>
      %dma_start3A = arith.constant 0 : i32
      %dma_start3A_109 = tpu.memref_slice %arg14[%add3A_17, %dma_start3A] : memref<10240x128xf32, #tpu.memory_space<vmem_shared>> -> memref<16x128xf32, #tpu.memory_space<vmem_shared>>
      %dma_start3A_110 = arith.constant 0 : i32
      %dma_start3A_111 = tpu.memref_slice %arg14[%add3A_17, %dma_start3A_110] : memref<10240x128xf32, #tpu.memory_space<vmem_shared>> -> memref<16x128xf32, #tpu.memory_space<vmem_shared>>
      tpu.enqueue_dma source(%arg13 : memref<16x128xf32, #tpu.memory_space<vmem>>) target(%dma_start3A_111 : memref<16x128xf32, #tpu.memory_space<vmem_shared>>) target_semaphore(%run_scoped3A : memref<!tpu.dma_semaphore, #tpu.memory_space<semaphore_mem>>)
      %dma_wait3A_112 = arith.constant 0 : i32
      %dma_wait3A_113 = tpu.memref_slice %arg14[%add3A_17, %dma_wait3A_112] : memref<10240x128xf32, #tpu.memory_space<vmem_shared>> -> memref<16x128xf32, #tpu.memory_space<vmem_shared>>
      %dma_wait3A_114 = arith.constant 0 : i32
      %dma_wait3A_115 = tpu.memref_slice %arg14[%add3A_17, %dma_wait3A_114] : memref<10240x128xf32, #tpu.memory_space<vmem_shared>> -> memref<16x128xf32, #tpu.memory_space<vmem_shared>>
      tpu.wait_dma2 semaphore(%run_scoped3A : memref<!tpu.dma_semaphore, #tpu.memory_space<semaphore_mem>>) src(%arg13 : memref<16x128xf32, #tpu.memory_space<vmem>>) dst(%dma_wait3A_115 : memref<16x128xf32, #tpu.memory_space<vmem_shared>>)
      tpu.yield
    }) : () -> ()
    %add3A_18 = arith.constant 80 : i32
    %add3A_19 = arith.addi %mul3A_2, %add3A_18 : i32
    "tpu.region"() ({
      %run_scoped3A = tpu.sem_alloc : memref<!tpu.dma_semaphore, #tpu.memory_space<semaphore_mem>>
      %dma_start3A = arith.constant 0 : i32
      %dma_start3A_109 = tpu.memref_slice %arg14[%add3A_19, %dma_start3A] : memref<10240x128xf32, #tpu.memory_space<vmem_shared>> -> memref<16x128xf32, #tpu.memory_space<vmem_shared>>
      %dma_start3A_110 = arith.constant 0 : i32
      %dma_start3A_111 = tpu.memref_slice %arg14[%add3A_19, %dma_start3A_110] : memref<10240x128xf32, #tpu.memory_space<vmem_shared>> -> memref<16x128xf32, #tpu.memory_space<vmem_shared>>
      tpu.enqueue_dma source(%arg13 : memref<16x128xf32, #tpu.memory_space<vmem>>) target(%dma_start3A_111 : memref<16x128xf32, #tpu.memory_space<vmem_shared>>) target_semaphore(%run_scoped3A : memref<!tpu.dma_semaphore, #tpu.memory_space<semaphore_mem>>)
      %dma_wait3A_112 = arith.constant 0 : i32
      %dma_wait3A_113 = tpu.memref_slice %arg14[%add3A_19, %dma_wait3A_112] : memref<10240x128xf32, #tpu.memory_space<vmem_shared>> -> memref<16x128xf32, #tpu.memory_space<vmem_shared>>
      %dma_wait3A_114 = arith.constant 0 : i32
      %dma_wait3A_115 = tpu.memref_slice %arg14[%add3A_19, %dma_wait3A_114] : memref<10240x128xf32, #tpu.memory_space<vmem_shared>> -> memref<16x128xf32, #tpu.memory_space<vmem_shared>>
      tpu.wait_dma2 semaphore(%run_scoped3A : memref<!tpu.dma_semaphore, #tpu.memory_space<semaphore_mem>>) src(%arg13 : memref<16x128xf32, #tpu.memory_space<vmem>>) dst(%dma_wait3A_115 : memref<16x128xf32, #tpu.memory_space<vmem_shared>>)
      tpu.yield
    }) : () -> ()
    %add3A_20 = arith.constant 96 : i32
    %add3A_21 = arith.addi %mul3A_2, %add3A_20 : i32
    "tpu.region"() ({
      %run_scoped3A = tpu.sem_alloc : memref<!tpu.dma_semaphore, #tpu.memory_space<semaphore_mem>>
      %dma_start3A = arith.constant 0 : i32
      %dma_start3A_109 = tpu.memref_slice %arg14[%add3A_21, %dma_start3A] : memref<10240x128xf32, #tpu.memory_space<vmem_shared>> -> memref<16x128xf32, #tpu.memory_space<vmem_shared>>
      %dma_start3A_110 = arith.constant 0 : i32
      %dma_start3A_111 = tpu.memref_slice %arg14[%add3A_21, %dma_start3A_110] : memref<10240x128xf32, #tpu.memory_space<vmem_shared>> -> memref<16x128xf32, #tpu.memory_space<vmem_shared>>
      tpu.enqueue_dma source(%arg13 : memref<16x128xf32, #tpu.memory_space<vmem>>) target(%dma_start3A_111 : memref<16x128xf32, #tpu.memory_space<vmem_shared>>) target_semaphore(%run_scoped3A : memref<!tpu.dma_semaphore, #tpu.memory_space<semaphore_mem>>)
      %dma_wait3A_112 = arith.constant 0 : i32
      %dma_wait3A_113 = tpu.memref_slice %arg14[%add3A_21, %dma_wait3A_112] : memref<10240x128xf32, #tpu.memory_space<vmem_shared>> -> memref<16x128xf32, #tpu.memory_space<vmem_shared>>
      %dma_wait3A_114 = arith.constant 0 : i32
      %dma_wait3A_115 = tpu.memref_slice %arg14[%add3A_21, %dma_wait3A_114] : memref<10240x128xf32, #tpu.memory_space<vmem_shared>> -> memref<16x128xf32, #tpu.memory_space<vmem_shared>>
      tpu.wait_dma2 semaphore(%run_scoped3A : memref<!tpu.dma_semaphore, #tpu.memory_space<semaphore_mem>>) src(%arg13 : memref<16x128xf32, #tpu.memory_space<vmem>>) dst(%dma_wait3A_115 : memref<16x128xf32, #tpu.memory_space<vmem_shared>>)
      tpu.yield
    }) : () -> ()
    %add3A_22 = arith.constant 112 : i32
    %add3A_23 = arith.addi %mul3A_2, %add3A_22 : i32
    "tpu.region"() ({
      %run_scoped3A = tpu.sem_alloc : memref<!tpu.dma_semaphore, #tpu.memory_space<semaphore_mem>>
      %dma_start3A = arith.constant 0 : i32
      %dma_start3A_109 = tpu.memref_slice %arg14[%add3A_23, %dma_start3A] : memref<10240x128xf32, #tpu.memory_space<vmem_shared>> -> memref<16x128xf32, #tpu.memory_space<vmem_shared>>
      %dma_start3A_110 = arith.constant 0 : i32
      %dma_start3A_111 = tpu.memref_slice %arg14[%add3A_23, %dma_start3A_110] : memref<10240x128xf32, #tpu.memory_space<vmem_shared>> -> memref<16x128xf32, #tpu.memory_space<vmem_shared>>
      tpu.enqueue_dma source(%arg13 : memref<16x128xf32, #tpu.memory_space<vmem>>) target(%dma_start3A_111 : memref<16x128xf32, #tpu.memory_space<vmem_shared>>) target_semaphore(%run_scoped3A : memref<!tpu.dma_semaphore, #tpu.memory_space<semaphore_mem>>)
      %dma_wait3A_112 = arith.constant 0 : i32
      %dma_wait3A_113 = tpu.memref_slice %arg14[%add3A_23, %dma_wait3A_112] : memref<10240x128xf32, #tpu.memory_space<vmem_shared>> -> memref<16x128xf32, #tpu.memory_space<vmem_shared>>
      %dma_wait3A_114 = arith.constant 0 : i32
      %dma_wait3A_115 = tpu.memref_slice %arg14[%add3A_23, %dma_wait3A_114] : memref<10240x128xf32, #tpu.memory_space<vmem_shared>> -> memref<16x128xf32, #tpu.memory_space<vmem_shared>>
      tpu.wait_dma2 semaphore(%run_scoped3A : memref<!tpu.dma_semaphore, #tpu.memory_space<semaphore_mem>>) src(%arg13 : memref<16x128xf32, #tpu.memory_space<vmem>>) dst(%dma_wait3A_115 : memref<16x128xf32, #tpu.memory_space<vmem_shared>>)
      tpu.yield
    }) : () -> ()
    %add3A_24 = arith.constant 128 : i32
    %add3A_25 = arith.addi %mul3A_2, %add3A_24 : i32
    "tpu.region"() ({
      %run_scoped3A = tpu.sem_alloc : memref<!tpu.dma_semaphore, #tpu.memory_space<semaphore_mem>>
      %dma_start3A = arith.constant 0 : i32
      %dma_start3A_109 = tpu.memref_slice %arg14[%add3A_25, %dma_start3A] : memref<10240x128xf32, #tpu.memory_space<vmem_shared>> -> memref<16x128xf32, #tpu.memory_space<vmem_shared>>
      %dma_start3A_110 = arith.constant 0 : i32
      %dma_start3A_111 = tpu.memref_slice %arg14[%add3A_25, %dma_start3A_110] : memref<10240x128xf32, #tpu.memory_space<vmem_shared>> -> memref<16x128xf32, #tpu.memory_space<vmem_shared>>
      tpu.enqueue_dma source(%arg13 : memref<16x128xf32, #tpu.memory_space<vmem>>) target(%dma_start3A_111 : memref<16x128xf32, #tpu.memory_space<vmem_shared>>) target_semaphore(%run_scoped3A : memref<!tpu.dma_semaphore, #tpu.memory_space<semaphore_mem>>)
      %dma_wait3A_112 = arith.constant 0 : i32
      %dma_wait3A_113 = tpu.memref_slice %arg14[%add3A_25, %dma_wait3A_112] : memref<10240x128xf32, #tpu.memory_space<vmem_shared>> -> memref<16x128xf32, #tpu.memory_space<vmem_shared>>
      %dma_wait3A_114 = arith.constant 0 : i32
      %dma_wait3A_115 = tpu.memref_slice %arg14[%add3A_25, %dma_wait3A_114] : memref<10240x128xf32, #tpu.memory_space<vmem_shared>> -> memref<16x128xf32, #tpu.memory_space<vmem_shared>>
      tpu.wait_dma2 semaphore(%run_scoped3A : memref<!tpu.dma_semaphore, #tpu.memory_space<semaphore_mem>>) src(%arg13 : memref<16x128xf32, #tpu.memory_space<vmem>>) dst(%dma_wait3A_115 : memref<16x128xf32, #tpu.memory_space<vmem_shared>>)
      tpu.yield
    }) : () -> ()
    %add3A_26 = arith.constant 144 : i32
    %add3A_27 = arith.addi %mul3A_2, %add3A_26 : i32
    "tpu.region"() ({
      %run_scoped3A = tpu.sem_alloc : memref<!tpu.dma_semaphore, #tpu.memory_space<semaphore_mem>>
      %dma_start3A = arith.constant 0 : i32
      %dma_start3A_109 = tpu.memref_slice %arg14[%add3A_27, %dma_start3A] : memref<10240x128xf32, #tpu.memory_space<vmem_shared>> -> memref<16x128xf32, #tpu.memory_space<vmem_shared>>
      %dma_start3A_110 = arith.constant 0 : i32
      %dma_start3A_111 = tpu.memref_slice %arg14[%add3A_27, %dma_start3A_110] : memref<10240x128xf32, #tpu.memory_space<vmem_shared>> -> memref<16x128xf32, #tpu.memory_space<vmem_shared>>
      tpu.enqueue_dma source(%arg13 : memref<16x128xf32, #tpu.memory_space<vmem>>) target(%dma_start3A_111 : memref<16x128xf32, #tpu.memory_space<vmem_shared>>) target_semaphore(%run_scoped3A : memref<!tpu.dma_semaphore, #tpu.memory_space<semaphore_mem>>)
      %dma_wait3A_112 = arith.constant 0 : i32
      %dma_wait3A_113 = tpu.memref_slice %arg14[%add3A_27, %dma_wait3A_112] : memref<10240x128xf32, #tpu.memory_space<vmem_shared>> -> memref<16x128xf32, #tpu.memory_space<vmem_shared>>
      %dma_wait3A_114 = arith.constant 0 : i32
      %dma_wait3A_115 = tpu.memref_slice %arg14[%add3A_27, %dma_wait3A_114] : memref<10240x128xf32, #tpu.memory_space<vmem_shared>> -> memref<16x128xf32, #tpu.memory_space<vmem_shared>>
      tpu.wait_dma2 semaphore(%run_scoped3A : memref<!tpu.dma_semaphore, #tpu.memory_space<semaphore_mem>>) src(%arg13 : memref<16x128xf32, #tpu.memory_space<vmem>>) dst(%dma_wait3A_115 : memref<16x128xf32, #tpu.memory_space<vmem_shared>>)
      tpu.yield
    }) : () -> ()
    %add3A_28 = arith.constant 160 : i32
    %add3A_29 = arith.addi %mul3A_2, %add3A_28 : i32
    "tpu.region"() ({
      %run_scoped3A = tpu.sem_alloc : memref<!tpu.dma_semaphore, #tpu.memory_space<semaphore_mem>>
      %dma_start3A = arith.constant 0 : i32
      %dma_start3A_109 = tpu.memref_slice %arg14[%add3A_29, %dma_start3A] : memref<10240x128xf32, #tpu.memory_space<vmem_shared>> -> memref<16x128xf32, #tpu.memory_space<vmem_shared>>
      %dma_start3A_110 = arith.constant 0 : i32
      %dma_start3A_111 = tpu.memref_slice %arg14[%add3A_29, %dma_start3A_110] : memref<10240x128xf32, #tpu.memory_space<vmem_shared>> -> memref<16x128xf32, #tpu.memory_space<vmem_shared>>
      tpu.enqueue_dma source(%arg13 : memref<16x128xf32, #tpu.memory_space<vmem>>) target(%dma_start3A_111 : memref<16x128xf32, #tpu.memory_space<vmem_shared>>) target_semaphore(%run_scoped3A : memref<!tpu.dma_semaphore, #tpu.memory_space<semaphore_mem>>)
      %dma_wait3A_112 = arith.constant 0 : i32
      %dma_wait3A_113 = tpu.memref_slice %arg14[%add3A_29, %dma_wait3A_112] : memref<10240x128xf32, #tpu.memory_space<vmem_shared>> -> memref<16x128xf32, #tpu.memory_space<vmem_shared>>
      %dma_wait3A_114 = arith.constant 0 : i32
      %dma_wait3A_115 = tpu.memref_slice %arg14[%add3A_29, %dma_wait3A_114] : memref<10240x128xf32, #tpu.memory_space<vmem_shared>> -> memref<16x128xf32, #tpu.memory_space<vmem_shared>>
      tpu.wait_dma2 semaphore(%run_scoped3A : memref<!tpu.dma_semaphore, #tpu.memory_space<semaphore_mem>>) src(%arg13 : memref<16x128xf32, #tpu.memory_space<vmem>>) dst(%dma_wait3A_115 : memref<16x128xf32, #tpu.memory_space<vmem_shared>>)
      tpu.yield
    }) : () -> ()
    %add3A_30 = arith.constant 176 : i32
    %add3A_31 = arith.addi %mul3A_2, %add3A_30 : i32
    "tpu.region"() ({
      %run_scoped3A = tpu.sem_alloc : memref<!tpu.dma_semaphore, #tpu.memory_space<semaphore_mem>>
      %dma_start3A = arith.constant 0 : i32
      %dma_start3A_109 = tpu.memref_slice %arg14[%add3A_31, %dma_start3A] : memref<10240x128xf32, #tpu.memory_space<vmem_shared>> -> memref<16x128xf32, #tpu.memory_space<vmem_shared>>
      %dma_start3A_110 = arith.constant 0 : i32
      %dma_start3A_111 = tpu.memref_slice %arg14[%add3A_31, %dma_start3A_110] : memref<10240x128xf32, #tpu.memory_space<vmem_shared>> -> memref<16x128xf32, #tpu.memory_space<vmem_shared>>
      tpu.enqueue_dma source(%arg13 : memref<16x128xf32, #tpu.memory_space<vmem>>) target(%dma_start3A_111 : memref<16x128xf32, #tpu.memory_space<vmem_shared>>) target_semaphore(%run_scoped3A : memref<!tpu.dma_semaphore, #tpu.memory_space<semaphore_mem>>)
      %dma_wait3A_112 = arith.constant 0 : i32
      %dma_wait3A_113 = tpu.memref_slice %arg14[%add3A_31, %dma_wait3A_112] : memref<10240x128xf32, #tpu.memory_space<vmem_shared>> -> memref<16x128xf32, #tpu.memory_space<vmem_shared>>
      %dma_wait3A_114 = arith.constant 0 : i32
      %dma_wait3A_115 = tpu.memref_slice %arg14[%add3A_31, %dma_wait3A_114] : memref<10240x128xf32, #tpu.memory_space<vmem_shared>> -> memref<16x128xf32, #tpu.memory_space<vmem_shared>>
      tpu.wait_dma2 semaphore(%run_scoped3A : memref<!tpu.dma_semaphore, #tpu.memory_space<semaphore_mem>>) src(%arg13 : memref<16x128xf32, #tpu.memory_space<vmem>>) dst(%dma_wait3A_115 : memref<16x128xf32, #tpu.memory_space<vmem_shared>>)
      tpu.yield
    }) : () -> ()
    %add3A_32 = arith.constant 192 : i32
    %add3A_33 = arith.addi %mul3A_2, %add3A_32 : i32
    "tpu.region"() ({
      %run_scoped3A = tpu.sem_alloc : memref<!tpu.dma_semaphore, #tpu.memory_space<semaphore_mem>>
      %dma_start3A = arith.constant 0 : i32
      %dma_start3A_109 = tpu.memref_slice %arg14[%add3A_33, %dma_start3A] : memref<10240x128xf32, #tpu.memory_space<vmem_shared>> -> memref<16x128xf32, #tpu.memory_space<vmem_shared>>
      %dma_start3A_110 = arith.constant 0 : i32
      %dma_start3A_111 = tpu.memref_slice %arg14[%add3A_33, %dma_start3A_110] : memref<10240x128xf32, #tpu.memory_space<vmem_shared>> -> memref<16x128xf32, #tpu.memory_space<vmem_shared>>
      tpu.enqueue_dma source(%arg13 : memref<16x128xf32, #tpu.memory_space<vmem>>) target(%dma_start3A_111 : memref<16x128xf32, #tpu.memory_space<vmem_shared>>) target_semaphore(%run_scoped3A : memref<!tpu.dma_semaphore, #tpu.memory_space<semaphore_mem>>)
      %dma_wait3A_112 = arith.constant 0 : i32
      %dma_wait3A_113 = tpu.memref_slice %arg14[%add3A_33, %dma_wait3A_112] : memref<10240x128xf32, #tpu.memory_space<vmem_shared>> -> memref<16x128xf32, #tpu.memory_space<vmem_shared>>
      %dma_wait3A_114 = arith.constant 0 : i32
      %dma_wait3A_115 = tpu.memref_slice %arg14[%add3A_33, %dma_wait3A_114] : memref<10240x128xf32, #tpu.memory_space<vmem_shared>> -> memref<16x128xf32, #tpu.memory_space<vmem_shared>>
      tpu.wait_dma2 semaphore(%run_scoped3A : memref<!tpu.dma_semaphore, #tpu.memory_space<semaphore_mem>>) src(%arg13 : memref<16x128xf32, #tpu.memory_space<vmem>>) dst(%dma_wait3A_115 : memref<16x128xf32, #tpu.memory_space<vmem_shared>>)
      tpu.yield
    }) : () -> ()
    %add3A_34 = arith.constant 208 : i32
    %add3A_35 = arith.addi %mul3A_2, %add3A_34 : i32
    "tpu.region"() ({
      %run_scoped3A = tpu.sem_alloc : memref<!tpu.dma_semaphore, #tpu.memory_space<semaphore_mem>>
      %dma_start3A = arith.constant 0 : i32
      %dma_start3A_109 = tpu.memref_slice %arg14[%add3A_35, %dma_start3A] : memref<10240x128xf32, #tpu.memory_space<vmem_shared>> -> memref<16x128xf32, #tpu.memory_space<vmem_shared>>
      %dma_start3A_110 = arith.constant 0 : i32
      %dma_start3A_111 = tpu.memref_slice %arg14[%add3A_35, %dma_start3A_110] : memref<10240x128xf32, #tpu.memory_space<vmem_shared>> -> memref<16x128xf32, #tpu.memory_space<vmem_shared>>
      tpu.enqueue_dma source(%arg13 : memref<16x128xf32, #tpu.memory_space<vmem>>) target(%dma_start3A_111 : memref<16x128xf32, #tpu.memory_space<vmem_shared>>) target_semaphore(%run_scoped3A : memref<!tpu.dma_semaphore, #tpu.memory_space<semaphore_mem>>)
      %dma_wait3A_112 = arith.constant 0 : i32
      %dma_wait3A_113 = tpu.memref_slice %arg14[%add3A_35, %dma_wait3A_112] : memref<10240x128xf32, #tpu.memory_space<vmem_shared>> -> memref<16x128xf32, #tpu.memory_space<vmem_shared>>
      %dma_wait3A_114 = arith.constant 0 : i32
      %dma_wait3A_115 = tpu.memref_slice %arg14[%add3A_35, %dma_wait3A_114] : memref<10240x128xf32, #tpu.memory_space<vmem_shared>> -> memref<16x128xf32, #tpu.memory_space<vmem_shared>>
      tpu.wait_dma2 semaphore(%run_scoped3A : memref<!tpu.dma_semaphore, #tpu.memory_space<semaphore_mem>>) src(%arg13 : memref<16x128xf32, #tpu.memory_space<vmem>>) dst(%dma_wait3A_115 : memref<16x128xf32, #tpu.memory_space<vmem_shared>>)
      tpu.yield
    }) : () -> ()
    %add3A_36 = arith.constant 224 : i32
    %add3A_37 = arith.addi %mul3A_2, %add3A_36 : i32
    "tpu.region"() ({
      %run_scoped3A = tpu.sem_alloc : memref<!tpu.dma_semaphore, #tpu.memory_space<semaphore_mem>>
      %dma_start3A = arith.constant 0 : i32
      %dma_start3A_109 = tpu.memref_slice %arg14[%add3A_37, %dma_start3A] : memref<10240x128xf32, #tpu.memory_space<vmem_shared>> -> memref<16x128xf32, #tpu.memory_space<vmem_shared>>
      %dma_start3A_110 = arith.constant 0 : i32
      %dma_start3A_111 = tpu.memref_slice %arg14[%add3A_37, %dma_start3A_110] : memref<10240x128xf32, #tpu.memory_space<vmem_shared>> -> memref<16x128xf32, #tpu.memory_space<vmem_shared>>
      tpu.enqueue_dma source(%arg13 : memref<16x128xf32, #tpu.memory_space<vmem>>) target(%dma_start3A_111 : memref<16x128xf32, #tpu.memory_space<vmem_shared>>) target_semaphore(%run_scoped3A : memref<!tpu.dma_semaphore, #tpu.memory_space<semaphore_mem>>)
      %dma_wait3A_112 = arith.constant 0 : i32
      %dma_wait3A_113 = tpu.memref_slice %arg14[%add3A_37, %dma_wait3A_112] : memref<10240x128xf32, #tpu.memory_space<vmem_shared>> -> memref<16x128xf32, #tpu.memory_space<vmem_shared>>
      %dma_wait3A_114 = arith.constant 0 : i32
      %dma_wait3A_115 = tpu.memref_slice %arg14[%add3A_37, %dma_wait3A_114] : memref<10240x128xf32, #tpu.memory_space<vmem_shared>> -> memref<16x128xf32, #tpu.memory_space<vmem_shared>>
      tpu.wait_dma2 semaphore(%run_scoped3A : memref<!tpu.dma_semaphore, #tpu.memory_space<semaphore_mem>>) src(%arg13 : memref<16x128xf32, #tpu.memory_space<vmem>>) dst(%dma_wait3A_115 : memref<16x128xf32, #tpu.memory_space<vmem_shared>>)
      tpu.yield
    }) : () -> ()
    %add3A_38 = arith.constant 240 : i32
    %add3A_39 = arith.addi %mul3A_2, %add3A_38 : i32
    "tpu.region"() ({
      %run_scoped3A = tpu.sem_alloc : memref<!tpu.dma_semaphore, #tpu.memory_space<semaphore_mem>>
      %dma_start3A = arith.constant 0 : i32
      %dma_start3A_109 = tpu.memref_slice %arg14[%add3A_39, %dma_start3A] : memref<10240x128xf32, #tpu.memory_space<vmem_shared>> -> memref<16x128xf32, #tpu.memory_space<vmem_shared>>
      %dma_start3A_110 = arith.constant 0 : i32
      %dma_start3A_111 = tpu.memref_slice %arg14[%add3A_39, %dma_start3A_110] : memref<10240x128xf32, #tpu.memory_space<vmem_shared>> -> memref<16x128xf32, #tpu.memory_space<vmem_shared>>
      tpu.enqueue_dma source(%arg13 : memref<16x128xf32, #tpu.memory_space<vmem>>) target(%dma_start3A_111 : memref<16x128xf32, #tpu.memory_space<vmem_shared>>) target_semaphore(%run_scoped3A : memref<!tpu.dma_semaphore, #tpu.memory_space<semaphore_mem>>)
      %dma_wait3A_112 = arith.constant 0 : i32
      %dma_wait3A_113 = tpu.memref_slice %arg14[%add3A_39, %dma_wait3A_112] : memref<10240x128xf32, #tpu.memory_space<vmem_shared>> -> memref<16x128xf32, #tpu.memory_space<vmem_shared>>
      %dma_wait3A_114 = arith.constant 0 : i32
      %dma_wait3A_115 = tpu.memref_slice %arg14[%add3A_39, %dma_wait3A_114] : memref<10240x128xf32, #tpu.memory_space<vmem_shared>> -> memref<16x128xf32, #tpu.memory_space<vmem_shared>>
      tpu.wait_dma2 semaphore(%run_scoped3A : memref<!tpu.dma_semaphore, #tpu.memory_space<semaphore_mem>>) src(%arg13 : memref<16x128xf32, #tpu.memory_space<vmem>>) dst(%dma_wait3A_115 : memref<16x128xf32, #tpu.memory_space<vmem_shared>>)
      tpu.yield
    }) : () -> ()
    %add3A_40 = arith.constant 256 : i32
    %add3A_41 = arith.addi %mul3A_2, %add3A_40 : i32
    "tpu.region"() ({
      %run_scoped3A = tpu.sem_alloc : memref<!tpu.dma_semaphore, #tpu.memory_space<semaphore_mem>>
      %dma_start3A = arith.constant 0 : i32
      %dma_start3A_109 = tpu.memref_slice %arg14[%add3A_41, %dma_start3A] : memref<10240x128xf32, #tpu.memory_space<vmem_shared>> -> memref<16x128xf32, #tpu.memory_space<vmem_shared>>
      %dma_start3A_110 = arith.constant 0 : i32
      %dma_start3A_111 = tpu.memref_slice %arg14[%add3A_41, %dma_start3A_110] : memref<10240x128xf32, #tpu.memory_space<vmem_shared>> -> memref<16x128xf32, #tpu.memory_space<vmem_shared>>
      tpu.enqueue_dma source(%arg13 : memref<16x128xf32, #tpu.memory_space<vmem>>) target(%dma_start3A_111 : memref<16x128xf32, #tpu.memory_space<vmem_shared>>) target_semaphore(%run_scoped3A : memref<!tpu.dma_semaphore, #tpu.memory_space<semaphore_mem>>)
      %dma_wait3A_112 = arith.constant 0 : i32
      %dma_wait3A_113 = tpu.memref_slice %arg14[%add3A_41, %dma_wait3A_112] : memref<10240x128xf32, #tpu.memory_space<vmem_shared>> -> memref<16x128xf32, #tpu.memory_space<vmem_shared>>
      %dma_wait3A_114 = arith.constant 0 : i32
      %dma_wait3A_115 = tpu.memref_slice %arg14[%add3A_41, %dma_wait3A_114] : memref<10240x128xf32, #tpu.memory_space<vmem_shared>> -> memref<16x128xf32, #tpu.memory_space<vmem_shared>>
      tpu.wait_dma2 semaphore(%run_scoped3A : memref<!tpu.dma_semaphore, #tpu.memory_space<semaphore_mem>>) src(%arg13 : memref<16x128xf32, #tpu.memory_space<vmem>>) dst(%dma_wait3A_115 : memref<16x128xf32, #tpu.memory_space<vmem_shared>>)
      tpu.yield
    }) : () -> ()
    %add3A_42 = arith.constant 272 : i32
    %add3A_43 = arith.addi %mul3A_2, %add3A_42 : i32
    "tpu.region"() ({
      %run_scoped3A = tpu.sem_alloc : memref<!tpu.dma_semaphore, #tpu.memory_space<semaphore_mem>>
      %dma_start3A = arith.constant 0 : i32
      %dma_start3A_109 = tpu.memref_slice %arg14[%add3A_43, %dma_start3A] : memref<10240x128xf32, #tpu.memory_space<vmem_shared>> -> memref<16x128xf32, #tpu.memory_space<vmem_shared>>
      %dma_start3A_110 = arith.constant 0 : i32
      %dma_start3A_111 = tpu.memref_slice %arg14[%add3A_43, %dma_start3A_110] : memref<10240x128xf32, #tpu.memory_space<vmem_shared>> -> memref<16x128xf32, #tpu.memory_space<vmem_shared>>
      tpu.enqueue_dma source(%arg13 : memref<16x128xf32, #tpu.memory_space<vmem>>) target(%dma_start3A_111 : memref<16x128xf32, #tpu.memory_space<vmem_shared>>) target_semaphore(%run_scoped3A : memref<!tpu.dma_semaphore, #tpu.memory_space<semaphore_mem>>)
      %dma_wait3A_112 = arith.constant 0 : i32
      %dma_wait3A_113 = tpu.memref_slice %arg14[%add3A_43, %dma_wait3A_112] : memref<10240x128xf32, #tpu.memory_space<vmem_shared>> -> memref<16x128xf32, #tpu.memory_space<vmem_shared>>
      %dma_wait3A_114 = arith.constant 0 : i32
      %dma_wait3A_115 = tpu.memref_slice %arg14[%add3A_43, %dma_wait3A_114] : memref<10240x128xf32, #tpu.memory_space<vmem_shared>> -> memref<16x128xf32, #tpu.memory_space<vmem_shared>>
      tpu.wait_dma2 semaphore(%run_scoped3A : memref<!tpu.dma_semaphore, #tpu.memory_space<semaphore_mem>>) src(%arg13 : memref<16x128xf32, #tpu.memory_space<vmem>>) dst(%dma_wait3A_115 : memref<16x128xf32, #tpu.memory_space<vmem_shared>>)
      tpu.yield
    }) : () -> ()
    %add3A_44 = arith.constant 288 : i32
    %add3A_45 = arith.addi %mul3A_2, %add3A_44 : i32
    "tpu.region"() ({
      %run_scoped3A = tpu.sem_alloc : memref<!tpu.dma_semaphore, #tpu.memory_space<semaphore_mem>>
      %dma_start3A = arith.constant 0 : i32
      %dma_start3A_109 = tpu.memref_slice %arg14[%add3A_45, %dma_start3A] : memref<10240x128xf32, #tpu.memory_space<vmem_shared>> -> memref<16x128xf32, #tpu.memory_space<vmem_shared>>
      %dma_start3A_110 = arith.constant 0 : i32
      %dma_start3A_111 = tpu.memref_slice %arg14[%add3A_45, %dma_start3A_110] : memref<10240x128xf32, #tpu.memory_space<vmem_shared>> -> memref<16x128xf32, #tpu.memory_space<vmem_shared>>
      tpu.enqueue_dma source(%arg13 : memref<16x128xf32, #tpu.memory_space<vmem>>) target(%dma_start3A_111 : memref<16x128xf32, #tpu.memory_space<vmem_shared>>) target_semaphore(%run_scoped3A : memref<!tpu.dma_semaphore, #tpu.memory_space<semaphore_mem>>)
      %dma_wait3A_112 = arith.constant 0 : i32
      %dma_wait3A_113 = tpu.memref_slice %arg14[%add3A_45, %dma_wait3A_112] : memref<10240x128xf32, #tpu.memory_space<vmem_shared>> -> memref<16x128xf32, #tpu.memory_space<vmem_shared>>
      %dma_wait3A_114 = arith.constant 0 : i32
      %dma_wait3A_115 = tpu.memref_slice %arg14[%add3A_45, %dma_wait3A_114] : memref<10240x128xf32, #tpu.memory_space<vmem_shared>> -> memref<16x128xf32, #tpu.memory_space<vmem_shared>>
      tpu.wait_dma2 semaphore(%run_scoped3A : memref<!tpu.dma_semaphore, #tpu.memory_space<semaphore_mem>>) src(%arg13 : memref<16x128xf32, #tpu.memory_space<vmem>>) dst(%dma_wait3A_115 : memref<16x128xf32, #tpu.memory_space<vmem_shared>>)
      tpu.yield
    }) : () -> ()
    %add3A_46 = arith.constant 304 : i32
    %add3A_47 = arith.addi %mul3A_2, %add3A_46 : i32
    "tpu.region"() ({
      %run_scoped3A = tpu.sem_alloc : memref<!tpu.dma_semaphore, #tpu.memory_space<semaphore_mem>>
      %dma_start3A = arith.constant 0 : i32
      %dma_start3A_109 = tpu.memref_slice %arg14[%add3A_47, %dma_start3A] : memref<10240x128xf32, #tpu.memory_space<vmem_shared>> -> memref<16x128xf32, #tpu.memory_space<vmem_shared>>
      %dma_start3A_110 = arith.constant 0 : i32
      %dma_start3A_111 = tpu.memref_slice %arg14[%add3A_47, %dma_start3A_110] : memref<10240x128xf32, #tpu.memory_space<vmem_shared>> -> memref<16x128xf32, #tpu.memory_space<vmem_shared>>
      tpu.enqueue_dma source(%arg13 : memref<16x128xf32, #tpu.memory_space<vmem>>) target(%dma_start3A_111 : memref<16x128xf32, #tpu.memory_space<vmem_shared>>) target_semaphore(%run_scoped3A : memref<!tpu.dma_semaphore, #tpu.memory_space<semaphore_mem>>)
      %dma_wait3A_112 = arith.constant 0 : i32
      %dma_wait3A_113 = tpu.memref_slice %arg14[%add3A_47, %dma_wait3A_112] : memref<10240x128xf32, #tpu.memory_space<vmem_shared>> -> memref<16x128xf32, #tpu.memory_space<vmem_shared>>
      %dma_wait3A_114 = arith.constant 0 : i32
      %dma_wait3A_115 = tpu.memref_slice %arg14[%add3A_47, %dma_wait3A_114] : memref<10240x128xf32, #tpu.memory_space<vmem_shared>> -> memref<16x128xf32, #tpu.memory_space<vmem_shared>>
      tpu.wait_dma2 semaphore(%run_scoped3A : memref<!tpu.dma_semaphore, #tpu.memory_space<semaphore_mem>>) src(%arg13 : memref<16x128xf32, #tpu.memory_space<vmem>>) dst(%dma_wait3A_115 : memref<16x128xf32, #tpu.memory_space<vmem_shared>>)
      tpu.yield
    }) : () -> ()
    %add3A_48 = arith.constant 320 : i32
    %add3A_49 = arith.addi %mul3A_2, %add3A_48 : i32
    "tpu.region"() ({
      %run_scoped3A = tpu.sem_alloc : memref<!tpu.dma_semaphore, #tpu.memory_space<semaphore_mem>>
      %dma_start3A = arith.constant 0 : i32
      %dma_start3A_109 = tpu.memref_slice %arg14[%add3A_49, %dma_start3A] : memref<10240x128xf32, #tpu.memory_space<vmem_shared>> -> memref<16x128xf32, #tpu.memory_space<vmem_shared>>
      %dma_start3A_110 = arith.constant 0 : i32
      %dma_start3A_111 = tpu.memref_slice %arg14[%add3A_49, %dma_start3A_110] : memref<10240x128xf32, #tpu.memory_space<vmem_shared>> -> memref<16x128xf32, #tpu.memory_space<vmem_shared>>
      tpu.enqueue_dma source(%arg13 : memref<16x128xf32, #tpu.memory_space<vmem>>) target(%dma_start3A_111 : memref<16x128xf32, #tpu.memory_space<vmem_shared>>) target_semaphore(%run_scoped3A : memref<!tpu.dma_semaphore, #tpu.memory_space<semaphore_mem>>)
      %dma_wait3A_112 = arith.constant 0 : i32
      %dma_wait3A_113 = tpu.memref_slice %arg14[%add3A_49, %dma_wait3A_112] : memref<10240x128xf32, #tpu.memory_space<vmem_shared>> -> memref<16x128xf32, #tpu.memory_space<vmem_shared>>
      %dma_wait3A_114 = arith.constant 0 : i32
      %dma_wait3A_115 = tpu.memref_slice %arg14[%add3A_49, %dma_wait3A_114] : memref<10240x128xf32, #tpu.memory_space<vmem_shared>> -> memref<16x128xf32, #tpu.memory_space<vmem_shared>>
      tpu.wait_dma2 semaphore(%run_scoped3A : memref<!tpu.dma_semaphore, #tpu.memory_space<semaphore_mem>>) src(%arg13 : memref<16x128xf32, #tpu.memory_space<vmem>>) dst(%dma_wait3A_115 : memref<16x128xf32, #tpu.memory_space<vmem_shared>>)
      tpu.yield
    }) : () -> ()
    %add3A_50 = arith.constant 336 : i32
    %add3A_51 = arith.addi %mul3A_2, %add3A_50 : i32
    "tpu.region"() ({
      %run_scoped3A = tpu.sem_alloc : memref<!tpu.dma_semaphore, #tpu.memory_space<semaphore_mem>>
      %dma_start3A = arith.constant 0 : i32
      %dma_start3A_109 = tpu.memref_slice %arg14[%add3A_51, %dma_start3A] : memref<10240x128xf32, #tpu.memory_space<vmem_shared>> -> memref<16x128xf32, #tpu.memory_space<vmem_shared>>
      %dma_start3A_110 = arith.constant 0 : i32
      %dma_start3A_111 = tpu.memref_slice %arg14[%add3A_51, %dma_start3A_110] : memref<10240x128xf32, #tpu.memory_space<vmem_shared>> -> memref<16x128xf32, #tpu.memory_space<vmem_shared>>
      tpu.enqueue_dma source(%arg13 : memref<16x128xf32, #tpu.memory_space<vmem>>) target(%dma_start3A_111 : memref<16x128xf32, #tpu.memory_space<vmem_shared>>) target_semaphore(%run_scoped3A : memref<!tpu.dma_semaphore, #tpu.memory_space<semaphore_mem>>)
      %dma_wait3A_112 = arith.constant 0 : i32
      %dma_wait3A_113 = tpu.memref_slice %arg14[%add3A_51, %dma_wait3A_112] : memref<10240x128xf32, #tpu.memory_space<vmem_shared>> -> memref<16x128xf32, #tpu.memory_space<vmem_shared>>
      %dma_wait3A_114 = arith.constant 0 : i32
      %dma_wait3A_115 = tpu.memref_slice %arg14[%add3A_51, %dma_wait3A_114] : memref<10240x128xf32, #tpu.memory_space<vmem_shared>> -> memref<16x128xf32, #tpu.memory_space<vmem_shared>>
      tpu.wait_dma2 semaphore(%run_scoped3A : memref<!tpu.dma_semaphore, #tpu.memory_space<semaphore_mem>>) src(%arg13 : memref<16x128xf32, #tpu.memory_space<vmem>>) dst(%dma_wait3A_115 : memref<16x128xf32, #tpu.memory_space<vmem_shared>>)
      tpu.yield
    }) : () -> ()
    %add3A_52 = arith.constant 352 : i32
    %add3A_53 = arith.addi %mul3A_2, %add3A_52 : i32
    "tpu.region"() ({
      %run_scoped3A = tpu.sem_alloc : memref<!tpu.dma_semaphore, #tpu.memory_space<semaphore_mem>>
      %dma_start3A = arith.constant 0 : i32
      %dma_start3A_109 = tpu.memref_slice %arg14[%add3A_53, %dma_start3A] : memref<10240x128xf32, #tpu.memory_space<vmem_shared>> -> memref<16x128xf32, #tpu.memory_space<vmem_shared>>
      %dma_start3A_110 = arith.constant 0 : i32
      %dma_start3A_111 = tpu.memref_slice %arg14[%add3A_53, %dma_start3A_110] : memref<10240x128xf32, #tpu.memory_space<vmem_shared>> -> memref<16x128xf32, #tpu.memory_space<vmem_shared>>
      tpu.enqueue_dma source(%arg13 : memref<16x128xf32, #tpu.memory_space<vmem>>) target(%dma_start3A_111 : memref<16x128xf32, #tpu.memory_space<vmem_shared>>) target_semaphore(%run_scoped3A : memref<!tpu.dma_semaphore, #tpu.memory_space<semaphore_mem>>)
      %dma_wait3A_112 = arith.constant 0 : i32
      %dma_wait3A_113 = tpu.memref_slice %arg14[%add3A_53, %dma_wait3A_112] : memref<10240x128xf32, #tpu.memory_space<vmem_shared>> -> memref<16x128xf32, #tpu.memory_space<vmem_shared>>
      %dma_wait3A_114 = arith.constant 0 : i32
      %dma_wait3A_115 = tpu.memref_slice %arg14[%add3A_53, %dma_wait3A_114] : memref<10240x128xf32, #tpu.memory_space<vmem_shared>> -> memref<16x128xf32, #tpu.memory_space<vmem_shared>>
      tpu.wait_dma2 semaphore(%run_scoped3A : memref<!tpu.dma_semaphore, #tpu.memory_space<semaphore_mem>>) src(%arg13 : memref<16x128xf32, #tpu.memory_space<vmem>>) dst(%dma_wait3A_115 : memref<16x128xf32, #tpu.memory_space<vmem_shared>>)
      tpu.yield
    }) : () -> ()
    %add3A_54 = arith.constant 368 : i32
    %add3A_55 = arith.addi %mul3A_2, %add3A_54 : i32
    "tpu.region"() ({
      %run_scoped3A = tpu.sem_alloc : memref<!tpu.dma_semaphore, #tpu.memory_space<semaphore_mem>>
      %dma_start3A = arith.constant 0 : i32
      %dma_start3A_109 = tpu.memref_slice %arg14[%add3A_55, %dma_start3A] : memref<10240x128xf32, #tpu.memory_space<vmem_shared>> -> memref<16x128xf32, #tpu.memory_space<vmem_shared>>
      %dma_start3A_110 = arith.constant 0 : i32
      %dma_start3A_111 = tpu.memref_slice %arg14[%add3A_55, %dma_start3A_110] : memref<10240x128xf32, #tpu.memory_space<vmem_shared>> -> memref<16x128xf32, #tpu.memory_space<vmem_shared>>
      tpu.enqueue_dma source(%arg13 : memref<16x128xf32, #tpu.memory_space<vmem>>) target(%dma_start3A_111 : memref<16x128xf32, #tpu.memory_space<vmem_shared>>) target_semaphore(%run_scoped3A : memref<!tpu.dma_semaphore, #tpu.memory_space<semaphore_mem>>)
      %dma_wait3A_112 = arith.constant 0 : i32
      %dma_wait3A_113 = tpu.memref_slice %arg14[%add3A_55, %dma_wait3A_112] : memref<10240x128xf32, #tpu.memory_space<vmem_shared>> -> memref<16x128xf32, #tpu.memory_space<vmem_shared>>
      %dma_wait3A_114 = arith.constant 0 : i32
      %dma_wait3A_115 = tpu.memref_slice %arg14[%add3A_55, %dma_wait3A_114] : memref<10240x128xf32, #tpu.memory_space<vmem_shared>> -> memref<16x128xf32, #tpu.memory_space<vmem_shared>>
      tpu.wait_dma2 semaphore(%run_scoped3A : memref<!tpu.dma_semaphore, #tpu.memory_space<semaphore_mem>>) src(%arg13 : memref<16x128xf32, #tpu.memory_space<vmem>>) dst(%dma_wait3A_115 : memref<16x128xf32, #tpu.memory_space<vmem_shared>>)
      tpu.yield
    }) : () -> ()
    %add3A_56 = arith.constant 384 : i32
    %add3A_57 = arith.addi %mul3A_2, %add3A_56 : i32
    "tpu.region"() ({
      %run_scoped3A = tpu.sem_alloc : memref<!tpu.dma_semaphore, #tpu.memory_space<semaphore_mem>>
      %dma_start3A = arith.constant 0 : i32
      %dma_start3A_109 = tpu.memref_slice %arg14[%add3A_57, %dma_start3A] : memref<10240x128xf32, #tpu.memory_space<vmem_shared>> -> memref<16x128xf32, #tpu.memory_space<vmem_shared>>
      %dma_start3A_110 = arith.constant 0 : i32
      %dma_start3A_111 = tpu.memref_slice %arg14[%add3A_57, %dma_start3A_110] : memref<10240x128xf32, #tpu.memory_space<vmem_shared>> -> memref<16x128xf32, #tpu.memory_space<vmem_shared>>
      tpu.enqueue_dma source(%arg13 : memref<16x128xf32, #tpu.memory_space<vmem>>) target(%dma_start3A_111 : memref<16x128xf32, #tpu.memory_space<vmem_shared>>) target_semaphore(%run_scoped3A : memref<!tpu.dma_semaphore, #tpu.memory_space<semaphore_mem>>)
      %dma_wait3A_112 = arith.constant 0 : i32
      %dma_wait3A_113 = tpu.memref_slice %arg14[%add3A_57, %dma_wait3A_112] : memref<10240x128xf32, #tpu.memory_space<vmem_shared>> -> memref<16x128xf32, #tpu.memory_space<vmem_shared>>
      %dma_wait3A_114 = arith.constant 0 : i32
      %dma_wait3A_115 = tpu.memref_slice %arg14[%add3A_57, %dma_wait3A_114] : memref<10240x128xf32, #tpu.memory_space<vmem_shared>> -> memref<16x128xf32, #tpu.memory_space<vmem_shared>>
      tpu.wait_dma2 semaphore(%run_scoped3A : memref<!tpu.dma_semaphore, #tpu.memory_space<semaphore_mem>>) src(%arg13 : memref<16x128xf32, #tpu.memory_space<vmem>>) dst(%dma_wait3A_115 : memref<16x128xf32, #tpu.memory_space<vmem_shared>>)
      tpu.yield
    }) : () -> ()
    %add3A_58 = arith.constant 400 : i32
    %add3A_59 = arith.addi %mul3A_2, %add3A_58 : i32
    "tpu.region"() ({
      %run_scoped3A = tpu.sem_alloc : memref<!tpu.dma_semaphore, #tpu.memory_space<semaphore_mem>>
      %dma_start3A = arith.constant 0 : i32
      %dma_start3A_109 = tpu.memref_slice %arg14[%add3A_59, %dma_start3A] : memref<10240x128xf32, #tpu.memory_space<vmem_shared>> -> memref<16x128xf32, #tpu.memory_space<vmem_shared>>
      %dma_start3A_110 = arith.constant 0 : i32
      %dma_start3A_111 = tpu.memref_slice %arg14[%add3A_59, %dma_start3A_110] : memref<10240x128xf32, #tpu.memory_space<vmem_shared>> -> memref<16x128xf32, #tpu.memory_space<vmem_shared>>
      tpu.enqueue_dma source(%arg13 : memref<16x128xf32, #tpu.memory_space<vmem>>) target(%dma_start3A_111 : memref<16x128xf32, #tpu.memory_space<vmem_shared>>) target_semaphore(%run_scoped3A : memref<!tpu.dma_semaphore, #tpu.memory_space<semaphore_mem>>)
      %dma_wait3A_112 = arith.constant 0 : i32
      %dma_wait3A_113 = tpu.memref_slice %arg14[%add3A_59, %dma_wait3A_112] : memref<10240x128xf32, #tpu.memory_space<vmem_shared>> -> memref<16x128xf32, #tpu.memory_space<vmem_shared>>
      %dma_wait3A_114 = arith.constant 0 : i32
      %dma_wait3A_115 = tpu.memref_slice %arg14[%add3A_59, %dma_wait3A_114] : memref<10240x128xf32, #tpu.memory_space<vmem_shared>> -> memref<16x128xf32, #tpu.memory_space<vmem_shared>>
      tpu.wait_dma2 semaphore(%run_scoped3A : memref<!tpu.dma_semaphore, #tpu.memory_space<semaphore_mem>>) src(%arg13 : memref<16x128xf32, #tpu.memory_space<vmem>>) dst(%dma_wait3A_115 : memref<16x128xf32, #tpu.memory_space<vmem_shared>>)
      tpu.yield
    }) : () -> ()
    %add3A_60 = arith.constant 416 : i32
    %add3A_61 = arith.addi %mul3A_2, %add3A_60 : i32
    "tpu.region"() ({
      %run_scoped3A = tpu.sem_alloc : memref<!tpu.dma_semaphore, #tpu.memory_space<semaphore_mem>>
      %dma_start3A = arith.constant 0 : i32
      %dma_start3A_109 = tpu.memref_slice %arg14[%add3A_61, %dma_start3A] : memref<10240x128xf32, #tpu.memory_space<vmem_shared>> -> memref<16x128xf32, #tpu.memory_space<vmem_shared>>
      %dma_start3A_110 = arith.constant 0 : i32
      %dma_start3A_111 = tpu.memref_slice %arg14[%add3A_61, %dma_start3A_110] : memref<10240x128xf32, #tpu.memory_space<vmem_shared>> -> memref<16x128xf32, #tpu.memory_space<vmem_shared>>
      tpu.enqueue_dma source(%arg13 : memref<16x128xf32, #tpu.memory_space<vmem>>) target(%dma_start3A_111 : memref<16x128xf32, #tpu.memory_space<vmem_shared>>) target_semaphore(%run_scoped3A : memref<!tpu.dma_semaphore, #tpu.memory_space<semaphore_mem>>)
      %dma_wait3A_112 = arith.constant 0 : i32
      %dma_wait3A_113 = tpu.memref_slice %arg14[%add3A_61, %dma_wait3A_112] : memref<10240x128xf32, #tpu.memory_space<vmem_shared>> -> memref<16x128xf32, #tpu.memory_space<vmem_shared>>
      %dma_wait3A_114 = arith.constant 0 : i32
      %dma_wait3A_115 = tpu.memref_slice %arg14[%add3A_61, %dma_wait3A_114] : memref<10240x128xf32, #tpu.memory_space<vmem_shared>> -> memref<16x128xf32, #tpu.memory_space<vmem_shared>>
      tpu.wait_dma2 semaphore(%run_scoped3A : memref<!tpu.dma_semaphore, #tpu.memory_space<semaphore_mem>>) src(%arg13 : memref<16x128xf32, #tpu.memory_space<vmem>>) dst(%dma_wait3A_115 : memref<16x128xf32, #tpu.memory_space<vmem_shared>>)
      tpu.yield
    }) : () -> ()
    %add3A_62 = arith.constant 432 : i32
    %add3A_63 = arith.addi %mul3A_2, %add3A_62 : i32
    "tpu.region"() ({
      %run_scoped3A = tpu.sem_alloc : memref<!tpu.dma_semaphore, #tpu.memory_space<semaphore_mem>>
      %dma_start3A = arith.constant 0 : i32
      %dma_start3A_109 = tpu.memref_slice %arg14[%add3A_63, %dma_start3A] : memref<10240x128xf32, #tpu.memory_space<vmem_shared>> -> memref<16x128xf32, #tpu.memory_space<vmem_shared>>
      %dma_start3A_110 = arith.constant 0 : i32
      %dma_start3A_111 = tpu.memref_slice %arg14[%add3A_63, %dma_start3A_110] : memref<10240x128xf32, #tpu.memory_space<vmem_shared>> -> memref<16x128xf32, #tpu.memory_space<vmem_shared>>
      tpu.enqueue_dma source(%arg13 : memref<16x128xf32, #tpu.memory_space<vmem>>) target(%dma_start3A_111 : memref<16x128xf32, #tpu.memory_space<vmem_shared>>) target_semaphore(%run_scoped3A : memref<!tpu.dma_semaphore, #tpu.memory_space<semaphore_mem>>)
      %dma_wait3A_112 = arith.constant 0 : i32
      %dma_wait3A_113 = tpu.memref_slice %arg14[%add3A_63, %dma_wait3A_112] : memref<10240x128xf32, #tpu.memory_space<vmem_shared>> -> memref<16x128xf32, #tpu.memory_space<vmem_shared>>
      %dma_wait3A_114 = arith.constant 0 : i32
      %dma_wait3A_115 = tpu.memref_slice %arg14[%add3A_63, %dma_wait3A_114] : memref<10240x128xf32, #tpu.memory_space<vmem_shared>> -> memref<16x128xf32, #tpu.memory_space<vmem_shared>>
      tpu.wait_dma2 semaphore(%run_scoped3A : memref<!tpu.dma_semaphore, #tpu.memory_space<semaphore_mem>>) src(%arg13 : memref<16x128xf32, #tpu.memory_space<vmem>>) dst(%dma_wait3A_115 : memref<16x128xf32, #tpu.memory_space<vmem_shared>>)
      tpu.yield
    }) : () -> ()
    %add3A_64 = arith.constant 448 : i32
    %add3A_65 = arith.addi %mul3A_2, %add3A_64 : i32
    "tpu.region"() ({
      %run_scoped3A = tpu.sem_alloc : memref<!tpu.dma_semaphore, #tpu.memory_space<semaphore_mem>>
      %dma_start3A = arith.constant 0 : i32
      %dma_start3A_109 = tpu.memref_slice %arg14[%add3A_65, %dma_start3A] : memref<10240x128xf32, #tpu.memory_space<vmem_shared>> -> memref<16x128xf32, #tpu.memory_space<vmem_shared>>
      %dma_start3A_110 = arith.constant 0 : i32
      %dma_start3A_111 = tpu.memref_slice %arg14[%add3A_65, %dma_start3A_110] : memref<10240x128xf32, #tpu.memory_space<vmem_shared>> -> memref<16x128xf32, #tpu.memory_space<vmem_shared>>
      tpu.enqueue_dma source(%arg13 : memref<16x128xf32, #tpu.memory_space<vmem>>) target(%dma_start3A_111 : memref<16x128xf32, #tpu.memory_space<vmem_shared>>) target_semaphore(%run_scoped3A : memref<!tpu.dma_semaphore, #tpu.memory_space<semaphore_mem>>)
      %dma_wait3A_112 = arith.constant 0 : i32
      %dma_wait3A_113 = tpu.memref_slice %arg14[%add3A_65, %dma_wait3A_112] : memref<10240x128xf32, #tpu.memory_space<vmem_shared>> -> memref<16x128xf32, #tpu.memory_space<vmem_shared>>
      %dma_wait3A_114 = arith.constant 0 : i32
      %dma_wait3A_115 = tpu.memref_slice %arg14[%add3A_65, %dma_wait3A_114] : memref<10240x128xf32, #tpu.memory_space<vmem_shared>> -> memref<16x128xf32, #tpu.memory_space<vmem_shared>>
      tpu.wait_dma2 semaphore(%run_scoped3A : memref<!tpu.dma_semaphore, #tpu.memory_space<semaphore_mem>>) src(%arg13 : memref<16x128xf32, #tpu.memory_space<vmem>>) dst(%dma_wait3A_115 : memref<16x128xf32, #tpu.memory_space<vmem_shared>>)
      tpu.yield
    }) : () -> ()
    %add3A_66 = arith.constant 464 : i32
    %add3A_67 = arith.addi %mul3A_2, %add3A_66 : i32
    "tpu.region"() ({
      %run_scoped3A = tpu.sem_alloc : memref<!tpu.dma_semaphore, #tpu.memory_space<semaphore_mem>>
      %dma_start3A = arith.constant 0 : i32
      %dma_start3A_109 = tpu.memref_slice %arg14[%add3A_67, %dma_start3A] : memref<10240x128xf32, #tpu.memory_space<vmem_shared>> -> memref<16x128xf32, #tpu.memory_space<vmem_shared>>
      %dma_start3A_110 = arith.constant 0 : i32
      %dma_start3A_111 = tpu.memref_slice %arg14[%add3A_67, %dma_start3A_110] : memref<10240x128xf32, #tpu.memory_space<vmem_shared>> -> memref<16x128xf32, #tpu.memory_space<vmem_shared>>
      tpu.enqueue_dma source(%arg13 : memref<16x128xf32, #tpu.memory_space<vmem>>) target(%dma_start3A_111 : memref<16x128xf32, #tpu.memory_space<vmem_shared>>) target_semaphore(%run_scoped3A : memref<!tpu.dma_semaphore, #tpu.memory_space<semaphore_mem>>)
      %dma_wait3A_112 = arith.constant 0 : i32
      %dma_wait3A_113 = tpu.memref_slice %arg14[%add3A_67, %dma_wait3A_112] : memref<10240x128xf32, #tpu.memory_space<vmem_shared>> -> memref<16x128xf32, #tpu.memory_space<vmem_shared>>
      %dma_wait3A_114 = arith.constant 0 : i32
      %dma_wait3A_115 = tpu.memref_slice %arg14[%add3A_67, %dma_wait3A_114] : memref<10240x128xf32, #tpu.memory_space<vmem_shared>> -> memref<16x128xf32, #tpu.memory_space<vmem_shared>>
      tpu.wait_dma2 semaphore(%run_scoped3A : memref<!tpu.dma_semaphore, #tpu.memory_space<semaphore_mem>>) src(%arg13 : memref<16x128xf32, #tpu.memory_space<vmem>>) dst(%dma_wait3A_115 : memref<16x128xf32, #tpu.memory_space<vmem_shared>>)
      tpu.yield
    }) : () -> ()
    %add3A_68 = arith.constant 480 : i32
    %add3A_69 = arith.addi %mul3A_2, %add3A_68 : i32
    "tpu.region"() ({
      %run_scoped3A = tpu.sem_alloc : memref<!tpu.dma_semaphore, #tpu.memory_space<semaphore_mem>>
      %dma_start3A = arith.constant 0 : i32
      %dma_start3A_109 = tpu.memref_slice %arg14[%add3A_69, %dma_start3A] : memref<10240x128xf32, #tpu.memory_space<vmem_shared>> -> memref<16x128xf32, #tpu.memory_space<vmem_shared>>
      %dma_start3A_110 = arith.constant 0 : i32
      %dma_start3A_111 = tpu.memref_slice %arg14[%add3A_69, %dma_start3A_110] : memref<10240x128xf32, #tpu.memory_space<vmem_shared>> -> memref<16x128xf32, #tpu.memory_space<vmem_shared>>
      tpu.enqueue_dma source(%arg13 : memref<16x128xf32, #tpu.memory_space<vmem>>) target(%dma_start3A_111 : memref<16x128xf32, #tpu.memory_space<vmem_shared>>) target_semaphore(%run_scoped3A : memref<!tpu.dma_semaphore, #tpu.memory_space<semaphore_mem>>)
      %dma_wait3A_112 = arith.constant 0 : i32
      %dma_wait3A_113 = tpu.memref_slice %arg14[%add3A_69, %dma_wait3A_112] : memref<10240x128xf32, #tpu.memory_space<vmem_shared>> -> memref<16x128xf32, #tpu.memory_space<vmem_shared>>
      %dma_wait3A_114 = arith.constant 0 : i32
      %dma_wait3A_115 = tpu.memref_slice %arg14[%add3A_69, %dma_wait3A_114] : memref<10240x128xf32, #tpu.memory_space<vmem_shared>> -> memref<16x128xf32, #tpu.memory_space<vmem_shared>>
      tpu.wait_dma2 semaphore(%run_scoped3A : memref<!tpu.dma_semaphore, #tpu.memory_space<semaphore_mem>>) src(%arg13 : memref<16x128xf32, #tpu.memory_space<vmem>>) dst(%dma_wait3A_115 : memref<16x128xf32, #tpu.memory_space<vmem_shared>>)
      tpu.yield
    }) : () -> ()
    %add3A_70 = arith.constant 496 : i32
    %add3A_71 = arith.addi %mul3A_2, %add3A_70 : i32
    "tpu.region"() ({
      %run_scoped3A = tpu.sem_alloc : memref<!tpu.dma_semaphore, #tpu.memory_space<semaphore_mem>>
      %dma_start3A = arith.constant 0 : i32
      %dma_start3A_109 = tpu.memref_slice %arg14[%add3A_71, %dma_start3A] : memref<10240x128xf32, #tpu.memory_space<vmem_shared>> -> memref<16x128xf32, #tpu.memory_space<vmem_shared>>
      %dma_start3A_110 = arith.constant 0 : i32
      %dma_start3A_111 = tpu.memref_slice %arg14[%add3A_71, %dma_start3A_110] : memref<10240x128xf32, #tpu.memory_space<vmem_shared>> -> memref<16x128xf32, #tpu.memory_space<vmem_shared>>
      tpu.enqueue_dma source(%arg13 : memref<16x128xf32, #tpu.memory_space<vmem>>) target(%dma_start3A_111 : memref<16x128xf32, #tpu.memory_space<vmem_shared>>) target_semaphore(%run_scoped3A : memref<!tpu.dma_semaphore, #tpu.memory_space<semaphore_mem>>)
      %dma_wait3A_112 = arith.constant 0 : i32
      %dma_wait3A_113 = tpu.memref_slice %arg14[%add3A_71, %dma_wait3A_112] : memref<10240x128xf32, #tpu.memory_space<vmem_shared>> -> memref<16x128xf32, #tpu.memory_space<vmem_shared>>
      %dma_wait3A_114 = arith.constant 0 : i32
      %dma_wait3A_115 = tpu.memref_slice %arg14[%add3A_71, %dma_wait3A_114] : memref<10240x128xf32, #tpu.memory_space<vmem_shared>> -> memref<16x128xf32, #tpu.memory_space<vmem_shared>>
      tpu.wait_dma2 semaphore(%run_scoped3A : memref<!tpu.dma_semaphore, #tpu.memory_space<semaphore_mem>>) src(%arg13 : memref<16x128xf32, #tpu.memory_space<vmem>>) dst(%dma_wait3A_115 : memref<16x128xf32, #tpu.memory_space<vmem_shared>>)
      tpu.yield
    }) : () -> ()
    %add3A_72 = arith.constant 512 : i32
    %add3A_73 = arith.addi %mul3A_2, %add3A_72 : i32
    "tpu.region"() ({
      %run_scoped3A = tpu.sem_alloc : memref<!tpu.dma_semaphore, #tpu.memory_space<semaphore_mem>>
      %dma_start3A = arith.constant 0 : i32
      %dma_start3A_109 = tpu.memref_slice %arg14[%add3A_73, %dma_start3A] : memref<10240x128xf32, #tpu.memory_space<vmem_shared>> -> memref<16x128xf32, #tpu.memory_space<vmem_shared>>
      %dma_start3A_110 = arith.constant 0 : i32
      %dma_start3A_111 = tpu.memref_slice %arg14[%add3A_73, %dma_start3A_110] : memref<10240x128xf32, #tpu.memory_space<vmem_shared>> -> memref<16x128xf32, #tpu.memory_space<vmem_shared>>
      tpu.enqueue_dma source(%arg13 : memref<16x128xf32, #tpu.memory_space<vmem>>) target(%dma_start3A_111 : memref<16x128xf32, #tpu.memory_space<vmem_shared>>) target_semaphore(%run_scoped3A : memref<!tpu.dma_semaphore, #tpu.memory_space<semaphore_mem>>)
      %dma_wait3A_112 = arith.constant 0 : i32
      %dma_wait3A_113 = tpu.memref_slice %arg14[%add3A_73, %dma_wait3A_112] : memref<10240x128xf32, #tpu.memory_space<vmem_shared>> -> memref<16x128xf32, #tpu.memory_space<vmem_shared>>
      %dma_wait3A_114 = arith.constant 0 : i32
      %dma_wait3A_115 = tpu.memref_slice %arg14[%add3A_73, %dma_wait3A_114] : memref<10240x128xf32, #tpu.memory_space<vmem_shared>> -> memref<16x128xf32, #tpu.memory_space<vmem_shared>>
      tpu.wait_dma2 semaphore(%run_scoped3A : memref<!tpu.dma_semaphore, #tpu.memory_space<semaphore_mem>>) src(%arg13 : memref<16x128xf32, #tpu.memory_space<vmem>>) dst(%dma_wait3A_115 : memref<16x128xf32, #tpu.memory_space<vmem_shared>>)
      tpu.yield
    }) : () -> ()
    %add3A_74 = arith.constant 528 : i32
    %add3A_75 = arith.addi %mul3A_2, %add3A_74 : i32
    "tpu.region"() ({
      %run_scoped3A = tpu.sem_alloc : memref<!tpu.dma_semaphore, #tpu.memory_space<semaphore_mem>>
      %dma_start3A = arith.constant 0 : i32
      %dma_start3A_109 = tpu.memref_slice %arg14[%add3A_75, %dma_start3A] : memref<10240x128xf32, #tpu.memory_space<vmem_shared>> -> memref<16x128xf32, #tpu.memory_space<vmem_shared>>
      %dma_start3A_110 = arith.constant 0 : i32
      %dma_start3A_111 = tpu.memref_slice %arg14[%add3A_75, %dma_start3A_110] : memref<10240x128xf32, #tpu.memory_space<vmem_shared>> -> memref<16x128xf32, #tpu.memory_space<vmem_shared>>
      tpu.enqueue_dma source(%arg13 : memref<16x128xf32, #tpu.memory_space<vmem>>) target(%dma_start3A_111 : memref<16x128xf32, #tpu.memory_space<vmem_shared>>) target_semaphore(%run_scoped3A : memref<!tpu.dma_semaphore, #tpu.memory_space<semaphore_mem>>)
      %dma_wait3A_112 = arith.constant 0 : i32
      %dma_wait3A_113 = tpu.memref_slice %arg14[%add3A_75, %dma_wait3A_112] : memref<10240x128xf32, #tpu.memory_space<vmem_shared>> -> memref<16x128xf32, #tpu.memory_space<vmem_shared>>
      %dma_wait3A_114 = arith.constant 0 : i32
      %dma_wait3A_115 = tpu.memref_slice %arg14[%add3A_75, %dma_wait3A_114] : memref<10240x128xf32, #tpu.memory_space<vmem_shared>> -> memref<16x128xf32, #tpu.memory_space<vmem_shared>>
      tpu.wait_dma2 semaphore(%run_scoped3A : memref<!tpu.dma_semaphore, #tpu.memory_space<semaphore_mem>>) src(%arg13 : memref<16x128xf32, #tpu.memory_space<vmem>>) dst(%dma_wait3A_115 : memref<16x128xf32, #tpu.memory_space<vmem_shared>>)
      tpu.yield
    }) : () -> ()
    %add3A_76 = arith.constant 544 : i32
    %add3A_77 = arith.addi %mul3A_2, %add3A_76 : i32
    "tpu.region"() ({
      %run_scoped3A = tpu.sem_alloc : memref<!tpu.dma_semaphore, #tpu.memory_space<semaphore_mem>>
      %dma_start3A = arith.constant 0 : i32
      %dma_start3A_109 = tpu.memref_slice %arg14[%add3A_77, %dma_start3A] : memref<10240x128xf32, #tpu.memory_space<vmem_shared>> -> memref<16x128xf32, #tpu.memory_space<vmem_shared>>
      %dma_start3A_110 = arith.constant 0 : i32
      %dma_start3A_111 = tpu.memref_slice %arg14[%add3A_77, %dma_start3A_110] : memref<10240x128xf32, #tpu.memory_space<vmem_shared>> -> memref<16x128xf32, #tpu.memory_space<vmem_shared>>
      tpu.enqueue_dma source(%arg13 : memref<16x128xf32, #tpu.memory_space<vmem>>) target(%dma_start3A_111 : memref<16x128xf32, #tpu.memory_space<vmem_shared>>) target_semaphore(%run_scoped3A : memref<!tpu.dma_semaphore, #tpu.memory_space<semaphore_mem>>)
      %dma_wait3A_112 = arith.constant 0 : i32
      %dma_wait3A_113 = tpu.memref_slice %arg14[%add3A_77, %dma_wait3A_112] : memref<10240x128xf32, #tpu.memory_space<vmem_shared>> -> memref<16x128xf32, #tpu.memory_space<vmem_shared>>
      %dma_wait3A_114 = arith.constant 0 : i32
      %dma_wait3A_115 = tpu.memref_slice %arg14[%add3A_77, %dma_wait3A_114] : memref<10240x128xf32, #tpu.memory_space<vmem_shared>> -> memref<16x128xf32, #tpu.memory_space<vmem_shared>>
      tpu.wait_dma2 semaphore(%run_scoped3A : memref<!tpu.dma_semaphore, #tpu.memory_space<semaphore_mem>>) src(%arg13 : memref<16x128xf32, #tpu.memory_space<vmem>>) dst(%dma_wait3A_115 : memref<16x128xf32, #tpu.memory_space<vmem_shared>>)
      tpu.yield
    }) : () -> ()
    %add3A_78 = arith.constant 560 : i32
    %add3A_79 = arith.addi %mul3A_2, %add3A_78 : i32
    "tpu.region"() ({
      %run_scoped3A = tpu.sem_alloc : memref<!tpu.dma_semaphore, #tpu.memory_space<semaphore_mem>>
      %dma_start3A = arith.constant 0 : i32
      %dma_start3A_109 = tpu.memref_slice %arg14[%add3A_79, %dma_start3A] : memref<10240x128xf32, #tpu.memory_space<vmem_shared>> -> memref<16x128xf32, #tpu.memory_space<vmem_shared>>
      %dma_start3A_110 = arith.constant 0 : i32
      %dma_start3A_111 = tpu.memref_slice %arg14[%add3A_79, %dma_start3A_110] : memref<10240x128xf32, #tpu.memory_space<vmem_shared>> -> memref<16x128xf32, #tpu.memory_space<vmem_shared>>
      tpu.enqueue_dma source(%arg13 : memref<16x128xf32, #tpu.memory_space<vmem>>) target(%dma_start3A_111 : memref<16x128xf32, #tpu.memory_space<vmem_shared>>) target_semaphore(%run_scoped3A : memref<!tpu.dma_semaphore, #tpu.memory_space<semaphore_mem>>)
      %dma_wait3A_112 = arith.constant 0 : i32
      %dma_wait3A_113 = tpu.memref_slice %arg14[%add3A_79, %dma_wait3A_112] : memref<10240x128xf32, #tpu.memory_space<vmem_shared>> -> memref<16x128xf32, #tpu.memory_space<vmem_shared>>
      %dma_wait3A_114 = arith.constant 0 : i32
      %dma_wait3A_115 = tpu.memref_slice %arg14[%add3A_79, %dma_wait3A_114] : memref<10240x128xf32, #tpu.memory_space<vmem_shared>> -> memref<16x128xf32, #tpu.memory_space<vmem_shared>>
      tpu.wait_dma2 semaphore(%run_scoped3A : memref<!tpu.dma_semaphore, #tpu.memory_space<semaphore_mem>>) src(%arg13 : memref<16x128xf32, #tpu.memory_space<vmem>>) dst(%dma_wait3A_115 : memref<16x128xf32, #tpu.memory_space<vmem_shared>>)
      tpu.yield
    }) : () -> ()
    %add3A_80 = arith.constant 576 : i32
    %add3A_81 = arith.addi %mul3A_2, %add3A_80 : i32
    "tpu.region"() ({
      %run_scoped3A = tpu.sem_alloc : memref<!tpu.dma_semaphore, #tpu.memory_space<semaphore_mem>>
      %dma_start3A = arith.constant 0 : i32
      %dma_start3A_109 = tpu.memref_slice %arg14[%add3A_81, %dma_start3A] : memref<10240x128xf32, #tpu.memory_space<vmem_shared>> -> memref<16x128xf32, #tpu.memory_space<vmem_shared>>
      %dma_start3A_110 = arith.constant 0 : i32
      %dma_start3A_111 = tpu.memref_slice %arg14[%add3A_81, %dma_start3A_110] : memref<10240x128xf32, #tpu.memory_space<vmem_shared>> -> memref<16x128xf32, #tpu.memory_space<vmem_shared>>
      tpu.enqueue_dma source(%arg13 : memref<16x128xf32, #tpu.memory_space<vmem>>) target(%dma_start3A_111 : memref<16x128xf32, #tpu.memory_space<vmem_shared>>) target_semaphore(%run_scoped3A : memref<!tpu.dma_semaphore, #tpu.memory_space<semaphore_mem>>)
      %dma_wait3A_112 = arith.constant 0 : i32
      %dma_wait3A_113 = tpu.memref_slice %arg14[%add3A_81, %dma_wait3A_112] : memref<10240x128xf32, #tpu.memory_space<vmem_shared>> -> memref<16x128xf32, #tpu.memory_space<vmem_shared>>
      %dma_wait3A_114 = arith.constant 0 : i32
      %dma_wait3A_115 = tpu.memref_slice %arg14[%add3A_81, %dma_wait3A_114] : memref<10240x128xf32, #tpu.memory_space<vmem_shared>> -> memref<16x128xf32, #tpu.memory_space<vmem_shared>>
      tpu.wait_dma2 semaphore(%run_scoped3A : memref<!tpu.dma_semaphore, #tpu.memory_space<semaphore_mem>>) src(%arg13 : memref<16x128xf32, #tpu.memory_space<vmem>>) dst(%dma_wait3A_115 : memref<16x128xf32, #tpu.memory_space<vmem_shared>>)
      tpu.yield
    }) : () -> ()
    %add3A_82 = arith.constant 592 : i32
    %add3A_83 = arith.addi %mul3A_2, %add3A_82 : i32
    "tpu.region"() ({
      %run_scoped3A = tpu.sem_alloc : memref<!tpu.dma_semaphore, #tpu.memory_space<semaphore_mem>>
      %dma_start3A = arith.constant 0 : i32
      %dma_start3A_109 = tpu.memref_slice %arg14[%add3A_83, %dma_start3A] : memref<10240x128xf32, #tpu.memory_space<vmem_shared>> -> memref<16x128xf32, #tpu.memory_space<vmem_shared>>
      %dma_start3A_110 = arith.constant 0 : i32
      %dma_start3A_111 = tpu.memref_slice %arg14[%add3A_83, %dma_start3A_110] : memref<10240x128xf32, #tpu.memory_space<vmem_shared>> -> memref<16x128xf32, #tpu.memory_space<vmem_shared>>
      tpu.enqueue_dma source(%arg13 : memref<16x128xf32, #tpu.memory_space<vmem>>) target(%dma_start3A_111 : memref<16x128xf32, #tpu.memory_space<vmem_shared>>) target_semaphore(%run_scoped3A : memref<!tpu.dma_semaphore, #tpu.memory_space<semaphore_mem>>)
      %dma_wait3A_112 = arith.constant 0 : i32
      %dma_wait3A_113 = tpu.memref_slice %arg14[%add3A_83, %dma_wait3A_112] : memref<10240x128xf32, #tpu.memory_space<vmem_shared>> -> memref<16x128xf32, #tpu.memory_space<vmem_shared>>
      %dma_wait3A_114 = arith.constant 0 : i32
      %dma_wait3A_115 = tpu.memref_slice %arg14[%add3A_83, %dma_wait3A_114] : memref<10240x128xf32, #tpu.memory_space<vmem_shared>> -> memref<16x128xf32, #tpu.memory_space<vmem_shared>>
      tpu.wait_dma2 semaphore(%run_scoped3A : memref<!tpu.dma_semaphore, #tpu.memory_space<semaphore_mem>>) src(%arg13 : memref<16x128xf32, #tpu.memory_space<vmem>>) dst(%dma_wait3A_115 : memref<16x128xf32, #tpu.memory_space<vmem_shared>>)
      tpu.yield
    }) : () -> ()
    %add3A_84 = arith.constant 608 : i32
    %add3A_85 = arith.addi %mul3A_2, %add3A_84 : i32
    "tpu.region"() ({
      %run_scoped3A = tpu.sem_alloc : memref<!tpu.dma_semaphore, #tpu.memory_space<semaphore_mem>>
      %dma_start3A = arith.constant 0 : i32
      %dma_start3A_109 = tpu.memref_slice %arg14[%add3A_85, %dma_start3A] : memref<10240x128xf32, #tpu.memory_space<vmem_shared>> -> memref<16x128xf32, #tpu.memory_space<vmem_shared>>
      %dma_start3A_110 = arith.constant 0 : i32
      %dma_start3A_111 = tpu.memref_slice %arg14[%add3A_85, %dma_start3A_110] : memref<10240x128xf32, #tpu.memory_space<vmem_shared>> -> memref<16x128xf32, #tpu.memory_space<vmem_shared>>
      tpu.enqueue_dma source(%arg13 : memref<16x128xf32, #tpu.memory_space<vmem>>) target(%dma_start3A_111 : memref<16x128xf32, #tpu.memory_space<vmem_shared>>) target_semaphore(%run_scoped3A : memref<!tpu.dma_semaphore, #tpu.memory_space<semaphore_mem>>)
      %dma_wait3A_112 = arith.constant 0 : i32
      %dma_wait3A_113 = tpu.memref_slice %arg14[%add3A_85, %dma_wait3A_112] : memref<10240x128xf32, #tpu.memory_space<vmem_shared>> -> memref<16x128xf32, #tpu.memory_space<vmem_shared>>
      %dma_wait3A_114 = arith.constant 0 : i32
      %dma_wait3A_115 = tpu.memref_slice %arg14[%add3A_85, %dma_wait3A_114] : memref<10240x128xf32, #tpu.memory_space<vmem_shared>> -> memref<16x128xf32, #tpu.memory_space<vmem_shared>>
      tpu.wait_dma2 semaphore(%run_scoped3A : memref<!tpu.dma_semaphore, #tpu.memory_space<semaphore_mem>>) src(%arg13 : memref<16x128xf32, #tpu.memory_space<vmem>>) dst(%dma_wait3A_115 : memref<16x128xf32, #tpu.memory_space<vmem_shared>>)
      tpu.yield
    }) : () -> ()
    %add3A_86 = arith.constant 624 : i32
    %add3A_87 = arith.addi %mul3A_2, %add3A_86 : i32
    "tpu.region"() ({
      %run_scoped3A = tpu.sem_alloc : memref<!tpu.dma_semaphore, #tpu.memory_space<semaphore_mem>>
      %dma_start3A = arith.constant 0 : i32
      %dma_start3A_109 = tpu.memref_slice %arg14[%add3A_87, %dma_start3A] : memref<10240x128xf32, #tpu.memory_space<vmem_shared>> -> memref<16x128xf32, #tpu.memory_space<vmem_shared>>
      %dma_start3A_110 = arith.constant 0 : i32
      %dma_start3A_111 = tpu.memref_slice %arg14[%add3A_87, %dma_start3A_110] : memref<10240x128xf32, #tpu.memory_space<vmem_shared>> -> memref<16x128xf32, #tpu.memory_space<vmem_shared>>
      tpu.enqueue_dma source(%arg13 : memref<16x128xf32, #tpu.memory_space<vmem>>) target(%dma_start3A_111 : memref<16x128xf32, #tpu.memory_space<vmem_shared>>) target_semaphore(%run_scoped3A : memref<!tpu.dma_semaphore, #tpu.memory_space<semaphore_mem>>)
      %dma_wait3A_112 = arith.constant 0 : i32
      %dma_wait3A_113 = tpu.memref_slice %arg14[%add3A_87, %dma_wait3A_112] : memref<10240x128xf32, #tpu.memory_space<vmem_shared>> -> memref<16x128xf32, #tpu.memory_space<vmem_shared>>
      %dma_wait3A_114 = arith.constant 0 : i32
      %dma_wait3A_115 = tpu.memref_slice %arg14[%add3A_87, %dma_wait3A_114] : memref<10240x128xf32, #tpu.memory_space<vmem_shared>> -> memref<16x128xf32, #tpu.memory_space<vmem_shared>>
      tpu.wait_dma2 semaphore(%run_scoped3A : memref<!tpu.dma_semaphore, #tpu.memory_space<semaphore_mem>>) src(%arg13 : memref<16x128xf32, #tpu.memory_space<vmem>>) dst(%dma_wait3A_115 : memref<16x128xf32, #tpu.memory_space<vmem_shared>>)
      tpu.yield
    }) : () -> ()
    %barrier3A = arith.constant 0 : index
    tpu.barrier barrier_id(%barrier3A)
    %scan3A_88 = arith.constant 0 : i32
    %scan3A_89 = arith.constant 0 : i32
    %scan3A_90 = arith.constant 5 : i32
    %scan3A_91 = arith.addi %scan3A_89, %scan3A_90 : i32
    %scan3A_92 = arith.constant 1 : i32
    scf.for %scan3A_109 = %scan3A_89 to %scan3A_91 step %scan3A_92  : i32 {
      %mul3A_110 = arith.constant 32 : i32
      %mul3A_111 = arith.muli %scan3A_109, %mul3A_110 : i32
      %add3A_112 = arith.addi %mul3A_0, %mul3A_111 : i32
      "tpu.region"() ({
        %run_scoped3A = tpu.sem_alloc : memref<!tpu.dma_semaphore, #tpu.memory_space<semaphore_mem>>
        %dma_start3A = arith.constant 0 : i32
        %dma_start3A_134 = tpu.memref_slice %arg2[%add3A_112, %dma_start3A] : memref<2560x128xi32, #tpu.memory_space<hbm>> -> memref<32x128xi32, #tpu.memory_space<hbm>>
        %dma_start3A_135 = arith.constant 0 : i32
        %dma_start3A_136 = tpu.memref_slice %arg2[%add3A_112, %dma_start3A_135] : memref<2560x128xi32, #tpu.memory_space<hbm>> -> memref<32x128xi32, #tpu.memory_space<hbm>>
        tpu.enqueue_dma source(%dma_start3A_136 : memref<32x128xi32, #tpu.memory_space<hbm>>) target(%arg8 : memref<32x128xi32, #tpu.memory_space<vmem>>) target_semaphore(%run_scoped3A : memref<!tpu.dma_semaphore, #tpu.memory_space<semaphore_mem>>)
        %dma_wait3A_137 = arith.constant 0 : i32
        %dma_wait3A_138 = tpu.memref_slice %arg2[%add3A_112, %dma_wait3A_137] : memref<2560x128xi32, #tpu.memory_space<hbm>> -> memref<32x128xi32, #tpu.memory_space<hbm>>
        %dma_wait3A_139 = arith.constant 0 : i32
        %dma_wait3A_140 = tpu.memref_slice %arg2[%add3A_112, %dma_wait3A_139] : memref<2560x128xi32, #tpu.memory_space<hbm>> -> memref<32x128xi32, #tpu.memory_space<hbm>>
        tpu.wait_dma2 semaphore(%run_scoped3A : memref<!tpu.dma_semaphore, #tpu.memory_space<semaphore_mem>>) src(%dma_wait3A_140 : memref<32x128xi32, #tpu.memory_space<hbm>>) dst(%arg8 : memref<32x128xi32, #tpu.memory_space<vmem>>)
        tpu.yield
      }) : () -> ()
      %mul3A_113 = arith.constant 32 : i32
      %mul3A_114 = arith.muli %scan3A_109, %mul3A_113 : i32
      %add3A_115 = arith.addi %mul3A_0, %mul3A_114 : i32
      "tpu.region"() ({
        %run_scoped3A = tpu.sem_alloc : memref<!tpu.dma_semaphore, #tpu.memory_space<semaphore_mem>>
        %dma_start3A = arith.constant 0 : i32
        %dma_start3A_134 = tpu.memref_slice %arg3[%add3A_115, %dma_start3A] : memref<2560x128xi32, #tpu.memory_space<hbm>> -> memref<32x128xi32, #tpu.memory_space<hbm>>
        %dma_start3A_135 = arith.constant 0 : i32
        %dma_start3A_136 = tpu.memref_slice %arg3[%add3A_115, %dma_start3A_135] : memref<2560x128xi32, #tpu.memory_space<hbm>> -> memref<32x128xi32, #tpu.memory_space<hbm>>
        tpu.enqueue_dma source(%dma_start3A_136 : memref<32x128xi32, #tpu.memory_space<hbm>>) target(%arg9 : memref<32x128xi32, #tpu.memory_space<vmem>>) target_semaphore(%run_scoped3A : memref<!tpu.dma_semaphore, #tpu.memory_space<semaphore_mem>>)
        %dma_wait3A_137 = arith.constant 0 : i32
        %dma_wait3A_138 = tpu.memref_slice %arg3[%add3A_115, %dma_wait3A_137] : memref<2560x128xi32, #tpu.memory_space<hbm>> -> memref<32x128xi32, #tpu.memory_space<hbm>>
        %dma_wait3A_139 = arith.constant 0 : i32
        %dma_wait3A_140 = tpu.memref_slice %arg3[%add3A_115, %dma_wait3A_139] : memref<2560x128xi32, #tpu.memory_space<hbm>> -> memref<32x128xi32, #tpu.memory_space<hbm>>
        tpu.wait_dma2 semaphore(%run_scoped3A : memref<!tpu.dma_semaphore, #tpu.memory_space<semaphore_mem>>) src(%dma_wait3A_140 : memref<32x128xi32, #tpu.memory_space<hbm>>) dst(%arg9 : memref<32x128xi32, #tpu.memory_space<vmem>>)
        tpu.yield
      }) : () -> ()
      %mul3A_116 = arith.constant 32 : i32
      %mul3A_117 = arith.muli %scan3A_109, %mul3A_116 : i32
      %add3A_118 = arith.addi %mul3A_0, %mul3A_117 : i32
      "tpu.region"() ({
        %run_scoped3A = tpu.sem_alloc : memref<!tpu.dma_semaphore, #tpu.memory_space<semaphore_mem>>
        %dma_start3A = arith.constant 0 : i32
        %dma_start3A_134 = tpu.memref_slice %arg4[%add3A_118, %dma_start3A] : memref<2560x128xf32, #tpu.memory_space<hbm>> -> memref<32x128xf32, #tpu.memory_space<hbm>>
        %dma_start3A_135 = arith.constant 0 : i32
        %dma_start3A_136 = tpu.memref_slice %arg4[%add3A_118, %dma_start3A_135] : memref<2560x128xf32, #tpu.memory_space<hbm>> -> memref<32x128xf32, #tpu.memory_space<hbm>>
        tpu.enqueue_dma source(%dma_start3A_136 : memref<32x128xf32, #tpu.memory_space<hbm>>) target(%arg10 : memref<32x128xf32, #tpu.memory_space<vmem>>) target_semaphore(%run_scoped3A : memref<!tpu.dma_semaphore, #tpu.memory_space<semaphore_mem>>)
        %dma_wait3A_137 = arith.constant 0 : i32
        %dma_wait3A_138 = tpu.memref_slice %arg4[%add3A_118, %dma_wait3A_137] : memref<2560x128xf32, #tpu.memory_space<hbm>> -> memref<32x128xf32, #tpu.memory_space<hbm>>
        %dma_wait3A_139 = arith.constant 0 : i32
        %dma_wait3A_140 = tpu.memref_slice %arg4[%add3A_118, %dma_wait3A_139] : memref<2560x128xf32, #tpu.memory_space<hbm>> -> memref<32x128xf32, #tpu.memory_space<hbm>>
        tpu.wait_dma2 semaphore(%run_scoped3A : memref<!tpu.dma_semaphore, #tpu.memory_space<semaphore_mem>>) src(%dma_wait3A_140 : memref<32x128xf32, #tpu.memory_space<hbm>>) dst(%arg10 : memref<32x128xf32, #tpu.memory_space<vmem>>)
        tpu.yield
      }) : () -> ()
      %gt3A = arith.constant 0 : i32
      %gt3A_119 = arith.cmpi sgt, %scan3A_109, %gt3A : i32
      %convert_element_type3A = arith.extui %gt3A_119 : i1 to i32
      %cond3A = arith.constant 0 : i32
      %cond3A_120 = arith.cmpi ne, %convert_element_type3A, %cond3A : i32
      scf.if %cond3A_120 {
        %dma_wait3A_134 = arith.constant 0 : i32
        %dma_wait3A_135 = arith.constant 0 : i32
        %dma_wait3A_136 = tpu.memref_slice %arg5[%dma_wait3A_134, %dma_wait3A_135] : memref<10240x128xf32, #tpu.memory_space<hbm>> -> memref<128x128xf32, #tpu.memory_space<hbm>>
        %dma_wait3A_137 = arith.constant 0 : i32
        %dma_wait3A_138 = arith.constant 0 : i32
        %dma_wait3A_139 = tpu.memref_slice %arg5[%dma_wait3A_137, %dma_wait3A_138] : memref<10240x128xf32, #tpu.memory_space<hbm>> -> memref<128x128xf32, #tpu.memory_space<hbm>>
        tpu.wait_dma2 semaphore(%arg17 : memref<!tpu.dma_semaphore, #tpu.memory_space<semaphore_mem>>) src(%dma_wait3A_139 : memref<128x128xf32, #tpu.memory_space<hbm>>) dst(%arg11 : memref<128x128xf32, #tpu.memory_space<vmem>>)
      } else {
      }
      %eq3A = arith.constant 0 : i32
      %eq3A_121 = arith.cmpi eq, %arg0, %eq3A : i32
      %convert_element_type3A_122 = arith.extui %eq3A_121 : i1 to i32
      %cond3A_123 = arith.constant 0 : i32
      %cond3A_124 = arith.cmpi ne, %convert_element_type3A_122, %cond3A_123 : i32
      scf.if %cond3A_124 {
        %dma_start3A = arith.constant 0 : i32
        %dma_start3A_134 = arith.constant 0 : i32
        %dma_start3A_135 = tpu.memref_slice %arg8[%dma_start3A, %dma_start3A_134] : memref<32x128xi32, #tpu.memory_space<vmem>> -> memref<1x128xi32, #tpu.memory_space<vmem>>
        %dma_start3A_136 = tpu.memref_squeeze %dma_start3A_135 : memref<1x128xi32, #tpu.memory_space<vmem>> -> memref<128xi32, #tpu.memory_space<vmem>>
        %dma_start3A_137 = arith.constant 0 : i32
        %dma_start3A_138 = arith.constant 0 : i32
        %dma_start3A_139 = tpu.memref_slice %arg5[%dma_start3A_137, %dma_start3A_138] : memref<10240x128xf32, #tpu.memory_space<hbm>> -> memref<10240x128xf32, #tpu.memory_space<hbm>>
        tpu.enqueue_indirect_dma source(%dma_start3A_139 : memref<10240x128xf32, #tpu.memory_space<hbm>>) target(%arg11 : memref<128x128xf32, #tpu.memory_space<vmem>>) offsets(%dma_start3A_136 : memref<128xi32, #tpu.memory_space<vmem>>) semaphore(%arg15 : memref<!tpu.dma_semaphore, #tpu.memory_space<semaphore_mem>>)
      } else {
      }
      %ne3A = arith.constant 0 : i32
      %ne3A_125 = arith.cmpi ne, %arg0, %ne3A : i32
      %convert_element_type3A_126 = arith.extui %ne3A_125 : i1 to i32
      %cond3A_127 = arith.constant 0 : i32
      %cond3A_128 = arith.cmpi ne, %convert_element_type3A_126, %cond3A_127 : i32
      scf.if %cond3A_128 {
        %dma_start3A = arith.constant 0 : i32
        %dma_start3A_134 = arith.constant 0 : i32
        %dma_start3A_135 = tpu.memref_slice %arg8[%dma_start3A, %dma_start3A_134] : memref<32x128xi32, #tpu.memory_space<vmem>> -> memref<1x128xi32, #tpu.memory_space<vmem>>
        %dma_start3A_136 = tpu.memref_squeeze %dma_start3A_135 : memref<1x128xi32, #tpu.memory_space<vmem>> -> memref<128xi32, #tpu.memory_space<vmem>>
        %dma_start3A_137 = arith.constant 0 : i32
        %dma_start3A_138 = arith.constant 0 : i32
        %dma_start3A_139 = tpu.memref_slice %arg6[%dma_start3A_137, %dma_start3A_138] : memref<10240x128xf32, #tpu.memory_space<hbm>> -> memref<10240x128xf32, #tpu.memory_space<hbm>>
        tpu.enqueue_indirect_dma source(%dma_start3A_139 : memref<10240x128xf32, #tpu.memory_space<hbm>>) target(%arg11 : memref<128x128xf32, #tpu.memory_space<vmem>>) offsets(%dma_start3A_136 : memref<128xi32, #tpu.memory_space<vmem>>) semaphore(%arg15 : memref<!tpu.dma_semaphore, #tpu.memory_space<semaphore_mem>>)
      } else {
      }
      %scan3A_129 = arith.constant 0 : i32
      %scan3A_130 = arith.constant 16 : i32
      %scan3A_131 = arith.addi %scan3A_129, %scan3A_130 : i32
      %scan3A_132 = arith.constant 1 : i32
      scf.for %scan3A_134 = %scan3A_129 to %scan3A_131 step %scan3A_132  : i32 {
        %mul3A_135 = arith.constant 16 : i32
        %mul3A_136 = arith.muli %scan3A_109, %mul3A_135 : i32
        %add3A_137 = arith.addi %mul3A_136, %scan3A_134 : i32
        %gt3A_138 = arith.constant 0 : i32
        %gt3A_139 = arith.cmpi sgt, %add3A_137, %gt3A_138 : i32
        %convert_element_type3A_140 = arith.extui %gt3A_139 : i1 to i32
        %cond3A_141 = arith.constant 0 : i32
        %cond3A_142 = arith.cmpi ne, %convert_element_type3A_140, %cond3A_141 : i32
        scf.if %cond3A_142 {
          %dma_wait3A_208 = arith.constant 0 : i32
          %dma_wait3A_209 = arith.constant 0 : i32
          %dma_wait3A_210 = tpu.memref_slice %arg5[%dma_wait3A_208, %dma_wait3A_209] : memref<10240x128xf32, #tpu.memory_space<hbm>> -> memref<128x128xf32, #tpu.memory_space<hbm>>
          %dma_wait3A_211 = arith.constant 0 : i32
          %dma_wait3A_212 = arith.constant 0 : i32
          %dma_wait3A_213 = tpu.memref_slice %arg5[%dma_wait3A_211, %dma_wait3A_212] : memref<10240x128xf32, #tpu.memory_space<hbm>> -> memref<128x128xf32, #tpu.memory_space<hbm>>
          tpu.wait_dma2 semaphore(%arg18 : memref<!tpu.dma_semaphore, #tpu.memory_space<semaphore_mem>>) src(%dma_wait3A_213 : memref<128x128xf32, #tpu.memory_space<hbm>>) dst(%arg11 : memref<128x128xf32, #tpu.memory_space<vmem>>)
        } else {
        }
        %mul3A_143 = arith.constant 2 : i32
        %mul3A_144 = arith.muli %mul3A_143, %scan3A_134 : i32
        %add3A_145 = arith.constant 1 : i32
        %add3A_146 = arith.addi %mul3A_144, %add3A_145 : i32
        %eq3A_147 = arith.constant 0 : i32
        %eq3A_148 = arith.cmpi eq, %arg0, %eq3A_147 : i32
        %convert_element_type3A_149 = arith.extui %eq3A_148 : i1 to i32
        %cond3A_150 = arith.constant 0 : i32
        %cond3A_151 = arith.cmpi ne, %convert_element_type3A_149, %cond3A_150 : i32
        scf.if %cond3A_151 {
          %dma_start3A_208 = arith.constant 0 : i32
          %dma_start3A_209 = tpu.memref_slice %arg8[%add3A_146, %dma_start3A_208] : memref<32x128xi32, #tpu.memory_space<vmem>> -> memref<1x128xi32, #tpu.memory_space<vmem>>
          %dma_start3A_210 = tpu.memref_squeeze %dma_start3A_209 : memref<1x128xi32, #tpu.memory_space<vmem>> -> memref<128xi32, #tpu.memory_space<vmem>>
          %dma_start3A_211 = arith.constant 0 : i32
          %dma_start3A_212 = arith.constant 0 : i32
          %dma_start3A_213 = tpu.memref_slice %arg5[%dma_start3A_211, %dma_start3A_212] : memref<10240x128xf32, #tpu.memory_space<hbm>> -> memref<10240x128xf32, #tpu.memory_space<hbm>>
          tpu.enqueue_indirect_dma source(%dma_start3A_213 : memref<10240x128xf32, #tpu.memory_space<hbm>>) target(%arg12 : memref<128x128xf32, #tpu.memory_space<vmem>>) offsets(%dma_start3A_210 : memref<128xi32, #tpu.memory_space<vmem>>) semaphore(%arg16 : memref<!tpu.dma_semaphore, #tpu.memory_space<semaphore_mem>>)
        } else {
        }
        %ne3A_152 = arith.constant 0 : i32
        %ne3A_153 = arith.cmpi ne, %arg0, %ne3A_152 : i32
        %convert_element_type3A_154 = arith.extui %ne3A_153 : i1 to i32
        %cond3A_155 = arith.constant 0 : i32
        %cond3A_156 = arith.cmpi ne, %convert_element_type3A_154, %cond3A_155 : i32
        scf.if %cond3A_156 {
          %dma_start3A_208 = arith.constant 0 : i32
          %dma_start3A_209 = tpu.memref_slice %arg8[%add3A_146, %dma_start3A_208] : memref<32x128xi32, #tpu.memory_space<vmem>> -> memref<1x128xi32, #tpu.memory_space<vmem>>
          %dma_start3A_210 = tpu.memref_squeeze %dma_start3A_209 : memref<1x128xi32, #tpu.memory_space<vmem>> -> memref<128xi32, #tpu.memory_space<vmem>>
          %dma_start3A_211 = arith.constant 0 : i32
          %dma_start3A_212 = arith.constant 0 : i32
          %dma_start3A_213 = tpu.memref_slice %arg6[%dma_start3A_211, %dma_start3A_212] : memref<10240x128xf32, #tpu.memory_space<hbm>> -> memref<10240x128xf32, #tpu.memory_space<hbm>>
          tpu.enqueue_indirect_dma source(%dma_start3A_213 : memref<10240x128xf32, #tpu.memory_space<hbm>>) target(%arg12 : memref<128x128xf32, #tpu.memory_space<vmem>>) offsets(%dma_start3A_210 : memref<128xi32, #tpu.memory_space<vmem>>) semaphore(%arg16 : memref<!tpu.dma_semaphore, #tpu.memory_space<semaphore_mem>>)
        } else {
        }
        %dma_wait3A_157 = arith.constant 0 : i32
        %dma_wait3A_158 = arith.constant 0 : i32
        %dma_wait3A_159 = tpu.memref_slice %arg5[%dma_wait3A_157, %dma_wait3A_158] : memref<10240x128xf32, #tpu.memory_space<hbm>> -> memref<128x128xf32, #tpu.memory_space<hbm>>
        %dma_wait3A_160 = arith.constant 0 : i32
        %dma_wait3A_161 = arith.constant 0 : i32
        %dma_wait3A_162 = tpu.memref_slice %arg5[%dma_wait3A_160, %dma_wait3A_161] : memref<10240x128xf32, #tpu.memory_space<hbm>> -> memref<128x128xf32, #tpu.memory_space<hbm>>
        tpu.wait_dma2 semaphore(%arg15 : memref<!tpu.dma_semaphore, #tpu.memory_space<semaphore_mem>>) src(%dma_wait3A_162 : memref<128x128xf32, #tpu.memory_space<hbm>>) dst(%arg11 : memref<128x128xf32, #tpu.memory_space<vmem>>)
        %mul3A_163 = arith.constant 2 : i32
        %mul3A_164 = arith.muli %mul3A_163, %scan3A_134 : i32
        %scan3A_165 = arith.constant 0 : i32
        %scan3A_166 = arith.constant 0 : i32
        %scan3A_167 = arith.constant 8 : i32
        %scan3A_168 = arith.addi %scan3A_166, %scan3A_167 : i32
        %scan3A_169 = arith.constant 1 : i32
        scf.for %scan3A_208 = %scan3A_166 to %scan3A_168 step %scan3A_169  : i32 {
          %mul3A_209 = arith.constant 16 : i32
          %mul3A_210 = arith.muli %scan3A_208, %mul3A_209 : i32
          %get3A = arith.index_cast %mul3A_164 : i32 to index
          %get3A_211 = arith.index_cast %mul3A_210 : i32 to index
          %get3A_212 = tpu.vector_load %arg10[%get3A, %get3A_211] {strides = array<i32>} : memref<32x128xf32, #tpu.memory_space<vmem>>, vector<16xf32>,
          %broadcast_in_dim3A_213 = arith.constant 0 : i32
          %broadcast_in_dim3A_214 = vector.broadcast %broadcast_in_dim3A_213 : i32 to vector<16x1xi32>
          %gather3A = vector.shape_cast %broadcast_in_dim3A_214 : vector<16x1xi32> to vector<16xi32>
          %gather3A_215 = tpu.dynamic_gather %get3A_212[%gather3A] in [0] : vector<16xf32>, vector<16xi32> -> vector<16xf32>
          %mul3A_216 = arith.constant 16 : i32
          %mul3A_217 = arith.muli %scan3A_208, %mul3A_216 : i32
          %add3A_218 = arith.constant 0 : i32
          %add3A_219 = arith.addi %mul3A_217, %add3A_218 : i32
          %get3A_220 = arith.index_cast %add3A_219 : i32 to index
          %get3A_221 = arith.constant 0 : index
          %get3A_222 = tpu.vector_load %arg11[%get3A_220, %get3A_221] {strides = array<i32>} : memref<128x128xf32, #tpu.memory_space<vmem>>, vector<16xf32>,
          %mul3A_223 = arith.mulf %get3A_222, %gather3A_215 : vector<16xf32>
          %swap3A = arith.index_cast %add3A_219 : i32 to index
          %swap3A_224 = arith.constant 0 : index
          %swap3A_225 = tpu.vector_load %arg11[%swap3A, %swap3A_224] {strides = array<i32>} : memref<128x128xf32, #tpu.memory_space<vmem>>, vector<16xf32>,
          tpu.vector_store %arg11[%swap3A, %swap3A_224], %mul3A_223 {strides = array<i32>} : memref<128x128xf32, #tpu.memory_space<vmem>>, vector<16xf32>,
          %get3A_226 = arith.index_cast %add3A_219 : i32 to index
          %get3A_227 = arith.constant 16 : index
          %get3A_228 = tpu.vector_load %arg11[%get3A_226, %get3A_227] {strides = array<i32>} : memref<128x128xf32, #tpu.memory_space<vmem>>, vector<16xf32>,
          %mul3A_229 = arith.mulf %get3A_228, %gather3A_215 : vector<16xf32>
          %swap3A_230 = arith.index_cast %add3A_219 : i32 to index
          %swap3A_231 = arith.constant 16 : index
          %swap3A_232 = tpu.vector_load %arg11[%swap3A_230, %swap3A_231] {strides = array<i32>} : memref<128x128xf32, #tpu.memory_space<vmem>>, vector<16xf32>,
          tpu.vector_store %arg11[%swap3A_230, %swap3A_231], %mul3A_229 {strides = array<i32>} : memref<128x128xf32, #tpu.memory_space<vmem>>, vector<16xf32>,
          %get3A_233 = arith.index_cast %add3A_219 : i32 to index
          %get3A_234 = arith.constant 32 : index
          %get3A_235 = tpu.vector_load %arg11[%get3A_233, %get3A_234] {strides = array<i32>} : memref<128x128xf32, #tpu.memory_space<vmem>>, vector<16xf32>,
          %mul3A_236 = arith.mulf %get3A_235, %gather3A_215 : vector<16xf32>
          %swap3A_237 = arith.index_cast %add3A_219 : i32 to index
          %swap3A_238 = arith.constant 32 : index
          %swap3A_239 = tpu.vector_load %arg11[%swap3A_237, %swap3A_238] {strides = array<i32>} : memref<128x128xf32, #tpu.memory_space<vmem>>, vector<16xf32>,
          tpu.vector_store %arg11[%swap3A_237, %swap3A_238], %mul3A_236 {strides = array<i32>} : memref<128x128xf32, #tpu.memory_space<vmem>>, vector<16xf32>,
          %get3A_240 = arith.index_cast %add3A_219 : i32 to index
          %get3A_241 = arith.constant 48 : index
          %get3A_242 = tpu.vector_load %arg11[%get3A_240, %get3A_241] {strides = array<i32>} : memref<128x128xf32, #tpu.memory_space<vmem>>, vector<16xf32>,
          %mul3A_243 = arith.mulf %get3A_242, %gather3A_215 : vector<16xf32>
          %swap3A_244 = arith.index_cast %add3A_219 : i32 to index
          %swap3A_245 = arith.constant 48 : index
          %swap3A_246 = tpu.vector_load %arg11[%swap3A_244, %swap3A_245] {strides = array<i32>} : memref<128x128xf32, #tpu.memory_space<vmem>>, vector<16xf32>,
          tpu.vector_store %arg11[%swap3A_244, %swap3A_245], %mul3A_243 {strides = array<i32>} : memref<128x128xf32, #tpu.memory_space<vmem>>, vector<16xf32>,
          %get3A_247 = arith.index_cast %add3A_219 : i32 to index
          %get3A_248 = arith.constant 64 : index
          %get3A_249 = tpu.vector_load %arg11[%get3A_247, %get3A_248] {strides = array<i32>} : memref<128x128xf32, #tpu.memory_space<vmem>>, vector<16xf32>,
          %mul3A_250 = arith.mulf %get3A_249, %gather3A_215 : vector<16xf32>
          %swap3A_251 = arith.index_cast %add3A_219 : i32 to index
          %swap3A_252 = arith.constant 64 : index
          %swap3A_253 = tpu.vector_load %arg11[%swap3A_251, %swap3A_252] {strides = array<i32>} : memref<128x128xf32, #tpu.memory_space<vmem>>, vector<16xf32>,
          tpu.vector_store %arg11[%swap3A_251, %swap3A_252], %mul3A_250 {strides = array<i32>} : memref<128x128xf32, #tpu.memory_space<vmem>>, vector<16xf32>,
          %get3A_254 = arith.index_cast %add3A_219 : i32 to index
          %get3A_255 = arith.constant 80 : index
          %get3A_256 = tpu.vector_load %arg11[%get3A_254, %get3A_255] {strides = array<i32>} : memref<128x128xf32, #tpu.memory_space<vmem>>, vector<16xf32>,
          %mul3A_257 = arith.mulf %get3A_256, %gather3A_215 : vector<16xf32>
          %swap3A_258 = arith.index_cast %add3A_219 : i32 to index
          %swap3A_259 = arith.constant 80 : index
          %swap3A_260 = tpu.vector_load %arg11[%swap3A_258, %swap3A_259] {strides = array<i32>} : memref<128x128xf32, #tpu.memory_space<vmem>>, vector<16xf32>,
          tpu.vector_store %arg11[%swap3A_258, %swap3A_259], %mul3A_257 {strides = array<i32>} : memref<128x128xf32, #tpu.memory_space<vmem>>, vector<16xf32>,
          %get3A_261 = arith.index_cast %add3A_219 : i32 to index
          %get3A_262 = arith.constant 96 : index
          %get3A_263 = tpu.vector_load %arg11[%get3A_261, %get3A_262] {strides = array<i32>} : memref<128x128xf32, #tpu.memory_space<vmem>>, vector<16xf32>,
          %mul3A_264 = arith.mulf %get3A_263, %gather3A_215 : vector<16xf32>
          %swap3A_265 = arith.index_cast %add3A_219 : i32 to index
          %swap3A_266 = arith.constant 96 : index
          %swap3A_267 = tpu.vector_load %arg11[%swap3A_265, %swap3A_266] {strides = array<i32>} : memref<128x128xf32, #tpu.memory_space<vmem>>, vector<16xf32>,
          tpu.vector_store %arg11[%swap3A_265, %swap3A_266], %mul3A_264 {strides = array<i32>} : memref<128x128xf32, #tpu.memory_space<vmem>>, vector<16xf32>,
          %get3A_268 = arith.index_cast %add3A_219 : i32 to index
          %get3A_269 = arith.constant 112 : index
          %get3A_270 = tpu.vector_load %arg11[%get3A_268, %get3A_269] {strides = array<i32>} : memref<128x128xf32, #tpu.memory_space<vmem>>, vector<16xf32>,
          %mul3A_271 = arith.mulf %get3A_270, %gather3A_215 : vector<16xf32>
          %swap3A_272 = arith.index_cast %add3A_219 : i32 to index
          %swap3A_273 = arith.constant 112 : index
          %swap3A_274 = tpu.vector_load %arg11[%swap3A_272, %swap3A_273] {strides = array<i32>} : memref<128x128xf32, #tpu.memory_space<vmem>>, vector<16xf32>,
          tpu.vector_store %arg11[%swap3A_272, %swap3A_273], %mul3A_271 {strides = array<i32>} : memref<128x128xf32, #tpu.memory_space<vmem>>, vector<16xf32>,
          %broadcast_in_dim3A_275 = arith.constant 1 : i32
          %broadcast_in_dim3A_276 = vector.broadcast %broadcast_in_dim3A_275 : i32 to vector<16x1xi32>
          %gather3A_277 = vector.shape_cast %broadcast_in_dim3A_276 : vector<16x1xi32> to vector<16xi32>
          %gather3A_278 = tpu.dynamic_gather %get3A_212[%gather3A_277] in [0] : vector<16xf32>, vector<16xi32> -> vector<16xf32>
          %mul3A_279 = arith.constant 16 : i32
          %mul3A_280 = arith.muli %scan3A_208, %mul3A_279 : i32
          %add3A_281 = arith.constant 1 : i32
          %add3A_282 = arith.addi %mul3A_280, %add3A_281 : i32
          %get3A_283 = arith.index_cast %add3A_282 : i32 to index
          %get3A_284 = arith.constant 0 : index
          %get3A_285 = tpu.vector_load %arg11[%get3A_283, %get3A_284] {strides = array<i32>} : memref<128x128xf32, #tpu.memory_space<vmem>>, vector<16xf32>,
          %mul3A_286 = arith.mulf %get3A_285, %gather3A_278 : vector<16xf32>
          %swap3A_287 = arith.index_cast %add3A_282 : i32 to index
          %swap3A_288 = arith.constant 0 : index
          %swap3A_289 = tpu.vector_load %arg11[%swap3A_287, %swap3A_288] {strides = array<i32>} : memref<128x128xf32, #tpu.memory_space<vmem>>, vector<16xf32>,
          tpu.vector_store %arg11[%swap3A_287, %swap3A_288], %mul3A_286 {strides = array<i32>} : memref<128x128xf32, #tpu.memory_space<vmem>>, vector<16xf32>,
          %get3A_290 = arith.index_cast %add3A_282 : i32 to index
          %get3A_291 = arith.constant 16 : index
          %get3A_292 = tpu.vector_load %arg11[%get3A_290, %get3A_291] {strides = array<i32>} : memref<128x128xf32, #tpu.memory_space<vmem>>, vector<16xf32>,
          %mul3A_293 = arith.mulf %get3A_292, %gather3A_278 : vector<16xf32>
          %swap3A_294 = arith.index_cast %add3A_282 : i32 to index
          %swap3A_295 = arith.constant 16 : index
          %swap3A_296 = tpu.vector_load %arg11[%swap3A_294, %swap3A_295] {strides = array<i32>} : memref<128x128xf32, #tpu.memory_space<vmem>>, vector<16xf32>,
          tpu.vector_store %arg11[%swap3A_294, %swap3A_295], %mul3A_293 {strides = array<i32>} : memref<128x128xf32, #tpu.memory_space<vmem>>, vector<16xf32>,
          %get3A_297 = arith.index_cast %add3A_282 : i32 to index
          %get3A_298 = arith.constant 32 : index
          %get3A_299 = tpu.vector_load %arg11[%get3A_297, %get3A_298] {strides = array<i32>} : memref<128x128xf32, #tpu.memory_space<vmem>>, vector<16xf32>,
          %mul3A_300 = arith.mulf %get3A_299, %gather3A_278 : vector<16xf32>
          %swap3A_301 = arith.index_cast %add3A_282 : i32 to index
          %swap3A_302 = arith.constant 32 : index
          %swap3A_303 = tpu.vector_load %arg11[%swap3A_301, %swap3A_302] {strides = array<i32>} : memref<128x128xf32, #tpu.memory_space<vmem>>, vector<16xf32>,
          tpu.vector_store %arg11[%swap3A_301, %swap3A_302], %mul3A_300 {strides = array<i32>} : memref<128x128xf32, #tpu.memory_space<vmem>>, vector<16xf32>,
          %get3A_304 = arith.index_cast %add3A_282 : i32 to index
          %get3A_305 = arith.constant 48 : index
          %get3A_306 = tpu.vector_load %arg11[%get3A_304, %get3A_305] {strides = array<i32>} : memref<128x128xf32, #tpu.memory_space<vmem>>, vector<16xf32>,
          %mul3A_307 = arith.mulf %get3A_306, %gather3A_278 : vector<16xf32>
          %swap3A_308 = arith.index_cast %add3A_282 : i32 to index
          %swap3A_309 = arith.constant 48 : index
          %swap3A_310 = tpu.vector_load %arg11[%swap3A_308, %swap3A_309] {strides = array<i32>} : memref<128x128xf32, #tpu.memory_space<vmem>>, vector<16xf32>,
          tpu.vector_store %arg11[%swap3A_308, %swap3A_309], %mul3A_307 {strides = array<i32>} : memref<128x128xf32, #tpu.memory_space<vmem>>, vector<16xf32>,
          %get3A_311 = arith.index_cast %add3A_282 : i32 to index
          %get3A_312 = arith.constant 64 : index
          %get3A_313 = tpu.vector_load %arg11[%get3A_311, %get3A_312] {strides = array<i32>} : memref<128x128xf32, #tpu.memory_space<vmem>>, vector<16xf32>,
          %mul3A_314 = arith.mulf %get3A_313, %gather3A_278 : vector<16xf32>
          %swap3A_315 = arith.index_cast %add3A_282 : i32 to index
          %swap3A_316 = arith.constant 64 : index
          %swap3A_317 = tpu.vector_load %arg11[%swap3A_315, %swap3A_316] {strides = array<i32>} : memref<128x128xf32, #tpu.memory_space<vmem>>, vector<16xf32>,
          tpu.vector_store %arg11[%swap3A_315, %swap3A_316], %mul3A_314 {strides = array<i32>} : memref<128x128xf32, #tpu.memory_space<vmem>>, vector<16xf32>,
          %get3A_318 = arith.index_cast %add3A_282 : i32 to index
          %get3A_319 = arith.constant 80 : index
          %get3A_320 = tpu.vector_load %arg11[%get3A_318, %get3A_319] {strides = array<i32>} : memref<128x128xf32, #tpu.memory_space<vmem>>, vector<16xf32>,
          %mul3A_321 = arith.mulf %get3A_320, %gather3A_278 : vector<16xf32>
          %swap3A_322 = arith.index_cast %add3A_282 : i32 to index
          %swap3A_323 = arith.constant 80 : index
          %swap3A_324 = tpu.vector_load %arg11[%swap3A_322, %swap3A_323] {strides = array<i32>} : memref<128x128xf32, #tpu.memory_space<vmem>>, vector<16xf32>,
          tpu.vector_store %arg11[%swap3A_322, %swap3A_323], %mul3A_321 {strides = array<i32>} : memref<128x128xf32, #tpu.memory_space<vmem>>, vector<16xf32>,
          %get3A_325 = arith.index_cast %add3A_282 : i32 to index
          %get3A_326 = arith.constant 96 : index
          %get3A_327 = tpu.vector_load %arg11[%get3A_325, %get3A_326] {strides = array<i32>} : memref<128x128xf32, #tpu.memory_space<vmem>>, vector<16xf32>,
          %mul3A_328 = arith.mulf %get3A_327, %gather3A_278 : vector<16xf32>
          %swap3A_329 = arith.index_cast %add3A_282 : i32 to index
          %swap3A_330 = arith.constant 96 : index
          %swap3A_331 = tpu.vector_load %arg11[%swap3A_329, %swap3A_330] {strides = array<i32>} : memref<128x128xf32, #tpu.memory_space<vmem>>, vector<16xf32>,
          tpu.vector_store %arg11[%swap3A_329, %swap3A_330], %mul3A_328 {strides = array<i32>} : memref<128x128xf32, #tpu.memory_space<vmem>>, vector<16xf32>,
          %get3A_332 = arith.index_cast %add3A_282 : i32 to index
          %get3A_333 = arith.constant 112 : index
          %get3A_334 = tpu.vector_load %arg11[%get3A_332, %get3A_333] {strides = array<i32>} : memref<128x128xf32, #tpu.memory_space<vmem>>, vector<16xf32>,
          %mul3A_335 = arith.mulf %get3A_334, %gather3A_278 : vector<16xf32>
          %swap3A_336 = arith.index_cast %add3A_282 : i32 to index
          %swap3A_337 = arith.constant 112 : index
          %swap3A_338 = tpu.vector_load %arg11[%swap3A_336, %swap3A_337] {strides = array<i32>} : memref<128x128xf32, #tpu.memory_space<vmem>>, vector<16xf32>,
          tpu.vector_store %arg11[%swap3A_336, %swap3A_337], %mul3A_335 {strides = array<i32>} : memref<128x128xf32, #tpu.memory_space<vmem>>, vector<16xf32>,
          %broadcast_in_dim3A_339 = arith.constant 2 : i32
          %broadcast_in_dim3A_340 = vector.broadcast %broadcast_in_dim3A_339 : i32 to vector<16x1xi32>
          %gather3A_341 = vector.shape_cast %broadcast_in_dim3A_340 : vector<16x1xi32> to vector<16xi32>
          %gather3A_342 = tpu.dynamic_gather %get3A_212[%gather3A_341] in [0] : vector<16xf32>, vector<16xi32> -> vector<16xf32>
          %mul3A_343 = arith.constant 16 : i32
          %mul3A_344 = arith.muli %scan3A_208, %mul3A_343 : i32
          %add3A_345 = arith.constant 2 : i32
          %add3A_346 = arith.addi %mul3A_344, %add3A_345 : i32
          %get3A_347 = arith.index_cast %add3A_346 : i32 to index
          %get3A_348 = arith.constant 0 : index
          %get3A_349 = tpu.vector_load %arg11[%get3A_347, %get3A_348] {strides = array<i32>} : memref<128x128xf32, #tpu.memory_space<vmem>>, vector<16xf32>,
          %mul3A_350 = arith.mulf %get3A_349, %gather3A_342 : vector<16xf32>
          %swap3A_351 = arith.index_cast %add3A_346 : i32 to index
          %swap3A_352 = arith.constant 0 : index
          %swap3A_353 = tpu.vector_load %arg11[%swap3A_351, %swap3A_352] {strides = array<i32>} : memref<128x128xf32, #tpu.memory_space<vmem>>, vector<16xf32>,
          tpu.vector_store %arg11[%swap3A_351, %swap3A_352], %mul3A_350 {strides = array<i32>} : memref<128x128xf32, #tpu.memory_space<vmem>>, vector<16xf32>,
          %get3A_354 = arith.index_cast %add3A_346 : i32 to index
          %get3A_355 = arith.constant 16 : index
          %get3A_356 = tpu.vector_load %arg11[%get3A_354, %get3A_355] {strides = array<i32>} : memref<128x128xf32, #tpu.memory_space<vmem>>, vector<16xf32>,
          %mul3A_357 = arith.mulf %get3A_356, %gather3A_342 : vector<16xf32>
          %swap3A_358 = arith.index_cast %add3A_346 : i32 to index
          %swap3A_359 = arith.constant 16 : index
          %swap3A_360 = tpu.vector_load %arg11[%swap3A_358, %swap3A_359] {strides = array<i32>} : memref<128x128xf32, #tpu.memory_space<vmem>>, vector<16xf32>,
          tpu.vector_store %arg11[%swap3A_358, %swap3A_359], %mul3A_357 {strides = array<i32>} : memref<128x128xf32, #tpu.memory_space<vmem>>, vector<16xf32>,
          %get3A_361 = arith.index_cast %add3A_346 : i32 to index
          %get3A_362 = arith.constant 32 : index
          %get3A_363 = tpu.vector_load %arg11[%get3A_361, %get3A_362] {strides = array<i32>} : memref<128x128xf32, #tpu.memory_space<vmem>>, vector<16xf32>,
          %mul3A_364 = arith.mulf %get3A_363, %gather3A_342 : vector<16xf32>
          %swap3A_365 = arith.index_cast %add3A_346 : i32 to index
          %swap3A_366 = arith.constant 32 : index
          %swap3A_367 = tpu.vector_load %arg11[%swap3A_365, %swap3A_366] {strides = array<i32>} : memref<128x128xf32, #tpu.memory_space<vmem>>, vector<16xf32>,
          tpu.vector_store %arg11[%swap3A_365, %swap3A_366], %mul3A_364 {strides = array<i32>} : memref<128x128xf32, #tpu.memory_space<vmem>>, vector<16xf32>,
          %get3A_368 = arith.index_cast %add3A_346 : i32 to index
          %get3A_369 = arith.constant 48 : index
          %get3A_370 = tpu.vector_load %arg11[%get3A_368, %get3A_369] {strides = array<i32>} : memref<128x128xf32, #tpu.memory_space<vmem>>, vector<16xf32>,
          %mul3A_371 = arith.mulf %get3A_370, %gather3A_342 : vector<16xf32>
          %swap3A_372 = arith.index_cast %add3A_346 : i32 to index
          %swap3A_373 = arith.constant 48 : index
          %swap3A_374 = tpu.vector_load %arg11[%swap3A_372, %swap3A_373] {strides = array<i32>} : memref<128x128xf32, #tpu.memory_space<vmem>>, vector<16xf32>,
          tpu.vector_store %arg11[%swap3A_372, %swap3A_373], %mul3A_371 {strides = array<i32>} : memref<128x128xf32, #tpu.memory_space<vmem>>, vector<16xf32>,
          %get3A_375 = arith.index_cast %add3A_346 : i32 to index
          %get3A_376 = arith.constant 64 : index
          %get3A_377 = tpu.vector_load %arg11[%get3A_375, %get3A_376] {strides = array<i32>} : memref<128x128xf32, #tpu.memory_space<vmem>>, vector<16xf32>,
          %mul3A_378 = arith.mulf %get3A_377, %gather3A_342 : vector<16xf32>
          %swap3A_379 = arith.index_cast %add3A_346 : i32 to index
          %swap3A_380 = arith.constant 64 : index
          %swap3A_381 = tpu.vector_load %arg11[%swap3A_379, %swap3A_380] {strides = array<i32>} : memref<128x128xf32, #tpu.memory_space<vmem>>, vector<16xf32>,
          tpu.vector_store %arg11[%swap3A_379, %swap3A_380], %mul3A_378 {strides = array<i32>} : memref<128x128xf32, #tpu.memory_space<vmem>>, vector<16xf32>,
          %get3A_382 = arith.index_cast %add3A_346 : i32 to index
          %get3A_383 = arith.constant 80 : index
          %get3A_384 = tpu.vector_load %arg11[%get3A_382, %get3A_383] {strides = array<i32>} : memref<128x128xf32, #tpu.memory_space<vmem>>, vector<16xf32>,
          %mul3A_385 = arith.mulf %get3A_384, %gather3A_342 : vector<16xf32>
          %swap3A_386 = arith.index_cast %add3A_346 : i32 to index
          %swap3A_387 = arith.constant 80 : index
          %swap3A_388 = tpu.vector_load %arg11[%swap3A_386, %swap3A_387] {strides = array<i32>} : memref<128x128xf32, #tpu.memory_space<vmem>>, vector<16xf32>,
          tpu.vector_store %arg11[%swap3A_386, %swap3A_387], %mul3A_385 {strides = array<i32>} : memref<128x128xf32, #tpu.memory_space<vmem>>, vector<16xf32>,
          %get3A_389 = arith.index_cast %add3A_346 : i32 to index
          %get3A_390 = arith.constant 96 : index
          %get3A_391 = tpu.vector_load %arg11[%get3A_389, %get3A_390] {strides = array<i32>} : memref<128x128xf32, #tpu.memory_space<vmem>>, vector<16xf32>,
          %mul3A_392 = arith.mulf %get3A_391, %gather3A_342 : vector<16xf32>
          %swap3A_393 = arith.index_cast %add3A_346 : i32 to index
          %swap3A_394 = arith.constant 96 : index
          %swap3A_395 = tpu.vector_load %arg11[%swap3A_393, %swap3A_394] {strides = array<i32>} : memref<128x128xf32, #tpu.memory_space<vmem>>, vector<16xf32>,
          tpu.vector_store %arg11[%swap3A_393, %swap3A_394], %mul3A_392 {strides = array<i32>} : memref<128x128xf32, #tpu.memory_space<vmem>>, vector<16xf32>,
          %get3A_396 = arith.index_cast %add3A_346 : i32 to index
          %get3A_397 = arith.constant 112 : index
          %get3A_398 = tpu.vector_load %arg11[%get3A_396, %get3A_397] {strides = array<i32>} : memref<128x128xf32, #tpu.memory_space<vmem>>, vector<16xf32>,
          %mul3A_399 = arith.mulf %get3A_398, %gather3A_342 : vector<16xf32>
          %swap3A_400 = arith.index_cast %add3A_346 : i32 to index
          %swap3A_401 = arith.constant 112 : index
          %swap3A_402 = tpu.vector_load %arg11[%swap3A_400, %swap3A_401] {strides = array<i32>} : memref<128x128xf32, #tpu.memory_space<vmem>>, vector<16xf32>,
          tpu.vector_store %arg11[%swap3A_400, %swap3A_401], %mul3A_399 {strides = array<i32>} : memref<128x128xf32, #tpu.memory_space<vmem>>, vector<16xf32>,
          %broadcast_in_dim3A_403 = arith.constant 3 : i32
          %broadcast_in_dim3A_404 = vector.broadcast %broadcast_in_dim3A_403 : i32 to vector<16x1xi32>
          %gather3A_405 = vector.shape_cast %broadcast_in_dim3A_404 : vector<16x1xi32> to vector<16xi32>
          %gather3A_406 = tpu.dynamic_gather %get3A_212[%gather3A_405] in [0] : vector<16xf32>, vector<16xi32> -> vector<16xf32>
          %mul3A_407 = arith.constant 16 : i32
          %mul3A_408 = arith.muli %scan3A_208, %mul3A_407 : i32
          %add3A_409 = arith.constant 3 : i32
          %add3A_410 = arith.addi %mul3A_408, %add3A_409 : i32
          %get3A_411 = arith.index_cast %add3A_410 : i32 to index
          %get3A_412 = arith.constant 0 : index
          %get3A_413 = tpu.vector_load %arg11[%get3A_411, %get3A_412] {strides = array<i32>} : memref<128x128xf32, #tpu.memory_space<vmem>>, vector<16xf32>,
          %mul3A_414 = arith.mulf %get3A_413, %gather3A_406 : vector<16xf32>
          %swap3A_415 = arith.index_cast %add3A_410 : i32 to index
          %swap3A_416 = arith.constant 0 : index
          %swap3A_417 = tpu.vector_load %arg11[%swap3A_415, %swap3A_416] {strides = array<i32>} : memref<128x128xf32, #tpu.memory_space<vmem>>, vector<16xf32>,
          tpu.vector_store %arg11[%swap3A_415, %swap3A_416], %mul3A_414 {strides = array<i32>} : memref<128x128xf32, #tpu.memory_space<vmem>>, vector<16xf32>,
          %get3A_418 = arith.index_cast %add3A_410 : i32 to index
          %get3A_419 = arith.constant 16 : index
          %get3A_420 = tpu.vector_load %arg11[%get3A_418, %get3A_419] {strides = array<i32>} : memref<128x128xf32, #tpu.memory_space<vmem>>, vector<16xf32>,
          %mul3A_421 = arith.mulf %get3A_420, %gather3A_406 : vector<16xf32>
          %swap3A_422 = arith.index_cast %add3A_410 : i32 to index
          %swap3A_423 = arith.constant 16 : index
          %swap3A_424 = tpu.vector_load %arg11[%swap3A_422, %swap3A_423] {strides = array<i32>} : memref<128x128xf32, #tpu.memory_space<vmem>>, vector<16xf32>,
          tpu.vector_store %arg11[%swap3A_422, %swap3A_423], %mul3A_421 {strides = array<i32>} : memref<128x128xf32, #tpu.memory_space<vmem>>, vector<16xf32>,
          %get3A_425 = arith.index_cast %add3A_410 : i32 to index
          %get3A_426 = arith.constant 32 : index
          %get3A_427 = tpu.vector_load %arg11[%get3A_425, %get3A_426] {strides = array<i32>} : memref<128x128xf32, #tpu.memory_space<vmem>>, vector<16xf32>,
          %mul3A_428 = arith.mulf %get3A_427, %gather3A_406 : vector<16xf32>
          %swap3A_429 = arith.index_cast %add3A_410 : i32 to index
          %swap3A_430 = arith.constant 32 : index
          %swap3A_431 = tpu.vector_load %arg11[%swap3A_429, %swap3A_430] {strides = array<i32>} : memref<128x128xf32, #tpu.memory_space<vmem>>, vector<16xf32>,
          tpu.vector_store %arg11[%swap3A_429, %swap3A_430], %mul3A_428 {strides = array<i32>} : memref<128x128xf32, #tpu.memory_space<vmem>>, vector<16xf32>,
          %get3A_432 = arith.index_cast %add3A_410 : i32 to index
          %get3A_433 = arith.constant 48 : index
          %get3A_434 = tpu.vector_load %arg11[%get3A_432, %get3A_433] {strides = array<i32>} : memref<128x128xf32, #tpu.memory_space<vmem>>, vector<16xf32>,
          %mul3A_435 = arith.mulf %get3A_434, %gather3A_406 : vector<16xf32>
          %swap3A_436 = arith.index_cast %add3A_410 : i32 to index
          %swap3A_437 = arith.constant 48 : index
          %swap3A_438 = tpu.vector_load %arg11[%swap3A_436, %swap3A_437] {strides = array<i32>} : memref<128x128xf32, #tpu.memory_space<vmem>>, vector<16xf32>,
          tpu.vector_store %arg11[%swap3A_436, %swap3A_437], %mul3A_435 {strides = array<i32>} : memref<128x128xf32, #tpu.memory_space<vmem>>, vector<16xf32>,
          %get3A_439 = arith.index_cast %add3A_410 : i32 to index
          %get3A_440 = arith.constant 64 : index
          %get3A_441 = tpu.vector_load %arg11[%get3A_439, %get3A_440] {strides = array<i32>} : memref<128x128xf32, #tpu.memory_space<vmem>>, vector<16xf32>,
          %mul3A_442 = arith.mulf %get3A_441, %gather3A_406 : vector<16xf32>
          %swap3A_443 = arith.index_cast %add3A_410 : i32 to index
          %swap3A_444 = arith.constant 64 : index
          %swap3A_445 = tpu.vector_load %arg11[%swap3A_443, %swap3A_444] {strides = array<i32>} : memref<128x128xf32, #tpu.memory_space<vmem>>, vector<16xf32>,
          tpu.vector_store %arg11[%swap3A_443, %swap3A_444], %mul3A_442 {strides = array<i32>} : memref<128x128xf32, #tpu.memory_space<vmem>>, vector<16xf32>,
          %get3A_446 = arith.index_cast %add3A_410 : i32 to index
          %get3A_447 = arith.constant 80 : index
          %get3A_448 = tpu.vector_load %arg11[%get3A_446, %get3A_447] {strides = array<i32>} : memref<128x128xf32, #tpu.memory_space<vmem>>, vector<16xf32>,
          %mul3A_449 = arith.mulf %get3A_448, %gather3A_406 : vector<16xf32>
          %swap3A_450 = arith.index_cast %add3A_410 : i32 to index
          %swap3A_451 = arith.constant 80 : index
          %swap3A_452 = tpu.vector_load %arg11[%swap3A_450, %swap3A_451] {strides = array<i32>} : memref<128x128xf32, #tpu.memory_space<vmem>>, vector<16xf32>,
          tpu.vector_store %arg11[%swap3A_450, %swap3A_451], %mul3A_449 {strides = array<i32>} : memref<128x128xf32, #tpu.memory_space<vmem>>, vector<16xf32>,
          %get3A_453 = arith.index_cast %add3A_410 : i32 to index
          %get3A_454 = arith.constant 96 : index
          %get3A_455 = tpu.vector_load %arg11[%get3A_453, %get3A_454] {strides = array<i32>} : memref<128x128xf32, #tpu.memory_space<vmem>>, vector<16xf32>,
          %mul3A_456 = arith.mulf %get3A_455, %gather3A_406 : vector<16xf32>
          %swap3A_457 = arith.index_cast %add3A_410 : i32 to index
          %swap3A_458 = arith.constant 96 : index
          %swap3A_459 = tpu.vector_load %arg11[%swap3A_457, %swap3A_458] {strides = array<i32>} : memref<128x128xf32, #tpu.memory_space<vmem>>, vector<16xf32>,
          tpu.vector_store %arg11[%swap3A_457, %swap3A_458], %mul3A_456 {strides = array<i32>} : memref<128x128xf32, #tpu.memory_space<vmem>>, vector<16xf32>,
          %get3A_460 = arith.index_cast %add3A_410 : i32 to index
          %get3A_461 = arith.constant 112 : index
          %get3A_462 = tpu.vector_load %arg11[%get3A_460, %get3A_461] {strides = array<i32>} : memref<128x128xf32, #tpu.memory_space<vmem>>, vector<16xf32>,
          %mul3A_463 = arith.mulf %get3A_462, %gather3A_406 : vector<16xf32>
          %swap3A_464 = arith.index_cast %add3A_410 : i32 to index
          %swap3A_465 = arith.constant 112 : index
          %swap3A_466 = tpu.vector_load %arg11[%swap3A_464, %swap3A_465] {strides = array<i32>} : memref<128x128xf32, #tpu.memory_space<vmem>>, vector<16xf32>,
          tpu.vector_store %arg11[%swap3A_464, %swap3A_465], %mul3A_463 {strides = array<i32>} : memref<128x128xf32, #tpu.memory_space<vmem>>, vector<16xf32>,
          %broadcast_in_dim3A_467 = arith.constant 4 : i32
          %broadcast_in_dim3A_468 = vector.broadcast %broadcast_in_dim3A_467 : i32 to vector<16x1xi32>
          %gather3A_469 = vector.shape_cast %broadcast_in_dim3A_468 : vector<16x1xi32> to vector<16xi32>
          %gather3A_470 = tpu.dynamic_gather %get3A_212[%gather3A_469] in [0] : vector<16xf32>, vector<16xi32> -> vector<16xf32>
          %mul3A_471 = arith.constant 16 : i32
          %mul3A_472 = arith.muli %scan3A_208, %mul3A_471 : i32
          %add3A_473 = arith.constant 4 : i32
          %add3A_474 = arith.addi %mul3A_472, %add3A_473 : i32
          %get3A_475 = arith.index_cast %add3A_474 : i32 to index
          %get3A_476 = arith.constant 0 : index
          %get3A_477 = tpu.vector_load %arg11[%get3A_475, %get3A_476] {strides = array<i32>} : memref<128x128xf32, #tpu.memory_space<vmem>>, vector<16xf32>,
          %mul3A_478 = arith.mulf %get3A_477, %gather3A_470 : vector<16xf32>
          %swap3A_479 = arith.index_cast %add3A_474 : i32 to index
          %swap3A_480 = arith.constant 0 : index
          %swap3A_481 = tpu.vector_load %arg11[%swap3A_479, %swap3A_480] {strides = array<i32>} : memref<128x128xf32, #tpu.memory_space<vmem>>, vector<16xf32>,
          tpu.vector_store %arg11[%swap3A_479, %swap3A_480], %mul3A_478 {strides = array<i32>} : memref<128x128xf32, #tpu.memory_space<vmem>>, vector<16xf32>,
          %get3A_482 = arith.index_cast %add3A_474 : i32 to index
          %get3A_483 = arith.constant 16 : index
          %get3A_484 = tpu.vector_load %arg11[%get3A_482, %get3A_483] {strides = array<i32>} : memref<128x128xf32, #tpu.memory_space<vmem>>, vector<16xf32>,
          %mul3A_485 = arith.mulf %get3A_484, %gather3A_470 : vector<16xf32>
          %swap3A_486 = arith.index_cast %add3A_474 : i32 to index
          %swap3A_487 = arith.constant 16 : index
          %swap3A_488 = tpu.vector_load %arg11[%swap3A_486, %swap3A_487] {strides = array<i32>} : memref<128x128xf32, #tpu.memory_space<vmem>>, vector<16xf32>,
          tpu.vector_store %arg11[%swap3A_486, %swap3A_487], %mul3A_485 {strides = array<i32>} : memref<128x128xf32, #tpu.memory_space<vmem>>, vector<16xf32>,
          %get3A_489 = arith.index_cast %add3A_474 : i32 to index
          %get3A_490 = arith.constant 32 : index
          %get3A_491 = tpu.vector_load %arg11[%get3A_489, %get3A_490] {strides = array<i32>} : memref<128x128xf32, #tpu.memory_space<vmem>>, vector<16xf32>,
          %mul3A_492 = arith.mulf %get3A_491, %gather3A_470 : vector<16xf32>
          %swap3A_493 = arith.index_cast %add3A_474 : i32 to index
          %swap3A_494 = arith.constant 32 : index
          %swap3A_495 = tpu.vector_load %arg11[%swap3A_493, %swap3A_494] {strides = array<i32>} : memref<128x128xf32, #tpu.memory_space<vmem>>, vector<16xf32>,
          tpu.vector_store %arg11[%swap3A_493, %swap3A_494], %mul3A_492 {strides = array<i32>} : memref<128x128xf32, #tpu.memory_space<vmem>>, vector<16xf32>,
          %get3A_496 = arith.index_cast %add3A_474 : i32 to index
          %get3A_497 = arith.constant 48 : index
          %get3A_498 = tpu.vector_load %arg11[%get3A_496, %get3A_497] {strides = array<i32>} : memref<128x128xf32, #tpu.memory_space<vmem>>, vector<16xf32>,
          %mul3A_499 = arith.mulf %get3A_498, %gather3A_470 : vector<16xf32>
          %swap3A_500 = arith.index_cast %add3A_474 : i32 to index
          %swap3A_501 = arith.constant 48 : index
          %swap3A_502 = tpu.vector_load %arg11[%swap3A_500, %swap3A_501] {strides = array<i32>} : memref<128x128xf32, #tpu.memory_space<vmem>>, vector<16xf32>,
          tpu.vector_store %arg11[%swap3A_500, %swap3A_501], %mul3A_499 {strides = array<i32>} : memref<128x128xf32, #tpu.memory_space<vmem>>, vector<16xf32>,
          %get3A_503 = arith.index_cast %add3A_474 : i32 to index
          %get3A_504 = arith.constant 64 : index
          %get3A_505 = tpu.vector_load %arg11[%get3A_503, %get3A_504] {strides = array<i32>} : memref<128x128xf32, #tpu.memory_space<vmem>>, vector<16xf32>,
          %mul3A_506 = arith.mulf %get3A_505, %gather3A_470 : vector<16xf32>
          %swap3A_507 = arith.index_cast %add3A_474 : i32 to index
          %swap3A_508 = arith.constant 64 : index
          %swap3A_509 = tpu.vector_load %arg11[%swap3A_507, %swap3A_508] {strides = array<i32>} : memref<128x128xf32, #tpu.memory_space<vmem>>, vector<16xf32>,
          tpu.vector_store %arg11[%swap3A_507, %swap3A_508], %mul3A_506 {strides = array<i32>} : memref<128x128xf32, #tpu.memory_space<vmem>>, vector<16xf32>,
          %get3A_510 = arith.index_cast %add3A_474 : i32 to index
          %get3A_511 = arith.constant 80 : index
          %get3A_512 = tpu.vector_load %arg11[%get3A_510, %get3A_511] {strides = array<i32>} : memref<128x128xf32, #tpu.memory_space<vmem>>, vector<16xf32>,
          %mul3A_513 = arith.mulf %get3A_512, %gather3A_470 : vector<16xf32>
          %swap3A_514 = arith.index_cast %add3A_474 : i32 to index
          %swap3A_515 = arith.constant 80 : index
          %swap3A_516 = tpu.vector_load %arg11[%swap3A_514, %swap3A_515] {strides = array<i32>} : memref<128x128xf32, #tpu.memory_space<vmem>>, vector<16xf32>,
          tpu.vector_store %arg11[%swap3A_514, %swap3A_515], %mul3A_513 {strides = array<i32>} : memref<128x128xf32, #tpu.memory_space<vmem>>, vector<16xf32>,
          %get3A_517 = arith.index_cast %add3A_474 : i32 to index
          %get3A_518 = arith.constant 96 : index
          %get3A_519 = tpu.vector_load %arg11[%get3A_517, %get3A_518] {strides = array<i32>} : memref<128x128xf32, #tpu.memory_space<vmem>>, vector<16xf32>,
          %mul3A_520 = arith.mulf %get3A_519, %gather3A_470 : vector<16xf32>
          %swap3A_521 = arith.index_cast %add3A_474 : i32 to index
          %swap3A_522 = arith.constant 96 : index
          %swap3A_523 = tpu.vector_load %arg11[%swap3A_521, %swap3A_522] {strides = array<i32>} : memref<128x128xf32, #tpu.memory_space<vmem>>, vector<16xf32>,
          tpu.vector_store %arg11[%swap3A_521, %swap3A_522], %mul3A_520 {strides = array<i32>} : memref<128x128xf32, #tpu.memory_space<vmem>>, vector<16xf32>,
          %get3A_524 = arith.index_cast %add3A_474 : i32 to index
          %get3A_525 = arith.constant 112 : index
          %get3A_526 = tpu.vector_load %arg11[%get3A_524, %get3A_525] {strides = array<i32>} : memref<128x128xf32, #tpu.memory_space<vmem>>, vector<16xf32>,
          %mul3A_527 = arith.mulf %get3A_526, %gather3A_470 : vector<16xf32>
          %swap3A_528 = arith.index_cast %add3A_474 : i32 to index
          %swap3A_529 = arith.constant 112 : index
          %swap3A_530 = tpu.vector_load %arg11[%swap3A_528, %swap3A_529] {strides = array<i32>} : memref<128x128xf32, #tpu.memory_space<vmem>>, vector<16xf32>,
          tpu.vector_store %arg11[%swap3A_528, %swap3A_529], %mul3A_527 {strides = array<i32>} : memref<128x128xf32, #tpu.memory_space<vmem>>, vector<16xf32>,
          %broadcast_in_dim3A_531 = arith.constant 5 : i32
          %broadcast_in_dim3A_532 = vector.broadcast %broadcast_in_dim3A_531 : i32 to vector<16x1xi32>
          %gather3A_533 = vector.shape_cast %broadcast_in_dim3A_532 : vector<16x1xi32> to vector<16xi32>
          %gather3A_534 = tpu.dynamic_gather %get3A_212[%gather3A_533] in [0] : vector<16xf32>, vector<16xi32> -> vector<16xf32>
          %mul3A_535 = arith.constant 16 : i32
          %mul3A_536 = arith.muli %scan3A_208, %mul3A_535 : i32
          %add3A_537 = arith.constant 5 : i32
          %add3A_538 = arith.addi %mul3A_536, %add3A_537 : i32
          %get3A_539 = arith.index_cast %add3A_538 : i32 to index
          %get3A_540 = arith.constant 0 : index
          %get3A_541 = tpu.vector_load %arg11[%get3A_539, %get3A_540] {strides = array<i32>} : memref<128x128xf32, #tpu.memory_space<vmem>>, vector<16xf32>,
          %mul3A_542 = arith.mulf %get3A_541, %gather3A_534 : vector<16xf32>
          %swap3A_543 = arith.index_cast %add3A_538 : i32 to index
          %swap3A_544 = arith.constant 0 : index
          %swap3A_545 = tpu.vector_load %arg11[%swap3A_543, %swap3A_544] {strides = array<i32>} : memref<128x128xf32, #tpu.memory_space<vmem>>, vector<16xf32>,
          tpu.vector_store %arg11[%swap3A_543, %swap3A_544], %mul3A_542 {strides = array<i32>} : memref<128x128xf32, #tpu.memory_space<vmem>>, vector<16xf32>,
          %get3A_546 = arith.index_cast %add3A_538 : i32 to index
          %get3A_547 = arith.constant 16 : index
          %get3A_548 = tpu.vector_load %arg11[%get3A_546, %get3A_547] {strides = array<i32>} : memref<128x128xf32, #tpu.memory_space<vmem>>, vector<16xf32>,
          %mul3A_549 = arith.mulf %get3A_548, %gather3A_534 : vector<16xf32>
          %swap3A_550 = arith.index_cast %add3A_538 : i32 to index
          %swap3A_551 = arith.constant 16 : index
          %swap3A_552 = tpu.vector_load %arg11[%swap3A_550, %swap3A_551] {strides = array<i32>} : memref<128x128xf32, #tpu.memory_space<vmem>>, vector<16xf32>,
          tpu.vector_store %arg11[%swap3A_550, %swap3A_551], %mul3A_549 {strides = array<i32>} : memref<128x128xf32, #tpu.memory_space<vmem>>, vector<16xf32>,
          %get3A_553 = arith.index_cast %add3A_538 : i32 to index
          %get3A_554 = arith.constant 32 : index
          %get3A_555 = tpu.vector_load %arg11[%get3A_553, %get3A_554] {strides = array<i32>} : memref<128x128xf32, #tpu.memory_space<vmem>>, vector<16xf32>,
          %mul3A_556 = arith.mulf %get3A_555, %gather3A_534 : vector<16xf32>
          %swap3A_557 = arith.index_cast %add3A_538 : i32 to index
          %swap3A_558 = arith.constant 32 : index
          %swap3A_559 = tpu.vector_load %arg11[%swap3A_557, %swap3A_558] {strides = array<i32>} : memref<128x128xf32, #tpu.memory_space<vmem>>, vector<16xf32>,
          tpu.vector_store %arg11[%swap3A_557, %swap3A_558], %mul3A_556 {strides = array<i32>} : memref<128x128xf32, #tpu.memory_space<vmem>>, vector<16xf32>,
          %get3A_560 = arith.index_cast %add3A_538 : i32 to index
          %get3A_561 = arith.constant 48 : index
          %get3A_562 = tpu.vector_load %arg11[%get3A_560, %get3A_561] {strides = array<i32>} : memref<128x128xf32, #tpu.memory_space<vmem>>, vector<16xf32>,
          %mul3A_563 = arith.mulf %get3A_562, %gather3A_534 : vector<16xf32>
          %swap3A_564 = arith.index_cast %add3A_538 : i32 to index
          %swap3A_565 = arith.constant 48 : index
          %swap3A_566 = tpu.vector_load %arg11[%swap3A_564, %swap3A_565] {strides = array<i32>} : memref<128x128xf32, #tpu.memory_space<vmem>>, vector<16xf32>,
          tpu.vector_store %arg11[%swap3A_564, %swap3A_565], %mul3A_563 {strides = array<i32>} : memref<128x128xf32, #tpu.memory_space<vmem>>, vector<16xf32>,
          %get3A_567 = arith.index_cast %add3A_538 : i32 to index
          %get3A_568 = arith.constant 64 : index
          %get3A_569 = tpu.vector_load %arg11[%get3A_567, %get3A_568] {strides = array<i32>} : memref<128x128xf32, #tpu.memory_space<vmem>>, vector<16xf32>,
          %mul3A_570 = arith.mulf %get3A_569, %gather3A_534 : vector<16xf32>
          %swap3A_571 = arith.index_cast %add3A_538 : i32 to index
          %swap3A_572 = arith.constant 64 : index
          %swap3A_573 = tpu.vector_load %arg11[%swap3A_571, %swap3A_572] {strides = array<i32>} : memref<128x128xf32, #tpu.memory_space<vmem>>, vector<16xf32>,
          tpu.vector_store %arg11[%swap3A_571, %swap3A_572], %mul3A_570 {strides = array<i32>} : memref<128x128xf32, #tpu.memory_space<vmem>>, vector<16xf32>,
          %get3A_574 = arith.index_cast %add3A_538 : i32 to index
          %get3A_575 = arith.constant 80 : index
          %get3A_576 = tpu.vector_load %arg11[%get3A_574, %get3A_575] {strides = array<i32>} : memref<128x128xf32, #tpu.memory_space<vmem>>, vector<16xf32>,
          %mul3A_577 = arith.mulf %get3A_576, %gather3A_534 : vector<16xf32>
          %swap3A_578 = arith.index_cast %add3A_538 : i32 to index
          %swap3A_579 = arith.constant 80 : index
          %swap3A_580 = tpu.vector_load %arg11[%swap3A_578, %swap3A_579] {strides = array<i32>} : memref<128x128xf32, #tpu.memory_space<vmem>>, vector<16xf32>,
          tpu.vector_store %arg11[%swap3A_578, %swap3A_579], %mul3A_577 {strides = array<i32>} : memref<128x128xf32, #tpu.memory_space<vmem>>, vector<16xf32>,
          %get3A_581 = arith.index_cast %add3A_538 : i32 to index
          %get3A_582 = arith.constant 96 : index
          %get3A_583 = tpu.vector_load %arg11[%get3A_581, %get3A_582] {strides = array<i32>} : memref<128x128xf32, #tpu.memory_space<vmem>>, vector<16xf32>,
          %mul3A_584 = arith.mulf %get3A_583, %gather3A_534 : vector<16xf32>
          %swap3A_585 = arith.index_cast %add3A_538 : i32 to index
          %swap3A_586 = arith.constant 96 : index
          %swap3A_587 = tpu.vector_load %arg11[%swap3A_585, %swap3A_586] {strides = array<i32>} : memref<128x128xf32, #tpu.memory_space<vmem>>, vector<16xf32>,
          tpu.vector_store %arg11[%swap3A_585, %swap3A_586], %mul3A_584 {strides = array<i32>} : memref<128x128xf32, #tpu.memory_space<vmem>>, vector<16xf32>,
          %get3A_588 = arith.index_cast %add3A_538 : i32 to index
          %get3A_589 = arith.constant 112 : index
          %get3A_590 = tpu.vector_load %arg11[%get3A_588, %get3A_589] {strides = array<i32>} : memref<128x128xf32, #tpu.memory_space<vmem>>, vector<16xf32>,
          %mul3A_591 = arith.mulf %get3A_590, %gather3A_534 : vector<16xf32>
          %swap3A_592 = arith.index_cast %add3A_538 : i32 to index
          %swap3A_593 = arith.constant 112 : index
          %swap3A_594 = tpu.vector_load %arg11[%swap3A_592, %swap3A_593] {strides = array<i32>} : memref<128x128xf32, #tpu.memory_space<vmem>>, vector<16xf32>,
          tpu.vector_store %arg11[%swap3A_592, %swap3A_593], %mul3A_591 {strides = array<i32>} : memref<128x128xf32, #tpu.memory_space<vmem>>, vector<16xf32>,
          %broadcast_in_dim3A_595 = arith.constant 6 : i32
          %broadcast_in_dim3A_596 = vector.broadcast %broadcast_in_dim3A_595 : i32 to vector<16x1xi32>
          %gather3A_597 = vector.shape_cast %broadcast_in_dim3A_596 : vector<16x1xi32> to vector<16xi32>
          %gather3A_598 = tpu.dynamic_gather %get3A_212[%gather3A_597] in [0] : vector<16xf32>, vector<16xi32> -> vector<16xf32>
          %mul3A_599 = arith.constant 16 : i32
          %mul3A_600 = arith.muli %scan3A_208, %mul3A_599 : i32
          %add3A_601 = arith.constant 6 : i32
          %add3A_602 = arith.addi %mul3A_600, %add3A_601 : i32
          %get3A_603 = arith.index_cast %add3A_602 : i32 to index
          %get3A_604 = arith.constant 0 : index
          %get3A_605 = tpu.vector_load %arg11[%get3A_603, %get3A_604] {strides = array<i32>} : memref<128x128xf32, #tpu.memory_space<vmem>>, vector<16xf32>,
          %mul3A_606 = arith.mulf %get3A_605, %gather3A_598 : vector<16xf32>
          %swap3A_607 = arith.index_cast %add3A_602 : i32 to index
          %swap3A_608 = arith.constant 0 : index
          %swap3A_609 = tpu.vector_load %arg11[%swap3A_607, %swap3A_608] {strides = array<i32>} : memref<128x128xf32, #tpu.memory_space<vmem>>, vector<16xf32>,
          tpu.vector_store %arg11[%swap3A_607, %swap3A_608], %mul3A_606 {strides = array<i32>} : memref<128x128xf32, #tpu.memory_space<vmem>>, vector<16xf32>,
          %get3A_610 = arith.index_cast %add3A_602 : i32 to index
          %get3A_611 = arith.constant 16 : index
          %get3A_612 = tpu.vector_load %arg11[%get3A_610, %get3A_611] {strides = array<i32>} : memref<128x128xf32, #tpu.memory_space<vmem>>, vector<16xf32>,
          %mul3A_613 = arith.mulf %get3A_612, %gather3A_598 : vector<16xf32>
          %swap3A_614 = arith.index_cast %add3A_602 : i32 to index
          %swap3A_615 = arith.constant 16 : index
          %swap3A_616 = tpu.vector_load %arg11[%swap3A_614, %swap3A_615] {strides = array<i32>} : memref<128x128xf32, #tpu.memory_space<vmem>>, vector<16xf32>,
          tpu.vector_store %arg11[%swap3A_614, %swap3A_615], %mul3A_613 {strides = array<i32>} : memref<128x128xf32, #tpu.memory_space<vmem>>, vector<16xf32>,
          %get3A_617 = arith.index_cast %add3A_602 : i32 to index
          %get3A_618 = arith.constant 32 : index
          %get3A_619 = tpu.vector_load %arg11[%get3A_617, %get3A_618] {strides = array<i32>} : memref<128x128xf32, #tpu.memory_space<vmem>>, vector<16xf32>,
          %mul3A_620 = arith.mulf %get3A_619, %gather3A_598 : vector<16xf32>
          %swap3A_621 = arith.index_cast %add3A_602 : i32 to index
          %swap3A_622 = arith.constant 32 : index
          %swap3A_623 = tpu.vector_load %arg11[%swap3A_621, %swap3A_622] {strides = array<i32>} : memref<128x128xf32, #tpu.memory_space<vmem>>, vector<16xf32>,
          tpu.vector_store %arg11[%swap3A_621, %swap3A_622], %mul3A_620 {strides = array<i32>} : memref<128x128xf32, #tpu.memory_space<vmem>>, vector<16xf32>,
          %get3A_624 = arith.index_cast %add3A_602 : i32 to index
          %get3A_625 = arith.constant 48 : index
          %get3A_626 = tpu.vector_load %arg11[%get3A_624, %get3A_625] {strides = array<i32>} : memref<128x128xf32, #tpu.memory_space<vmem>>, vector<16xf32>,
          %mul3A_627 = arith.mulf %get3A_626, %gather3A_598 : vector<16xf32>
          %swap3A_628 = arith.index_cast %add3A_602 : i32 to index
          %swap3A_629 = arith.constant 48 : index
          %swap3A_630 = tpu.vector_load %arg11[%swap3A_628, %swap3A_629] {strides = array<i32>} : memref<128x128xf32, #tpu.memory_space<vmem>>, vector<16xf32>,
          tpu.vector_store %arg11[%swap3A_628, %swap3A_629], %mul3A_627 {strides = array<i32>} : memref<128x128xf32, #tpu.memory_space<vmem>>, vector<16xf32>,
          %get3A_631 = arith.index_cast %add3A_602 : i32 to index
          %get3A_632 = arith.constant 64 : index
          %get3A_633 = tpu.vector_load %arg11[%get3A_631, %get3A_632] {strides = array<i32>} : memref<128x128xf32, #tpu.memory_space<vmem>>, vector<16xf32>,
          %mul3A_634 = arith.mulf %get3A_633, %gather3A_598 : vector<16xf32>
          %swap3A_635 = arith.index_cast %add3A_602 : i32 to index
          %swap3A_636 = arith.constant 64 : index
          %swap3A_637 = tpu.vector_load %arg11[%swap3A_635, %swap3A_636] {strides = array<i32>} : memref<128x128xf32, #tpu.memory_space<vmem>>, vector<16xf32>,
          tpu.vector_store %arg11[%swap3A_635, %swap3A_636], %mul3A_634 {strides = array<i32>} : memref<128x128xf32, #tpu.memory_space<vmem>>, vector<16xf32>,
          %get3A_638 = arith.index_cast %add3A_602 : i32 to index
          %get3A_639 = arith.constant 80 : index
          %get3A_640 = tpu.vector_load %arg11[%get3A_638, %get3A_639] {strides = array<i32>} : memref<128x128xf32, #tpu.memory_space<vmem>>, vector<16xf32>,
          %mul3A_641 = arith.mulf %get3A_640, %gather3A_598 : vector<16xf32>
          %swap3A_642 = arith.index_cast %add3A_602 : i32 to index
          %swap3A_643 = arith.constant 80 : index
          %swap3A_644 = tpu.vector_load %arg11[%swap3A_642, %swap3A_643] {strides = array<i32>} : memref<128x128xf32, #tpu.memory_space<vmem>>, vector<16xf32>,
          tpu.vector_store %arg11[%swap3A_642, %swap3A_643], %mul3A_641 {strides = array<i32>} : memref<128x128xf32, #tpu.memory_space<vmem>>, vector<16xf32>,
          %get3A_645 = arith.index_cast %add3A_602 : i32 to index
          %get3A_646 = arith.constant 96 : index
          %get3A_647 = tpu.vector_load %arg11[%get3A_645, %get3A_646] {strides = array<i32>} : memref<128x128xf32, #tpu.memory_space<vmem>>, vector<16xf32>,
          %mul3A_648 = arith.mulf %get3A_647, %gather3A_598 : vector<16xf32>
          %swap3A_649 = arith.index_cast %add3A_602 : i32 to index
          %swap3A_650 = arith.constant 96 : index
          %swap3A_651 = tpu.vector_load %arg11[%swap3A_649, %swap3A_650] {strides = array<i32>} : memref<128x128xf32, #tpu.memory_space<vmem>>, vector<16xf32>,
          tpu.vector_store %arg11[%swap3A_649, %swap3A_650], %mul3A_648 {strides = array<i32>} : memref<128x128xf32, #tpu.memory_space<vmem>>, vector<16xf32>,
          %get3A_652 = arith.index_cast %add3A_602 : i32 to index
          %get3A_653 = arith.constant 112 : index
          %get3A_654 = tpu.vector_load %arg11[%get3A_652, %get3A_653] {strides = array<i32>} : memref<128x128xf32, #tpu.memory_space<vmem>>, vector<16xf32>,
          %mul3A_655 = arith.mulf %get3A_654, %gather3A_598 : vector<16xf32>
          %swap3A_656 = arith.index_cast %add3A_602 : i32 to index
          %swap3A_657 = arith.constant 112 : index
          %swap3A_658 = tpu.vector_load %arg11[%swap3A_656, %swap3A_657] {strides = array<i32>} : memref<128x128xf32, #tpu.memory_space<vmem>>, vector<16xf32>,
          tpu.vector_store %arg11[%swap3A_656, %swap3A_657], %mul3A_655 {strides = array<i32>} : memref<128x128xf32, #tpu.memory_space<vmem>>, vector<16xf32>,
          %broadcast_in_dim3A_659 = arith.constant 7 : i32
          %broadcast_in_dim3A_660 = vector.broadcast %broadcast_in_dim3A_659 : i32 to vector<16x1xi32>
          %gather3A_661 = vector.shape_cast %broadcast_in_dim3A_660 : vector<16x1xi32> to vector<16xi32>
          %gather3A_662 = tpu.dynamic_gather %get3A_212[%gather3A_661] in [0] : vector<16xf32>, vector<16xi32> -> vector<16xf32>
          %mul3A_663 = arith.constant 16 : i32
          %mul3A_664 = arith.muli %scan3A_208, %mul3A_663 : i32
          %add3A_665 = arith.constant 7 : i32
          %add3A_666 = arith.addi %mul3A_664, %add3A_665 : i32
          %get3A_667 = arith.index_cast %add3A_666 : i32 to index
          %get3A_668 = arith.constant 0 : index
          %get3A_669 = tpu.vector_load %arg11[%get3A_667, %get3A_668] {strides = array<i32>} : memref<128x128xf32, #tpu.memory_space<vmem>>, vector<16xf32>,
          %mul3A_670 = arith.mulf %get3A_669, %gather3A_662 : vector<16xf32>
          %swap3A_671 = arith.index_cast %add3A_666 : i32 to index
          %swap3A_672 = arith.constant 0 : index
          %swap3A_673 = tpu.vector_load %arg11[%swap3A_671, %swap3A_672] {strides = array<i32>} : memref<128x128xf32, #tpu.memory_space<vmem>>, vector<16xf32>,
          tpu.vector_store %arg11[%swap3A_671, %swap3A_672], %mul3A_670 {strides = array<i32>} : memref<128x128xf32, #tpu.memory_space<vmem>>, vector<16xf32>,
          %get3A_674 = arith.index_cast %add3A_666 : i32 to index
          %get3A_675 = arith.constant 16 : index
          %get3A_676 = tpu.vector_load %arg11[%get3A_674, %get3A_675] {strides = array<i32>} : memref<128x128xf32, #tpu.memory_space<vmem>>, vector<16xf32>,
          %mul3A_677 = arith.mulf %get3A_676, %gather3A_662 : vector<16xf32>
          %swap3A_678 = arith.index_cast %add3A_666 : i32 to index
          %swap3A_679 = arith.constant 16 : index
          %swap3A_680 = tpu.vector_load %arg11[%swap3A_678, %swap3A_679] {strides = array<i32>} : memref<128x128xf32, #tpu.memory_space<vmem>>, vector<16xf32>,
          tpu.vector_store %arg11[%swap3A_678, %swap3A_679], %mul3A_677 {strides = array<i32>} : memref<128x128xf32, #tpu.memory_space<vmem>>, vector<16xf32>,
          %get3A_681 = arith.index_cast %add3A_666 : i32 to index
          %get3A_682 = arith.constant 32 : index
          %get3A_683 = tpu.vector_load %arg11[%get3A_681, %get3A_682] {strides = array<i32>} : memref<128x128xf32, #tpu.memory_space<vmem>>, vector<16xf32>,
          %mul3A_684 = arith.mulf %get3A_683, %gather3A_662 : vector<16xf32>
          %swap3A_685 = arith.index_cast %add3A_666 : i32 to index
          %swap3A_686 = arith.constant 32 : index
          %swap3A_687 = tpu.vector_load %arg11[%swap3A_685, %swap3A_686] {strides = array<i32>} : memref<128x128xf32, #tpu.memory_space<vmem>>, vector<16xf32>,
          tpu.vector_store %arg11[%swap3A_685, %swap3A_686], %mul3A_684 {strides = array<i32>} : memref<128x128xf32, #tpu.memory_space<vmem>>, vector<16xf32>,
          %get3A_688 = arith.index_cast %add3A_666 : i32 to index
          %get3A_689 = arith.constant 48 : index
          %get3A_690 = tpu.vector_load %arg11[%get3A_688, %get3A_689] {strides = array<i32>} : memref<128x128xf32, #tpu.memory_space<vmem>>, vector<16xf32>,
          %mul3A_691 = arith.mulf %get3A_690, %gather3A_662 : vector<16xf32>
          %swap3A_692 = arith.index_cast %add3A_666 : i32 to index
          %swap3A_693 = arith.constant 48 : index
          %swap3A_694 = tpu.vector_load %arg11[%swap3A_692, %swap3A_693] {strides = array<i32>} : memref<128x128xf32, #tpu.memory_space<vmem>>, vector<16xf32>,
          tpu.vector_store %arg11[%swap3A_692, %swap3A_693], %mul3A_691 {strides = array<i32>} : memref<128x128xf32, #tpu.memory_space<vmem>>, vector<16xf32>,
          %get3A_695 = arith.index_cast %add3A_666 : i32 to index
          %get3A_696 = arith.constant 64 : index
          %get3A_697 = tpu.vector_load %arg11[%get3A_695, %get3A_696] {strides = array<i32>} : memref<128x128xf32, #tpu.memory_space<vmem>>, vector<16xf32>,
          %mul3A_698 = arith.mulf %get3A_697, %gather3A_662 : vector<16xf32>
          %swap3A_699 = arith.index_cast %add3A_666 : i32 to index
          %swap3A_700 = arith.constant 64 : index
          %swap3A_701 = tpu.vector_load %arg11[%swap3A_699, %swap3A_700] {strides = array<i32>} : memref<128x128xf32, #tpu.memory_space<vmem>>, vector<16xf32>,
          tpu.vector_store %arg11[%swap3A_699, %swap3A_700], %mul3A_698 {strides = array<i32>} : memref<128x128xf32, #tpu.memory_space<vmem>>, vector<16xf32>,
          %get3A_702 = arith.index_cast %add3A_666 : i32 to index
          %get3A_703 = arith.constant 80 : index
          %get3A_704 = tpu.vector_load %arg11[%get3A_702, %get3A_703] {strides = array<i32>} : memref<128x128xf32, #tpu.memory_space<vmem>>, vector<16xf32>,
          %mul3A_705 = arith.mulf %get3A_704, %gather3A_662 : vector<16xf32>
          %swap3A_706 = arith.index_cast %add3A_666 : i32 to index
          %swap3A_707 = arith.constant 80 : index
          %swap3A_708 = tpu.vector_load %arg11[%swap3A_706, %swap3A_707] {strides = array<i32>} : memref<128x128xf32, #tpu.memory_space<vmem>>, vector<16xf32>,
          tpu.vector_store %arg11[%swap3A_706, %swap3A_707], %mul3A_705 {strides = array<i32>} : memref<128x128xf32, #tpu.memory_space<vmem>>, vector<16xf32>,
          %get3A_709 = arith.index_cast %add3A_666 : i32 to index
          %get3A_710 = arith.constant 96 : index
          %get3A_711 = tpu.vector_load %arg11[%get3A_709, %get3A_710] {strides = array<i32>} : memref<128x128xf32, #tpu.memory_space<vmem>>, vector<16xf32>,
          %mul3A_712 = arith.mulf %get3A_711, %gather3A_662 : vector<16xf32>
          %swap3A_713 = arith.index_cast %add3A_666 : i32 to index
          %swap3A_714 = arith.constant 96 : index
          %swap3A_715 = tpu.vector_load %arg11[%swap3A_713, %swap3A_714] {strides = array<i32>} : memref<128x128xf32, #tpu.memory_space<vmem>>, vector<16xf32>,
          tpu.vector_store %arg11[%swap3A_713, %swap3A_714], %mul3A_712 {strides = array<i32>} : memref<128x128xf32, #tpu.memory_space<vmem>>, vector<16xf32>,
          %get3A_716 = arith.index_cast %add3A_666 : i32 to index
          %get3A_717 = arith.constant 112 : index
          %get3A_718 = tpu.vector_load %arg11[%get3A_716, %get3A_717] {strides = array<i32>} : memref<128x128xf32, #tpu.memory_space<vmem>>, vector<16xf32>,
          %mul3A_719 = arith.mulf %get3A_718, %gather3A_662 : vector<16xf32>
          %swap3A_720 = arith.index_cast %add3A_666 : i32 to index
          %swap3A_721 = arith.constant 112 : index
          %swap3A_722 = tpu.vector_load %arg11[%swap3A_720, %swap3A_721] {strides = array<i32>} : memref<128x128xf32, #tpu.memory_space<vmem>>, vector<16xf32>,
          tpu.vector_store %arg11[%swap3A_720, %swap3A_721], %mul3A_719 {strides = array<i32>} : memref<128x128xf32, #tpu.memory_space<vmem>>, vector<16xf32>,
          %broadcast_in_dim3A_723 = arith.constant 8 : i32
          %broadcast_in_dim3A_724 = vector.broadcast %broadcast_in_dim3A_723 : i32 to vector<16x1xi32>
          %gather3A_725 = vector.shape_cast %broadcast_in_dim3A_724 : vector<16x1xi32> to vector<16xi32>
          %gather3A_726 = tpu.dynamic_gather %get3A_212[%gather3A_725] in [0] : vector<16xf32>, vector<16xi32> -> vector<16xf32>
          %mul3A_727 = arith.constant 16 : i32
          %mul3A_728 = arith.muli %scan3A_208, %mul3A_727 : i32
          %add3A_729 = arith.constant 8 : i32
          %add3A_730 = arith.addi %mul3A_728, %add3A_729 : i32
          %get3A_731 = arith.index_cast %add3A_730 : i32 to index
          %get3A_732 = arith.constant 0 : index
          %get3A_733 = tpu.vector_load %arg11[%get3A_731, %get3A_732] {strides = array<i32>} : memref<128x128xf32, #tpu.memory_space<vmem>>, vector<16xf32>,
          %mul3A_734 = arith.mulf %get3A_733, %gather3A_726 : vector<16xf32>
          %swap3A_735 = arith.index_cast %add3A_730 : i32 to index
          %swap3A_736 = arith.constant 0 : index
          %swap3A_737 = tpu.vector_load %arg11[%swap3A_735, %swap3A_736] {strides = array<i32>} : memref<128x128xf32, #tpu.memory_space<vmem>>, vector<16xf32>,
          tpu.vector_store %arg11[%swap3A_735, %swap3A_736], %mul3A_734 {strides = array<i32>} : memref<128x128xf32, #tpu.memory_space<vmem>>, vector<16xf32>,
          %get3A_738 = arith.index_cast %add3A_730 : i32 to index
          %get3A_739 = arith.constant 16 : index
          %get3A_740 = tpu.vector_load %arg11[%get3A_738, %get3A_739] {strides = array<i32>} : memref<128x128xf32, #tpu.memory_space<vmem>>, vector<16xf32>,
          %mul3A_741 = arith.mulf %get3A_740, %gather3A_726 : vector<16xf32>
          %swap3A_742 = arith.index_cast %add3A_730 : i32 to index
          %swap3A_743 = arith.constant 16 : index
          %swap3A_744 = tpu.vector_load %arg11[%swap3A_742, %swap3A_743] {strides = array<i32>} : memref<128x128xf32, #tpu.memory_space<vmem>>, vector<16xf32>,
          tpu.vector_store %arg11[%swap3A_742, %swap3A_743], %mul3A_741 {strides = array<i32>} : memref<128x128xf32, #tpu.memory_space<vmem>>, vector<16xf32>,
          %get3A_745 = arith.index_cast %add3A_730 : i32 to index
          %get3A_746 = arith.constant 32 : index
          %get3A_747 = tpu.vector_load %arg11[%get3A_745, %get3A_746] {strides = array<i32>} : memref<128x128xf32, #tpu.memory_space<vmem>>, vector<16xf32>,
          %mul3A_748 = arith.mulf %get3A_747, %gather3A_726 : vector<16xf32>
          %swap3A_749 = arith.index_cast %add3A_730 : i32 to index
          %swap3A_750 = arith.constant 32 : index
          %swap3A_751 = tpu.vector_load %arg11[%swap3A_749, %swap3A_750] {strides = array<i32>} : memref<128x128xf32, #tpu.memory_space<vmem>>, vector<16xf32>,
          tpu.vector_store %arg11[%swap3A_749, %swap3A_750], %mul3A_748 {strides = array<i32>} : memref<128x128xf32, #tpu.memory_space<vmem>>, vector<16xf32>,
          %get3A_752 = arith.index_cast %add3A_730 : i32 to index
          %get3A_753 = arith.constant 48 : index
          %get3A_754 = tpu.vector_load %arg11[%get3A_752, %get3A_753] {strides = array<i32>} : memref<128x128xf32, #tpu.memory_space<vmem>>, vector<16xf32>,
          %mul3A_755 = arith.mulf %get3A_754, %gather3A_726 : vector<16xf32>
          %swap3A_756 = arith.index_cast %add3A_730 : i32 to index
          %swap3A_757 = arith.constant 48 : index
          %swap3A_758 = tpu.vector_load %arg11[%swap3A_756, %swap3A_757] {strides = array<i32>} : memref<128x128xf32, #tpu.memory_space<vmem>>, vector<16xf32>,
          tpu.vector_store %arg11[%swap3A_756, %swap3A_757], %mul3A_755 {strides = array<i32>} : memref<128x128xf32, #tpu.memory_space<vmem>>, vector<16xf32>,
          %get3A_759 = arith.index_cast %add3A_730 : i32 to index
          %get3A_760 = arith.constant 64 : index
          %get3A_761 = tpu.vector_load %arg11[%get3A_759, %get3A_760] {strides = array<i32>} : memref<128x128xf32, #tpu.memory_space<vmem>>, vector<16xf32>,
          %mul3A_762 = arith.mulf %get3A_761, %gather3A_726 : vector<16xf32>
          %swap3A_763 = arith.index_cast %add3A_730 : i32 to index
          %swap3A_764 = arith.constant 64 : index
          %swap3A_765 = tpu.vector_load %arg11[%swap3A_763, %swap3A_764] {strides = array<i32>} : memref<128x128xf32, #tpu.memory_space<vmem>>, vector<16xf32>,
          tpu.vector_store %arg11[%swap3A_763, %swap3A_764], %mul3A_762 {strides = array<i32>} : memref<128x128xf32, #tpu.memory_space<vmem>>, vector<16xf32>,
          %get3A_766 = arith.index_cast %add3A_730 : i32 to index
          %get3A_767 = arith.constant 80 : index
          %get3A_768 = tpu.vector_load %arg11[%get3A_766, %get3A_767] {strides = array<i32>} : memref<128x128xf32, #tpu.memory_space<vmem>>, vector<16xf32>,
          %mul3A_769 = arith.mulf %get3A_768, %gather3A_726 : vector<16xf32>
          %swap3A_770 = arith.index_cast %add3A_730 : i32 to index
          %swap3A_771 = arith.constant 80 : index
          %swap3A_772 = tpu.vector_load %arg11[%swap3A_770, %swap3A_771] {strides = array<i32>} : memref<128x128xf32, #tpu.memory_space<vmem>>, vector<16xf32>,
          tpu.vector_store %arg11[%swap3A_770, %swap3A_771], %mul3A_769 {strides = array<i32>} : memref<128x128xf32, #tpu.memory_space<vmem>>, vector<16xf32>,
          %get3A_773 = arith.index_cast %add3A_730 : i32 to index
          %get3A_774 = arith.constant 96 : index
          %get3A_775 = tpu.vector_load %arg11[%get3A_773, %get3A_774] {strides = array<i32>} : memref<128x128xf32, #tpu.memory_space<vmem>>, vector<16xf32>,
          %mul3A_776 = arith.mulf %get3A_775, %gather3A_726 : vector<16xf32>
          %swap3A_777 = arith.index_cast %add3A_730 : i32 to index
          %swap3A_778 = arith.constant 96 : index
          %swap3A_779 = tpu.vector_load %arg11[%swap3A_777, %swap3A_778] {strides = array<i32>} : memref<128x128xf32, #tpu.memory_space<vmem>>, vector<16xf32>,
          tpu.vector_store %arg11[%swap3A_777, %swap3A_778], %mul3A_776 {strides = array<i32>} : memref<128x128xf32, #tpu.memory_space<vmem>>, vector<16xf32>,
          %get3A_780 = arith.index_cast %add3A_730 : i32 to index
          %get3A_781 = arith.constant 112 : index
          %get3A_782 = tpu.vector_load %arg11[%get3A_780, %get3A_781] {strides = array<i32>} : memref<128x128xf32, #tpu.memory_space<vmem>>, vector<16xf32>,
          %mul3A_783 = arith.mulf %get3A_782, %gather3A_726 : vector<16xf32>
          %swap3A_784 = arith.index_cast %add3A_730 : i32 to index
          %swap3A_785 = arith.constant 112 : index
          %swap3A_786 = tpu.vector_load %arg11[%swap3A_784, %swap3A_785] {strides = array<i32>} : memref<128x128xf32, #tpu.memory_space<vmem>>, vector<16xf32>,
          tpu.vector_store %arg11[%swap3A_784, %swap3A_785], %mul3A_783 {strides = array<i32>} : memref<128x128xf32, #tpu.memory_space<vmem>>, vector<16xf32>,
          %broadcast_in_dim3A_787 = arith.constant 9 : i32
          %broadcast_in_dim3A_788 = vector.broadcast %broadcast_in_dim3A_787 : i32 to vector<16x1xi32>
          %gather3A_789 = vector.shape_cast %broadcast_in_dim3A_788 : vector<16x1xi32> to vector<16xi32>
          %gather3A_790 = tpu.dynamic_gather %get3A_212[%gather3A_789] in [0] : vector<16xf32>, vector<16xi32> -> vector<16xf32>
          %mul3A_791 = arith.constant 16 : i32
          %mul3A_792 = arith.muli %scan3A_208, %mul3A_791 : i32
          %add3A_793 = arith.constant 9 : i32
          %add3A_794 = arith.addi %mul3A_792, %add3A_793 : i32
          %get3A_795 = arith.index_cast %add3A_794 : i32 to index
          %get3A_796 = arith.constant 0 : index
          %get3A_797 = tpu.vector_load %arg11[%get3A_795, %get3A_796] {strides = array<i32>} : memref<128x128xf32, #tpu.memory_space<vmem>>, vector<16xf32>,
          %mul3A_798 = arith.mulf %get3A_797, %gather3A_790 : vector<16xf32>
          %swap3A_799 = arith.index_cast %add3A_794 : i32 to index
          %swap3A_800 = arith.constant 0 : index
          %swap3A_801 = tpu.vector_load %arg11[%swap3A_799, %swap3A_800] {strides = array<i32>} : memref<128x128xf32, #tpu.memory_space<vmem>>, vector<16xf32>,
          tpu.vector_store %arg11[%swap3A_799, %swap3A_800], %mul3A_798 {strides = array<i32>} : memref<128x128xf32, #tpu.memory_space<vmem>>, vector<16xf32>,
          %get3A_802 = arith.index_cast %add3A_794 : i32 to index
          %get3A_803 = arith.constant 16 : index
          %get3A_804 = tpu.vector_load %arg11[%get3A_802, %get3A_803] {strides = array<i32>} : memref<128x128xf32, #tpu.memory_space<vmem>>, vector<16xf32>,
          %mul3A_805 = arith.mulf %get3A_804, %gather3A_790 : vector<16xf32>
          %swap3A_806 = arith.index_cast %add3A_794 : i32 to index
          %swap3A_807 = arith.constant 16 : index
          %swap3A_808 = tpu.vector_load %arg11[%swap3A_806, %swap3A_807] {strides = array<i32>} : memref<128x128xf32, #tpu.memory_space<vmem>>, vector<16xf32>,
          tpu.vector_store %arg11[%swap3A_806, %swap3A_807], %mul3A_805 {strides = array<i32>} : memref<128x128xf32, #tpu.memory_space<vmem>>, vector<16xf32>,
          %get3A_809 = arith.index_cast %add3A_794 : i32 to index
          %get3A_810 = arith.constant 32 : index
          %get3A_811 = tpu.vector_load %arg11[%get3A_809, %get3A_810] {strides = array<i32>} : memref<128x128xf32, #tpu.memory_space<vmem>>, vector<16xf32>,
          %mul3A_812 = arith.mulf %get3A_811, %gather3A_790 : vector<16xf32>
          %swap3A_813 = arith.index_cast %add3A_794 : i32 to index
          %swap3A_814 = arith.constant 32 : index
          %swap3A_815 = tpu.vector_load %arg11[%swap3A_813, %swap3A_814] {strides = array<i32>} : memref<128x128xf32, #tpu.memory_space<vmem>>, vector<16xf32>,
          tpu.vector_store %arg11[%swap3A_813, %swap3A_814], %mul3A_812 {strides = array<i32>} : memref<128x128xf32, #tpu.memory_space<vmem>>, vector<16xf32>,
          %get3A_816 = arith.index_cast %add3A_794 : i32 to index
          %get3A_817 = arith.constant 48 : index
          %get3A_818 = tpu.vector_load %arg11[%get3A_816, %get3A_817] {strides = array<i32>} : memref<128x128xf32, #tpu.memory_space<vmem>>, vector<16xf32>,
          %mul3A_819 = arith.mulf %get3A_818, %gather3A_790 : vector<16xf32>
          %swap3A_820 = arith.index_cast %add3A_794 : i32 to index
          %swap3A_821 = arith.constant 48 : index
          %swap3A_822 = tpu.vector_load %arg11[%swap3A_820, %swap3A_821] {strides = array<i32>} : memref<128x128xf32, #tpu.memory_space<vmem>>, vector<16xf32>,
          tpu.vector_store %arg11[%swap3A_820, %swap3A_821], %mul3A_819 {strides = array<i32>} : memref<128x128xf32, #tpu.memory_space<vmem>>, vector<16xf32>,
          %get3A_823 = arith.index_cast %add3A_794 : i32 to index
          %get3A_824 = arith.constant 64 : index
          %get3A_825 = tpu.vector_load %arg11[%get3A_823, %get3A_824] {strides = array<i32>} : memref<128x128xf32, #tpu.memory_space<vmem>>, vector<16xf32>,
          %mul3A_826 = arith.mulf %get3A_825, %gather3A_790 : vector<16xf32>
          %swap3A_827 = arith.index_cast %add3A_794 : i32 to index
          %swap3A_828 = arith.constant 64 : index
          %swap3A_829 = tpu.vector_load %arg11[%swap3A_827, %swap3A_828] {strides = array<i32>} : memref<128x128xf32, #tpu.memory_space<vmem>>, vector<16xf32>,
          tpu.vector_store %arg11[%swap3A_827, %swap3A_828], %mul3A_826 {strides = array<i32>} : memref<128x128xf32, #tpu.memory_space<vmem>>, vector<16xf32>,
          %get3A_830 = arith.index_cast %add3A_794 : i32 to index
          %get3A_831 = arith.constant 80 : index
          %get3A_832 = tpu.vector_load %arg11[%get3A_830, %get3A_831] {strides = array<i32>} : memref<128x128xf32, #tpu.memory_space<vmem>>, vector<16xf32>,
          %mul3A_833 = arith.mulf %get3A_832, %gather3A_790 : vector<16xf32>
          %swap3A_834 = arith.index_cast %add3A_794 : i32 to index
          %swap3A_835 = arith.constant 80 : index
          %swap3A_836 = tpu.vector_load %arg11[%swap3A_834, %swap3A_835] {strides = array<i32>} : memref<128x128xf32, #tpu.memory_space<vmem>>, vector<16xf32>,
          tpu.vector_store %arg11[%swap3A_834, %swap3A_835], %mul3A_833 {strides = array<i32>} : memref<128x128xf32, #tpu.memory_space<vmem>>, vector<16xf32>,
          %get3A_837 = arith.index_cast %add3A_794 : i32 to index
          %get3A_838 = arith.constant 96 : index
          %get3A_839 = tpu.vector_load %arg11[%get3A_837, %get3A_838] {strides = array<i32>} : memref<128x128xf32, #tpu.memory_space<vmem>>, vector<16xf32>,
          %mul3A_840 = arith.mulf %get3A_839, %gather3A_790 : vector<16xf32>
          %swap3A_841 = arith.index_cast %add3A_794 : i32 to index
          %swap3A_842 = arith.constant 96 : index
          %swap3A_843 = tpu.vector_load %arg11[%swap3A_841, %swap3A_842] {strides = array<i32>} : memref<128x128xf32, #tpu.memory_space<vmem>>, vector<16xf32>,
          tpu.vector_store %arg11[%swap3A_841, %swap3A_842], %mul3A_840 {strides = array<i32>} : memref<128x128xf32, #tpu.memory_space<vmem>>, vector<16xf32>,
          %get3A_844 = arith.index_cast %add3A_794 : i32 to index
          %get3A_845 = arith.constant 112 : index
          %get3A_846 = tpu.vector_load %arg11[%get3A_844, %get3A_845] {strides = array<i32>} : memref<128x128xf32, #tpu.memory_space<vmem>>, vector<16xf32>,
          %mul3A_847 = arith.mulf %get3A_846, %gather3A_790 : vector<16xf32>
          %swap3A_848 = arith.index_cast %add3A_794 : i32 to index
          %swap3A_849 = arith.constant 112 : index
          %swap3A_850 = tpu.vector_load %arg11[%swap3A_848, %swap3A_849] {strides = array<i32>} : memref<128x128xf32, #tpu.memory_space<vmem>>, vector<16xf32>,
          tpu.vector_store %arg11[%swap3A_848, %swap3A_849], %mul3A_847 {strides = array<i32>} : memref<128x128xf32, #tpu.memory_space<vmem>>, vector<16xf32>,
          %broadcast_in_dim3A_851 = arith.constant 10 : i32
          %broadcast_in_dim3A_852 = vector.broadcast %broadcast_in_dim3A_851 : i32 to vector<16x1xi32>
          %gather3A_853 = vector.shape_cast %broadcast_in_dim3A_852 : vector<16x1xi32> to vector<16xi32>
          %gather3A_854 = tpu.dynamic_gather %get3A_212[%gather3A_853] in [0] : vector<16xf32>, vector<16xi32> -> vector<16xf32>
          %mul3A_855 = arith.constant 16 : i32
          %mul3A_856 = arith.muli %scan3A_208, %mul3A_855 : i32
          %add3A_857 = arith.constant 10 : i32
          %add3A_858 = arith.addi %mul3A_856, %add3A_857 : i32
          %get3A_859 = arith.index_cast %add3A_858 : i32 to index
          %get3A_860 = arith.constant 0 : index
          %get3A_861 = tpu.vector_load %arg11[%get3A_859, %get3A_860] {strides = array<i32>} : memref<128x128xf32, #tpu.memory_space<vmem>>, vector<16xf32>,
          %mul3A_862 = arith.mulf %get3A_861, %gather3A_854 : vector<16xf32>
          %swap3A_863 = arith.index_cast %add3A_858 : i32 to index
          %swap3A_864 = arith.constant 0 : index
          %swap3A_865 = tpu.vector_load %arg11[%swap3A_863, %swap3A_864] {strides = array<i32>} : memref<128x128xf32, #tpu.memory_space<vmem>>, vector<16xf32>,
          tpu.vector_store %arg11[%swap3A_863, %swap3A_864], %mul3A_862 {strides = array<i32>} : memref<128x128xf32, #tpu.memory_space<vmem>>, vector<16xf32>,
          %get3A_866 = arith.index_cast %add3A_858 : i32 to index
          %get3A_867 = arith.constant 16 : index
          %get3A_868 = tpu.vector_load %arg11[%get3A_866, %get3A_867] {strides = array<i32>} : memref<128x128xf32, #tpu.memory_space<vmem>>, vector<16xf32>,
          %mul3A_869 = arith.mulf %get3A_868, %gather3A_854 : vector<16xf32>
          %swap3A_870 = arith.index_cast %add3A_858 : i32 to index
          %swap3A_871 = arith.constant 16 : index
          %swap3A_872 = tpu.vector_load %arg11[%swap3A_870, %swap3A_871] {strides = array<i32>} : memref<128x128xf32, #tpu.memory_space<vmem>>, vector<16xf32>,
          tpu.vector_store %arg11[%swap3A_870, %swap3A_871], %mul3A_869 {strides = array<i32>} : memref<128x128xf32, #tpu.memory_space<vmem>>, vector<16xf32>,
          %get3A_873 = arith.index_cast %add3A_858 : i32 to index
          %get3A_874 = arith.constant 32 : index
          %get3A_875 = tpu.vector_load %arg11[%get3A_873, %get3A_874] {strides = array<i32>} : memref<128x128xf32, #tpu.memory_space<vmem>>, vector<16xf32>,
          %mul3A_876 = arith.mulf %get3A_875, %gather3A_854 : vector<16xf32>
          %swap3A_877 = arith.index_cast %add3A_858 : i32 to index
          %swap3A_878 = arith.constant 32 : index
          %swap3A_879 = tpu.vector_load %arg11[%swap3A_877, %swap3A_878] {strides = array<i32>} : memref<128x128xf32, #tpu.memory_space<vmem>>, vector<16xf32>,
          tpu.vector_store %arg11[%swap3A_877, %swap3A_878], %mul3A_876 {strides = array<i32>} : memref<128x128xf32, #tpu.memory_space<vmem>>, vector<16xf32>,
          %get3A_880 = arith.index_cast %add3A_858 : i32 to index
          %get3A_881 = arith.constant 48 : index
          %get3A_882 = tpu.vector_load %arg11[%get3A_880, %get3A_881] {strides = array<i32>} : memref<128x128xf32, #tpu.memory_space<vmem>>, vector<16xf32>,
          %mul3A_883 = arith.mulf %get3A_882, %gather3A_854 : vector<16xf32>
          %swap3A_884 = arith.index_cast %add3A_858 : i32 to index
          %swap3A_885 = arith.constant 48 : index
          %swap3A_886 = tpu.vector_load %arg11[%swap3A_884, %swap3A_885] {strides = array<i32>} : memref<128x128xf32, #tpu.memory_space<vmem>>, vector<16xf32>,
          tpu.vector_store %arg11[%swap3A_884, %swap3A_885], %mul3A_883 {strides = array<i32>} : memref<128x128xf32, #tpu.memory_space<vmem>>, vector<16xf32>,
          %get3A_887 = arith.index_cast %add3A_858 : i32 to index
          %get3A_888 = arith.constant 64 : index
          %get3A_889 = tpu.vector_load %arg11[%get3A_887, %get3A_888] {strides = array<i32>} : memref<128x128xf32, #tpu.memory_space<vmem>>, vector<16xf32>,
          %mul3A_890 = arith.mulf %get3A_889, %gather3A_854 : vector<16xf32>
          %swap3A_891 = arith.index_cast %add3A_858 : i32 to index
          %swap3A_892 = arith.constant 64 : index
          %swap3A_893 = tpu.vector_load %arg11[%swap3A_891, %swap3A_892] {strides = array<i32>} : memref<128x128xf32, #tpu.memory_space<vmem>>, vector<16xf32>,
          tpu.vector_store %arg11[%swap3A_891, %swap3A_892], %mul3A_890 {strides = array<i32>} : memref<128x128xf32, #tpu.memory_space<vmem>>, vector<16xf32>,
          %get3A_894 = arith.index_cast %add3A_858 : i32 to index
          %get3A_895 = arith.constant 80 : index
          %get3A_896 = tpu.vector_load %arg11[%get3A_894, %get3A_895] {strides = array<i32>} : memref<128x128xf32, #tpu.memory_space<vmem>>, vector<16xf32>,
          %mul3A_897 = arith.mulf %get3A_896, %gather3A_854 : vector<16xf32>
          %swap3A_898 = arith.index_cast %add3A_858 : i32 to index
          %swap3A_899 = arith.constant 80 : index
          %swap3A_900 = tpu.vector_load %arg11[%swap3A_898, %swap3A_899] {strides = array<i32>} : memref<128x128xf32, #tpu.memory_space<vmem>>, vector<16xf32>,
          tpu.vector_store %arg11[%swap3A_898, %swap3A_899], %mul3A_897 {strides = array<i32>} : memref<128x128xf32, #tpu.memory_space<vmem>>, vector<16xf32>,
          %get3A_901 = arith.index_cast %add3A_858 : i32 to index
          %get3A_902 = arith.constant 96 : index
          %get3A_903 = tpu.vector_load %arg11[%get3A_901, %get3A_902] {strides = array<i32>} : memref<128x128xf32, #tpu.memory_space<vmem>>, vector<16xf32>,
          %mul3A_904 = arith.mulf %get3A_903, %gather3A_854 : vector<16xf32>
          %swap3A_905 = arith.index_cast %add3A_858 : i32 to index
          %swap3A_906 = arith.constant 96 : index
          %swap3A_907 = tpu.vector_load %arg11[%swap3A_905, %swap3A_906] {strides = array<i32>} : memref<128x128xf32, #tpu.memory_space<vmem>>, vector<16xf32>,
          tpu.vector_store %arg11[%swap3A_905, %swap3A_906], %mul3A_904 {strides = array<i32>} : memref<128x128xf32, #tpu.memory_space<vmem>>, vector<16xf32>,
          %get3A_908 = arith.index_cast %add3A_858 : i32 to index
          %get3A_909 = arith.constant 112 : index
          %get3A_910 = tpu.vector_load %arg11[%get3A_908, %get3A_909] {strides = array<i32>} : memref<128x128xf32, #tpu.memory_space<vmem>>, vector<16xf32>,
          %mul3A_911 = arith.mulf %get3A_910, %gather3A_854 : vector<16xf32>
          %swap3A_912 = arith.index_cast %add3A_858 : i32 to index
          %swap3A_913 = arith.constant 112 : index
          %swap3A_914 = tpu.vector_load %arg11[%swap3A_912, %swap3A_913] {strides = array<i32>} : memref<128x128xf32, #tpu.memory_space<vmem>>, vector<16xf32>,
          tpu.vector_store %arg11[%swap3A_912, %swap3A_913], %mul3A_911 {strides = array<i32>} : memref<128x128xf32, #tpu.memory_space<vmem>>, vector<16xf32>,
          %broadcast_in_dim3A_915 = arith.constant 11 : i32
          %broadcast_in_dim3A_916 = vector.broadcast %broadcast_in_dim3A_915 : i32 to vector<16x1xi32>
          %gather3A_917 = vector.shape_cast %broadcast_in_dim3A_916 : vector<16x1xi32> to vector<16xi32>
          %gather3A_918 = tpu.dynamic_gather %get3A_212[%gather3A_917] in [0] : vector<16xf32>, vector<16xi32> -> vector<16xf32>
          %mul3A_919 = arith.constant 16 : i32
          %mul3A_920 = arith.muli %scan3A_208, %mul3A_919 : i32
          %add3A_921 = arith.constant 11 : i32
          %add3A_922 = arith.addi %mul3A_920, %add3A_921 : i32
          %get3A_923 = arith.index_cast %add3A_922 : i32 to index
          %get3A_924 = arith.constant 0 : index
          %get3A_925 = tpu.vector_load %arg11[%get3A_923, %get3A_924] {strides = array<i32>} : memref<128x128xf32, #tpu.memory_space<vmem>>, vector<16xf32>,
          %mul3A_926 = arith.mulf %get3A_925, %gather3A_918 : vector<16xf32>
          %swap3A_927 = arith.index_cast %add3A_922 : i32 to index
          %swap3A_928 = arith.constant 0 : index
          %swap3A_929 = tpu.vector_load %arg11[%swap3A_927, %swap3A_928] {strides = array<i32>} : memref<128x128xf32, #tpu.memory_space<vmem>>, vector<16xf32>,
          tpu.vector_store %arg11[%swap3A_927, %swap3A_928], %mul3A_926 {strides = array<i32>} : memref<128x128xf32, #tpu.memory_space<vmem>>, vector<16xf32>,
          %get3A_930 = arith.index_cast %add3A_922 : i32 to index
          %get3A_931 = arith.constant 16 : index
          %get3A_932 = tpu.vector_load %arg11[%get3A_930, %get3A_931] {strides = array<i32>} : memref<128x128xf32, #tpu.memory_space<vmem>>, vector<16xf32>,
          %mul3A_933 = arith.mulf %get3A_932, %gather3A_918 : vector<16xf32>
          %swap3A_934 = arith.index_cast %add3A_922 : i32 to index
          %swap3A_935 = arith.constant 16 : index
          %swap3A_936 = tpu.vector_load %arg11[%swap3A_934, %swap3A_935] {strides = array<i32>} : memref<128x128xf32, #tpu.memory_space<vmem>>, vector<16xf32>,
          tpu.vector_store %arg11[%swap3A_934, %swap3A_935], %mul3A_933 {strides = array<i32>} : memref<128x128xf32, #tpu.memory_space<vmem>>, vector<16xf32>,
          %get3A_937 = arith.index_cast %add3A_922 : i32 to index
          %get3A_938 = arith.constant 32 : index
          %get3A_939 = tpu.vector_load %arg11[%get3A_937, %get3A_938] {strides = array<i32>} : memref<128x128xf32, #tpu.memory_space<vmem>>, vector<16xf32>,
          %mul3A_940 = arith.mulf %get3A_939, %gather3A_918 : vector<16xf32>
          %swap3A_941 = arith.index_cast %add3A_922 : i32 to index
          %swap3A_942 = arith.constant 32 : index
          %swap3A_943 = tpu.vector_load %arg11[%swap3A_941, %swap3A_942] {strides = array<i32>} : memref<128x128xf32, #tpu.memory_space<vmem>>, vector<16xf32>,
          tpu.vector_store %arg11[%swap3A_941, %swap3A_942], %mul3A_940 {strides = array<i32>} : memref<128x128xf32, #tpu.memory_space<vmem>>, vector<16xf32>,
          %get3A_944 = arith.index_cast %add3A_922 : i32 to index
          %get3A_945 = arith.constant 48 : index
          %get3A_946 = tpu.vector_load %arg11[%get3A_944, %get3A_945] {strides = array<i32>} : memref<128x128xf32, #tpu.memory_space<vmem>>, vector<16xf32>,
          %mul3A_947 = arith.mulf %get3A_946, %gather3A_918 : vector<16xf32>
          %swap3A_948 = arith.index_cast %add3A_922 : i32 to index
          %swap3A_949 = arith.constant 48 : index
          %swap3A_950 = tpu.vector_load %arg11[%swap3A_948, %swap3A_949] {strides = array<i32>} : memref<128x128xf32, #tpu.memory_space<vmem>>, vector<16xf32>,
          tpu.vector_store %arg11[%swap3A_948, %swap3A_949], %mul3A_947 {strides = array<i32>} : memref<128x128xf32, #tpu.memory_space<vmem>>, vector<16xf32>,
          %get3A_951 = arith.index_cast %add3A_922 : i32 to index
          %get3A_952 = arith.constant 64 : index
          %get3A_953 = tpu.vector_load %arg11[%get3A_951, %get3A_952] {strides = array<i32>} : memref<128x128xf32, #tpu.memory_space<vmem>>, vector<16xf32>,
          %mul3A_954 = arith.mulf %get3A_953, %gather3A_918 : vector<16xf32>
          %swap3A_955 = arith.index_cast %add3A_922 : i32 to index
          %swap3A_956 = arith.constant 64 : index
          %swap3A_957 = tpu.vector_load %arg11[%swap3A_955, %swap3A_956] {strides = array<i32>} : memref<128x128xf32, #tpu.memory_space<vmem>>, vector<16xf32>,
          tpu.vector_store %arg11[%swap3A_955, %swap3A_956], %mul3A_954 {strides = array<i32>} : memref<128x128xf32, #tpu.memory_space<vmem>>, vector<16xf32>,
          %get3A_958 = arith.index_cast %add3A_922 : i32 to index
          %get3A_959 = arith.constant 80 : index
          %get3A_960 = tpu.vector_load %arg11[%get3A_958, %get3A_959] {strides = array<i32>} : memref<128x128xf32, #tpu.memory_space<vmem>>, vector<16xf32>,
          %mul3A_961 = arith.mulf %get3A_960, %gather3A_918 : vector<16xf32>
          %swap3A_962 = arith.index_cast %add3A_922 : i32 to index
          %swap3A_963 = arith.constant 80 : index
          %swap3A_964 = tpu.vector_load %arg11[%swap3A_962, %swap3A_963] {strides = array<i32>} : memref<128x128xf32, #tpu.memory_space<vmem>>, vector<16xf32>,
          tpu.vector_store %arg11[%swap3A_962, %swap3A_963], %mul3A_961 {strides = array<i32>} : memref<128x128xf32, #tpu.memory_space<vmem>>, vector<16xf32>,
          %get3A_965 = arith.index_cast %add3A_922 : i32 to index
          %get3A_966 = arith.constant 96 : index
          %get3A_967 = tpu.vector_load %arg11[%get3A_965, %get3A_966] {strides = array<i32>} : memref<128x128xf32, #tpu.memory_space<vmem>>, vector<16xf32>,
          %mul3A_968 = arith.mulf %get3A_967, %gather3A_918 : vector<16xf32>
          %swap3A_969 = arith.index_cast %add3A_922 : i32 to index
          %swap3A_970 = arith.constant 96 : index
          %swap3A_971 = tpu.vector_load %arg11[%swap3A_969, %swap3A_970] {strides = array<i32>} : memref<128x128xf32, #tpu.memory_space<vmem>>, vector<16xf32>,
          tpu.vector_store %arg11[%swap3A_969, %swap3A_970], %mul3A_968 {strides = array<i32>} : memref<128x128xf32, #tpu.memory_space<vmem>>, vector<16xf32>,
          %get3A_972 = arith.index_cast %add3A_922 : i32 to index
          %get3A_973 = arith.constant 112 : index
          %get3A_974 = tpu.vector_load %arg11[%get3A_972, %get3A_973] {strides = array<i32>} : memref<128x128xf32, #tpu.memory_space<vmem>>, vector<16xf32>,
          %mul3A_975 = arith.mulf %get3A_974, %gather3A_918 : vector<16xf32>
          %swap3A_976 = arith.index_cast %add3A_922 : i32 to index
          %swap3A_977 = arith.constant 112 : index
          %swap3A_978 = tpu.vector_load %arg11[%swap3A_976, %swap3A_977] {strides = array<i32>} : memref<128x128xf32, #tpu.memory_space<vmem>>, vector<16xf32>,
          tpu.vector_store %arg11[%swap3A_976, %swap3A_977], %mul3A_975 {strides = array<i32>} : memref<128x128xf32, #tpu.memory_space<vmem>>, vector<16xf32>,
          %broadcast_in_dim3A_979 = arith.constant 12 : i32
          %broadcast_in_dim3A_980 = vector.broadcast %broadcast_in_dim3A_979 : i32 to vector<16x1xi32>
          %gather3A_981 = vector.shape_cast %broadcast_in_dim3A_980 : vector<16x1xi32> to vector<16xi32>
          %gather3A_982 = tpu.dynamic_gather %get3A_212[%gather3A_981] in [0] : vector<16xf32>, vector<16xi32> -> vector<16xf32>
          %mul3A_983 = arith.constant 16 : i32
          %mul3A_984 = arith.muli %scan3A_208, %mul3A_983 : i32
          %add3A_985 = arith.constant 12 : i32
          %add3A_986 = arith.addi %mul3A_984, %add3A_985 : i32
          %get3A_987 = arith.index_cast %add3A_986 : i32 to index
          %get3A_988 = arith.constant 0 : index
          %get3A_989 = tpu.vector_load %arg11[%get3A_987, %get3A_988] {strides = array<i32>} : memref<128x128xf32, #tpu.memory_space<vmem>>, vector<16xf32>,
          %mul3A_990 = arith.mulf %get3A_989, %gather3A_982 : vector<16xf32>
          %swap3A_991 = arith.index_cast %add3A_986 : i32 to index
          %swap3A_992 = arith.constant 0 : index
          %swap3A_993 = tpu.vector_load %arg11[%swap3A_991, %swap3A_992] {strides = array<i32>} : memref<128x128xf32, #tpu.memory_space<vmem>>, vector<16xf32>,
          tpu.vector_store %arg11[%swap3A_991, %swap3A_992], %mul3A_990 {strides = array<i32>} : memref<128x128xf32, #tpu.memory_space<vmem>>, vector<16xf32>,
          %get3A_994 = arith.index_cast %add3A_986 : i32 to index
          %get3A_995 = arith.constant 16 : index
          %get3A_996 = tpu.vector_load %arg11[%get3A_994, %get3A_995] {strides = array<i32>} : memref<128x128xf32, #tpu.memory_space<vmem>>, vector<16xf32>,
          %mul3A_997 = arith.mulf %get3A_996, %gather3A_982 : vector<16xf32>
          %swap3A_998 = arith.index_cast %add3A_986 : i32 to index
          %swap3A_999 = arith.constant 16 : index
          %swap3A_1000 = tpu.vector_load %arg11[%swap3A_998, %swap3A_999] {strides = array<i32>} : memref<128x128xf32, #tpu.memory_space<vmem>>, vector<16xf32>,
          tpu.vector_store %arg11[%swap3A_998, %swap3A_999], %mul3A_997 {strides = array<i32>} : memref<128x128xf32, #tpu.memory_space<vmem>>, vector<16xf32>,
          %get3A_1001 = arith.index_cast %add3A_986 : i32 to index
          %get3A_1002 = arith.constant 32 : index
          %get3A_1003 = tpu.vector_load %arg11[%get3A_1001, %get3A_1002] {strides = array<i32>} : memref<128x128xf32, #tpu.memory_space<vmem>>, vector<16xf32>,
          %mul3A_1004 = arith.mulf %get3A_1003, %gather3A_982 : vector<16xf32>
          %swap3A_1005 = arith.index_cast %add3A_986 : i32 to index
          %swap3A_1006 = arith.constant 32 : index
          %swap3A_1007 = tpu.vector_load %arg11[%swap3A_1005, %swap3A_1006] {strides = array<i32>} : memref<128x128xf32, #tpu.memory_space<vmem>>, vector<16xf32>,
          tpu.vector_store %arg11[%swap3A_1005, %swap3A_1006], %mul3A_1004 {strides = array<i32>} : memref<128x128xf32, #tpu.memory_space<vmem>>, vector<16xf32>,
          %get3A_1008 = arith.index_cast %add3A_986 : i32 to index
          %get3A_1009 = arith.constant 48 : index
          %get3A_1010 = tpu.vector_load %arg11[%get3A_1008, %get3A_1009] {strides = array<i32>} : memref<128x128xf32, #tpu.memory_space<vmem>>, vector<16xf32>,
          %mul3A_1011 = arith.mulf %get3A_1010, %gather3A_982 : vector<16xf32>
          %swap3A_1012 = arith.index_cast %add3A_986 : i32 to index
          %swap3A_1013 = arith.constant 48 : index
          %swap3A_1014 = tpu.vector_load %arg11[%swap3A_1012, %swap3A_1013] {strides = array<i32>} : memref<128x128xf32, #tpu.memory_space<vmem>>, vector<16xf32>,
          tpu.vector_store %arg11[%swap3A_1012, %swap3A_1013], %mul3A_1011 {strides = array<i32>} : memref<128x128xf32, #tpu.memory_space<vmem>>, vector<16xf32>,
          %get3A_1015 = arith.index_cast %add3A_986 : i32 to index
          %get3A_1016 = arith.constant 64 : index
          %get3A_1017 = tpu.vector_load %arg11[%get3A_1015, %get3A_1016] {strides = array<i32>} : memref<128x128xf32, #tpu.memory_space<vmem>>, vector<16xf32>,
          %mul3A_1018 = arith.mulf %get3A_1017, %gather3A_982 : vector<16xf32>
          %swap3A_1019 = arith.index_cast %add3A_986 : i32 to index
          %swap3A_1020 = arith.constant 64 : index
          %swap3A_1021 = tpu.vector_load %arg11[%swap3A_1019, %swap3A_1020] {strides = array<i32>} : memref<128x128xf32, #tpu.memory_space<vmem>>, vector<16xf32>,
          tpu.vector_store %arg11[%swap3A_1019, %swap3A_1020], %mul3A_1018 {strides = array<i32>} : memref<128x128xf32, #tpu.memory_space<vmem>>, vector<16xf32>,
          %get3A_1022 = arith.index_cast %add3A_986 : i32 to index
          %get3A_1023 = arith.constant 80 : index
          %get3A_1024 = tpu.vector_load %arg11[%get3A_1022, %get3A_1023] {strides = array<i32>} : memref<128x128xf32, #tpu.memory_space<vmem>>, vector<16xf32>,
          %mul3A_1025 = arith.mulf %get3A_1024, %gather3A_982 : vector<16xf32>
          %swap3A_1026 = arith.index_cast %add3A_986 : i32 to index
          %swap3A_1027 = arith.constant 80 : index
          %swap3A_1028 = tpu.vector_load %arg11[%swap3A_1026, %swap3A_1027] {strides = array<i32>} : memref<128x128xf32, #tpu.memory_space<vmem>>, vector<16xf32>,
          tpu.vector_store %arg11[%swap3A_1026, %swap3A_1027], %mul3A_1025 {strides = array<i32>} : memref<128x128xf32, #tpu.memory_space<vmem>>, vector<16xf32>,
          %get3A_1029 = arith.index_cast %add3A_986 : i32 to index
          %get3A_1030 = arith.constant 96 : index
          %get3A_1031 = tpu.vector_load %arg11[%get3A_1029, %get3A_1030] {strides = array<i32>} : memref<128x128xf32, #tpu.memory_space<vmem>>, vector<16xf32>,
          %mul3A_1032 = arith.mulf %get3A_1031, %gather3A_982 : vector<16xf32>
          %swap3A_1033 = arith.index_cast %add3A_986 : i32 to index
          %swap3A_1034 = arith.constant 96 : index
          %swap3A_1035 = tpu.vector_load %arg11[%swap3A_1033, %swap3A_1034] {strides = array<i32>} : memref<128x128xf32, #tpu.memory_space<vmem>>, vector<16xf32>,
          tpu.vector_store %arg11[%swap3A_1033, %swap3A_1034], %mul3A_1032 {strides = array<i32>} : memref<128x128xf32, #tpu.memory_space<vmem>>, vector<16xf32>,
          %get3A_1036 = arith.index_cast %add3A_986 : i32 to index
          %get3A_1037 = arith.constant 112 : index
          %get3A_1038 = tpu.vector_load %arg11[%get3A_1036, %get3A_1037] {strides = array<i32>} : memref<128x128xf32, #tpu.memory_space<vmem>>, vector<16xf32>,
          %mul3A_1039 = arith.mulf %get3A_1038, %gather3A_982 : vector<16xf32>
          %swap3A_1040 = arith.index_cast %add3A_986 : i32 to index
          %swap3A_1041 = arith.constant 112 : index
          %swap3A_1042 = tpu.vector_load %arg11[%swap3A_1040, %swap3A_1041] {strides = array<i32>} : memref<128x128xf32, #tpu.memory_space<vmem>>, vector<16xf32>,
          tpu.vector_store %arg11[%swap3A_1040, %swap3A_1041], %mul3A_1039 {strides = array<i32>} : memref<128x128xf32, #tpu.memory_space<vmem>>, vector<16xf32>,
          %broadcast_in_dim3A_1043 = arith.constant 13 : i32
          %broadcast_in_dim3A_1044 = vector.broadcast %broadcast_in_dim3A_1043 : i32 to vector<16x1xi32>
          %gather3A_1045 = vector.shape_cast %broadcast_in_dim3A_1044 : vector<16x1xi32> to vector<16xi32>
          %gather3A_1046 = tpu.dynamic_gather %get3A_212[%gather3A_1045] in [0] : vector<16xf32>, vector<16xi32> -> vector<16xf32>
          %mul3A_1047 = arith.constant 16 : i32
          %mul3A_1048 = arith.muli %scan3A_208, %mul3A_1047 : i32
          %add3A_1049 = arith.constant 13 : i32
          %add3A_1050 = arith.addi %mul3A_1048, %add3A_1049 : i32
          %get3A_1051 = arith.index_cast %add3A_1050 : i32 to index
          %get3A_1052 = arith.constant 0 : index
          %get3A_1053 = tpu.vector_load %arg11[%get3A_1051, %get3A_1052] {strides = array<i32>} : memref<128x128xf32, #tpu.memory_space<vmem>>, vector<16xf32>,
          %mul3A_1054 = arith.mulf %get3A_1053, %gather3A_1046 : vector<16xf32>
          %swap3A_1055 = arith.index_cast %add3A_1050 : i32 to index
          %swap3A_1056 = arith.constant 0 : index
          %swap3A_1057 = tpu.vector_load %arg11[%swap3A_1055, %swap3A_1056] {strides = array<i32>} : memref<128x128xf32, #tpu.memory_space<vmem>>, vector<16xf32>,
          tpu.vector_store %arg11[%swap3A_1055, %swap3A_1056], %mul3A_1054 {strides = array<i32>} : memref<128x128xf32, #tpu.memory_space<vmem>>, vector<16xf32>,
          %get3A_1058 = arith.index_cast %add3A_1050 : i32 to index
          %get3A_1059 = arith.constant 16 : index
          %get3A_1060 = tpu.vector_load %arg11[%get3A_1058, %get3A_1059] {strides = array<i32>} : memref<128x128xf32, #tpu.memory_space<vmem>>, vector<16xf32>,
          %mul3A_1061 = arith.mulf %get3A_1060, %gather3A_1046 : vector<16xf32>
          %swap3A_1062 = arith.index_cast %add3A_1050 : i32 to index
          %swap3A_1063 = arith.constant 16 : index
          %swap3A_1064 = tpu.vector_load %arg11[%swap3A_1062, %swap3A_1063] {strides = array<i32>} : memref<128x128xf32, #tpu.memory_space<vmem>>, vector<16xf32>,
          tpu.vector_store %arg11[%swap3A_1062, %swap3A_1063], %mul3A_1061 {strides = array<i32>} : memref<128x128xf32, #tpu.memory_space<vmem>>, vector<16xf32>,
          %get3A_1065 = arith.index_cast %add3A_1050 : i32 to index
          %get3A_1066 = arith.constant 32 : index
          %get3A_1067 = tpu.vector_load %arg11[%get3A_1065, %get3A_1066] {strides = array<i32>} : memref<128x128xf32, #tpu.memory_space<vmem>>, vector<16xf32>,
          %mul3A_1068 = arith.mulf %get3A_1067, %gather3A_1046 : vector<16xf32>
          %swap3A_1069 = arith.index_cast %add3A_1050 : i32 to index
          %swap3A_1070 = arith.constant 32 : index
          %swap3A_1071 = tpu.vector_load %arg11[%swap3A_1069, %swap3A_1070] {strides = array<i32>} : memref<128x128xf32, #tpu.memory_space<vmem>>, vector<16xf32>,
          tpu.vector_store %arg11[%swap3A_1069, %swap3A_1070], %mul3A_1068 {strides = array<i32>} : memref<128x128xf32, #tpu.memory_space<vmem>>, vector<16xf32>,
          %get3A_1072 = arith.index_cast %add3A_1050 : i32 to index
          %get3A_1073 = arith.constant 48 : index
          %get3A_1074 = tpu.vector_load %arg11[%get3A_1072, %get3A_1073] {strides = array<i32>} : memref<128x128xf32, #tpu.memory_space<vmem>>, vector<16xf32>,
          %mul3A_1075 = arith.mulf %get3A_1074, %gather3A_1046 : vector<16xf32>
          %swap3A_1076 = arith.index_cast %add3A_1050 : i32 to index
          %swap3A_1077 = arith.constant 48 : index
          %swap3A_1078 = tpu.vector_load %arg11[%swap3A_1076, %swap3A_1077] {strides = array<i32>} : memref<128x128xf32, #tpu.memory_space<vmem>>, vector<16xf32>,
          tpu.vector_store %arg11[%swap3A_1076, %swap3A_1077], %mul3A_1075 {strides = array<i32>} : memref<128x128xf32, #tpu.memory_space<vmem>>, vector<16xf32>,
          %get3A_1079 = arith.index_cast %add3A_1050 : i32 to index
          %get3A_1080 = arith.constant 64 : index
          %get3A_1081 = tpu.vector_load %arg11[%get3A_1079, %get3A_1080] {strides = array<i32>} : memref<128x128xf32, #tpu.memory_space<vmem>>, vector<16xf32>,
          %mul3A_1082 = arith.mulf %get3A_1081, %gather3A_1046 : vector<16xf32>
          %swap3A_1083 = arith.index_cast %add3A_1050 : i32 to index
          %swap3A_1084 = arith.constant 64 : index
          %swap3A_1085 = tpu.vector_load %arg11[%swap3A_1083, %swap3A_1084] {strides = array<i32>} : memref<128x128xf32, #tpu.memory_space<vmem>>, vector<16xf32>,
          tpu.vector_store %arg11[%swap3A_1083, %swap3A_1084], %mul3A_1082 {strides = array<i32>} : memref<128x128xf32, #tpu.memory_space<vmem>>, vector<16xf32>,
          %get3A_1086 = arith.index_cast %add3A_1050 : i32 to index
          %get3A_1087 = arith.constant 80 : index
          %get3A_1088 = tpu.vector_load %arg11[%get3A_1086, %get3A_1087] {strides = array<i32>} : memref<128x128xf32, #tpu.memory_space<vmem>>, vector<16xf32>,
          %mul3A_1089 = arith.mulf %get3A_1088, %gather3A_1046 : vector<16xf32>
          %swap3A_1090 = arith.index_cast %add3A_1050 : i32 to index
          %swap3A_1091 = arith.constant 80 : index
          %swap3A_1092 = tpu.vector_load %arg11[%swap3A_1090, %swap3A_1091] {strides = array<i32>} : memref<128x128xf32, #tpu.memory_space<vmem>>, vector<16xf32>,
          tpu.vector_store %arg11[%swap3A_1090, %swap3A_1091], %mul3A_1089 {strides = array<i32>} : memref<128x128xf32, #tpu.memory_space<vmem>>, vector<16xf32>,
          %get3A_1093 = arith.index_cast %add3A_1050 : i32 to index
          %get3A_1094 = arith.constant 96 : index
          %get3A_1095 = tpu.vector_load %arg11[%get3A_1093, %get3A_1094] {strides = array<i32>} : memref<128x128xf32, #tpu.memory_space<vmem>>, vector<16xf32>,
          %mul3A_1096 = arith.mulf %get3A_1095, %gather3A_1046 : vector<16xf32>
          %swap3A_1097 = arith.index_cast %add3A_1050 : i32 to index
          %swap3A_1098 = arith.constant 96 : index
          %swap3A_1099 = tpu.vector_load %arg11[%swap3A_1097, %swap3A_1098] {strides = array<i32>} : memref<128x128xf32, #tpu.memory_space<vmem>>, vector<16xf32>,
          tpu.vector_store %arg11[%swap3A_1097, %swap3A_1098], %mul3A_1096 {strides = array<i32>} : memref<128x128xf32, #tpu.memory_space<vmem>>, vector<16xf32>,
          %get3A_1100 = arith.index_cast %add3A_1050 : i32 to index
          %get3A_1101 = arith.constant 112 : index
          %get3A_1102 = tpu.vector_load %arg11[%get3A_1100, %get3A_1101] {strides = array<i32>} : memref<128x128xf32, #tpu.memory_space<vmem>>, vector<16xf32>,
          %mul3A_1103 = arith.mulf %get3A_1102, %gather3A_1046 : vector<16xf32>
          %swap3A_1104 = arith.index_cast %add3A_1050 : i32 to index
          %swap3A_1105 = arith.constant 112 : index
          %swap3A_1106 = tpu.vector_load %arg11[%swap3A_1104, %swap3A_1105] {strides = array<i32>} : memref<128x128xf32, #tpu.memory_space<vmem>>, vector<16xf32>,
          tpu.vector_store %arg11[%swap3A_1104, %swap3A_1105], %mul3A_1103 {strides = array<i32>} : memref<128x128xf32, #tpu.memory_space<vmem>>, vector<16xf32>,
          %broadcast_in_dim3A_1107 = arith.constant 14 : i32
          %broadcast_in_dim3A_1108 = vector.broadcast %broadcast_in_dim3A_1107 : i32 to vector<16x1xi32>
          %gather3A_1109 = vector.shape_cast %broadcast_in_dim3A_1108 : vector<16x1xi32> to vector<16xi32>
          %gather3A_1110 = tpu.dynamic_gather %get3A_212[%gather3A_1109] in [0] : vector<16xf32>, vector<16xi32> -> vector<16xf32>
          %mul3A_1111 = arith.constant 16 : i32
          %mul3A_1112 = arith.muli %scan3A_208, %mul3A_1111 : i32
          %add3A_1113 = arith.constant 14 : i32
          %add3A_1114 = arith.addi %mul3A_1112, %add3A_1113 : i32
          %get3A_1115 = arith.index_cast %add3A_1114 : i32 to index
          %get3A_1116 = arith.constant 0 : index
          %get3A_1117 = tpu.vector_load %arg11[%get3A_1115, %get3A_1116] {strides = array<i32>} : memref<128x128xf32, #tpu.memory_space<vmem>>, vector<16xf32>,
          %mul3A_1118 = arith.mulf %get3A_1117, %gather3A_1110 : vector<16xf32>
          %swap3A_1119 = arith.index_cast %add3A_1114 : i32 to index
          %swap3A_1120 = arith.constant 0 : index
          %swap3A_1121 = tpu.vector_load %arg11[%swap3A_1119, %swap3A_1120] {strides = array<i32>} : memref<128x128xf32, #tpu.memory_space<vmem>>, vector<16xf32>,
          tpu.vector_store %arg11[%swap3A_1119, %swap3A_1120], %mul3A_1118 {strides = array<i32>} : memref<128x128xf32, #tpu.memory_space<vmem>>, vector<16xf32>,
          %get3A_1122 = arith.index_cast %add3A_1114 : i32 to index
          %get3A_1123 = arith.constant 16 : index
          %get3A_1124 = tpu.vector_load %arg11[%get3A_1122, %get3A_1123] {strides = array<i32>} : memref<128x128xf32, #tpu.memory_space<vmem>>, vector<16xf32>,
          %mul3A_1125 = arith.mulf %get3A_1124, %gather3A_1110 : vector<16xf32>
          %swap3A_1126 = arith.index_cast %add3A_1114 : i32 to index
          %swap3A_1127 = arith.constant 16 : index
          %swap3A_1128 = tpu.vector_load %arg11[%swap3A_1126, %swap3A_1127] {strides = array<i32>} : memref<128x128xf32, #tpu.memory_space<vmem>>, vector<16xf32>,
          tpu.vector_store %arg11[%swap3A_1126, %swap3A_1127], %mul3A_1125 {strides = array<i32>} : memref<128x128xf32, #tpu.memory_space<vmem>>, vector<16xf32>,
          %get3A_1129 = arith.index_cast %add3A_1114 : i32 to index
          %get3A_1130 = arith.constant 32 : index
          %get3A_1131 = tpu.vector_load %arg11[%get3A_1129, %get3A_1130] {strides = array<i32>} : memref<128x128xf32, #tpu.memory_space<vmem>>, vector<16xf32>,
          %mul3A_1132 = arith.mulf %get3A_1131, %gather3A_1110 : vector<16xf32>
          %swap3A_1133 = arith.index_cast %add3A_1114 : i32 to index
          %swap3A_1134 = arith.constant 32 : index
          %swap3A_1135 = tpu.vector_load %arg11[%swap3A_1133, %swap3A_1134] {strides = array<i32>} : memref<128x128xf32, #tpu.memory_space<vmem>>, vector<16xf32>,
          tpu.vector_store %arg11[%swap3A_1133, %swap3A_1134], %mul3A_1132 {strides = array<i32>} : memref<128x128xf32, #tpu.memory_space<vmem>>, vector<16xf32>,
          %get3A_1136 = arith.index_cast %add3A_1114 : i32 to index
          %get3A_1137 = arith.constant 48 : index
          %get3A_1138 = tpu.vector_load %arg11[%get3A_1136, %get3A_1137] {strides = array<i32>} : memref<128x128xf32, #tpu.memory_space<vmem>>, vector<16xf32>,
          %mul3A_1139 = arith.mulf %get3A_1138, %gather3A_1110 : vector<16xf32>
          %swap3A_1140 = arith.index_cast %add3A_1114 : i32 to index
          %swap3A_1141 = arith.constant 48 : index
          %swap3A_1142 = tpu.vector_load %arg11[%swap3A_1140, %swap3A_1141] {strides = array<i32>} : memref<128x128xf32, #tpu.memory_space<vmem>>, vector<16xf32>,
          tpu.vector_store %arg11[%swap3A_1140, %swap3A_1141], %mul3A_1139 {strides = array<i32>} : memref<128x128xf32, #tpu.memory_space<vmem>>, vector<16xf32>,
          %get3A_1143 = arith.index_cast %add3A_1114 : i32 to index
          %get3A_1144 = arith.constant 64 : index
          %get3A_1145 = tpu.vector_load %arg11[%get3A_1143, %get3A_1144] {strides = array<i32>} : memref<128x128xf32, #tpu.memory_space<vmem>>, vector<16xf32>,
          %mul3A_1146 = arith.mulf %get3A_1145, %gather3A_1110 : vector<16xf32>
          %swap3A_1147 = arith.index_cast %add3A_1114 : i32 to index
          %swap3A_1148 = arith.constant 64 : index
          %swap3A_1149 = tpu.vector_load %arg11[%swap3A_1147, %swap3A_1148] {strides = array<i32>} : memref<128x128xf32, #tpu.memory_space<vmem>>, vector<16xf32>,
          tpu.vector_store %arg11[%swap3A_1147, %swap3A_1148], %mul3A_1146 {strides = array<i32>} : memref<128x128xf32, #tpu.memory_space<vmem>>, vector<16xf32>,
          %get3A_1150 = arith.index_cast %add3A_1114 : i32 to index
          %get3A_1151 = arith.constant 80 : index
          %get3A_1152 = tpu.vector_load %arg11[%get3A_1150, %get3A_1151] {strides = array<i32>} : memref<128x128xf32, #tpu.memory_space<vmem>>, vector<16xf32>,
          %mul3A_1153 = arith.mulf %get3A_1152, %gather3A_1110 : vector<16xf32>
          %swap3A_1154 = arith.index_cast %add3A_1114 : i32 to index
          %swap3A_1155 = arith.constant 80 : index
          %swap3A_1156 = tpu.vector_load %arg11[%swap3A_1154, %swap3A_1155] {strides = array<i32>} : memref<128x128xf32, #tpu.memory_space<vmem>>, vector<16xf32>,
          tpu.vector_store %arg11[%swap3A_1154, %swap3A_1155], %mul3A_1153 {strides = array<i32>} : memref<128x128xf32, #tpu.memory_space<vmem>>, vector<16xf32>,
          %get3A_1157 = arith.index_cast %add3A_1114 : i32 to index
          %get3A_1158 = arith.constant 96 : index
          %get3A_1159 = tpu.vector_load %arg11[%get3A_1157, %get3A_1158] {strides = array<i32>} : memref<128x128xf32, #tpu.memory_space<vmem>>, vector<16xf32>,
          %mul3A_1160 = arith.mulf %get3A_1159, %gather3A_1110 : vector<16xf32>
          %swap3A_1161 = arith.index_cast %add3A_1114 : i32 to index
          %swap3A_1162 = arith.constant 96 : index
          %swap3A_1163 = tpu.vector_load %arg11[%swap3A_1161, %swap3A_1162] {strides = array<i32>} : memref<128x128xf32, #tpu.memory_space<vmem>>, vector<16xf32>,
          tpu.vector_store %arg11[%swap3A_1161, %swap3A_1162], %mul3A_1160 {strides = array<i32>} : memref<128x128xf32, #tpu.memory_space<vmem>>, vector<16xf32>,
          %get3A_1164 = arith.index_cast %add3A_1114 : i32 to index
          %get3A_1165 = arith.constant 112 : index
          %get3A_1166 = tpu.vector_load %arg11[%get3A_1164, %get3A_1165] {strides = array<i32>} : memref<128x128xf32, #tpu.memory_space<vmem>>, vector<16xf32>,
          %mul3A_1167 = arith.mulf %get3A_1166, %gather3A_1110 : vector<16xf32>
          %swap3A_1168 = arith.index_cast %add3A_1114 : i32 to index
          %swap3A_1169 = arith.constant 112 : index
          %swap3A_1170 = tpu.vector_load %arg11[%swap3A_1168, %swap3A_1169] {strides = array<i32>} : memref<128x128xf32, #tpu.memory_space<vmem>>, vector<16xf32>,
          tpu.vector_store %arg11[%swap3A_1168, %swap3A_1169], %mul3A_1167 {strides = array<i32>} : memref<128x128xf32, #tpu.memory_space<vmem>>, vector<16xf32>,
          %broadcast_in_dim3A_1171 = arith.constant 15 : i32
          %broadcast_in_dim3A_1172 = vector.broadcast %broadcast_in_dim3A_1171 : i32 to vector<16x1xi32>
          %gather3A_1173 = vector.shape_cast %broadcast_in_dim3A_1172 : vector<16x1xi32> to vector<16xi32>
          %gather3A_1174 = tpu.dynamic_gather %get3A_212[%gather3A_1173] in [0] : vector<16xf32>, vector<16xi32> -> vector<16xf32>
          %mul3A_1175 = arith.constant 16 : i32
          %mul3A_1176 = arith.muli %scan3A_208, %mul3A_1175 : i32
          %add3A_1177 = arith.constant 15 : i32
          %add3A_1178 = arith.addi %mul3A_1176, %add3A_1177 : i32
          %get3A_1179 = arith.index_cast %add3A_1178 : i32 to index
          %get3A_1180 = arith.constant 0 : index
          %get3A_1181 = tpu.vector_load %arg11[%get3A_1179, %get3A_1180] {strides = array<i32>} : memref<128x128xf32, #tpu.memory_space<vmem>>, vector<16xf32>,
          %mul3A_1182 = arith.mulf %get3A_1181, %gather3A_1174 : vector<16xf32>
          %swap3A_1183 = arith.index_cast %add3A_1178 : i32 to index
          %swap3A_1184 = arith.constant 0 : index
          %swap3A_1185 = tpu.vector_load %arg11[%swap3A_1183, %swap3A_1184] {strides = array<i32>} : memref<128x128xf32, #tpu.memory_space<vmem>>, vector<16xf32>,
          tpu.vector_store %arg11[%swap3A_1183, %swap3A_1184], %mul3A_1182 {strides = array<i32>} : memref<128x128xf32, #tpu.memory_space<vmem>>, vector<16xf32>,
          %get3A_1186 = arith.index_cast %add3A_1178 : i32 to index
          %get3A_1187 = arith.constant 16 : index
          %get3A_1188 = tpu.vector_load %arg11[%get3A_1186, %get3A_1187] {strides = array<i32>} : memref<128x128xf32, #tpu.memory_space<vmem>>, vector<16xf32>,
          %mul3A_1189 = arith.mulf %get3A_1188, %gather3A_1174 : vector<16xf32>
          %swap3A_1190 = arith.index_cast %add3A_1178 : i32 to index
          %swap3A_1191 = arith.constant 16 : index
          %swap3A_1192 = tpu.vector_load %arg11[%swap3A_1190, %swap3A_1191] {strides = array<i32>} : memref<128x128xf32, #tpu.memory_space<vmem>>, vector<16xf32>,
          tpu.vector_store %arg11[%swap3A_1190, %swap3A_1191], %mul3A_1189 {strides = array<i32>} : memref<128x128xf32, #tpu.memory_space<vmem>>, vector<16xf32>,
          %get3A_1193 = arith.index_cast %add3A_1178 : i32 to index
          %get3A_1194 = arith.constant 32 : index
          %get3A_1195 = tpu.vector_load %arg11[%get3A_1193, %get3A_1194] {strides = array<i32>} : memref<128x128xf32, #tpu.memory_space<vmem>>, vector<16xf32>,
          %mul3A_1196 = arith.mulf %get3A_1195, %gather3A_1174 : vector<16xf32>
          %swap3A_1197 = arith.index_cast %add3A_1178 : i32 to index
          %swap3A_1198 = arith.constant 32 : index
          %swap3A_1199 = tpu.vector_load %arg11[%swap3A_1197, %swap3A_1198] {strides = array<i32>} : memref<128x128xf32, #tpu.memory_space<vmem>>, vector<16xf32>,
          tpu.vector_store %arg11[%swap3A_1197, %swap3A_1198], %mul3A_1196 {strides = array<i32>} : memref<128x128xf32, #tpu.memory_space<vmem>>, vector<16xf32>,
          %get3A_1200 = arith.index_cast %add3A_1178 : i32 to index
          %get3A_1201 = arith.constant 48 : index
          %get3A_1202 = tpu.vector_load %arg11[%get3A_1200, %get3A_1201] {strides = array<i32>} : memref<128x128xf32, #tpu.memory_space<vmem>>, vector<16xf32>,
          %mul3A_1203 = arith.mulf %get3A_1202, %gather3A_1174 : vector<16xf32>
          %swap3A_1204 = arith.index_cast %add3A_1178 : i32 to index
          %swap3A_1205 = arith.constant 48 : index
          %swap3A_1206 = tpu.vector_load %arg11[%swap3A_1204, %swap3A_1205] {strides = array<i32>} : memref<128x128xf32, #tpu.memory_space<vmem>>, vector<16xf32>,
          tpu.vector_store %arg11[%swap3A_1204, %swap3A_1205], %mul3A_1203 {strides = array<i32>} : memref<128x128xf32, #tpu.memory_space<vmem>>, vector<16xf32>,
          %get3A_1207 = arith.index_cast %add3A_1178 : i32 to index
          %get3A_1208 = arith.constant 64 : index
          %get3A_1209 = tpu.vector_load %arg11[%get3A_1207, %get3A_1208] {strides = array<i32>} : memref<128x128xf32, #tpu.memory_space<vmem>>, vector<16xf32>,
          %mul3A_1210 = arith.mulf %get3A_1209, %gather3A_1174 : vector<16xf32>
          %swap3A_1211 = arith.index_cast %add3A_1178 : i32 to index
          %swap3A_1212 = arith.constant 64 : index
          %swap3A_1213 = tpu.vector_load %arg11[%swap3A_1211, %swap3A_1212] {strides = array<i32>} : memref<128x128xf32, #tpu.memory_space<vmem>>, vector<16xf32>,
          tpu.vector_store %arg11[%swap3A_1211, %swap3A_1212], %mul3A_1210 {strides = array<i32>} : memref<128x128xf32, #tpu.memory_space<vmem>>, vector<16xf32>,
          %get3A_1214 = arith.index_cast %add3A_1178 : i32 to index
          %get3A_1215 = arith.constant 80 : index
          %get3A_1216 = tpu.vector_load %arg11[%get3A_1214, %get3A_1215] {strides = array<i32>} : memref<128x128xf32, #tpu.memory_space<vmem>>, vector<16xf32>,
          %mul3A_1217 = arith.mulf %get3A_1216, %gather3A_1174 : vector<16xf32>
          %swap3A_1218 = arith.index_cast %add3A_1178 : i32 to index
          %swap3A_1219 = arith.constant 80 : index
          %swap3A_1220 = tpu.vector_load %arg11[%swap3A_1218, %swap3A_1219] {strides = array<i32>} : memref<128x128xf32, #tpu.memory_space<vmem>>, vector<16xf32>,
          tpu.vector_store %arg11[%swap3A_1218, %swap3A_1219], %mul3A_1217 {strides = array<i32>} : memref<128x128xf32, #tpu.memory_space<vmem>>, vector<16xf32>,
          %get3A_1221 = arith.index_cast %add3A_1178 : i32 to index
          %get3A_1222 = arith.constant 96 : index
          %get3A_1223 = tpu.vector_load %arg11[%get3A_1221, %get3A_1222] {strides = array<i32>} : memref<128x128xf32, #tpu.memory_space<vmem>>, vector<16xf32>,
          %mul3A_1224 = arith.mulf %get3A_1223, %gather3A_1174 : vector<16xf32>
          %swap3A_1225 = arith.index_cast %add3A_1178 : i32 to index
          %swap3A_1226 = arith.constant 96 : index
          %swap3A_1227 = tpu.vector_load %arg11[%swap3A_1225, %swap3A_1226] {strides = array<i32>} : memref<128x128xf32, #tpu.memory_space<vmem>>, vector<16xf32>,
          tpu.vector_store %arg11[%swap3A_1225, %swap3A_1226], %mul3A_1224 {strides = array<i32>} : memref<128x128xf32, #tpu.memory_space<vmem>>, vector<16xf32>,
          %get3A_1228 = arith.index_cast %add3A_1178 : i32 to index
          %get3A_1229 = arith.constant 112 : index
          %get3A_1230 = tpu.vector_load %arg11[%get3A_1228, %get3A_1229] {strides = array<i32>} : memref<128x128xf32, #tpu.memory_space<vmem>>, vector<16xf32>,
          %mul3A_1231 = arith.mulf %get3A_1230, %gather3A_1174 : vector<16xf32>
          %swap3A_1232 = arith.index_cast %add3A_1178 : i32 to index
          %swap3A_1233 = arith.constant 112 : index
          %swap3A_1234 = tpu.vector_load %arg11[%swap3A_1232, %swap3A_1233] {strides = array<i32>} : memref<128x128xf32, #tpu.memory_space<vmem>>, vector<16xf32>,
          tpu.vector_store %arg11[%swap3A_1232, %swap3A_1233], %mul3A_1231 {strides = array<i32>} : memref<128x128xf32, #tpu.memory_space<vmem>>, vector<16xf32>,
        }
        %scan3A_170 = arith.constant 8 : i32
        %mul3A_171 = arith.constant 2 : i32
        %mul3A_172 = arith.muli %mul3A_171, %scan3A_134 : i32
        %dma_start3A = arith.constant 0 : i32
        %dma_start3A_173 = tpu.memref_slice %arg9[%mul3A_172, %dma_start3A] : memref<32x128xi32, #tpu.memory_space<vmem>> -> memref<1x128xi32, #tpu.memory_space<vmem>>
        %dma_start3A_174 = tpu.memref_squeeze %dma_start3A_173 : memref<1x128xi32, #tpu.memory_space<vmem>> -> memref<128xi32, #tpu.memory_space<vmem>>
        %dma_start3A_175 = arith.constant 0 : i32
        %dma_start3A_176 = arith.constant 0 : i32
        %dma_start3A_177 = tpu.memref_slice %arg14[%dma_start3A_175, %dma_start3A_176] : memref<10240x128xf32, #tpu.memory_space<vmem_shared>> -> memref<10240x128xf32, #tpu.memory_space<vmem_shared>>
        tpu.enqueue_indirect_dma source(%arg11 : memref<128x128xf32, #tpu.memory_space<vmem>>) target(%dma_start3A_177 : memref<10240x128xf32, #tpu.memory_space<vmem_shared>>) offsets(%dma_start3A_174 : memref<128xi32, #tpu.memory_space<vmem>>) semaphore(%arg17 : memref<!tpu.dma_semaphore, #tpu.memory_space<semaphore_mem>>) {add = true}
        %dma_wait3A_178 = arith.constant 0 : i32
        %dma_wait3A_179 = arith.constant 0 : i32
        %dma_wait3A_180 = tpu.memref_slice %arg5[%dma_wait3A_178, %dma_wait3A_179] : memref<10240x128xf32, #tpu.memory_space<hbm>> -> memref<128x128xf32, #tpu.memory_space<hbm>>
        %dma_wait3A_181 = arith.constant 0 : i32
        %dma_wait3A_182 = arith.constant 0 : i32
        %dma_wait3A_183 = tpu.memref_slice %arg5[%dma_wait3A_181, %dma_wait3A_182] : memref<10240x128xf32, #tpu.memory_space<hbm>> -> memref<128x128xf32, #tpu.memory_space<hbm>>
        tpu.wait_dma2 semaphore(%arg16 : memref<!tpu.dma_semaphore, #tpu.memory_space<semaphore_mem>>) src(%dma_wait3A_183 : memref<128x128xf32, #tpu.memory_space<hbm>>) dst(%arg11 : memref<128x128xf32, #tpu.memory_space<vmem>>)
        %mul3A_184 = arith.constant 2 : i32
        %mul3A_185 = arith.muli %mul3A_184, %scan3A_134 : i32
        %add3A_186 = arith.constant 1 : i32
        %add3A_187 = arith.addi %mul3A_185, %add3A_186 : i32
        %scan3A_188 = arith.constant 0 : i32
        %scan3A_189 = arith.constant 0 : i32
        %scan3A_190 = arith.constant 8 : i32
        %scan3A_191 = arith.addi %scan3A_189, %scan3A_190 : i32
        %scan3A_192 = arith.constant 1 : i32
        scf.for %scan3A_208 = %scan3A_189 to %scan3A_191 step %scan3A_192  : i32 {
          %mul3A_209 = arith.constant 16 : i32
          %mul3A_210 = arith.muli %scan3A_208, %mul3A_209 : i32
          %get3A = arith.index_cast %add3A_187 : i32 to index
          %get3A_211 = arith.index_cast %mul3A_210 : i32 to index
          %get3A_212 = tpu.vector_load %arg10[%get3A, %get3A_211] {strides = array<i32>} : memref<32x128xf32, #tpu.memory_space<vmem>>, vector<16xf32>,
          %broadcast_in_dim3A_213 = arith.constant 0 : i32
          %broadcast_in_dim3A_214 = vector.broadcast %broadcast_in_dim3A_213 : i32 to vector<16x1xi32>
          %gather3A = vector.shape_cast %broadcast_in_dim3A_214 : vector<16x1xi32> to vector<16xi32>
          %gather3A_215 = tpu.dynamic_gather %get3A_212[%gather3A] in [0] : vector<16xf32>, vector<16xi32> -> vector<16xf32>
          %mul3A_216 = arith.constant 16 : i32
          %mul3A_217 = arith.muli %scan3A_208, %mul3A_216 : i32
          %add3A_218 = arith.constant 0 : i32
          %add3A_219 = arith.addi %mul3A_217, %add3A_218 : i32
          %get3A_220 = arith.index_cast %add3A_219 : i32 to index
          %get3A_221 = arith.constant 0 : index
          %get3A_222 = tpu.vector_load %arg12[%get3A_220, %get3A_221] {strides = array<i32>} : memref<128x128xf32, #tpu.memory_space<vmem>>, vector<16xf32>,
          %mul3A_223 = arith.mulf %get3A_222, %gather3A_215 : vector<16xf32>
          %swap3A = arith.index_cast %add3A_219 : i32 to index
          %swap3A_224 = arith.constant 0 : index
          %swap3A_225 = tpu.vector_load %arg12[%swap3A, %swap3A_224] {strides = array<i32>} : memref<128x128xf32, #tpu.memory_space<vmem>>, vector<16xf32>,
          tpu.vector_store %arg12[%swap3A, %swap3A_224], %mul3A_223 {strides = array<i32>} : memref<128x128xf32, #tpu.memory_space<vmem>>, vector<16xf32>,
          %get3A_226 = arith.index_cast %add3A_219 : i32 to index
          %get3A_227 = arith.constant 16 : index
          %get3A_228 = tpu.vector_load %arg12[%get3A_226, %get3A_227] {strides = array<i32>} : memref<128x128xf32, #tpu.memory_space<vmem>>, vector<16xf32>,
          %mul3A_229 = arith.mulf %get3A_228, %gather3A_215 : vector<16xf32>
          %swap3A_230 = arith.index_cast %add3A_219 : i32 to index
          %swap3A_231 = arith.constant 16 : index
          %swap3A_232 = tpu.vector_load %arg12[%swap3A_230, %swap3A_231] {strides = array<i32>} : memref<128x128xf32, #tpu.memory_space<vmem>>, vector<16xf32>,
          tpu.vector_store %arg12[%swap3A_230, %swap3A_231], %mul3A_229 {strides = array<i32>} : memref<128x128xf32, #tpu.memory_space<vmem>>, vector<16xf32>,
          %get3A_233 = arith.index_cast %add3A_219 : i32 to index
          %get3A_234 = arith.constant 32 : index
          %get3A_235 = tpu.vector_load %arg12[%get3A_233, %get3A_234] {strides = array<i32>} : memref<128x128xf32, #tpu.memory_space<vmem>>, vector<16xf32>,
          %mul3A_236 = arith.mulf %get3A_235, %gather3A_215 : vector<16xf32>
          %swap3A_237 = arith.index_cast %add3A_219 : i32 to index
          %swap3A_238 = arith.constant 32 : index
          %swap3A_239 = tpu.vector_load %arg12[%swap3A_237, %swap3A_238] {strides = array<i32>} : memref<128x128xf32, #tpu.memory_space<vmem>>, vector<16xf32>,
          tpu.vector_store %arg12[%swap3A_237, %swap3A_238], %mul3A_236 {strides = array<i32>} : memref<128x128xf32, #tpu.memory_space<vmem>>, vector<16xf32>,
          %get3A_240 = arith.index_cast %add3A_219 : i32 to index
          %get3A_241 = arith.constant 48 : index
          %get3A_242 = tpu.vector_load %arg12[%get3A_240, %get3A_241] {strides = array<i32>} : memref<128x128xf32, #tpu.memory_space<vmem>>, vector<16xf32>,
          %mul3A_243 = arith.mulf %get3A_242, %gather3A_215 : vector<16xf32>
          %swap3A_244 = arith.index_cast %add3A_219 : i32 to index
          %swap3A_245 = arith.constant 48 : index
          %swap3A_246 = tpu.vector_load %arg12[%swap3A_244, %swap3A_245] {strides = array<i32>} : memref<128x128xf32, #tpu.memory_space<vmem>>, vector<16xf32>,
          tpu.vector_store %arg12[%swap3A_244, %swap3A_245], %mul3A_243 {strides = array<i32>} : memref<128x128xf32, #tpu.memory_space<vmem>>, vector<16xf32>,
          %get3A_247 = arith.index_cast %add3A_219 : i32 to index
          %get3A_248 = arith.constant 64 : index
          %get3A_249 = tpu.vector_load %arg12[%get3A_247, %get3A_248] {strides = array<i32>} : memref<128x128xf32, #tpu.memory_space<vmem>>, vector<16xf32>,
          %mul3A_250 = arith.mulf %get3A_249, %gather3A_215 : vector<16xf32>
          %swap3A_251 = arith.index_cast %add3A_219 : i32 to index
          %swap3A_252 = arith.constant 64 : index
          %swap3A_253 = tpu.vector_load %arg12[%swap3A_251, %swap3A_252] {strides = array<i32>} : memref<128x128xf32, #tpu.memory_space<vmem>>, vector<16xf32>,
          tpu.vector_store %arg12[%swap3A_251, %swap3A_252], %mul3A_250 {strides = array<i32>} : memref<128x128xf32, #tpu.memory_space<vmem>>, vector<16xf32>,
          %get3A_254 = arith.index_cast %add3A_219 : i32 to index
          %get3A_255 = arith.constant 80 : index
          %get3A_256 = tpu.vector_load %arg12[%get3A_254, %get3A_255] {strides = array<i32>} : memref<128x128xf32, #tpu.memory_space<vmem>>, vector<16xf32>,
          %mul3A_257 = arith.mulf %get3A_256, %gather3A_215 : vector<16xf32>
          %swap3A_258 = arith.index_cast %add3A_219 : i32 to index
          %swap3A_259 = arith.constant 80 : index
          %swap3A_260 = tpu.vector_load %arg12[%swap3A_258, %swap3A_259] {strides = array<i32>} : memref<128x128xf32, #tpu.memory_space<vmem>>, vector<16xf32>,
          tpu.vector_store %arg12[%swap3A_258, %swap3A_259], %mul3A_257 {strides = array<i32>} : memref<128x128xf32, #tpu.memory_space<vmem>>, vector<16xf32>,
          %get3A_261 = arith.index_cast %add3A_219 : i32 to index
          %get3A_262 = arith.constant 96 : index
          %get3A_263 = tpu.vector_load %arg12[%get3A_261, %get3A_262] {strides = array<i32>} : memref<128x128xf32, #tpu.memory_space<vmem>>, vector<16xf32>,
          %mul3A_264 = arith.mulf %get3A_263, %gather3A_215 : vector<16xf32>
          %swap3A_265 = arith.index_cast %add3A_219 : i32 to index
          %swap3A_266 = arith.constant 96 : index
          %swap3A_267 = tpu.vector_load %arg12[%swap3A_265, %swap3A_266] {strides = array<i32>} : memref<128x128xf32, #tpu.memory_space<vmem>>, vector<16xf32>,
          tpu.vector_store %arg12[%swap3A_265, %swap3A_266], %mul3A_264 {strides = array<i32>} : memref<128x128xf32, #tpu.memory_space<vmem>>, vector<16xf32>,
          %get3A_268 = arith.index_cast %add3A_219 : i32 to index
          %get3A_269 = arith.constant 112 : index
          %get3A_270 = tpu.vector_load %arg12[%get3A_268, %get3A_269] {strides = array<i32>} : memref<128x128xf32, #tpu.memory_space<vmem>>, vector<16xf32>,
          %mul3A_271 = arith.mulf %get3A_270, %gather3A_215 : vector<16xf32>
          %swap3A_272 = arith.index_cast %add3A_219 : i32 to index
          %swap3A_273 = arith.constant 112 : index
          %swap3A_274 = tpu.vector_load %arg12[%swap3A_272, %swap3A_273] {strides = array<i32>} : memref<128x128xf32, #tpu.memory_space<vmem>>, vector<16xf32>,
          tpu.vector_store %arg12[%swap3A_272, %swap3A_273], %mul3A_271 {strides = array<i32>} : memref<128x128xf32, #tpu.memory_space<vmem>>, vector<16xf32>,
          %broadcast_in_dim3A_275 = arith.constant 1 : i32
          %broadcast_in_dim3A_276 = vector.broadcast %broadcast_in_dim3A_275 : i32 to vector<16x1xi32>
          %gather3A_277 = vector.shape_cast %broadcast_in_dim3A_276 : vector<16x1xi32> to vector<16xi32>
          %gather3A_278 = tpu.dynamic_gather %get3A_212[%gather3A_277] in [0] : vector<16xf32>, vector<16xi32> -> vector<16xf32>
          %mul3A_279 = arith.constant 16 : i32
          %mul3A_280 = arith.muli %scan3A_208, %mul3A_279 : i32
          %add3A_281 = arith.constant 1 : i32
          %add3A_282 = arith.addi %mul3A_280, %add3A_281 : i32
          %get3A_283 = arith.index_cast %add3A_282 : i32 to index
          %get3A_284 = arith.constant 0 : index
          %get3A_285 = tpu.vector_load %arg12[%get3A_283, %get3A_284] {strides = array<i32>} : memref<128x128xf32, #tpu.memory_space<vmem>>, vector<16xf32>,
          %mul3A_286 = arith.mulf %get3A_285, %gather3A_278 : vector<16xf32>
          %swap3A_287 = arith.index_cast %add3A_282 : i32 to index
          %swap3A_288 = arith.constant 0 : index
          %swap3A_289 = tpu.vector_load %arg12[%swap3A_287, %swap3A_288] {strides = array<i32>} : memref<128x128xf32, #tpu.memory_space<vmem>>, vector<16xf32>,
          tpu.vector_store %arg12[%swap3A_287, %swap3A_288], %mul3A_286 {strides = array<i32>} : memref<128x128xf32, #tpu.memory_space<vmem>>, vector<16xf32>,
          %get3A_290 = arith.index_cast %add3A_282 : i32 to index
          %get3A_291 = arith.constant 16 : index
          %get3A_292 = tpu.vector_load %arg12[%get3A_290, %get3A_291] {strides = array<i32>} : memref<128x128xf32, #tpu.memory_space<vmem>>, vector<16xf32>,
          %mul3A_293 = arith.mulf %get3A_292, %gather3A_278 : vector<16xf32>
          %swap3A_294 = arith.index_cast %add3A_282 : i32 to index
          %swap3A_295 = arith.constant 16 : index
          %swap3A_296 = tpu.vector_load %arg12[%swap3A_294, %swap3A_295] {strides = array<i32>} : memref<128x128xf32, #tpu.memory_space<vmem>>, vector<16xf32>,
          tpu.vector_store %arg12[%swap3A_294, %swap3A_295], %mul3A_293 {strides = array<i32>} : memref<128x128xf32, #tpu.memory_space<vmem>>, vector<16xf32>,
          %get3A_297 = arith.index_cast %add3A_282 : i32 to index
          %get3A_298 = arith.constant 32 : index
          %get3A_299 = tpu.vector_load %arg12[%get3A_297, %get3A_298] {strides = array<i32>} : memref<128x128xf32, #tpu.memory_space<vmem>>, vector<16xf32>,
          %mul3A_300 = arith.mulf %get3A_299, %gather3A_278 : vector<16xf32>
          %swap3A_301 = arith.index_cast %add3A_282 : i32 to index
          %swap3A_302 = arith.constant 32 : index
          %swap3A_303 = tpu.vector_load %arg12[%swap3A_301, %swap3A_302] {strides = array<i32>} : memref<128x128xf32, #tpu.memory_space<vmem>>, vector<16xf32>,
          tpu.vector_store %arg12[%swap3A_301, %swap3A_302], %mul3A_300 {strides = array<i32>} : memref<128x128xf32, #tpu.memory_space<vmem>>, vector<16xf32>,
          %get3A_304 = arith.index_cast %add3A_282 : i32 to index
          %get3A_305 = arith.constant 48 : index
          %get3A_306 = tpu.vector_load %arg12[%get3A_304, %get3A_305] {strides = array<i32>} : memref<128x128xf32, #tpu.memory_space<vmem>>, vector<16xf32>,
          %mul3A_307 = arith.mulf %get3A_306, %gather3A_278 : vector<16xf32>
          %swap3A_308 = arith.index_cast %add3A_282 : i32 to index
          %swap3A_309 = arith.constant 48 : index
          %swap3A_310 = tpu.vector_load %arg12[%swap3A_308, %swap3A_309] {strides = array<i32>} : memref<128x128xf32, #tpu.memory_space<vmem>>, vector<16xf32>,
          tpu.vector_store %arg12[%swap3A_308, %swap3A_309], %mul3A_307 {strides = array<i32>} : memref<128x128xf32, #tpu.memory_space<vmem>>, vector<16xf32>,
          %get3A_311 = arith.index_cast %add3A_282 : i32 to index
          %get3A_312 = arith.constant 64 : index
          %get3A_313 = tpu.vector_load %arg12[%get3A_311, %get3A_312] {strides = array<i32>} : memref<128x128xf32, #tpu.memory_space<vmem>>, vector<16xf32>,
          %mul3A_314 = arith.mulf %get3A_313, %gather3A_278 : vector<16xf32>
          %swap3A_315 = arith.index_cast %add3A_282 : i32 to index
          %swap3A_316 = arith.constant 64 : index
          %swap3A_317 = tpu.vector_load %arg12[%swap3A_315, %swap3A_316] {strides = array<i32>} : memref<128x128xf32, #tpu.memory_space<vmem>>, vector<16xf32>,
          tpu.vector_store %arg12[%swap3A_315, %swap3A_316], %mul3A_314 {strides = array<i32>} : memref<128x128xf32, #tpu.memory_space<vmem>>, vector<16xf32>,
          %get3A_318 = arith.index_cast %add3A_282 : i32 to index
          %get3A_319 = arith.constant 80 : index
          %get3A_320 = tpu.vector_load %arg12[%get3A_318, %get3A_319] {strides = array<i32>} : memref<128x128xf32, #tpu.memory_space<vmem>>, vector<16xf32>,
          %mul3A_321 = arith.mulf %get3A_320, %gather3A_278 : vector<16xf32>
          %swap3A_322 = arith.index_cast %add3A_282 : i32 to index
          %swap3A_323 = arith.constant 80 : index
          %swap3A_324 = tpu.vector_load %arg12[%swap3A_322, %swap3A_323] {strides = array<i32>} : memref<128x128xf32, #tpu.memory_space<vmem>>, vector<16xf32>,
          tpu.vector_store %arg12[%swap3A_322, %swap3A_323], %mul3A_321 {strides = array<i32>} : memref<128x128xf32, #tpu.memory_space<vmem>>, vector<16xf32>,
          %get3A_325 = arith.index_cast %add3A_282 : i32 to index
          %get3A_326 = arith.constant 96 : index
          %get3A_327 = tpu.vector_load %arg12[%get3A_325, %get3A_326] {strides = array<i32>} : memref<128x128xf32, #tpu.memory_space<vmem>>, vector<16xf32>,
          %mul3A_328 = arith.mulf %get3A_327, %gather3A_278 : vector<16xf32>
          %swap3A_329 = arith.index_cast %add3A_282 : i32 to index
          %swap3A_330 = arith.constant 96 : index
          %swap3A_331 = tpu.vector_load %arg12[%swap3A_329, %swap3A_330] {strides = array<i32>} : memref<128x128xf32, #tpu.memory_space<vmem>>, vector<16xf32>,
          tpu.vector_store %arg12[%swap3A_329, %swap3A_330], %mul3A_328 {strides = array<i32>} : memref<128x128xf32, #tpu.memory_space<vmem>>, vector<16xf32>,
          %get3A_332 = arith.index_cast %add3A_282 : i32 to index
          %get3A_333 = arith.constant 112 : index
          %get3A_334 = tpu.vector_load %arg12[%get3A_332, %get3A_333] {strides = array<i32>} : memref<128x128xf32, #tpu.memory_space<vmem>>, vector<16xf32>,
          %mul3A_335 = arith.mulf %get3A_334, %gather3A_278 : vector<16xf32>
          %swap3A_336 = arith.index_cast %add3A_282 : i32 to index
          %swap3A_337 = arith.constant 112 : index
          %swap3A_338 = tpu.vector_load %arg12[%swap3A_336, %swap3A_337] {strides = array<i32>} : memref<128x128xf32, #tpu.memory_space<vmem>>, vector<16xf32>,
          tpu.vector_store %arg12[%swap3A_336, %swap3A_337], %mul3A_335 {strides = array<i32>} : memref<128x128xf32, #tpu.memory_space<vmem>>, vector<16xf32>,
          %broadcast_in_dim3A_339 = arith.constant 2 : i32
          %broadcast_in_dim3A_340 = vector.broadcast %broadcast_in_dim3A_339 : i32 to vector<16x1xi32>
          %gather3A_341 = vector.shape_cast %broadcast_in_dim3A_340 : vector<16x1xi32> to vector<16xi32>
          %gather3A_342 = tpu.dynamic_gather %get3A_212[%gather3A_341] in [0] : vector<16xf32>, vector<16xi32> -> vector<16xf32>
          %mul3A_343 = arith.constant 16 : i32
          %mul3A_344 = arith.muli %scan3A_208, %mul3A_343 : i32
          %add3A_345 = arith.constant 2 : i32
          %add3A_346 = arith.addi %mul3A_344, %add3A_345 : i32
          %get3A_347 = arith.index_cast %add3A_346 : i32 to index
          %get3A_348 = arith.constant 0 : index
          %get3A_349 = tpu.vector_load %arg12[%get3A_347, %get3A_348] {strides = array<i32>} : memref<128x128xf32, #tpu.memory_space<vmem>>, vector<16xf32>,
          %mul3A_350 = arith.mulf %get3A_349, %gather3A_342 : vector<16xf32>
          %swap3A_351 = arith.index_cast %add3A_346 : i32 to index
          %swap3A_352 = arith.constant 0 : index
          %swap3A_353 = tpu.vector_load %arg12[%swap3A_351, %swap3A_352] {strides = array<i32>} : memref<128x128xf32, #tpu.memory_space<vmem>>, vector<16xf32>,
          tpu.vector_store %arg12[%swap3A_351, %swap3A_352], %mul3A_350 {strides = array<i32>} : memref<128x128xf32, #tpu.memory_space<vmem>>, vector<16xf32>,
          %get3A_354 = arith.index_cast %add3A_346 : i32 to index
          %get3A_355 = arith.constant 16 : index
          %get3A_356 = tpu.vector_load %arg12[%get3A_354, %get3A_355] {strides = array<i32>} : memref<128x128xf32, #tpu.memory_space<vmem>>, vector<16xf32>,
          %mul3A_357 = arith.mulf %get3A_356, %gather3A_342 : vector<16xf32>
          %swap3A_358 = arith.index_cast %add3A_346 : i32 to index
          %swap3A_359 = arith.constant 16 : index
          %swap3A_360 = tpu.vector_load %arg12[%swap3A_358, %swap3A_359] {strides = array<i32>} : memref<128x128xf32, #tpu.memory_space<vmem>>, vector<16xf32>,
          tpu.vector_store %arg12[%swap3A_358, %swap3A_359], %mul3A_357 {strides = array<i32>} : memref<128x128xf32, #tpu.memory_space<vmem>>, vector<16xf32>,
          %get3A_361 = arith.index_cast %add3A_346 : i32 to index
          %get3A_362 = arith.constant 32 : index
          %get3A_363 = tpu.vector_load %arg12[%get3A_361, %get3A_362] {strides = array<i32>} : memref<128x128xf32, #tpu.memory_space<vmem>>, vector<16xf32>,
          %mul3A_364 = arith.mulf %get3A_363, %gather3A_342 : vector<16xf32>
          %swap3A_365 = arith.index_cast %add3A_346 : i32 to index
          %swap3A_366 = arith.constant 32 : index
          %swap3A_367 = tpu.vector_load %arg12[%swap3A_365, %swap3A_366] {strides = array<i32>} : memref<128x128xf32, #tpu.memory_space<vmem>>, vector<16xf32>,
          tpu.vector_store %arg12[%swap3A_365, %swap3A_366], %mul3A_364 {strides = array<i32>} : memref<128x128xf32, #tpu.memory_space<vmem>>, vector<16xf32>,
          %get3A_368 = arith.index_cast %add3A_346 : i32 to index
          %get3A_369 = arith.constant 48 : index
          %get3A_370 = tpu.vector_load %arg12[%get3A_368, %get3A_369] {strides = array<i32>} : memref<128x128xf32, #tpu.memory_space<vmem>>, vector<16xf32>,
          %mul3A_371 = arith.mulf %get3A_370, %gather3A_342 : vector<16xf32>
          %swap3A_372 = arith.index_cast %add3A_346 : i32 to index
          %swap3A_373 = arith.constant 48 : index
          %swap3A_374 = tpu.vector_load %arg12[%swap3A_372, %swap3A_373] {strides = array<i32>} : memref<128x128xf32, #tpu.memory_space<vmem>>, vector<16xf32>,
          tpu.vector_store %arg12[%swap3A_372, %swap3A_373], %mul3A_371 {strides = array<i32>} : memref<128x128xf32, #tpu.memory_space<vmem>>, vector<16xf32>,
          %get3A_375 = arith.index_cast %add3A_346 : i32 to index
          %get3A_376 = arith.constant 64 : index
          %get3A_377 = tpu.vector_load %arg12[%get3A_375, %get3A_376] {strides = array<i32>} : memref<128x128xf32, #tpu.memory_space<vmem>>, vector<16xf32>,
          %mul3A_378 = arith.mulf %get3A_377, %gather3A_342 : vector<16xf32>
          %swap3A_379 = arith.index_cast %add3A_346 : i32 to index
          %swap3A_380 = arith.constant 64 : index
          %swap3A_381 = tpu.vector_load %arg12[%swap3A_379, %swap3A_380] {strides = array<i32>} : memref<128x128xf32, #tpu.memory_space<vmem>>, vector<16xf32>,
          tpu.vector_store %arg12[%swap3A_379, %swap3A_380], %mul3A_378 {strides = array<i32>} : memref<128x128xf32, #tpu.memory_space<vmem>>, vector<16xf32>,
          %get3A_382 = arith.index_cast %add3A_346 : i32 to index
          %get3A_383 = arith.constant 80 : index
          %get3A_384 = tpu.vector_load %arg12[%get3A_382, %get3A_383] {strides = array<i32>} : memref<128x128xf32, #tpu.memory_space<vmem>>, vector<16xf32>,
          %mul3A_385 = arith.mulf %get3A_384, %gather3A_342 : vector<16xf32>
          %swap3A_386 = arith.index_cast %add3A_346 : i32 to index
          %swap3A_387 = arith.constant 80 : index
          %swap3A_388 = tpu.vector_load %arg12[%swap3A_386, %swap3A_387] {strides = array<i32>} : memref<128x128xf32, #tpu.memory_space<vmem>>, vector<16xf32>,
          tpu.vector_store %arg12[%swap3A_386, %swap3A_387], %mul3A_385 {strides = array<i32>} : memref<128x128xf32, #tpu.memory_space<vmem>>, vector<16xf32>,
          %get3A_389 = arith.index_cast %add3A_346 : i32 to index
          %get3A_390 = arith.constant 96 : index
          %get3A_391 = tpu.vector_load %arg12[%get3A_389, %get3A_390] {strides = array<i32>} : memref<128x128xf32, #tpu.memory_space<vmem>>, vector<16xf32>,
          %mul3A_392 = arith.mulf %get3A_391, %gather3A_342 : vector<16xf32>
          %swap3A_393 = arith.index_cast %add3A_346 : i32 to index
          %swap3A_394 = arith.constant 96 : index
          %swap3A_395 = tpu.vector_load %arg12[%swap3A_393, %swap3A_394] {strides = array<i32>} : memref<128x128xf32, #tpu.memory_space<vmem>>, vector<16xf32>,
          tpu.vector_store %arg12[%swap3A_393, %swap3A_394], %mul3A_392 {strides = array<i32>} : memref<128x128xf32, #tpu.memory_space<vmem>>, vector<16xf32>,
          %get3A_396 = arith.index_cast %add3A_346 : i32 to index
          %get3A_397 = arith.constant 112 : index
          %get3A_398 = tpu.vector_load %arg12[%get3A_396, %get3A_397] {strides = array<i32>} : memref<128x128xf32, #tpu.memory_space<vmem>>, vector<16xf32>,
          %mul3A_399 = arith.mulf %get3A_398, %gather3A_342 : vector<16xf32>
          %swap3A_400 = arith.index_cast %add3A_346 : i32 to index
          %swap3A_401 = arith.constant 112 : index
          %swap3A_402 = tpu.vector_load %arg12[%swap3A_400, %swap3A_401] {strides = array<i32>} : memref<128x128xf32, #tpu.memory_space<vmem>>, vector<16xf32>,
          tpu.vector_store %arg12[%swap3A_400, %swap3A_401], %mul3A_399 {strides = array<i32>} : memref<128x128xf32, #tpu.memory_space<vmem>>, vector<16xf32>,
          %broadcast_in_dim3A_403 = arith.constant 3 : i32
          %broadcast_in_dim3A_404 = vector.broadcast %broadcast_in_dim3A_403 : i32 to vector<16x1xi32>
          %gather3A_405 = vector.shape_cast %broadcast_in_dim3A_404 : vector<16x1xi32> to vector<16xi32>
          %gather3A_406 = tpu.dynamic_gather %get3A_212[%gather3A_405] in [0] : vector<16xf32>, vector<16xi32> -> vector<16xf32>
          %mul3A_407 = arith.constant 16 : i32
          %mul3A_408 = arith.muli %scan3A_208, %mul3A_407 : i32
          %add3A_409 = arith.constant 3 : i32
          %add3A_410 = arith.addi %mul3A_408, %add3A_409 : i32
          %get3A_411 = arith.index_cast %add3A_410 : i32 to index
          %get3A_412 = arith.constant 0 : index
          %get3A_413 = tpu.vector_load %arg12[%get3A_411, %get3A_412] {strides = array<i32>} : memref<128x128xf32, #tpu.memory_space<vmem>>, vector<16xf32>,
          %mul3A_414 = arith.mulf %get3A_413, %gather3A_406 : vector<16xf32>
          %swap3A_415 = arith.index_cast %add3A_410 : i32 to index
          %swap3A_416 = arith.constant 0 : index
          %swap3A_417 = tpu.vector_load %arg12[%swap3A_415, %swap3A_416] {strides = array<i32>} : memref<128x128xf32, #tpu.memory_space<vmem>>, vector<16xf32>,
          tpu.vector_store %arg12[%swap3A_415, %swap3A_416], %mul3A_414 {strides = array<i32>} : memref<128x128xf32, #tpu.memory_space<vmem>>, vector<16xf32>,
          %get3A_418 = arith.index_cast %add3A_410 : i32 to index
          %get3A_419 = arith.constant 16 : index
          %get3A_420 = tpu.vector_load %arg12[%get3A_418, %get3A_419] {strides = array<i32>} : memref<128x128xf32, #tpu.memory_space<vmem>>, vector<16xf32>,
          %mul3A_421 = arith.mulf %get3A_420, %gather3A_406 : vector<16xf32>
          %swap3A_422 = arith.index_cast %add3A_410 : i32 to index
          %swap3A_423 = arith.constant 16 : index
          %swap3A_424 = tpu.vector_load %arg12[%swap3A_422, %swap3A_423] {strides = array<i32>} : memref<128x128xf32, #tpu.memory_space<vmem>>, vector<16xf32>,
          tpu.vector_store %arg12[%swap3A_422, %swap3A_423], %mul3A_421 {strides = array<i32>} : memref<128x128xf32, #tpu.memory_space<vmem>>, vector<16xf32>,
          %get3A_425 = arith.index_cast %add3A_410 : i32 to index
          %get3A_426 = arith.constant 32 : index
          %get3A_427 = tpu.vector_load %arg12[%get3A_425, %get3A_426] {strides = array<i32>} : memref<128x128xf32, #tpu.memory_space<vmem>>, vector<16xf32>,
          %mul3A_428 = arith.mulf %get3A_427, %gather3A_406 : vector<16xf32>
          %swap3A_429 = arith.index_cast %add3A_410 : i32 to index
          %swap3A_430 = arith.constant 32 : index
          %swap3A_431 = tpu.vector_load %arg12[%swap3A_429, %swap3A_430] {strides = array<i32>} : memref<128x128xf32, #tpu.memory_space<vmem>>, vector<16xf32>,
          tpu.vector_store %arg12[%swap3A_429, %swap3A_430], %mul3A_428 {strides = array<i32>} : memref<128x128xf32, #tpu.memory_space<vmem>>, vector<16xf32>,
          %get3A_432 = arith.index_cast %add3A_410 : i32 to index
          %get3A_433 = arith.constant 48 : index
          %get3A_434 = tpu.vector_load %arg12[%get3A_432, %get3A_433] {strides = array<i32>} : memref<128x128xf32, #tpu.memory_space<vmem>>, vector<16xf32>,
          %mul3A_435 = arith.mulf %get3A_434, %gather3A_406 : vector<16xf32>
          %swap3A_436 = arith.index_cast %add3A_410 : i32 to index
          %swap3A_437 = arith.constant 48 : index
          %swap3A_438 = tpu.vector_load %arg12[%swap3A_436, %swap3A_437] {strides = array<i32>} : memref<128x128xf32, #tpu.memory_space<vmem>>, vector<16xf32>,
          tpu.vector_store %arg12[%swap3A_436, %swap3A_437], %mul3A_435 {strides = array<i32>} : memref<128x128xf32, #tpu.memory_space<vmem>>, vector<16xf32>,
          %get3A_439 = arith.index_cast %add3A_410 : i32 to index
          %get3A_440 = arith.constant 64 : index
          %get3A_441 = tpu.vector_load %arg12[%get3A_439, %get3A_440] {strides = array<i32>} : memref<128x128xf32, #tpu.memory_space<vmem>>, vector<16xf32>,
          %mul3A_442 = arith.mulf %get3A_441, %gather3A_406 : vector<16xf32>
          %swap3A_443 = arith.index_cast %add3A_410 : i32 to index
          %swap3A_444 = arith.constant 64 : index
          %swap3A_445 = tpu.vector_load %arg12[%swap3A_443, %swap3A_444] {strides = array<i32>} : memref<128x128xf32, #tpu.memory_space<vmem>>, vector<16xf32>,
          tpu.vector_store %arg12[%swap3A_443, %swap3A_444], %mul3A_442 {strides = array<i32>} : memref<128x128xf32, #tpu.memory_space<vmem>>, vector<16xf32>,
          %get3A_446 = arith.index_cast %add3A_410 : i32 to index
          %get3A_447 = arith.constant 80 : index
          %get3A_448 = tpu.vector_load %arg12[%get3A_446, %get3A_447] {strides = array<i32>} : memref<128x128xf32, #tpu.memory_space<vmem>>, vector<16xf32>,
          %mul3A_449 = arith.mulf %get3A_448, %gather3A_406 : vector<16xf32>
          %swap3A_450 = arith.index_cast %add3A_410 : i32 to index
          %swap3A_451 = arith.constant 80 : index
          %swap3A_452 = tpu.vector_load %arg12[%swap3A_450, %swap3A_451] {strides = array<i32>} : memref<128x128xf32, #tpu.memory_space<vmem>>, vector<16xf32>,
          tpu.vector_store %arg12[%swap3A_450, %swap3A_451], %mul3A_449 {strides = array<i32>} : memref<128x128xf32, #tpu.memory_space<vmem>>, vector<16xf32>,
          %get3A_453 = arith.index_cast %add3A_410 : i32 to index
          %get3A_454 = arith.constant 96 : index
          %get3A_455 = tpu.vector_load %arg12[%get3A_453, %get3A_454] {strides = array<i32>} : memref<128x128xf32, #tpu.memory_space<vmem>>, vector<16xf32>,
          %mul3A_456 = arith.mulf %get3A_455, %gather3A_406 : vector<16xf32>
          %swap3A_457 = arith.index_cast %add3A_410 : i32 to index
          %swap3A_458 = arith.constant 96 : index
          %swap3A_459 = tpu.vector_load %arg12[%swap3A_457, %swap3A_458] {strides = array<i32>} : memref<128x128xf32, #tpu.memory_space<vmem>>, vector<16xf32>,
          tpu.vector_store %arg12[%swap3A_457, %swap3A_458], %mul3A_456 {strides = array<i32>} : memref<128x128xf32, #tpu.memory_space<vmem>>, vector<16xf32>,
          %get3A_460 = arith.index_cast %add3A_410 : i32 to index
          %get3A_461 = arith.constant 112 : index
          %get3A_462 = tpu.vector_load %arg12[%get3A_460, %get3A_461] {strides = array<i32>} : memref<128x128xf32, #tpu.memory_space<vmem>>, vector<16xf32>,
          %mul3A_463 = arith.mulf %get3A_462, %gather3A_406 : vector<16xf32>
          %swap3A_464 = arith.index_cast %add3A_410 : i32 to index
          %swap3A_465 = arith.constant 112 : index
          %swap3A_466 = tpu.vector_load %arg12[%swap3A_464, %swap3A_465] {strides = array<i32>} : memref<128x128xf32, #tpu.memory_space<vmem>>, vector<16xf32>,
          tpu.vector_store %arg12[%swap3A_464, %swap3A_465], %mul3A_463 {strides = array<i32>} : memref<128x128xf32, #tpu.memory_space<vmem>>, vector<16xf32>,
          %broadcast_in_dim3A_467 = arith.constant 4 : i32
          %broadcast_in_dim3A_468 = vector.broadcast %broadcast_in_dim3A_467 : i32 to vector<16x1xi32>
          %gather3A_469 = vector.shape_cast %broadcast_in_dim3A_468 : vector<16x1xi32> to vector<16xi32>
          %gather3A_470 = tpu.dynamic_gather %get3A_212[%gather3A_469] in [0] : vector<16xf32>, vector<16xi32> -> vector<16xf32>
          %mul3A_471 = arith.constant 16 : i32
          %mul3A_472 = arith.muli %scan3A_208, %mul3A_471 : i32
          %add3A_473 = arith.constant 4 : i32
          %add3A_474 = arith.addi %mul3A_472, %add3A_473 : i32
          %get3A_475 = arith.index_cast %add3A_474 : i32 to index
          %get3A_476 = arith.constant 0 : index
          %get3A_477 = tpu.vector_load %arg12[%get3A_475, %get3A_476] {strides = array<i32>} : memref<128x128xf32, #tpu.memory_space<vmem>>, vector<16xf32>,
          %mul3A_478 = arith.mulf %get3A_477, %gather3A_470 : vector<16xf32>
          %swap3A_479 = arith.index_cast %add3A_474 : i32 to index
          %swap3A_480 = arith.constant 0 : index
          %swap3A_481 = tpu.vector_load %arg12[%swap3A_479, %swap3A_480] {strides = array<i32>} : memref<128x128xf32, #tpu.memory_space<vmem>>, vector<16xf32>,
          tpu.vector_store %arg12[%swap3A_479, %swap3A_480], %mul3A_478 {strides = array<i32>} : memref<128x128xf32, #tpu.memory_space<vmem>>, vector<16xf32>,
          %get3A_482 = arith.index_cast %add3A_474 : i32 to index
          %get3A_483 = arith.constant 16 : index
          %get3A_484 = tpu.vector_load %arg12[%get3A_482, %get3A_483] {strides = array<i32>} : memref<128x128xf32, #tpu.memory_space<vmem>>, vector<16xf32>,
          %mul3A_485 = arith.mulf %get3A_484, %gather3A_470 : vector<16xf32>
          %swap3A_486 = arith.index_cast %add3A_474 : i32 to index
          %swap3A_487 = arith.constant 16 : index
          %swap3A_488 = tpu.vector_load %arg12[%swap3A_486, %swap3A_487] {strides = array<i32>} : memref<128x128xf32, #tpu.memory_space<vmem>>, vector<16xf32>,
          tpu.vector_store %arg12[%swap3A_486, %swap3A_487], %mul3A_485 {strides = array<i32>} : memref<128x128xf32, #tpu.memory_space<vmem>>, vector<16xf32>,
          %get3A_489 = arith.index_cast %add3A_474 : i32 to index
          %get3A_490 = arith.constant 32 : index
          %get3A_491 = tpu.vector_load %arg12[%get3A_489, %get3A_490] {strides = array<i32>} : memref<128x128xf32, #tpu.memory_space<vmem>>, vector<16xf32>,
          %mul3A_492 = arith.mulf %get3A_491, %gather3A_470 : vector<16xf32>
          %swap3A_493 = arith.index_cast %add3A_474 : i32 to index
          %swap3A_494 = arith.constant 32 : index
          %swap3A_495 = tpu.vector_load %arg12[%swap3A_493, %swap3A_494] {strides = array<i32>} : memref<128x128xf32, #tpu.memory_space<vmem>>, vector<16xf32>,
          tpu.vector_store %arg12[%swap3A_493, %swap3A_494], %mul3A_492 {strides = array<i32>} : memref<128x128xf32, #tpu.memory_space<vmem>>, vector<16xf32>,
          %get3A_496 = arith.index_cast %add3A_474 : i32 to index
          %get3A_497 = arith.constant 48 : index
          %get3A_498 = tpu.vector_load %arg12[%get3A_496, %get3A_497] {strides = array<i32>} : memref<128x128xf32, #tpu.memory_space<vmem>>, vector<16xf32>,
          %mul3A_499 = arith.mulf %get3A_498, %gather3A_470 : vector<16xf32>
          %swap3A_500 = arith.index_cast %add3A_474 : i32 to index
          %swap3A_501 = arith.constant 48 : index
          %swap3A_502 = tpu.vector_load %arg12[%swap3A_500, %swap3A_501] {strides = array<i32>} : memref<128x128xf32, #tpu.memory_space<vmem>>, vector<16xf32>,
          tpu.vector_store %arg12[%swap3A_500, %swap3A_501], %mul3A_499 {strides = array<i32>} : memref<128x128xf32, #tpu.memory_space<vmem>>, vector<16xf32>,
          %get3A_503 = arith.index_cast %add3A_474 : i32 to index
          %get3A_504 = arith.constant 64 : index
          %get3A_505 = tpu.vector_load %arg12[%get3A_503, %get3A_504] {strides = array<i32>} : memref<128x128xf32, #tpu.memory_space<vmem>>, vector<16xf32>,
          %mul3A_506 = arith.mulf %get3A_505, %gather3A_470 : vector<16xf32>
          %swap3A_507 = arith.index_cast %add3A_474 : i32 to index
          %swap3A_508 = arith.constant 64 : index
          %swap3A_509 = tpu.vector_load %arg12[%swap3A_507, %swap3A_508] {strides = array<i32>} : memref<128x128xf32, #tpu.memory_space<vmem>>, vector<16xf32>,
          tpu.vector_store %arg12[%swap3A_507, %swap3A_508], %mul3A_506 {strides = array<i32>} : memref<128x128xf32, #tpu.memory_space<vmem>>, vector<16xf32>,
          %get3A_510 = arith.index_cast %add3A_474 : i32 to index
          %get3A_511 = arith.constant 80 : index
          %get3A_512 = tpu.vector_load %arg12[%get3A_510, %get3A_511] {strides = array<i32>} : memref<128x128xf32, #tpu.memory_space<vmem>>, vector<16xf32>,
          %mul3A_513 = arith.mulf %get3A_512, %gather3A_470 : vector<16xf32>
          %swap3A_514 = arith.index_cast %add3A_474 : i32 to index
          %swap3A_515 = arith.constant 80 : index
          %swap3A_516 = tpu.vector_load %arg12[%swap3A_514, %swap3A_515] {strides = array<i32>} : memref<128x128xf32, #tpu.memory_space<vmem>>, vector<16xf32>,
          tpu.vector_store %arg12[%swap3A_514, %swap3A_515], %mul3A_513 {strides = array<i32>} : memref<128x128xf32, #tpu.memory_space<vmem>>, vector<16xf32>,
          %get3A_517 = arith.index_cast %add3A_474 : i32 to index
          %get3A_518 = arith.constant 96 : index
          %get3A_519 = tpu.vector_load %arg12[%get3A_517, %get3A_518] {strides = array<i32>} : memref<128x128xf32, #tpu.memory_space<vmem>>, vector<16xf32>,
          %mul3A_520 = arith.mulf %get3A_519, %gather3A_470 : vector<16xf32>
          %swap3A_521 = arith.index_cast %add3A_474 : i32 to index
          %swap3A_522 = arith.constant 96 : index
          %swap3A_523 = tpu.vector_load %arg12[%swap3A_521, %swap3A_522] {strides = array<i32>} : memref<128x128xf32, #tpu.memory_space<vmem>>, vector<16xf32>,
          tpu.vector_store %arg12[%swap3A_521, %swap3A_522], %mul3A_520 {strides = array<i32>} : memref<128x128xf32, #tpu.memory_space<vmem>>, vector<16xf32>,
          %get3A_524 = arith.index_cast %add3A_474 : i32 to index
          %get3A_525 = arith.constant 112 : index
          %get3A_526 = tpu.vector_load %arg12[%get3A_524, %get3A_525] {strides = array<i32>} : memref<128x128xf32, #tpu.memory_space<vmem>>, vector<16xf32>,
          %mul3A_527 = arith.mulf %get3A_526, %gather3A_470 : vector<16xf32>
          %swap3A_528 = arith.index_cast %add3A_474 : i32 to index
          %swap3A_529 = arith.constant 112 : index
          %swap3A_530 = tpu.vector_load %arg12[%swap3A_528, %swap3A_529] {strides = array<i32>} : memref<128x128xf32, #tpu.memory_space<vmem>>, vector<16xf32>,
          tpu.vector_store %arg12[%swap3A_528, %swap3A_529], %mul3A_527 {strides = array<i32>} : memref<128x128xf32, #tpu.memory_space<vmem>>, vector<16xf32>,
          %broadcast_in_dim3A_531 = arith.constant 5 : i32
          %broadcast_in_dim3A_532 = vector.broadcast %broadcast_in_dim3A_531 : i32 to vector<16x1xi32>
          %gather3A_533 = vector.shape_cast %broadcast_in_dim3A_532 : vector<16x1xi32> to vector<16xi32>
          %gather3A_534 = tpu.dynamic_gather %get3A_212[%gather3A_533] in [0] : vector<16xf32>, vector<16xi32> -> vector<16xf32>
          %mul3A_535 = arith.constant 16 : i32
          %mul3A_536 = arith.muli %scan3A_208, %mul3A_535 : i32
          %add3A_537 = arith.constant 5 : i32
          %add3A_538 = arith.addi %mul3A_536, %add3A_537 : i32
          %get3A_539 = arith.index_cast %add3A_538 : i32 to index
          %get3A_540 = arith.constant 0 : index
          %get3A_541 = tpu.vector_load %arg12[%get3A_539, %get3A_540] {strides = array<i32>} : memref<128x128xf32, #tpu.memory_space<vmem>>, vector<16xf32>,
          %mul3A_542 = arith.mulf %get3A_541, %gather3A_534 : vector<16xf32>
          %swap3A_543 = arith.index_cast %add3A_538 : i32 to index
          %swap3A_544 = arith.constant 0 : index
          %swap3A_545 = tpu.vector_load %arg12[%swap3A_543, %swap3A_544] {strides = array<i32>} : memref<128x128xf32, #tpu.memory_space<vmem>>, vector<16xf32>,
          tpu.vector_store %arg12[%swap3A_543, %swap3A_544], %mul3A_542 {strides = array<i32>} : memref<128x128xf32, #tpu.memory_space<vmem>>, vector<16xf32>,
          %get3A_546 = arith.index_cast %add3A_538 : i32 to index
          %get3A_547 = arith.constant 16 : index
          %get3A_548 = tpu.vector_load %arg12[%get3A_546, %get3A_547] {strides = array<i32>} : memref<128x128xf32, #tpu.memory_space<vmem>>, vector<16xf32>,
          %mul3A_549 = arith.mulf %get3A_548, %gather3A_534 : vector<16xf32>
          %swap3A_550 = arith.index_cast %add3A_538 : i32 to index
          %swap3A_551 = arith.constant 16 : index
          %swap3A_552 = tpu.vector_load %arg12[%swap3A_550, %swap3A_551] {strides = array<i32>} : memref<128x128xf32, #tpu.memory_space<vmem>>, vector<16xf32>,
          tpu.vector_store %arg12[%swap3A_550, %swap3A_551], %mul3A_549 {strides = array<i32>} : memref<128x128xf32, #tpu.memory_space<vmem>>, vector<16xf32>,
          %get3A_553 = arith.index_cast %add3A_538 : i32 to index
          %get3A_554 = arith.constant 32 : index
          %get3A_555 = tpu.vector_load %arg12[%get3A_553, %get3A_554] {strides = array<i32>} : memref<128x128xf32, #tpu.memory_space<vmem>>, vector<16xf32>,
          %mul3A_556 = arith.mulf %get3A_555, %gather3A_534 : vector<16xf32>
          %swap3A_557 = arith.index_cast %add3A_538 : i32 to index
          %swap3A_558 = arith.constant 32 : index
          %swap3A_559 = tpu.vector_load %arg12[%swap3A_557, %swap3A_558] {strides = array<i32>} : memref<128x128xf32, #tpu.memory_space<vmem>>, vector<16xf32>,
          tpu.vector_store %arg12[%swap3A_557, %swap3A_558], %mul3A_556 {strides = array<i32>} : memref<128x128xf32, #tpu.memory_space<vmem>>, vector<16xf32>,
          %get3A_560 = arith.index_cast %add3A_538 : i32 to index
          %get3A_561 = arith.constant 48 : index
          %get3A_562 = tpu.vector_load %arg12[%get3A_560, %get3A_561] {strides = array<i32>} : memref<128x128xf32, #tpu.memory_space<vmem>>, vector<16xf32>,
          %mul3A_563 = arith.mulf %get3A_562, %gather3A_534 : vector<16xf32>
          %swap3A_564 = arith.index_cast %add3A_538 : i32 to index
          %swap3A_565 = arith.constant 48 : index
          %swap3A_566 = tpu.vector_load %arg12[%swap3A_564, %swap3A_565] {strides = array<i32>} : memref<128x128xf32, #tpu.memory_space<vmem>>, vector<16xf32>,
          tpu.vector_store %arg12[%swap3A_564, %swap3A_565], %mul3A_563 {strides = array<i32>} : memref<128x128xf32, #tpu.memory_space<vmem>>, vector<16xf32>,
          %get3A_567 = arith.index_cast %add3A_538 : i32 to index
          %get3A_568 = arith.constant 64 : index
          %get3A_569 = tpu.vector_load %arg12[%get3A_567, %get3A_568] {strides = array<i32>} : memref<128x128xf32, #tpu.memory_space<vmem>>, vector<16xf32>,
          %mul3A_570 = arith.mulf %get3A_569, %gather3A_534 : vector<16xf32>
          %swap3A_571 = arith.index_cast %add3A_538 : i32 to index
          %swap3A_572 = arith.constant 64 : index
          %swap3A_573 = tpu.vector_load %arg12[%swap3A_571, %swap3A_572] {strides = array<i32>} : memref<128x128xf32, #tpu.memory_space<vmem>>, vector<16xf32>,
          tpu.vector_store %arg12[%swap3A_571, %swap3A_572], %mul3A_570 {strides = array<i32>} : memref<128x128xf32, #tpu.memory_space<vmem>>, vector<16xf32>,
          %get3A_574 = arith.index_cast %add3A_538 : i32 to index
          %get3A_575 = arith.constant 80 : index
          %get3A_576 = tpu.vector_load %arg12[%get3A_574, %get3A_575] {strides = array<i32>} : memref<128x128xf32, #tpu.memory_space<vmem>>, vector<16xf32>,
          %mul3A_577 = arith.mulf %get3A_576, %gather3A_534 : vector<16xf32>
          %swap3A_578 = arith.index_cast %add3A_538 : i32 to index
          %swap3A_579 = arith.constant 80 : index
          %swap3A_580 = tpu.vector_load %arg12[%swap3A_578, %swap3A_579] {strides = array<i32>} : memref<128x128xf32, #tpu.memory_space<vmem>>, vector<16xf32>,
          tpu.vector_store %arg12[%swap3A_578, %swap3A_579], %mul3A_577 {strides = array<i32>} : memref<128x128xf32, #tpu.memory_space<vmem>>, vector<16xf32>,
          %get3A_581 = arith.index_cast %add3A_538 : i32 to index
          %get3A_582 = arith.constant 96 : index
          %get3A_583 = tpu.vector_load %arg12[%get3A_581, %get3A_582] {strides = array<i32>} : memref<128x128xf32, #tpu.memory_space<vmem>>, vector<16xf32>,
          %mul3A_584 = arith.mulf %get3A_583, %gather3A_534 : vector<16xf32>
          %swap3A_585 = arith.index_cast %add3A_538 : i32 to index
          %swap3A_586 = arith.constant 96 : index
          %swap3A_587 = tpu.vector_load %arg12[%swap3A_585, %swap3A_586] {strides = array<i32>} : memref<128x128xf32, #tpu.memory_space<vmem>>, vector<16xf32>,
          tpu.vector_store %arg12[%swap3A_585, %swap3A_586], %mul3A_584 {strides = array<i32>} : memref<128x128xf32, #tpu.memory_space<vmem>>, vector<16xf32>,
          %get3A_588 = arith.index_cast %add3A_538 : i32 to index
          %get3A_589 = arith.constant 112 : index
          %get3A_590 = tpu.vector_load %arg12[%get3A_588, %get3A_589] {strides = array<i32>} : memref<128x128xf32, #tpu.memory_space<vmem>>, vector<16xf32>,
          %mul3A_591 = arith.mulf %get3A_590, %gather3A_534 : vector<16xf32>
          %swap3A_592 = arith.index_cast %add3A_538 : i32 to index
          %swap3A_593 = arith.constant 112 : index
          %swap3A_594 = tpu.vector_load %arg12[%swap3A_592, %swap3A_593] {strides = array<i32>} : memref<128x128xf32, #tpu.memory_space<vmem>>, vector<16xf32>,
          tpu.vector_store %arg12[%swap3A_592, %swap3A_593], %mul3A_591 {strides = array<i32>} : memref<128x128xf32, #tpu.memory_space<vmem>>, vector<16xf32>,
          %broadcast_in_dim3A_595 = arith.constant 6 : i32
          %broadcast_in_dim3A_596 = vector.broadcast %broadcast_in_dim3A_595 : i32 to vector<16x1xi32>
          %gather3A_597 = vector.shape_cast %broadcast_in_dim3A_596 : vector<16x1xi32> to vector<16xi32>
          %gather3A_598 = tpu.dynamic_gather %get3A_212[%gather3A_597] in [0] : vector<16xf32>, vector<16xi32> -> vector<16xf32>
          %mul3A_599 = arith.constant 16 : i32
          %mul3A_600 = arith.muli %scan3A_208, %mul3A_599 : i32
          %add3A_601 = arith.constant 6 : i32
          %add3A_602 = arith.addi %mul3A_600, %add3A_601 : i32
          %get3A_603 = arith.index_cast %add3A_602 : i32 to index
          %get3A_604 = arith.constant 0 : index
          %get3A_605 = tpu.vector_load %arg12[%get3A_603, %get3A_604] {strides = array<i32>} : memref<128x128xf32, #tpu.memory_space<vmem>>, vector<16xf32>,
          %mul3A_606 = arith.mulf %get3A_605, %gather3A_598 : vector<16xf32>
          %swap3A_607 = arith.index_cast %add3A_602 : i32 to index
          %swap3A_608 = arith.constant 0 : index
          %swap3A_609 = tpu.vector_load %arg12[%swap3A_607, %swap3A_608] {strides = array<i32>} : memref<128x128xf32, #tpu.memory_space<vmem>>, vector<16xf32>,
          tpu.vector_store %arg12[%swap3A_607, %swap3A_608], %mul3A_606 {strides = array<i32>} : memref<128x128xf32, #tpu.memory_space<vmem>>, vector<16xf32>,
          %get3A_610 = arith.index_cast %add3A_602 : i32 to index
          %get3A_611 = arith.constant 16 : index
          %get3A_612 = tpu.vector_load %arg12[%get3A_610, %get3A_611] {strides = array<i32>} : memref<128x128xf32, #tpu.memory_space<vmem>>, vector<16xf32>,
          %mul3A_613 = arith.mulf %get3A_612, %gather3A_598 : vector<16xf32>
          %swap3A_614 = arith.index_cast %add3A_602 : i32 to index
          %swap3A_615 = arith.constant 16 : index
          %swap3A_616 = tpu.vector_load %arg12[%swap3A_614, %swap3A_615] {strides = array<i32>} : memref<128x128xf32, #tpu.memory_space<vmem>>, vector<16xf32>,
          tpu.vector_store %arg12[%swap3A_614, %swap3A_615], %mul3A_613 {strides = array<i32>} : memref<128x128xf32, #tpu.memory_space<vmem>>, vector<16xf32>,
          %get3A_617 = arith.index_cast %add3A_602 : i32 to index
          %get3A_618 = arith.constant 32 : index
          %get3A_619 = tpu.vector_load %arg12[%get3A_617, %get3A_618] {strides = array<i32>} : memref<128x128xf32, #tpu.memory_space<vmem>>, vector<16xf32>,
          %mul3A_620 = arith.mulf %get3A_619, %gather3A_598 : vector<16xf32>
          %swap3A_621 = arith.index_cast %add3A_602 : i32 to index
          %swap3A_622 = arith.constant 32 : index
          %swap3A_623 = tpu.vector_load %arg12[%swap3A_621, %swap3A_622] {strides = array<i32>} : memref<128x128xf32, #tpu.memory_space<vmem>>, vector<16xf32>,
          tpu.vector_store %arg12[%swap3A_621, %swap3A_622], %mul3A_620 {strides = array<i32>} : memref<128x128xf32, #tpu.memory_space<vmem>>, vector<16xf32>,
          %get3A_624 = arith.index_cast %add3A_602 : i32 to index
          %get3A_625 = arith.constant 48 : index
          %get3A_626 = tpu.vector_load %arg12[%get3A_624, %get3A_625] {strides = array<i32>} : memref<128x128xf32, #tpu.memory_space<vmem>>, vector<16xf32>,
          %mul3A_627 = arith.mulf %get3A_626, %gather3A_598 : vector<16xf32>
          %swap3A_628 = arith.index_cast %add3A_602 : i32 to index
          %swap3A_629 = arith.constant 48 : index
          %swap3A_630 = tpu.vector_load %arg12[%swap3A_628, %swap3A_629] {strides = array<i32>} : memref<128x128xf32, #tpu.memory_space<vmem>>, vector<16xf32>,
          tpu.vector_store %arg12[%swap3A_628, %swap3A_629], %mul3A_627 {strides = array<i32>} : memref<128x128xf32, #tpu.memory_space<vmem>>, vector<16xf32>,
          %get3A_631 = arith.index_cast %add3A_602 : i32 to index
          %get3A_632 = arith.constant 64 : index
          %get3A_633 = tpu.vector_load %arg12[%get3A_631, %get3A_632] {strides = array<i32>} : memref<128x128xf32, #tpu.memory_space<vmem>>, vector<16xf32>,
          %mul3A_634 = arith.mulf %get3A_633, %gather3A_598 : vector<16xf32>
          %swap3A_635 = arith.index_cast %add3A_602 : i32 to index
          %swap3A_636 = arith.constant 64 : index
          %swap3A_637 = tpu.vector_load %arg12[%swap3A_635, %swap3A_636] {strides = array<i32>} : memref<128x128xf32, #tpu.memory_space<vmem>>, vector<16xf32>,
          tpu.vector_store %arg12[%swap3A_635, %swap3A_636], %mul3A_634 {strides = array<i32>} : memref<128x128xf32, #tpu.memory_space<vmem>>, vector<16xf32>,
          %get3A_638 = arith.index_cast %add3A_602 : i32 to index
          %get3A_639 = arith.constant 80 : index
          %get3A_640 = tpu.vector_load %arg12[%get3A_638, %get3A_639] {strides = array<i32>} : memref<128x128xf32, #tpu.memory_space<vmem>>, vector<16xf32>,
          %mul3A_641 = arith.mulf %get3A_640, %gather3A_598 : vector<16xf32>
          %swap3A_642 = arith.index_cast %add3A_602 : i32 to index
          %swap3A_643 = arith.constant 80 : index
          %swap3A_644 = tpu.vector_load %arg12[%swap3A_642, %swap3A_643] {strides = array<i32>} : memref<128x128xf32, #tpu.memory_space<vmem>>, vector<16xf32>,
          tpu.vector_store %arg12[%swap3A_642, %swap3A_643], %mul3A_641 {strides = array<i32>} : memref<128x128xf32, #tpu.memory_space<vmem>>, vector<16xf32>,
          %get3A_645 = arith.index_cast %add3A_602 : i32 to index
          %get3A_646 = arith.constant 96 : index
          %get3A_647 = tpu.vector_load %arg12[%get3A_645, %get3A_646] {strides = array<i32>} : memref<128x128xf32, #tpu.memory_space<vmem>>, vector<16xf32>,
          %mul3A_648 = arith.mulf %get3A_647, %gather3A_598 : vector<16xf32>
          %swap3A_649 = arith.index_cast %add3A_602 : i32 to index
          %swap3A_650 = arith.constant 96 : index
          %swap3A_651 = tpu.vector_load %arg12[%swap3A_649, %swap3A_650] {strides = array<i32>} : memref<128x128xf32, #tpu.memory_space<vmem>>, vector<16xf32>,
          tpu.vector_store %arg12[%swap3A_649, %swap3A_650], %mul3A_648 {strides = array<i32>} : memref<128x128xf32, #tpu.memory_space<vmem>>, vector<16xf32>,
          %get3A_652 = arith.index_cast %add3A_602 : i32 to index
          %get3A_653 = arith.constant 112 : index
          %get3A_654 = tpu.vector_load %arg12[%get3A_652, %get3A_653] {strides = array<i32>} : memref<128x128xf32, #tpu.memory_space<vmem>>, vector<16xf32>,
          %mul3A_655 = arith.mulf %get3A_654, %gather3A_598 : vector<16xf32>
          %swap3A_656 = arith.index_cast %add3A_602 : i32 to index
          %swap3A_657 = arith.constant 112 : index
          %swap3A_658 = tpu.vector_load %arg12[%swap3A_656, %swap3A_657] {strides = array<i32>} : memref<128x128xf32, #tpu.memory_space<vmem>>, vector<16xf32>,
          tpu.vector_store %arg12[%swap3A_656, %swap3A_657], %mul3A_655 {strides = array<i32>} : memref<128x128xf32, #tpu.memory_space<vmem>>, vector<16xf32>,
          %broadcast_in_dim3A_659 = arith.constant 7 : i32
          %broadcast_in_dim3A_660 = vector.broadcast %broadcast_in_dim3A_659 : i32 to vector<16x1xi32>
          %gather3A_661 = vector.shape_cast %broadcast_in_dim3A_660 : vector<16x1xi32> to vector<16xi32>
          %gather3A_662 = tpu.dynamic_gather %get3A_212[%gather3A_661] in [0] : vector<16xf32>, vector<16xi32> -> vector<16xf32>
          %mul3A_663 = arith.constant 16 : i32
          %mul3A_664 = arith.muli %scan3A_208, %mul3A_663 : i32
          %add3A_665 = arith.constant 7 : i32
          %add3A_666 = arith.addi %mul3A_664, %add3A_665 : i32
          %get3A_667 = arith.index_cast %add3A_666 : i32 to index
          %get3A_668 = arith.constant 0 : index
          %get3A_669 = tpu.vector_load %arg12[%get3A_667, %get3A_668] {strides = array<i32>} : memref<128x128xf32, #tpu.memory_space<vmem>>, vector<16xf32>,
          %mul3A_670 = arith.mulf %get3A_669, %gather3A_662 : vector<16xf32>
          %swap3A_671 = arith.index_cast %add3A_666 : i32 to index
          %swap3A_672 = arith.constant 0 : index
          %swap3A_673 = tpu.vector_load %arg12[%swap3A_671, %swap3A_672] {strides = array<i32>} : memref<128x128xf32, #tpu.memory_space<vmem>>, vector<16xf32>,
          tpu.vector_store %arg12[%swap3A_671, %swap3A_672], %mul3A_670 {strides = array<i32>} : memref<128x128xf32, #tpu.memory_space<vmem>>, vector<16xf32>,
          %get3A_674 = arith.index_cast %add3A_666 : i32 to index
          %get3A_675 = arith.constant 16 : index
          %get3A_676 = tpu.vector_load %arg12[%get3A_674, %get3A_675] {strides = array<i32>} : memref<128x128xf32, #tpu.memory_space<vmem>>, vector<16xf32>,
          %mul3A_677 = arith.mulf %get3A_676, %gather3A_662 : vector<16xf32>
          %swap3A_678 = arith.index_cast %add3A_666 : i32 to index
          %swap3A_679 = arith.constant 16 : index
          %swap3A_680 = tpu.vector_load %arg12[%swap3A_678, %swap3A_679] {strides = array<i32>} : memref<128x128xf32, #tpu.memory_space<vmem>>, vector<16xf32>,
          tpu.vector_store %arg12[%swap3A_678, %swap3A_679], %mul3A_677 {strides = array<i32>} : memref<128x128xf32, #tpu.memory_space<vmem>>, vector<16xf32>,
          %get3A_681 = arith.index_cast %add3A_666 : i32 to index
          %get3A_682 = arith.constant 32 : index
          %get3A_683 = tpu.vector_load %arg12[%get3A_681, %get3A_682] {strides = array<i32>} : memref<128x128xf32, #tpu.memory_space<vmem>>, vector<16xf32>,
          %mul3A_684 = arith.mulf %get3A_683, %gather3A_662 : vector<16xf32>
          %swap3A_685 = arith.index_cast %add3A_666 : i32 to index
          %swap3A_686 = arith.constant 32 : index
          %swap3A_687 = tpu.vector_load %arg12[%swap3A_685, %swap3A_686] {strides = array<i32>} : memref<128x128xf32, #tpu.memory_space<vmem>>, vector<16xf32>,
          tpu.vector_store %arg12[%swap3A_685, %swap3A_686], %mul3A_684 {strides = array<i32>} : memref<128x128xf32, #tpu.memory_space<vmem>>, vector<16xf32>,
          %get3A_688 = arith.index_cast %add3A_666 : i32 to index
          %get3A_689 = arith.constant 48 : index
          %get3A_690 = tpu.vector_load %arg12[%get3A_688, %get3A_689] {strides = array<i32>} : memref<128x128xf32, #tpu.memory_space<vmem>>, vector<16xf32>,
          %mul3A_691 = arith.mulf %get3A_690, %gather3A_662 : vector<16xf32>
          %swap3A_692 = arith.index_cast %add3A_666 : i32 to index
          %swap3A_693 = arith.constant 48 : index
          %swap3A_694 = tpu.vector_load %arg12[%swap3A_692, %swap3A_693] {strides = array<i32>} : memref<128x128xf32, #tpu.memory_space<vmem>>, vector<16xf32>,
          tpu.vector_store %arg12[%swap3A_692, %swap3A_693], %mul3A_691 {strides = array<i32>} : memref<128x128xf32, #tpu.memory_space<vmem>>, vector<16xf32>,
          %get3A_695 = arith.index_cast %add3A_666 : i32 to index
          %get3A_696 = arith.constant 64 : index
          %get3A_697 = tpu.vector_load %arg12[%get3A_695, %get3A_696] {strides = array<i32>} : memref<128x128xf32, #tpu.memory_space<vmem>>, vector<16xf32>,
          %mul3A_698 = arith.mulf %get3A_697, %gather3A_662 : vector<16xf32>
          %swap3A_699 = arith.index_cast %add3A_666 : i32 to index
          %swap3A_700 = arith.constant 64 : index
          %swap3A_701 = tpu.vector_load %arg12[%swap3A_699, %swap3A_700] {strides = array<i32>} : memref<128x128xf32, #tpu.memory_space<vmem>>, vector<16xf32>,
          tpu.vector_store %arg12[%swap3A_699, %swap3A_700], %mul3A_698 {strides = array<i32>} : memref<128x128xf32, #tpu.memory_space<vmem>>, vector<16xf32>,
          %get3A_702 = arith.index_cast %add3A_666 : i32 to index
          %get3A_703 = arith.constant 80 : index
          %get3A_704 = tpu.vector_load %arg12[%get3A_702, %get3A_703] {strides = array<i32>} : memref<128x128xf32, #tpu.memory_space<vmem>>, vector<16xf32>,
          %mul3A_705 = arith.mulf %get3A_704, %gather3A_662 : vector<16xf32>
          %swap3A_706 = arith.index_cast %add3A_666 : i32 to index
          %swap3A_707 = arith.constant 80 : index
          %swap3A_708 = tpu.vector_load %arg12[%swap3A_706, %swap3A_707] {strides = array<i32>} : memref<128x128xf32, #tpu.memory_space<vmem>>, vector<16xf32>,
          tpu.vector_store %arg12[%swap3A_706, %swap3A_707], %mul3A_705 {strides = array<i32>} : memref<128x128xf32, #tpu.memory_space<vmem>>, vector<16xf32>,
          %get3A_709 = arith.index_cast %add3A_666 : i32 to index
          %get3A_710 = arith.constant 96 : index
          %get3A_711 = tpu.vector_load %arg12[%get3A_709, %get3A_710] {strides = array<i32>} : memref<128x128xf32, #tpu.memory_space<vmem>>, vector<16xf32>,
          %mul3A_712 = arith.mulf %get3A_711, %gather3A_662 : vector<16xf32>
          %swap3A_713 = arith.index_cast %add3A_666 : i32 to index
          %swap3A_714 = arith.constant 96 : index
          %swap3A_715 = tpu.vector_load %arg12[%swap3A_713, %swap3A_714] {strides = array<i32>} : memref<128x128xf32, #tpu.memory_space<vmem>>, vector<16xf32>,
          tpu.vector_store %arg12[%swap3A_713, %swap3A_714], %mul3A_712 {strides = array<i32>} : memref<128x128xf32, #tpu.memory_space<vmem>>, vector<16xf32>,
          %get3A_716 = arith.index_cast %add3A_666 : i32 to index
          %get3A_717 = arith.constant 112 : index
          %get3A_718 = tpu.vector_load %arg12[%get3A_716, %get3A_717] {strides = array<i32>} : memref<128x128xf32, #tpu.memory_space<vmem>>, vector<16xf32>,
          %mul3A_719 = arith.mulf %get3A_718, %gather3A_662 : vector<16xf32>
          %swap3A_720 = arith.index_cast %add3A_666 : i32 to index
          %swap3A_721 = arith.constant 112 : index
          %swap3A_722 = tpu.vector_load %arg12[%swap3A_720, %swap3A_721] {strides = array<i32>} : memref<128x128xf32, #tpu.memory_space<vmem>>, vector<16xf32>,
          tpu.vector_store %arg12[%swap3A_720, %swap3A_721], %mul3A_719 {strides = array<i32>} : memref<128x128xf32, #tpu.memory_space<vmem>>, vector<16xf32>,
          %broadcast_in_dim3A_723 = arith.constant 8 : i32
          %broadcast_in_dim3A_724 = vector.broadcast %broadcast_in_dim3A_723 : i32 to vector<16x1xi32>
          %gather3A_725 = vector.shape_cast %broadcast_in_dim3A_724 : vector<16x1xi32> to vector<16xi32>
          %gather3A_726 = tpu.dynamic_gather %get3A_212[%gather3A_725] in [0] : vector<16xf32>, vector<16xi32> -> vector<16xf32>
          %mul3A_727 = arith.constant 16 : i32
          %mul3A_728 = arith.muli %scan3A_208, %mul3A_727 : i32
          %add3A_729 = arith.constant 8 : i32
          %add3A_730 = arith.addi %mul3A_728, %add3A_729 : i32
          %get3A_731 = arith.index_cast %add3A_730 : i32 to index
          %get3A_732 = arith.constant 0 : index
          %get3A_733 = tpu.vector_load %arg12[%get3A_731, %get3A_732] {strides = array<i32>} : memref<128x128xf32, #tpu.memory_space<vmem>>, vector<16xf32>,
          %mul3A_734 = arith.mulf %get3A_733, %gather3A_726 : vector<16xf32>
          %swap3A_735 = arith.index_cast %add3A_730 : i32 to index
          %swap3A_736 = arith.constant 0 : index
          %swap3A_737 = tpu.vector_load %arg12[%swap3A_735, %swap3A_736] {strides = array<i32>} : memref<128x128xf32, #tpu.memory_space<vmem>>, vector<16xf32>,
          tpu.vector_store %arg12[%swap3A_735, %swap3A_736], %mul3A_734 {strides = array<i32>} : memref<128x128xf32, #tpu.memory_space<vmem>>, vector<16xf32>,
          %get3A_738 = arith.index_cast %add3A_730 : i32 to index
          %get3A_739 = arith.constant 16 : index
          %get3A_740 = tpu.vector_load %arg12[%get3A_738, %get3A_739] {strides = array<i32>} : memref<128x128xf32, #tpu.memory_space<vmem>>, vector<16xf32>,
          %mul3A_741 = arith.mulf %get3A_740, %gather3A_726 : vector<16xf32>
          %swap3A_742 = arith.index_cast %add3A_730 : i32 to index
          %swap3A_743 = arith.constant 16 : index
          %swap3A_744 = tpu.vector_load %arg12[%swap3A_742, %swap3A_743] {strides = array<i32>} : memref<128x128xf32, #tpu.memory_space<vmem>>, vector<16xf32>,
          tpu.vector_store %arg12[%swap3A_742, %swap3A_743], %mul3A_741 {strides = array<i32>} : memref<128x128xf32, #tpu.memory_space<vmem>>, vector<16xf32>,
          %get3A_745 = arith.index_cast %add3A_730 : i32 to index
          %get3A_746 = arith.constant 32 : index
          %get3A_747 = tpu.vector_load %arg12[%get3A_745, %get3A_746] {strides = array<i32>} : memref<128x128xf32, #tpu.memory_space<vmem>>, vector<16xf32>,
          %mul3A_748 = arith.mulf %get3A_747, %gather3A_726 : vector<16xf32>
          %swap3A_749 = arith.index_cast %add3A_730 : i32 to index
          %swap3A_750 = arith.constant 32 : index
          %swap3A_751 = tpu.vector_load %arg12[%swap3A_749, %swap3A_750] {strides = array<i32>} : memref<128x128xf32, #tpu.memory_space<vmem>>, vector<16xf32>,
          tpu.vector_store %arg12[%swap3A_749, %swap3A_750], %mul3A_748 {strides = array<i32>} : memref<128x128xf32, #tpu.memory_space<vmem>>, vector<16xf32>,
          %get3A_752 = arith.index_cast %add3A_730 : i32 to index
          %get3A_753 = arith.constant 48 : index
          %get3A_754 = tpu.vector_load %arg12[%get3A_752, %get3A_753] {strides = array<i32>} : memref<128x128xf32, #tpu.memory_space<vmem>>, vector<16xf32>,
          %mul3A_755 = arith.mulf %get3A_754, %gather3A_726 : vector<16xf32>
          %swap3A_756 = arith.index_cast %add3A_730 : i32 to index
          %swap3A_757 = arith.constant 48 : index
          %swap3A_758 = tpu.vector_load %arg12[%swap3A_756, %swap3A_757] {strides = array<i32>} : memref<128x128xf32, #tpu.memory_space<vmem>>, vector<16xf32>,
          tpu.vector_store %arg12[%swap3A_756, %swap3A_757], %mul3A_755 {strides = array<i32>} : memref<128x128xf32, #tpu.memory_space<vmem>>, vector<16xf32>,
          %get3A_759 = arith.index_cast %add3A_730 : i32 to index
          %get3A_760 = arith.constant 64 : index
          %get3A_761 = tpu.vector_load %arg12[%get3A_759, %get3A_760] {strides = array<i32>} : memref<128x128xf32, #tpu.memory_space<vmem>>, vector<16xf32>,
          %mul3A_762 = arith.mulf %get3A_761, %gather3A_726 : vector<16xf32>
          %swap3A_763 = arith.index_cast %add3A_730 : i32 to index
          %swap3A_764 = arith.constant 64 : index
          %swap3A_765 = tpu.vector_load %arg12[%swap3A_763, %swap3A_764] {strides = array<i32>} : memref<128x128xf32, #tpu.memory_space<vmem>>, vector<16xf32>,
          tpu.vector_store %arg12[%swap3A_763, %swap3A_764], %mul3A_762 {strides = array<i32>} : memref<128x128xf32, #tpu.memory_space<vmem>>, vector<16xf32>,
          %get3A_766 = arith.index_cast %add3A_730 : i32 to index
          %get3A_767 = arith.constant 80 : index
          %get3A_768 = tpu.vector_load %arg12[%get3A_766, %get3A_767] {strides = array<i32>} : memref<128x128xf32, #tpu.memory_space<vmem>>, vector<16xf32>,
          %mul3A_769 = arith.mulf %get3A_768, %gather3A_726 : vector<16xf32>
          %swap3A_770 = arith.index_cast %add3A_730 : i32 to index
          %swap3A_771 = arith.constant 80 : index
          %swap3A_772 = tpu.vector_load %arg12[%swap3A_770, %swap3A_771] {strides = array<i32>} : memref<128x128xf32, #tpu.memory_space<vmem>>, vector<16xf32>,
          tpu.vector_store %arg12[%swap3A_770, %swap3A_771], %mul3A_769 {strides = array<i32>} : memref<128x128xf32, #tpu.memory_space<vmem>>, vector<16xf32>,
          %get3A_773 = arith.index_cast %add3A_730 : i32 to index
          %get3A_774 = arith.constant 96 : index
          %get3A_775 = tpu.vector_load %arg12[%get3A_773, %get3A_774] {strides = array<i32>} : memref<128x128xf32, #tpu.memory_space<vmem>>, vector<16xf32>,
          %mul3A_776 = arith.mulf %get3A_775, %gather3A_726 : vector<16xf32>
          %swap3A_777 = arith.index_cast %add3A_730 : i32 to index
          %swap3A_778 = arith.constant 96 : index
          %swap3A_779 = tpu.vector_load %arg12[%swap3A_777, %swap3A_778] {strides = array<i32>} : memref<128x128xf32, #tpu.memory_space<vmem>>, vector<16xf32>,
          tpu.vector_store %arg12[%swap3A_777, %swap3A_778], %mul3A_776 {strides = array<i32>} : memref<128x128xf32, #tpu.memory_space<vmem>>, vector<16xf32>,
          %get3A_780 = arith.index_cast %add3A_730 : i32 to index
          %get3A_781 = arith.constant 112 : index
          %get3A_782 = tpu.vector_load %arg12[%get3A_780, %get3A_781] {strides = array<i32>} : memref<128x128xf32, #tpu.memory_space<vmem>>, vector<16xf32>,
          %mul3A_783 = arith.mulf %get3A_782, %gather3A_726 : vector<16xf32>
          %swap3A_784 = arith.index_cast %add3A_730 : i32 to index
          %swap3A_785 = arith.constant 112 : index
          %swap3A_786 = tpu.vector_load %arg12[%swap3A_784, %swap3A_785] {strides = array<i32>} : memref<128x128xf32, #tpu.memory_space<vmem>>, vector<16xf32>,
          tpu.vector_store %arg12[%swap3A_784, %swap3A_785], %mul3A_783 {strides = array<i32>} : memref<128x128xf32, #tpu.memory_space<vmem>>, vector<16xf32>,
          %broadcast_in_dim3A_787 = arith.constant 9 : i32
          %broadcast_in_dim3A_788 = vector.broadcast %broadcast_in_dim3A_787 : i32 to vector<16x1xi32>
          %gather3A_789 = vector.shape_cast %broadcast_in_dim3A_788 : vector<16x1xi32> to vector<16xi32>
          %gather3A_790 = tpu.dynamic_gather %get3A_212[%gather3A_789] in [0] : vector<16xf32>, vector<16xi32> -> vector<16xf32>
          %mul3A_791 = arith.constant 16 : i32
          %mul3A_792 = arith.muli %scan3A_208, %mul3A_791 : i32
          %add3A_793 = arith.constant 9 : i32
          %add3A_794 = arith.addi %mul3A_792, %add3A_793 : i32
          %get3A_795 = arith.index_cast %add3A_794 : i32 to index
          %get3A_796 = arith.constant 0 : index
          %get3A_797 = tpu.vector_load %arg12[%get3A_795, %get3A_796] {strides = array<i32>} : memref<128x128xf32, #tpu.memory_space<vmem>>, vector<16xf32>,
          %mul3A_798 = arith.mulf %get3A_797, %gather3A_790 : vector<16xf32>
          %swap3A_799 = arith.index_cast %add3A_794 : i32 to index
          %swap3A_800 = arith.constant 0 : index
          %swap3A_801 = tpu.vector_load %arg12[%swap3A_799, %swap3A_800] {strides = array<i32>} : memref<128x128xf32, #tpu.memory_space<vmem>>, vector<16xf32>,
          tpu.vector_store %arg12[%swap3A_799, %swap3A_800], %mul3A_798 {strides = array<i32>} : memref<128x128xf32, #tpu.memory_space<vmem>>, vector<16xf32>,
          %get3A_802 = arith.index_cast %add3A_794 : i32 to index
          %get3A_803 = arith.constant 16 : index
          %get3A_804 = tpu.vector_load %arg12[%get3A_802, %get3A_803] {strides = array<i32>} : memref<128x128xf32, #tpu.memory_space<vmem>>, vector<16xf32>,
          %mul3A_805 = arith.mulf %get3A_804, %gather3A_790 : vector<16xf32>
          %swap3A_806 = arith.index_cast %add3A_794 : i32 to index
          %swap3A_807 = arith.constant 16 : index
          %swap3A_808 = tpu.vector_load %arg12[%swap3A_806, %swap3A_807] {strides = array<i32>} : memref<128x128xf32, #tpu.memory_space<vmem>>, vector<16xf32>,
          tpu.vector_store %arg12[%swap3A_806, %swap3A_807], %mul3A_805 {strides = array<i32>} : memref<128x128xf32, #tpu.memory_space<vmem>>, vector<16xf32>,
          %get3A_809 = arith.index_cast %add3A_794 : i32 to index
          %get3A_810 = arith.constant 32 : index
          %get3A_811 = tpu.vector_load %arg12[%get3A_809, %get3A_810] {strides = array<i32>} : memref<128x128xf32, #tpu.memory_space<vmem>>, vector<16xf32>,
          %mul3A_812 = arith.mulf %get3A_811, %gather3A_790 : vector<16xf32>
          %swap3A_813 = arith.index_cast %add3A_794 : i32 to index
          %swap3A_814 = arith.constant 32 : index
          %swap3A_815 = tpu.vector_load %arg12[%swap3A_813, %swap3A_814] {strides = array<i32>} : memref<128x128xf32, #tpu.memory_space<vmem>>, vector<16xf32>,
          tpu.vector_store %arg12[%swap3A_813, %swap3A_814], %mul3A_812 {strides = array<i32>} : memref<128x128xf32, #tpu.memory_space<vmem>>, vector<16xf32>,
          %get3A_816 = arith.index_cast %add3A_794 : i32 to index
          %get3A_817 = arith.constant 48 : index
          %get3A_818 = tpu.vector_load %arg12[%get3A_816, %get3A_817] {strides = array<i32>} : memref<128x128xf32, #tpu.memory_space<vmem>>, vector<16xf32>,
          %mul3A_819 = arith.mulf %get3A_818, %gather3A_790 : vector<16xf32>
          %swap3A_820 = arith.index_cast %add3A_794 : i32 to index
          %swap3A_821 = arith.constant 48 : index
          %swap3A_822 = tpu.vector_load %arg12[%swap3A_820, %swap3A_821] {strides = array<i32>} : memref<128x128xf32, #tpu.memory_space<vmem>>, vector<16xf32>,
          tpu.vector_store %arg12[%swap3A_820, %swap3A_821], %mul3A_819 {strides = array<i32>} : memref<128x128xf32, #tpu.memory_space<vmem>>, vector<16xf32>,
          %get3A_823 = arith.index_cast %add3A_794 : i32 to index
          %get3A_824 = arith.constant 64 : index
          %get3A_825 = tpu.vector_load %arg12[%get3A_823, %get3A_824] {strides = array<i32>} : memref<128x128xf32, #tpu.memory_space<vmem>>, vector<16xf32>,
          %mul3A_826 = arith.mulf %get3A_825, %gather3A_790 : vector<16xf32>
          %swap3A_827 = arith.index_cast %add3A_794 : i32 to index
          %swap3A_828 = arith.constant 64 : index
          %swap3A_829 = tpu.vector_load %arg12[%swap3A_827, %swap3A_828] {strides = array<i32>} : memref<128x128xf32, #tpu.memory_space<vmem>>, vector<16xf32>,
          tpu.vector_store %arg12[%swap3A_827, %swap3A_828], %mul3A_826 {strides = array<i32>} : memref<128x128xf32, #tpu.memory_space<vmem>>, vector<16xf32>,
          %get3A_830 = arith.index_cast %add3A_794 : i32 to index
          %get3A_831 = arith.constant 80 : index
          %get3A_832 = tpu.vector_load %arg12[%get3A_830, %get3A_831] {strides = array<i32>} : memref<128x128xf32, #tpu.memory_space<vmem>>, vector<16xf32>,
          %mul3A_833 = arith.mulf %get3A_832, %gather3A_790 : vector<16xf32>
          %swap3A_834 = arith.index_cast %add3A_794 : i32 to index
          %swap3A_835 = arith.constant 80 : index
          %swap3A_836 = tpu.vector_load %arg12[%swap3A_834, %swap3A_835] {strides = array<i32>} : memref<128x128xf32, #tpu.memory_space<vmem>>, vector<16xf32>,
          tpu.vector_store %arg12[%swap3A_834, %swap3A_835], %mul3A_833 {strides = array<i32>} : memref<128x128xf32, #tpu.memory_space<vmem>>, vector<16xf32>,
          %get3A_837 = arith.index_cast %add3A_794 : i32 to index
          %get3A_838 = arith.constant 96 : index
          %get3A_839 = tpu.vector_load %arg12[%get3A_837, %get3A_838] {strides = array<i32>} : memref<128x128xf32, #tpu.memory_space<vmem>>, vector<16xf32>,
          %mul3A_840 = arith.mulf %get3A_839, %gather3A_790 : vector<16xf32>
          %swap3A_841 = arith.index_cast %add3A_794 : i32 to index
          %swap3A_842 = arith.constant 96 : index
          %swap3A_843 = tpu.vector_load %arg12[%swap3A_841, %swap3A_842] {strides = array<i32>} : memref<128x128xf32, #tpu.memory_space<vmem>>, vector<16xf32>,
          tpu.vector_store %arg12[%swap3A_841, %swap3A_842], %mul3A_840 {strides = array<i32>} : memref<128x128xf32, #tpu.memory_space<vmem>>, vector<16xf32>,
          %get3A_844 = arith.index_cast %add3A_794 : i32 to index
          %get3A_845 = arith.constant 112 : index
          %get3A_846 = tpu.vector_load %arg12[%get3A_844, %get3A_845] {strides = array<i32>} : memref<128x128xf32, #tpu.memory_space<vmem>>, vector<16xf32>,
          %mul3A_847 = arith.mulf %get3A_846, %gather3A_790 : vector<16xf32>
          %swap3A_848 = arith.index_cast %add3A_794 : i32 to index
          %swap3A_849 = arith.constant 112 : index
          %swap3A_850 = tpu.vector_load %arg12[%swap3A_848, %swap3A_849] {strides = array<i32>} : memref<128x128xf32, #tpu.memory_space<vmem>>, vector<16xf32>,
          tpu.vector_store %arg12[%swap3A_848, %swap3A_849], %mul3A_847 {strides = array<i32>} : memref<128x128xf32, #tpu.memory_space<vmem>>, vector<16xf32>,
          %broadcast_in_dim3A_851 = arith.constant 10 : i32
          %broadcast_in_dim3A_852 = vector.broadcast %broadcast_in_dim3A_851 : i32 to vector<16x1xi32>
          %gather3A_853 = vector.shape_cast %broadcast_in_dim3A_852 : vector<16x1xi32> to vector<16xi32>
          %gather3A_854 = tpu.dynamic_gather %get3A_212[%gather3A_853] in [0] : vector<16xf32>, vector<16xi32> -> vector<16xf32>
          %mul3A_855 = arith.constant 16 : i32
          %mul3A_856 = arith.muli %scan3A_208, %mul3A_855 : i32
          %add3A_857 = arith.constant 10 : i32
          %add3A_858 = arith.addi %mul3A_856, %add3A_857 : i32
          %get3A_859 = arith.index_cast %add3A_858 : i32 to index
          %get3A_860 = arith.constant 0 : index
          %get3A_861 = tpu.vector_load %arg12[%get3A_859, %get3A_860] {strides = array<i32>} : memref<128x128xf32, #tpu.memory_space<vmem>>, vector<16xf32>,
          %mul3A_862 = arith.mulf %get3A_861, %gather3A_854 : vector<16xf32>
          %swap3A_863 = arith.index_cast %add3A_858 : i32 to index
          %swap3A_864 = arith.constant 0 : index
          %swap3A_865 = tpu.vector_load %arg12[%swap3A_863, %swap3A_864] {strides = array<i32>} : memref<128x128xf32, #tpu.memory_space<vmem>>, vector<16xf32>,
          tpu.vector_store %arg12[%swap3A_863, %swap3A_864], %mul3A_862 {strides = array<i32>} : memref<128x128xf32, #tpu.memory_space<vmem>>, vector<16xf32>,
          %get3A_866 = arith.index_cast %add3A_858 : i32 to index
          %get3A_867 = arith.constant 16 : index
          %get3A_868 = tpu.vector_load %arg12[%get3A_866, %get3A_867] {strides = array<i32>} : memref<128x128xf32, #tpu.memory_space<vmem>>, vector<16xf32>,
          %mul3A_869 = arith.mulf %get3A_868, %gather3A_854 : vector<16xf32>
          %swap3A_870 = arith.index_cast %add3A_858 : i32 to index
          %swap3A_871 = arith.constant 16 : index
          %swap3A_872 = tpu.vector_load %arg12[%swap3A_870, %swap3A_871] {strides = array<i32>} : memref<128x128xf32, #tpu.memory_space<vmem>>, vector<16xf32>,
          tpu.vector_store %arg12[%swap3A_870, %swap3A_871], %mul3A_869 {strides = array<i32>} : memref<128x128xf32, #tpu.memory_space<vmem>>, vector<16xf32>,
          %get3A_873 = arith.index_cast %add3A_858 : i32 to index
          %get3A_874 = arith.constant 32 : index
          %get3A_875 = tpu.vector_load %arg12[%get3A_873, %get3A_874] {strides = array<i32>} : memref<128x128xf32, #tpu.memory_space<vmem>>, vector<16xf32>,
          %mul3A_876 = arith.mulf %get3A_875, %gather3A_854 : vector<16xf32>
          %swap3A_877 = arith.index_cast %add3A_858 : i32 to index
          %swap3A_878 = arith.constant 32 : index
          %swap3A_879 = tpu.vector_load %arg12[%swap3A_877, %swap3A_878] {strides = array<i32>} : memref<128x128xf32, #tpu.memory_space<vmem>>, vector<16xf32>,
          tpu.vector_store %arg12[%swap3A_877, %swap3A_878], %mul3A_876 {strides = array<i32>} : memref<128x128xf32, #tpu.memory_space<vmem>>, vector<16xf32>,
          %get3A_880 = arith.index_cast %add3A_858 : i32 to index
          %get3A_881 = arith.constant 48 : index
          %get3A_882 = tpu.vector_load %arg12[%get3A_880, %get3A_881] {strides = array<i32>} : memref<128x128xf32, #tpu.memory_space<vmem>>, vector<16xf32>,
          %mul3A_883 = arith.mulf %get3A_882, %gather3A_854 : vector<16xf32>
          %swap3A_884 = arith.index_cast %add3A_858 : i32 to index
          %swap3A_885 = arith.constant 48 : index
          %swap3A_886 = tpu.vector_load %arg12[%swap3A_884, %swap3A_885] {strides = array<i32>} : memref<128x128xf32, #tpu.memory_space<vmem>>, vector<16xf32>,
          tpu.vector_store %arg12[%swap3A_884, %swap3A_885], %mul3A_883 {strides = array<i32>} : memref<128x128xf32, #tpu.memory_space<vmem>>, vector<16xf32>,
          %get3A_887 = arith.index_cast %add3A_858 : i32 to index
          %get3A_888 = arith.constant 64 : index
          %get3A_889 = tpu.vector_load %arg12[%get3A_887, %get3A_888] {strides = array<i32>} : memref<128x128xf32, #tpu.memory_space<vmem>>, vector<16xf32>,
          %mul3A_890 = arith.mulf %get3A_889, %gather3A_854 : vector<16xf32>
          %swap3A_891 = arith.index_cast %add3A_858 : i32 to index
          %swap3A_892 = arith.constant 64 : index
          %swap3A_893 = tpu.vector_load %arg12[%swap3A_891, %swap3A_892] {strides = array<i32>} : memref<128x128xf32, #tpu.memory_space<vmem>>, vector<16xf32>,
          tpu.vector_store %arg12[%swap3A_891, %swap3A_892], %mul3A_890 {strides = array<i32>} : memref<128x128xf32, #tpu.memory_space<vmem>>, vector<16xf32>,
          %get3A_894 = arith.index_cast %add3A_858 : i32 to index
          %get3A_895 = arith.constant 80 : index
          %get3A_896 = tpu.vector_load %arg12[%get3A_894, %get3A_895] {strides = array<i32>} : memref<128x128xf32, #tpu.memory_space<vmem>>, vector<16xf32>,
          %mul3A_897 = arith.mulf %get3A_896, %gather3A_854 : vector<16xf32>
          %swap3A_898 = arith.index_cast %add3A_858 : i32 to index
          %swap3A_899 = arith.constant 80 : index
          %swap3A_900 = tpu.vector_load %arg12[%swap3A_898, %swap3A_899] {strides = array<i32>} : memref<128x128xf32, #tpu.memory_space<vmem>>, vector<16xf32>,
          tpu.vector_store %arg12[%swap3A_898, %swap3A_899], %mul3A_897 {strides = array<i32>} : memref<128x128xf32, #tpu.memory_space<vmem>>, vector<16xf32>,
          %get3A_901 = arith.index_cast %add3A_858 : i32 to index
          %get3A_902 = arith.constant 96 : index
          %get3A_903 = tpu.vector_load %arg12[%get3A_901, %get3A_902] {strides = array<i32>} : memref<128x128xf32, #tpu.memory_space<vmem>>, vector<16xf32>,
          %mul3A_904 = arith.mulf %get3A_903, %gather3A_854 : vector<16xf32>
          %swap3A_905 = arith.index_cast %add3A_858 : i32 to index
          %swap3A_906 = arith.constant 96 : index
          %swap3A_907 = tpu.vector_load %arg12[%swap3A_905, %swap3A_906] {strides = array<i32>} : memref<128x128xf32, #tpu.memory_space<vmem>>, vector<16xf32>,
          tpu.vector_store %arg12[%swap3A_905, %swap3A_906], %mul3A_904 {strides = array<i32>} : memref<128x128xf32, #tpu.memory_space<vmem>>, vector<16xf32>,
          %get3A_908 = arith.index_cast %add3A_858 : i32 to index
          %get3A_909 = arith.constant 112 : index
          %get3A_910 = tpu.vector_load %arg12[%get3A_908, %get3A_909] {strides = array<i32>} : memref<128x128xf32, #tpu.memory_space<vmem>>, vector<16xf32>,
          %mul3A_911 = arith.mulf %get3A_910, %gather3A_854 : vector<16xf32>
          %swap3A_912 = arith.index_cast %add3A_858 : i32 to index
          %swap3A_913 = arith.constant 112 : index
          %swap3A_914 = tpu.vector_load %arg12[%swap3A_912, %swap3A_913] {strides = array<i32>} : memref<128x128xf32, #tpu.memory_space<vmem>>, vector<16xf32>,
          tpu.vector_store %arg12[%swap3A_912, %swap3A_913], %mul3A_911 {strides = array<i32>} : memref<128x128xf32, #tpu.memory_space<vmem>>, vector<16xf32>,
          %broadcast_in_dim3A_915 = arith.constant 11 : i32
          %broadcast_in_dim3A_916 = vector.broadcast %broadcast_in_dim3A_915 : i32 to vector<16x1xi32>
          %gather3A_917 = vector.shape_cast %broadcast_in_dim3A_916 : vector<16x1xi32> to vector<16xi32>
          %gather3A_918 = tpu.dynamic_gather %get3A_212[%gather3A_917] in [0] : vector<16xf32>, vector<16xi32> -> vector<16xf32>
          %mul3A_919 = arith.constant 16 : i32
          %mul3A_920 = arith.muli %scan3A_208, %mul3A_919 : i32
          %add3A_921 = arith.constant 11 : i32
          %add3A_922 = arith.addi %mul3A_920, %add3A_921 : i32
          %get3A_923 = arith.index_cast %add3A_922 : i32 to index
          %get3A_924 = arith.constant 0 : index
          %get3A_925 = tpu.vector_load %arg12[%get3A_923, %get3A_924] {strides = array<i32>} : memref<128x128xf32, #tpu.memory_space<vmem>>, vector<16xf32>,
          %mul3A_926 = arith.mulf %get3A_925, %gather3A_918 : vector<16xf32>
          %swap3A_927 = arith.index_cast %add3A_922 : i32 to index
          %swap3A_928 = arith.constant 0 : index
          %swap3A_929 = tpu.vector_load %arg12[%swap3A_927, %swap3A_928] {strides = array<i32>} : memref<128x128xf32, #tpu.memory_space<vmem>>, vector<16xf32>,
          tpu.vector_store %arg12[%swap3A_927, %swap3A_928], %mul3A_926 {strides = array<i32>} : memref<128x128xf32, #tpu.memory_space<vmem>>, vector<16xf32>,
          %get3A_930 = arith.index_cast %add3A_922 : i32 to index
          %get3A_931 = arith.constant 16 : index
          %get3A_932 = tpu.vector_load %arg12[%get3A_930, %get3A_931] {strides = array<i32>} : memref<128x128xf32, #tpu.memory_space<vmem>>, vector<16xf32>,
          %mul3A_933 = arith.mulf %get3A_932, %gather3A_918 : vector<16xf32>
          %swap3A_934 = arith.index_cast %add3A_922 : i32 to index
          %swap3A_935 = arith.constant 16 : index
          %swap3A_936 = tpu.vector_load %arg12[%swap3A_934, %swap3A_935] {strides = array<i32>} : memref<128x128xf32, #tpu.memory_space<vmem>>, vector<16xf32>,
          tpu.vector_store %arg12[%swap3A_934, %swap3A_935], %mul3A_933 {strides = array<i32>} : memref<128x128xf32, #tpu.memory_space<vmem>>, vector<16xf32>,
          %get3A_937 = arith.index_cast %add3A_922 : i32 to index
          %get3A_938 = arith.constant 32 : index
          %get3A_939 = tpu.vector_load %arg12[%get3A_937, %get3A_938] {strides = array<i32>} : memref<128x128xf32, #tpu.memory_space<vmem>>, vector<16xf32>,
          %mul3A_940 = arith.mulf %get3A_939, %gather3A_918 : vector<16xf32>
          %swap3A_941 = arith.index_cast %add3A_922 : i32 to index
          %swap3A_942 = arith.constant 32 : index
          %swap3A_943 = tpu.vector_load %arg12[%swap3A_941, %swap3A_942] {strides = array<i32>} : memref<128x128xf32, #tpu.memory_space<vmem>>, vector<16xf32>,
          tpu.vector_store %arg12[%swap3A_941, %swap3A_942], %mul3A_940 {strides = array<i32>} : memref<128x128xf32, #tpu.memory_space<vmem>>, vector<16xf32>,
          %get3A_944 = arith.index_cast %add3A_922 : i32 to index
          %get3A_945 = arith.constant 48 : index
          %get3A_946 = tpu.vector_load %arg12[%get3A_944, %get3A_945] {strides = array<i32>} : memref<128x128xf32, #tpu.memory_space<vmem>>, vector<16xf32>,
          %mul3A_947 = arith.mulf %get3A_946, %gather3A_918 : vector<16xf32>
          %swap3A_948 = arith.index_cast %add3A_922 : i32 to index
          %swap3A_949 = arith.constant 48 : index
          %swap3A_950 = tpu.vector_load %arg12[%swap3A_948, %swap3A_949] {strides = array<i32>} : memref<128x128xf32, #tpu.memory_space<vmem>>, vector<16xf32>,
          tpu.vector_store %arg12[%swap3A_948, %swap3A_949], %mul3A_947 {strides = array<i32>} : memref<128x128xf32, #tpu.memory_space<vmem>>, vector<16xf32>,
          %get3A_951 = arith.index_cast %add3A_922 : i32 to index
          %get3A_952 = arith.constant 64 : index
          %get3A_953 = tpu.vector_load %arg12[%get3A_951, %get3A_952] {strides = array<i32>} : memref<128x128xf32, #tpu.memory_space<vmem>>, vector<16xf32>,
          %mul3A_954 = arith.mulf %get3A_953, %gather3A_918 : vector<16xf32>
          %swap3A_955 = arith.index_cast %add3A_922 : i32 to index
          %swap3A_956 = arith.constant 64 : index
          %swap3A_957 = tpu.vector_load %arg12[%swap3A_955, %swap3A_956] {strides = array<i32>} : memref<128x128xf32, #tpu.memory_space<vmem>>, vector<16xf32>,
          tpu.vector_store %arg12[%swap3A_955, %swap3A_956], %mul3A_954 {strides = array<i32>} : memref<128x128xf32, #tpu.memory_space<vmem>>, vector<16xf32>,
          %get3A_958 = arith.index_cast %add3A_922 : i32 to index
          %get3A_959 = arith.constant 80 : index
          %get3A_960 = tpu.vector_load %arg12[%get3A_958, %get3A_959] {strides = array<i32>} : memref<128x128xf32, #tpu.memory_space<vmem>>, vector<16xf32>,
          %mul3A_961 = arith.mulf %get3A_960, %gather3A_918 : vector<16xf32>
          %swap3A_962 = arith.index_cast %add3A_922 : i32 to index
          %swap3A_963 = arith.constant 80 : index
          %swap3A_964 = tpu.vector_load %arg12[%swap3A_962, %swap3A_963] {strides = array<i32>} : memref<128x128xf32, #tpu.memory_space<vmem>>, vector<16xf32>,
          tpu.vector_store %arg12[%swap3A_962, %swap3A_963], %mul3A_961 {strides = array<i32>} : memref<128x128xf32, #tpu.memory_space<vmem>>, vector<16xf32>,
          %get3A_965 = arith.index_cast %add3A_922 : i32 to index
          %get3A_966 = arith.constant 96 : index
          %get3A_967 = tpu.vector_load %arg12[%get3A_965, %get3A_966] {strides = array<i32>} : memref<128x128xf32, #tpu.memory_space<vmem>>, vector<16xf32>,
          %mul3A_968 = arith.mulf %get3A_967, %gather3A_918 : vector<16xf32>
          %swap3A_969 = arith.index_cast %add3A_922 : i32 to index
          %swap3A_970 = arith.constant 96 : index
          %swap3A_971 = tpu.vector_load %arg12[%swap3A_969, %swap3A_970] {strides = array<i32>} : memref<128x128xf32, #tpu.memory_space<vmem>>, vector<16xf32>,
          tpu.vector_store %arg12[%swap3A_969, %swap3A_970], %mul3A_968 {strides = array<i32>} : memref<128x128xf32, #tpu.memory_space<vmem>>, vector<16xf32>,
          %get3A_972 = arith.index_cast %add3A_922 : i32 to index
          %get3A_973 = arith.constant 112 : index
          %get3A_974 = tpu.vector_load %arg12[%get3A_972, %get3A_973] {strides = array<i32>} : memref<128x128xf32, #tpu.memory_space<vmem>>, vector<16xf32>,
          %mul3A_975 = arith.mulf %get3A_974, %gather3A_918 : vector<16xf32>
          %swap3A_976 = arith.index_cast %add3A_922 : i32 to index
          %swap3A_977 = arith.constant 112 : index
          %swap3A_978 = tpu.vector_load %arg12[%swap3A_976, %swap3A_977] {strides = array<i32>} : memref<128x128xf32, #tpu.memory_space<vmem>>, vector<16xf32>,
          tpu.vector_store %arg12[%swap3A_976, %swap3A_977], %mul3A_975 {strides = array<i32>} : memref<128x128xf32, #tpu.memory_space<vmem>>, vector<16xf32>,
          %broadcast_in_dim3A_979 = arith.constant 12 : i32
          %broadcast_in_dim3A_980 = vector.broadcast %broadcast_in_dim3A_979 : i32 to vector<16x1xi32>
          %gather3A_981 = vector.shape_cast %broadcast_in_dim3A_980 : vector<16x1xi32> to vector<16xi32>
          %gather3A_982 = tpu.dynamic_gather %get3A_212[%gather3A_981] in [0] : vector<16xf32>, vector<16xi32> -> vector<16xf32>
          %mul3A_983 = arith.constant 16 : i32
          %mul3A_984 = arith.muli %scan3A_208, %mul3A_983 : i32
          %add3A_985 = arith.constant 12 : i32
          %add3A_986 = arith.addi %mul3A_984, %add3A_985 : i32
          %get3A_987 = arith.index_cast %add3A_986 : i32 to index
          %get3A_988 = arith.constant 0 : index
          %get3A_989 = tpu.vector_load %arg12[%get3A_987, %get3A_988] {strides = array<i32>} : memref<128x128xf32, #tpu.memory_space<vmem>>, vector<16xf32>,
          %mul3A_990 = arith.mulf %get3A_989, %gather3A_982 : vector<16xf32>
          %swap3A_991 = arith.index_cast %add3A_986 : i32 to index
          %swap3A_992 = arith.constant 0 : index
          %swap3A_993 = tpu.vector_load %arg12[%swap3A_991, %swap3A_992] {strides = array<i32>} : memref<128x128xf32, #tpu.memory_space<vmem>>, vector<16xf32>,
          tpu.vector_store %arg12[%swap3A_991, %swap3A_992], %mul3A_990 {strides = array<i32>} : memref<128x128xf32, #tpu.memory_space<vmem>>, vector<16xf32>,
          %get3A_994 = arith.index_cast %add3A_986 : i32 to index
          %get3A_995 = arith.constant 16 : index
          %get3A_996 = tpu.vector_load %arg12[%get3A_994, %get3A_995] {strides = array<i32>} : memref<128x128xf32, #tpu.memory_space<vmem>>, vector<16xf32>,
          %mul3A_997 = arith.mulf %get3A_996, %gather3A_982 : vector<16xf32>
          %swap3A_998 = arith.index_cast %add3A_986 : i32 to index
          %swap3A_999 = arith.constant 16 : index
          %swap3A_1000 = tpu.vector_load %arg12[%swap3A_998, %swap3A_999] {strides = array<i32>} : memref<128x128xf32, #tpu.memory_space<vmem>>, vector<16xf32>,
          tpu.vector_store %arg12[%swap3A_998, %swap3A_999], %mul3A_997 {strides = array<i32>} : memref<128x128xf32, #tpu.memory_space<vmem>>, vector<16xf32>,
          %get3A_1001 = arith.index_cast %add3A_986 : i32 to index
          %get3A_1002 = arith.constant 32 : index
          %get3A_1003 = tpu.vector_load %arg12[%get3A_1001, %get3A_1002] {strides = array<i32>} : memref<128x128xf32, #tpu.memory_space<vmem>>, vector<16xf32>,
          %mul3A_1004 = arith.mulf %get3A_1003, %gather3A_982 : vector<16xf32>
          %swap3A_1005 = arith.index_cast %add3A_986 : i32 to index
          %swap3A_1006 = arith.constant 32 : index
          %swap3A_1007 = tpu.vector_load %arg12[%swap3A_1005, %swap3A_1006] {strides = array<i32>} : memref<128x128xf32, #tpu.memory_space<vmem>>, vector<16xf32>,
          tpu.vector_store %arg12[%swap3A_1005, %swap3A_1006], %mul3A_1004 {strides = array<i32>} : memref<128x128xf32, #tpu.memory_space<vmem>>, vector<16xf32>,
          %get3A_1008 = arith.index_cast %add3A_986 : i32 to index
          %get3A_1009 = arith.constant 48 : index
          %get3A_1010 = tpu.vector_load %arg12[%get3A_1008, %get3A_1009] {strides = array<i32>} : memref<128x128xf32, #tpu.memory_space<vmem>>, vector<16xf32>,
          %mul3A_1011 = arith.mulf %get3A_1010, %gather3A_982 : vector<16xf32>
          %swap3A_1012 = arith.index_cast %add3A_986 : i32 to index
          %swap3A_1013 = arith.constant 48 : index
          %swap3A_1014 = tpu.vector_load %arg12[%swap3A_1012, %swap3A_1013] {strides = array<i32>} : memref<128x128xf32, #tpu.memory_space<vmem>>, vector<16xf32>,
          tpu.vector_store %arg12[%swap3A_1012, %swap3A_1013], %mul3A_1011 {strides = array<i32>} : memref<128x128xf32, #tpu.memory_space<vmem>>, vector<16xf32>,
          %get3A_1015 = arith.index_cast %add3A_986 : i32 to index
          %get3A_1016 = arith.constant 64 : index
          %get3A_1017 = tpu.vector_load %arg12[%get3A_1015, %get3A_1016] {strides = array<i32>} : memref<128x128xf32, #tpu.memory_space<vmem>>, vector<16xf32>,
          %mul3A_1018 = arith.mulf %get3A_1017, %gather3A_982 : vector<16xf32>
          %swap3A_1019 = arith.index_cast %add3A_986 : i32 to index
          %swap3A_1020 = arith.constant 64 : index
          %swap3A_1021 = tpu.vector_load %arg12[%swap3A_1019, %swap3A_1020] {strides = array<i32>} : memref<128x128xf32, #tpu.memory_space<vmem>>, vector<16xf32>,
          tpu.vector_store %arg12[%swap3A_1019, %swap3A_1020], %mul3A_1018 {strides = array<i32>} : memref<128x128xf32, #tpu.memory_space<vmem>>, vector<16xf32>,
          %get3A_1022 = arith.index_cast %add3A_986 : i32 to index
          %get3A_1023 = arith.constant 80 : index
          %get3A_1024 = tpu.vector_load %arg12[%get3A_1022, %get3A_1023] {strides = array<i32>} : memref<128x128xf32, #tpu.memory_space<vmem>>, vector<16xf32>,
          %mul3A_1025 = arith.mulf %get3A_1024, %gather3A_982 : vector<16xf32>
          %swap3A_1026 = arith.index_cast %add3A_986 : i32 to index
          %swap3A_1027 = arith.constant 80 : index
          %swap3A_1028 = tpu.vector_load %arg12[%swap3A_1026, %swap3A_1027] {strides = array<i32>} : memref<128x128xf32, #tpu.memory_space<vmem>>, vector<16xf32>,
          tpu.vector_store %arg12[%swap3A_1026, %swap3A_1027], %mul3A_1025 {strides = array<i32>} : memref<128x128xf32, #tpu.memory_space<vmem>>, vector<16xf32>,
          %get3A_1029 = arith.index_cast %add3A_986 : i32 to index
          %get3A_1030 = arith.constant 96 : index
          %get3A_1031 = tpu.vector_load %arg12[%get3A_1029, %get3A_1030] {strides = array<i32>} : memref<128x128xf32, #tpu.memory_space<vmem>>, vector<16xf32>,
          %mul3A_1032 = arith.mulf %get3A_1031, %gather3A_982 : vector<16xf32>
          %swap3A_1033 = arith.index_cast %add3A_986 : i32 to index
          %swap3A_1034 = arith.constant 96 : index
          %swap3A_1035 = tpu.vector_load %arg12[%swap3A_1033, %swap3A_1034] {strides = array<i32>} : memref<128x128xf32, #tpu.memory_space<vmem>>, vector<16xf32>,
          tpu.vector_store %arg12[%swap3A_1033, %swap3A_1034], %mul3A_1032 {strides = array<i32>} : memref<128x128xf32, #tpu.memory_space<vmem>>, vector<16xf32>,
          %get3A_1036 = arith.index_cast %add3A_986 : i32 to index
          %get3A_1037 = arith.constant 112 : index
          %get3A_1038 = tpu.vector_load %arg12[%get3A_1036, %get3A_1037] {strides = array<i32>} : memref<128x128xf32, #tpu.memory_space<vmem>>, vector<16xf32>,
          %mul3A_1039 = arith.mulf %get3A_1038, %gather3A_982 : vector<16xf32>
          %swap3A_1040 = arith.index_cast %add3A_986 : i32 to index
          %swap3A_1041 = arith.constant 112 : index
          %swap3A_1042 = tpu.vector_load %arg12[%swap3A_1040, %swap3A_1041] {strides = array<i32>} : memref<128x128xf32, #tpu.memory_space<vmem>>, vector<16xf32>,
          tpu.vector_store %arg12[%swap3A_1040, %swap3A_1041], %mul3A_1039 {strides = array<i32>} : memref<128x128xf32, #tpu.memory_space<vmem>>, vector<16xf32>,
          %broadcast_in_dim3A_1043 = arith.constant 13 : i32
          %broadcast_in_dim3A_1044 = vector.broadcast %broadcast_in_dim3A_1043 : i32 to vector<16x1xi32>
          %gather3A_1045 = vector.shape_cast %broadcast_in_dim3A_1044 : vector<16x1xi32> to vector<16xi32>
          %gather3A_1046 = tpu.dynamic_gather %get3A_212[%gather3A_1045] in [0] : vector<16xf32>, vector<16xi32> -> vector<16xf32>
          %mul3A_1047 = arith.constant 16 : i32
          %mul3A_1048 = arith.muli %scan3A_208, %mul3A_1047 : i32
          %add3A_1049 = arith.constant 13 : i32
          %add3A_1050 = arith.addi %mul3A_1048, %add3A_1049 : i32
          %get3A_1051 = arith.index_cast %add3A_1050 : i32 to index
          %get3A_1052 = arith.constant 0 : index
          %get3A_1053 = tpu.vector_load %arg12[%get3A_1051, %get3A_1052] {strides = array<i32>} : memref<128x128xf32, #tpu.memory_space<vmem>>, vector<16xf32>,
          %mul3A_1054 = arith.mulf %get3A_1053, %gather3A_1046 : vector<16xf32>
          %swap3A_1055 = arith.index_cast %add3A_1050 : i32 to index
          %swap3A_1056 = arith.constant 0 : index
          %swap3A_1057 = tpu.vector_load %arg12[%swap3A_1055, %swap3A_1056] {strides = array<i32>} : memref<128x128xf32, #tpu.memory_space<vmem>>, vector<16xf32>,
          tpu.vector_store %arg12[%swap3A_1055, %swap3A_1056], %mul3A_1054 {strides = array<i32>} : memref<128x128xf32, #tpu.memory_space<vmem>>, vector<16xf32>,
          %get3A_1058 = arith.index_cast %add3A_1050 : i32 to index
          %get3A_1059 = arith.constant 16 : index
          %get3A_1060 = tpu.vector_load %arg12[%get3A_1058, %get3A_1059] {strides = array<i32>} : memref<128x128xf32, #tpu.memory_space<vmem>>, vector<16xf32>,
          %mul3A_1061 = arith.mulf %get3A_1060, %gather3A_1046 : vector<16xf32>
          %swap3A_1062 = arith.index_cast %add3A_1050 : i32 to index
          %swap3A_1063 = arith.constant 16 : index
          %swap3A_1064 = tpu.vector_load %arg12[%swap3A_1062, %swap3A_1063] {strides = array<i32>} : memref<128x128xf32, #tpu.memory_space<vmem>>, vector<16xf32>,
          tpu.vector_store %arg12[%swap3A_1062, %swap3A_1063], %mul3A_1061 {strides = array<i32>} : memref<128x128xf32, #tpu.memory_space<vmem>>, vector<16xf32>,
          %get3A_1065 = arith.index_cast %add3A_1050 : i32 to index
          %get3A_1066 = arith.constant 32 : index
          %get3A_1067 = tpu.vector_load %arg12[%get3A_1065, %get3A_1066] {strides = array<i32>} : memref<128x128xf32, #tpu.memory_space<vmem>>, vector<16xf32>,
          %mul3A_1068 = arith.mulf %get3A_1067, %gather3A_1046 : vector<16xf32>
          %swap3A_1069 = arith.index_cast %add3A_1050 : i32 to index
          %swap3A_1070 = arith.constant 32 : index
          %swap3A_1071 = tpu.vector_load %arg12[%swap3A_1069, %swap3A_1070] {strides = array<i32>} : memref<128x128xf32, #tpu.memory_space<vmem>>, vector<16xf32>,
          tpu.vector_store %arg12[%swap3A_1069, %swap3A_1070], %mul3A_1068 {strides = array<i32>} : memref<128x128xf32, #tpu.memory_space<vmem>>, vector<16xf32>,
          %get3A_1072 = arith.index_cast %add3A_1050 : i32 to index
          %get3A_1073 = arith.constant 48 : index
          %get3A_1074 = tpu.vector_load %arg12[%get3A_1072, %get3A_1073] {strides = array<i32>} : memref<128x128xf32, #tpu.memory_space<vmem>>, vector<16xf32>,
          %mul3A_1075 = arith.mulf %get3A_1074, %gather3A_1046 : vector<16xf32>
          %swap3A_1076 = arith.index_cast %add3A_1050 : i32 to index
          %swap3A_1077 = arith.constant 48 : index
          %swap3A_1078 = tpu.vector_load %arg12[%swap3A_1076, %swap3A_1077] {strides = array<i32>} : memref<128x128xf32, #tpu.memory_space<vmem>>, vector<16xf32>,
          tpu.vector_store %arg12[%swap3A_1076, %swap3A_1077], %mul3A_1075 {strides = array<i32>} : memref<128x128xf32, #tpu.memory_space<vmem>>, vector<16xf32>,
          %get3A_1079 = arith.index_cast %add3A_1050 : i32 to index
          %get3A_1080 = arith.constant 64 : index
          %get3A_1081 = tpu.vector_load %arg12[%get3A_1079, %get3A_1080] {strides = array<i32>} : memref<128x128xf32, #tpu.memory_space<vmem>>, vector<16xf32>,
          %mul3A_1082 = arith.mulf %get3A_1081, %gather3A_1046 : vector<16xf32>
          %swap3A_1083 = arith.index_cast %add3A_1050 : i32 to index
          %swap3A_1084 = arith.constant 64 : index
          %swap3A_1085 = tpu.vector_load %arg12[%swap3A_1083, %swap3A_1084] {strides = array<i32>} : memref<128x128xf32, #tpu.memory_space<vmem>>, vector<16xf32>,
          tpu.vector_store %arg12[%swap3A_1083, %swap3A_1084], %mul3A_1082 {strides = array<i32>} : memref<128x128xf32, #tpu.memory_space<vmem>>, vector<16xf32>,
          %get3A_1086 = arith.index_cast %add3A_1050 : i32 to index
          %get3A_1087 = arith.constant 80 : index
          %get3A_1088 = tpu.vector_load %arg12[%get3A_1086, %get3A_1087] {strides = array<i32>} : memref<128x128xf32, #tpu.memory_space<vmem>>, vector<16xf32>,
          %mul3A_1089 = arith.mulf %get3A_1088, %gather3A_1046 : vector<16xf32>
          %swap3A_1090 = arith.index_cast %add3A_1050 : i32 to index
          %swap3A_1091 = arith.constant 80 : index
          %swap3A_1092 = tpu.vector_load %arg12[%swap3A_1090, %swap3A_1091] {strides = array<i32>} : memref<128x128xf32, #tpu.memory_space<vmem>>, vector<16xf32>,
          tpu.vector_store %arg12[%swap3A_1090, %swap3A_1091], %mul3A_1089 {strides = array<i32>} : memref<128x128xf32, #tpu.memory_space<vmem>>, vector<16xf32>,
          %get3A_1093 = arith.index_cast %add3A_1050 : i32 to index
          %get3A_1094 = arith.constant 96 : index
          %get3A_1095 = tpu.vector_load %arg12[%get3A_1093, %get3A_1094] {strides = array<i32>} : memref<128x128xf32, #tpu.memory_space<vmem>>, vector<16xf32>,
          %mul3A_1096 = arith.mulf %get3A_1095, %gather3A_1046 : vector<16xf32>
          %swap3A_1097 = arith.index_cast %add3A_1050 : i32 to index
          %swap3A_1098 = arith.constant 96 : index
          %swap3A_1099 = tpu.vector_load %arg12[%swap3A_1097, %swap3A_1098] {strides = array<i32>} : memref<128x128xf32, #tpu.memory_space<vmem>>, vector<16xf32>,
          tpu.vector_store %arg12[%swap3A_1097, %swap3A_1098], %mul3A_1096 {strides = array<i32>} : memref<128x128xf32, #tpu.memory_space<vmem>>, vector<16xf32>,
          %get3A_1100 = arith.index_cast %add3A_1050 : i32 to index
          %get3A_1101 = arith.constant 112 : index
          %get3A_1102 = tpu.vector_load %arg12[%get3A_1100, %get3A_1101] {strides = array<i32>} : memref<128x128xf32, #tpu.memory_space<vmem>>, vector<16xf32>,
          %mul3A_1103 = arith.mulf %get3A_1102, %gather3A_1046 : vector<16xf32>
          %swap3A_1104 = arith.index_cast %add3A_1050 : i32 to index
          %swap3A_1105 = arith.constant 112 : index
          %swap3A_1106 = tpu.vector_load %arg12[%swap3A_1104, %swap3A_1105] {strides = array<i32>} : memref<128x128xf32, #tpu.memory_space<vmem>>, vector<16xf32>,
          tpu.vector_store %arg12[%swap3A_1104, %swap3A_1105], %mul3A_1103 {strides = array<i32>} : memref<128x128xf32, #tpu.memory_space<vmem>>, vector<16xf32>,
          %broadcast_in_dim3A_1107 = arith.constant 14 : i32
          %broadcast_in_dim3A_1108 = vector.broadcast %broadcast_in_dim3A_1107 : i32 to vector<16x1xi32>
          %gather3A_1109 = vector.shape_cast %broadcast_in_dim3A_1108 : vector<16x1xi32> to vector<16xi32>
          %gather3A_1110 = tpu.dynamic_gather %get3A_212[%gather3A_1109] in [0] : vector<16xf32>, vector<16xi32> -> vector<16xf32>
          %mul3A_1111 = arith.constant 16 : i32
          %mul3A_1112 = arith.muli %scan3A_208, %mul3A_1111 : i32
          %add3A_1113 = arith.constant 14 : i32
          %add3A_1114 = arith.addi %mul3A_1112, %add3A_1113 : i32
          %get3A_1115 = arith.index_cast %add3A_1114 : i32 to index
          %get3A_1116 = arith.constant 0 : index
          %get3A_1117 = tpu.vector_load %arg12[%get3A_1115, %get3A_1116] {strides = array<i32>} : memref<128x128xf32, #tpu.memory_space<vmem>>, vector<16xf32>,
          %mul3A_1118 = arith.mulf %get3A_1117, %gather3A_1110 : vector<16xf32>
          %swap3A_1119 = arith.index_cast %add3A_1114 : i32 to index
          %swap3A_1120 = arith.constant 0 : index
          %swap3A_1121 = tpu.vector_load %arg12[%swap3A_1119, %swap3A_1120] {strides = array<i32>} : memref<128x128xf32, #tpu.memory_space<vmem>>, vector<16xf32>,
          tpu.vector_store %arg12[%swap3A_1119, %swap3A_1120], %mul3A_1118 {strides = array<i32>} : memref<128x128xf32, #tpu.memory_space<vmem>>, vector<16xf32>,
          %get3A_1122 = arith.index_cast %add3A_1114 : i32 to index
          %get3A_1123 = arith.constant 16 : index
          %get3A_1124 = tpu.vector_load %arg12[%get3A_1122, %get3A_1123] {strides = array<i32>} : memref<128x128xf32, #tpu.memory_space<vmem>>, vector<16xf32>,
          %mul3A_1125 = arith.mulf %get3A_1124, %gather3A_1110 : vector<16xf32>
          %swap3A_1126 = arith.index_cast %add3A_1114 : i32 to index
          %swap3A_1127 = arith.constant 16 : index
          %swap3A_1128 = tpu.vector_load %arg12[%swap3A_1126, %swap3A_1127] {strides = array<i32>} : memref<128x128xf32, #tpu.memory_space<vmem>>, vector<16xf32>,
          tpu.vector_store %arg12[%swap3A_1126, %swap3A_1127], %mul3A_1125 {strides = array<i32>} : memref<128x128xf32, #tpu.memory_space<vmem>>, vector<16xf32>,
          %get3A_1129 = arith.index_cast %add3A_1114 : i32 to index
          %get3A_1130 = arith.constant 32 : index
          %get3A_1131 = tpu.vector_load %arg12[%get3A_1129, %get3A_1130] {strides = array<i32>} : memref<128x128xf32, #tpu.memory_space<vmem>>, vector<16xf32>,
          %mul3A_1132 = arith.mulf %get3A_1131, %gather3A_1110 : vector<16xf32>
          %swap3A_1133 = arith.index_cast %add3A_1114 : i32 to index
          %swap3A_1134 = arith.constant 32 : index
          %swap3A_1135 = tpu.vector_load %arg12[%swap3A_1133, %swap3A_1134] {strides = array<i32>} : memref<128x128xf32, #tpu.memory_space<vmem>>, vector<16xf32>,
          tpu.vector_store %arg12[%swap3A_1133, %swap3A_1134], %mul3A_1132 {strides = array<i32>} : memref<128x128xf32, #tpu.memory_space<vmem>>, vector<16xf32>,
          %get3A_1136 = arith.index_cast %add3A_1114 : i32 to index
          %get3A_1137 = arith.constant 48 : index
          %get3A_1138 = tpu.vector_load %arg12[%get3A_1136, %get3A_1137] {strides = array<i32>} : memref<128x128xf32, #tpu.memory_space<vmem>>, vector<16xf32>,
          %mul3A_1139 = arith.mulf %get3A_1138, %gather3A_1110 : vector<16xf32>
          %swap3A_1140 = arith.index_cast %add3A_1114 : i32 to index
          %swap3A_1141 = arith.constant 48 : index
          %swap3A_1142 = tpu.vector_load %arg12[%swap3A_1140, %swap3A_1141] {strides = array<i32>} : memref<128x128xf32, #tpu.memory_space<vmem>>, vector<16xf32>,
          tpu.vector_store %arg12[%swap3A_1140, %swap3A_1141], %mul3A_1139 {strides = array<i32>} : memref<128x128xf32, #tpu.memory_space<vmem>>, vector<16xf32>,
          %get3A_1143 = arith.index_cast %add3A_1114 : i32 to index
          %get3A_1144 = arith.constant 64 : index
          %get3A_1145 = tpu.vector_load %arg12[%get3A_1143, %get3A_1144] {strides = array<i32>} : memref<128x128xf32, #tpu.memory_space<vmem>>, vector<16xf32>,
          %mul3A_1146 = arith.mulf %get3A_1145, %gather3A_1110 : vector<16xf32>
          %swap3A_1147 = arith.index_cast %add3A_1114 : i32 to index
          %swap3A_1148 = arith.constant 64 : index
          %swap3A_1149 = tpu.vector_load %arg12[%swap3A_1147, %swap3A_1148] {strides = array<i32>} : memref<128x128xf32, #tpu.memory_space<vmem>>, vector<16xf32>,
          tpu.vector_store %arg12[%swap3A_1147, %swap3A_1148], %mul3A_1146 {strides = array<i32>} : memref<128x128xf32, #tpu.memory_space<vmem>>, vector<16xf32>,
          %get3A_1150 = arith.index_cast %add3A_1114 : i32 to index
          %get3A_1151 = arith.constant 80 : index
          %get3A_1152 = tpu.vector_load %arg12[%get3A_1150, %get3A_1151] {strides = array<i32>} : memref<128x128xf32, #tpu.memory_space<vmem>>, vector<16xf32>,
          %mul3A_1153 = arith.mulf %get3A_1152, %gather3A_1110 : vector<16xf32>
          %swap3A_1154 = arith.index_cast %add3A_1114 : i32 to index
          %swap3A_1155 = arith.constant 80 : index
          %swap3A_1156 = tpu.vector_load %arg12[%swap3A_1154, %swap3A_1155] {strides = array<i32>} : memref<128x128xf32, #tpu.memory_space<vmem>>, vector<16xf32>,
          tpu.vector_store %arg12[%swap3A_1154, %swap3A_1155], %mul3A_1153 {strides = array<i32>} : memref<128x128xf32, #tpu.memory_space<vmem>>, vector<16xf32>,
          %get3A_1157 = arith.index_cast %add3A_1114 : i32 to index
          %get3A_1158 = arith.constant 96 : index
          %get3A_1159 = tpu.vector_load %arg12[%get3A_1157, %get3A_1158] {strides = array<i32>} : memref<128x128xf32, #tpu.memory_space<vmem>>, vector<16xf32>,
          %mul3A_1160 = arith.mulf %get3A_1159, %gather3A_1110 : vector<16xf32>
          %swap3A_1161 = arith.index_cast %add3A_1114 : i32 to index
          %swap3A_1162 = arith.constant 96 : index
          %swap3A_1163 = tpu.vector_load %arg12[%swap3A_1161, %swap3A_1162] {strides = array<i32>} : memref<128x128xf32, #tpu.memory_space<vmem>>, vector<16xf32>,
          tpu.vector_store %arg12[%swap3A_1161, %swap3A_1162], %mul3A_1160 {strides = array<i32>} : memref<128x128xf32, #tpu.memory_space<vmem>>, vector<16xf32>,
          %get3A_1164 = arith.index_cast %add3A_1114 : i32 to index
          %get3A_1165 = arith.constant 112 : index
          %get3A_1166 = tpu.vector_load %arg12[%get3A_1164, %get3A_1165] {strides = array<i32>} : memref<128x128xf32, #tpu.memory_space<vmem>>, vector<16xf32>,
          %mul3A_1167 = arith.mulf %get3A_1166, %gather3A_1110 : vector<16xf32>
          %swap3A_1168 = arith.index_cast %add3A_1114 : i32 to index
          %swap3A_1169 = arith.constant 112 : index
          %swap3A_1170 = tpu.vector_load %arg12[%swap3A_1168, %swap3A_1169] {strides = array<i32>} : memref<128x128xf32, #tpu.memory_space<vmem>>, vector<16xf32>,
          tpu.vector_store %arg12[%swap3A_1168, %swap3A_1169], %mul3A_1167 {strides = array<i32>} : memref<128x128xf32, #tpu.memory_space<vmem>>, vector<16xf32>,
          %broadcast_in_dim3A_1171 = arith.constant 15 : i32
          %broadcast_in_dim3A_1172 = vector.broadcast %broadcast_in_dim3A_1171 : i32 to vector<16x1xi32>
          %gather3A_1173 = vector.shape_cast %broadcast_in_dim3A_1172 : vector<16x1xi32> to vector<16xi32>
          %gather3A_1174 = tpu.dynamic_gather %get3A_212[%gather3A_1173] in [0] : vector<16xf32>, vector<16xi32> -> vector<16xf32>
          %mul3A_1175 = arith.constant 16 : i32
          %mul3A_1176 = arith.muli %scan3A_208, %mul3A_1175 : i32
          %add3A_1177 = arith.constant 15 : i32
          %add3A_1178 = arith.addi %mul3A_1176, %add3A_1177 : i32
          %get3A_1179 = arith.index_cast %add3A_1178 : i32 to index
          %get3A_1180 = arith.constant 0 : index
          %get3A_1181 = tpu.vector_load %arg12[%get3A_1179, %get3A_1180] {strides = array<i32>} : memref<128x128xf32, #tpu.memory_space<vmem>>, vector<16xf32>,
          %mul3A_1182 = arith.mulf %get3A_1181, %gather3A_1174 : vector<16xf32>
          %swap3A_1183 = arith.index_cast %add3A_1178 : i32 to index
          %swap3A_1184 = arith.constant 0 : index
          %swap3A_1185 = tpu.vector_load %arg12[%swap3A_1183, %swap3A_1184] {strides = array<i32>} : memref<128x128xf32, #tpu.memory_space<vmem>>, vector<16xf32>,
          tpu.vector_store %arg12[%swap3A_1183, %swap3A_1184], %mul3A_1182 {strides = array<i32>} : memref<128x128xf32, #tpu.memory_space<vmem>>, vector<16xf32>,
          %get3A_1186 = arith.index_cast %add3A_1178 : i32 to index
          %get3A_1187 = arith.constant 16 : index
          %get3A_1188 = tpu.vector_load %arg12[%get3A_1186, %get3A_1187] {strides = array<i32>} : memref<128x128xf32, #tpu.memory_space<vmem>>, vector<16xf32>,
          %mul3A_1189 = arith.mulf %get3A_1188, %gather3A_1174 : vector<16xf32>
          %swap3A_1190 = arith.index_cast %add3A_1178 : i32 to index
          %swap3A_1191 = arith.constant 16 : index
          %swap3A_1192 = tpu.vector_load %arg12[%swap3A_1190, %swap3A_1191] {strides = array<i32>} : memref<128x128xf32, #tpu.memory_space<vmem>>, vector<16xf32>,
          tpu.vector_store %arg12[%swap3A_1190, %swap3A_1191], %mul3A_1189 {strides = array<i32>} : memref<128x128xf32, #tpu.memory_space<vmem>>, vector<16xf32>,
          %get3A_1193 = arith.index_cast %add3A_1178 : i32 to index
          %get3A_1194 = arith.constant 32 : index
          %get3A_1195 = tpu.vector_load %arg12[%get3A_1193, %get3A_1194] {strides = array<i32>} : memref<128x128xf32, #tpu.memory_space<vmem>>, vector<16xf32>,
          %mul3A_1196 = arith.mulf %get3A_1195, %gather3A_1174 : vector<16xf32>
          %swap3A_1197 = arith.index_cast %add3A_1178 : i32 to index
          %swap3A_1198 = arith.constant 32 : index
          %swap3A_1199 = tpu.vector_load %arg12[%swap3A_1197, %swap3A_1198] {strides = array<i32>} : memref<128x128xf32, #tpu.memory_space<vmem>>, vector<16xf32>,
          tpu.vector_store %arg12[%swap3A_1197, %swap3A_1198], %mul3A_1196 {strides = array<i32>} : memref<128x128xf32, #tpu.memory_space<vmem>>, vector<16xf32>,
          %get3A_1200 = arith.index_cast %add3A_1178 : i32 to index
          %get3A_1201 = arith.constant 48 : index
          %get3A_1202 = tpu.vector_load %arg12[%get3A_1200, %get3A_1201] {strides = array<i32>} : memref<128x128xf32, #tpu.memory_space<vmem>>, vector<16xf32>,
          %mul3A_1203 = arith.mulf %get3A_1202, %gather3A_1174 : vector<16xf32>
          %swap3A_1204 = arith.index_cast %add3A_1178 : i32 to index
          %swap3A_1205 = arith.constant 48 : index
          %swap3A_1206 = tpu.vector_load %arg12[%swap3A_1204, %swap3A_1205] {strides = array<i32>} : memref<128x128xf32, #tpu.memory_space<vmem>>, vector<16xf32>,
          tpu.vector_store %arg12[%swap3A_1204, %swap3A_1205], %mul3A_1203 {strides = array<i32>} : memref<128x128xf32, #tpu.memory_space<vmem>>, vector<16xf32>,
          %get3A_1207 = arith.index_cast %add3A_1178 : i32 to index
          %get3A_1208 = arith.constant 64 : index
          %get3A_1209 = tpu.vector_load %arg12[%get3A_1207, %get3A_1208] {strides = array<i32>} : memref<128x128xf32, #tpu.memory_space<vmem>>, vector<16xf32>,
          %mul3A_1210 = arith.mulf %get3A_1209, %gather3A_1174 : vector<16xf32>
          %swap3A_1211 = arith.index_cast %add3A_1178 : i32 to index
          %swap3A_1212 = arith.constant 64 : index
          %swap3A_1213 = tpu.vector_load %arg12[%swap3A_1211, %swap3A_1212] {strides = array<i32>} : memref<128x128xf32, #tpu.memory_space<vmem>>, vector<16xf32>,
          tpu.vector_store %arg12[%swap3A_1211, %swap3A_1212], %mul3A_1210 {strides = array<i32>} : memref<128x128xf32, #tpu.memory_space<vmem>>, vector<16xf32>,
          %get3A_1214 = arith.index_cast %add3A_1178 : i32 to index
          %get3A_1215 = arith.constant 80 : index
          %get3A_1216 = tpu.vector_load %arg12[%get3A_1214, %get3A_1215] {strides = array<i32>} : memref<128x128xf32, #tpu.memory_space<vmem>>, vector<16xf32>,
          %mul3A_1217 = arith.mulf %get3A_1216, %gather3A_1174 : vector<16xf32>
          %swap3A_1218 = arith.index_cast %add3A_1178 : i32 to index
          %swap3A_1219 = arith.constant 80 : index
          %swap3A_1220 = tpu.vector_load %arg12[%swap3A_1218, %swap3A_1219] {strides = array<i32>} : memref<128x128xf32, #tpu.memory_space<vmem>>, vector<16xf32>,
          tpu.vector_store %arg12[%swap3A_1218, %swap3A_1219], %mul3A_1217 {strides = array<i32>} : memref<128x128xf32, #tpu.memory_space<vmem>>, vector<16xf32>,
          %get3A_1221 = arith.index_cast %add3A_1178 : i32 to index
          %get3A_1222 = arith.constant 96 : index
          %get3A_1223 = tpu.vector_load %arg12[%get3A_1221, %get3A_1222] {strides = array<i32>} : memref<128x128xf32, #tpu.memory_space<vmem>>, vector<16xf32>,
          %mul3A_1224 = arith.mulf %get3A_1223, %gather3A_1174 : vector<16xf32>
          %swap3A_1225 = arith.index_cast %add3A_1178 : i32 to index
          %swap3A_1226 = arith.constant 96 : index
          %swap3A_1227 = tpu.vector_load %arg12[%swap3A_1225, %swap3A_1226] {strides = array<i32>} : memref<128x128xf32, #tpu.memory_space<vmem>>, vector<16xf32>,
          tpu.vector_store %arg12[%swap3A_1225, %swap3A_1226], %mul3A_1224 {strides = array<i32>} : memref<128x128xf32, #tpu.memory_space<vmem>>, vector<16xf32>,
          %get3A_1228 = arith.index_cast %add3A_1178 : i32 to index
          %get3A_1229 = arith.constant 112 : index
          %get3A_1230 = tpu.vector_load %arg12[%get3A_1228, %get3A_1229] {strides = array<i32>} : memref<128x128xf32, #tpu.memory_space<vmem>>, vector<16xf32>,
          %mul3A_1231 = arith.mulf %get3A_1230, %gather3A_1174 : vector<16xf32>
          %swap3A_1232 = arith.index_cast %add3A_1178 : i32 to index
          %swap3A_1233 = arith.constant 112 : index
          %swap3A_1234 = tpu.vector_load %arg12[%swap3A_1232, %swap3A_1233] {strides = array<i32>} : memref<128x128xf32, #tpu.memory_space<vmem>>, vector<16xf32>,
          tpu.vector_store %arg12[%swap3A_1232, %swap3A_1233], %mul3A_1231 {strides = array<i32>} : memref<128x128xf32, #tpu.memory_space<vmem>>, vector<16xf32>,
        }
        %scan3A_193 = arith.constant 8 : i32
        %lt3A = arith.constant 15 : i32
        %lt3A_194 = arith.cmpi slt, %scan3A_134, %lt3A : i32
        %convert_element_type3A_195 = arith.extui %lt3A_194 : i1 to i32
        %cond3A_196 = arith.constant 0 : i32
        %cond3A_197 = arith.cmpi ne, %convert_element_type3A_195, %cond3A_196 : i32
        scf.if %cond3A_197 {
          %dma_wait3A_208 = arith.constant 0 : i32
          %dma_wait3A_209 = arith.constant 0 : i32
          %dma_wait3A_210 = tpu.memref_slice %arg5[%dma_wait3A_208, %dma_wait3A_209] : memref<10240x128xf32, #tpu.memory_space<hbm>> -> memref<128x128xf32, #tpu.memory_space<hbm>>
          %dma_wait3A_211 = arith.constant 0 : i32
          %dma_wait3A_212 = arith.constant 0 : i32
          %dma_wait3A_213 = tpu.memref_slice %arg5[%dma_wait3A_211, %dma_wait3A_212] : memref<10240x128xf32, #tpu.memory_space<hbm>> -> memref<128x128xf32, #tpu.memory_space<hbm>>
          tpu.wait_dma2 semaphore(%arg17 : memref<!tpu.dma_semaphore, #tpu.memory_space<semaphore_mem>>) src(%dma_wait3A_213 : memref<128x128xf32, #tpu.memory_space<hbm>>) dst(%arg11 : memref<128x128xf32, #tpu.memory_space<vmem>>)
          %mul3A_214 = arith.constant 2 : i32
          %mul3A_215 = arith.muli %mul3A_214, %scan3A_134 : i32
          %add3A_216 = arith.constant 2 : i32
          %add3A_217 = arith.addi %mul3A_215, %add3A_216 : i32
          %eq3A_218 = arith.constant 0 : i32
          %eq3A_219 = arith.cmpi eq, %arg0, %eq3A_218 : i32
          %convert_element_type3A_220 = arith.extui %eq3A_219 : i1 to i32
          %cond3A_221 = arith.constant 0 : i32
          %cond3A_222 = arith.cmpi ne, %convert_element_type3A_220, %cond3A_221 : i32
          scf.if %cond3A_222 {
            %dma_start3A_228 = arith.constant 0 : i32
            %dma_start3A_229 = tpu.memref_slice %arg8[%add3A_217, %dma_start3A_228] : memref<32x128xi32, #tpu.memory_space<vmem>> -> memref<1x128xi32, #tpu.memory_space<vmem>>
            %dma_start3A_230 = tpu.memref_squeeze %dma_start3A_229 : memref<1x128xi32, #tpu.memory_space<vmem>> -> memref<128xi32, #tpu.memory_space<vmem>>
            %dma_start3A_231 = arith.constant 0 : i32
            %dma_start3A_232 = arith.constant 0 : i32
            %dma_start3A_233 = tpu.memref_slice %arg5[%dma_start3A_231, %dma_start3A_232] : memref<10240x128xf32, #tpu.memory_space<hbm>> -> memref<10240x128xf32, #tpu.memory_space<hbm>>
            tpu.enqueue_indirect_dma source(%dma_start3A_233 : memref<10240x128xf32, #tpu.memory_space<hbm>>) target(%arg11 : memref<128x128xf32, #tpu.memory_space<vmem>>) offsets(%dma_start3A_230 : memref<128xi32, #tpu.memory_space<vmem>>) semaphore(%arg15 : memref<!tpu.dma_semaphore, #tpu.memory_space<semaphore_mem>>)
          } else {
          }
          %ne3A_223 = arith.constant 0 : i32
          %ne3A_224 = arith.cmpi ne, %arg0, %ne3A_223 : i32
          %convert_element_type3A_225 = arith.extui %ne3A_224 : i1 to i32
          %cond3A_226 = arith.constant 0 : i32
          %cond3A_227 = arith.cmpi ne, %convert_element_type3A_225, %cond3A_226 : i32
          scf.if %cond3A_227 {
            %dma_start3A_228 = arith.constant 0 : i32
            %dma_start3A_229 = tpu.memref_slice %arg8[%add3A_217, %dma_start3A_228] : memref<32x128xi32, #tpu.memory_space<vmem>> -> memref<1x128xi32, #tpu.memory_space<vmem>>
            %dma_start3A_230 = tpu.memref_squeeze %dma_start3A_229 : memref<1x128xi32, #tpu.memory_space<vmem>> -> memref<128xi32, #tpu.memory_space<vmem>>
            %dma_start3A_231 = arith.constant 0 : i32
            %dma_start3A_232 = arith.constant 0 : i32
            %dma_start3A_233 = tpu.memref_slice %arg6[%dma_start3A_231, %dma_start3A_232] : memref<10240x128xf32, #tpu.memory_space<hbm>> -> memref<10240x128xf32, #tpu.memory_space<hbm>>
            tpu.enqueue_indirect_dma source(%dma_start3A_233 : memref<10240x128xf32, #tpu.memory_space<hbm>>) target(%arg11 : memref<128x128xf32, #tpu.memory_space<vmem>>) offsets(%dma_start3A_230 : memref<128xi32, #tpu.memory_space<vmem>>) semaphore(%arg15 : memref<!tpu.dma_semaphore, #tpu.memory_space<semaphore_mem>>)
          } else {
          }
        } else {
        }
        %mul3A_198 = arith.constant 2 : i32
        %mul3A_199 = arith.muli %mul3A_198, %scan3A_134 : i32
        %add3A_200 = arith.constant 1 : i32
        %add3A_201 = arith.addi %mul3A_199, %add3A_200 : i32
        %dma_start3A_202 = arith.constant 0 : i32
        %dma_start3A_203 = tpu.memref_slice %arg9[%add3A_201, %dma_start3A_202] : memref<32x128xi32, #tpu.memory_space<vmem>> -> memref<1x128xi32, #tpu.memory_space<vmem>>
        %dma_start3A_204 = tpu.memref_squeeze %dma_start3A_203 : memref<1x128xi32, #tpu.memory_space<vmem>> -> memref<128xi32, #tpu.memory_space<vmem>>
        %dma_start3A_205 = arith.constant 0 : i32
        %dma_start3A_206 = arith.constant 0 : i32
        %dma_start3A_207 = tpu.memref_slice %arg14[%dma_start3A_205, %dma_start3A_206] : memref<10240x128xf32, #tpu.memory_space<vmem_shared>> -> memref<10240x128xf32, #tpu.memory_space<vmem_shared>>
        tpu.enqueue_indirect_dma source(%arg12 : memref<128x128xf32, #tpu.memory_space<vmem>>) target(%dma_start3A_207 : memref<10240x128xf32, #tpu.memory_space<vmem_shared>>) offsets(%dma_start3A_204 : memref<128xi32, #tpu.memory_space<vmem>>) semaphore(%arg18 : memref<!tpu.dma_semaphore, #tpu.memory_space<semaphore_mem>>) {add = true}
      }
      %scan3A_133 = arith.constant 16 : i32
    }
    %scan3A_93 = arith.constant 5 : i32
    %dma_wait3A = arith.constant 0 : i32
    %dma_wait3A_94 = arith.constant 0 : i32
    %dma_wait3A_95 = tpu.memref_slice %arg5[%dma_wait3A, %dma_wait3A_94] : memref<10240x128xf32, #tpu.memory_space<hbm>> -> memref<128x128xf32, #tpu.memory_space<hbm>>
    %dma_wait3A_96 = arith.constant 0 : i32
    %dma_wait3A_97 = arith.constant 0 : i32
    %dma_wait3A_98 = tpu.memref_slice %arg5[%dma_wait3A_96, %dma_wait3A_97] : memref<10240x128xf32, #tpu.memory_space<hbm>> -> memref<128x128xf32, #tpu.memory_space<hbm>>
    tpu.wait_dma2 semaphore(%arg17 : memref<!tpu.dma_semaphore, #tpu.memory_space<semaphore_mem>>) src(%dma_wait3A_98 : memref<128x128xf32, #tpu.memory_space<hbm>>) dst(%arg11 : memref<128x128xf32, #tpu.memory_space<vmem>>)
    %dma_wait3A_99 = arith.constant 0 : i32
    %dma_wait3A_100 = arith.constant 0 : i32
    %dma_wait3A_101 = tpu.memref_slice %arg5[%dma_wait3A_99, %dma_wait3A_100] : memref<10240x128xf32, #tpu.memory_space<hbm>> -> memref<128x128xf32, #tpu.memory_space<hbm>>
    %dma_wait3A_102 = arith.constant 0 : i32
    %dma_wait3A_103 = arith.constant 0 : i32
    %dma_wait3A_104 = tpu.memref_slice %arg5[%dma_wait3A_102, %dma_wait3A_103] : memref<10240x128xf32, #tpu.memory_space<hbm>> -> memref<128x128xf32, #tpu.memory_space<hbm>>
    tpu.wait_dma2 semaphore(%arg18 : memref<!tpu.dma_semaphore, #tpu.memory_space<semaphore_mem>>) src(%dma_wait3A_104 : memref<128x128xf32, #tpu.memory_space<hbm>>) dst(%arg11 : memref<128x128xf32, #tpu.memory_space<vmem>>)
    %barrier3A_105 = arith.constant 0 : index
    tpu.barrier barrier_id(%barrier3A_105)
    %mul3A_106 = arith.constant 10240 : i32
    %mul3A_107 = arith.muli %arg0, %mul3A_106 : i32
    %add3A_108 = arith.addi %mul3A_107, %mul3A_2 : i32
    "tpu.region"() ({
      %run_scoped3A = tpu.sem_alloc : memref<!tpu.dma_semaphore, #tpu.memory_space<semaphore_mem>>
      %dma_start3A = arith.constant 0 : i32
      %dma_start3A_109 = tpu.memref_slice %arg7[%add3A_108, %dma_start3A] : memref<20480x128xf32, #tpu.memory_space<hbm>> -> memref<640x128xf32, #tpu.memory_space<hbm>>
      %dma_start3A_110 = arith.constant 0 : i32
      %dma_start3A_111 = tpu.memref_slice %arg14[%mul3A_2, %dma_start3A_110] : memref<10240x128xf32, #tpu.memory_space<vmem_shared>> -> memref<640x128xf32, #tpu.memory_space<vmem_shared>>
      tpu.enqueue_dma source(%dma_start3A_111 : memref<640x128xf32, #tpu.memory_space<vmem_shared>>) target(%dma_start3A_109 : memref<640x128xf32, #tpu.memory_space<hbm>>) target_semaphore(%run_scoped3A : memref<!tpu.dma_semaphore, #tpu.memory_space<semaphore_mem>>)
      %dma_wait3A_112 = arith.constant 0 : i32
      %dma_wait3A_113 = tpu.memref_slice %arg7[%add3A_108, %dma_wait3A_112] : memref<20480x128xf32, #tpu.memory_space<hbm>> -> memref<640x128xf32, #tpu.memory_space<hbm>>
      %dma_wait3A_114 = arith.constant 0 : i32
      %dma_wait3A_115 = tpu.memref_slice %arg14[%mul3A_2, %dma_wait3A_114] : memref<10240x128xf32, #tpu.memory_space<vmem_shared>> -> memref<640x128xf32, #tpu.memory_space<vmem_shared>>
      tpu.wait_dma2 semaphore(%run_scoped3A : memref<!tpu.dma_semaphore, #tpu.memory_space<semaphore_mem>>) src(%dma_wait3A_115 : memref<640x128xf32, #tpu.memory_space<vmem_shared>>) dst(%dma_wait3A_113 : memref<640x128xf32, #tpu.memory_space<hbm>>)
      tpu.yield
    }) : () -> ()
    return
  }
}

module attributes {stable_mosaic.version = 14 : i64} {
  func.func @_xw_body(%arg0: i32, %arg1: memref<2048x128xf32, #tpu.memory_space<vmem>>, %arg2: memref<128x256xf32, #tpu.memory_space<vmem>>, %arg3: memref<2048x128xf32, #tpu.memory_space<vmem>>, %arg4: memref<2048x128xf32, #tpu.memory_space<vmem>>) attributes {dimension_semantics = [#tpu.dimension_semantics<arbitrary>], iteration_bounds = array<i64: 5>, scalar_prefetch = 0 : i64, scratch_operands = 0 : i64, tpu.core_type = #tpu.core_type<tc>, window_params = [{transform_indices = @transform_0, window_bounds = array<i64: 2048, 128>}, {pipeline_mode = #tpu.pipeline_mode<synchronous>, transform_indices = @transform_1, window_bounds = array<i64: 128, 256>}, {transform_indices = @transform_2, window_bounds = array<i64: 2048, 128>}, {transform_indices = @transform_3, window_bounds = array<i64: 2048, 128>}]} {
    %get3A = arith.constant 0 : index
    %get3A_0 = arith.constant 0 : index
    %get3A_1 = vector.load %arg1[%get3A, %get3A_0] : memref<2048x128xf32, #tpu.memory_space<vmem>>, vector<2048x128xf32>
    %get3A_2 = arith.constant 0 : index
    %get3A_3 = arith.constant 0 : index
    %get3A_4 = vector.load %arg2[%get3A_2, %get3A_3] : memref<128x256xf32, #tpu.memory_space<vmem>>, vector<128x256xf32>
    %dot_general3A = arith.constant dense<0.000000e+00> : vector<2048x256xf32>
    %dot_general3A_5 = tpu.matmul %get3A_1, %get3A_4, %dot_general3A {dimension_numbers = #tpu.dot_dimension_numbers<[1], [0], [0], [1], [0, 0, 1, 1], [], []>, transpose_lhs_hint = false} : vector<2048x128xf32>, vector<128x256xf32>, vector<2048x256xf32> -> vector<2048x256xf32>
    %slice3A = vector.extract_strided_slice %dot_general3A_5 {offsets = [0, 0], sizes = [2048, 128], strides = [1, 1]} : vector<2048x256xf32> to vector<2048x128xf32>
    %swap3A = arith.constant 0 : index
    %swap3A_6 = arith.constant 0 : index
    %swap3A_7 = vector.load %arg3[%swap3A, %swap3A_6] : memref<2048x128xf32, #tpu.memory_space<vmem>>, vector<2048x128xf32>
    tpu.vector_store %arg3[%swap3A, %swap3A_6], %slice3A {strides = array<i32>} : memref<2048x128xf32, #tpu.memory_space<vmem>>, vector<2048x128xf32>,
    %slice3A_8 = vector.extract_strided_slice %dot_general3A_5 {offsets = [0, 128], sizes = [2048, 128], strides = [1, 1]} : vector<2048x256xf32> to vector<2048x128xf32>
    %swap3A_9 = arith.constant 0 : index
    %swap3A_10 = arith.constant 0 : index
    %swap3A_11 = vector.load %arg4[%swap3A_9, %swap3A_10] : memref<2048x128xf32, #tpu.memory_space<vmem>>, vector<2048x128xf32>
    tpu.vector_store %arg4[%swap3A_9, %swap3A_10], %slice3A_8 {strides = array<i32>} : memref<2048x128xf32, #tpu.memory_space<vmem>>, vector<2048x128xf32>,
    return
  }
  func.func @transform_0(%arg0: i32) -> (i32, i32) {
    %c0_i32 = arith.constant 0 : i32
    %c0_i32_0 = arith.constant 0 : i32
    return %arg0, %c0_i32 : i32, i32
  }
  func.func @transform_1(%arg0: i32) -> (i32, i32) {
    %c0_i32 = arith.constant 0 : i32
    %c0_i32_0 = arith.constant 0 : i32
    %c0_i32_1 = arith.constant 0 : i32
    return %c0_i32, %c0_i32_0 : i32, i32
  }
  func.func @transform_2(%arg0: i32) -> (i32, i32) {
    %c0_i32 = arith.constant 0 : i32
    %c0_i32_0 = arith.constant 0 : i32
    return %arg0, %c0_i32 : i32, i32
  }
  func.func @transform_3(%arg0: i32) -> (i32, i32) {
    %c0_i32 = arith.constant 0 : i32
    %c0_i32_0 = arith.constant 0 : i32
    return %arg0, %c0_i32 : i32, i32
  }
}

module attributes {stable_mosaic.version = 14 : i64} {
  func.func @_mlp_body(%arg0: i32, %arg1: memref<2048x128xf32, #tpu.memory_space<vmem>>, %arg2: memref<2048x128xf32, #tpu.memory_space<vmem>>, %arg3: memref<2048x128xf32, #tpu.memory_space<vmem>>, %arg4: memref<2048x128xf32, #tpu.memory_space<vmem>>, %arg5: memref<2048x1xf32, #tpu.memory_space<vmem>>, %arg6: memref<1x256xf32, #tpu.memory_space<vmem>>, %arg7: memref<256x256xf32, #tpu.memory_space<vmem>>, %arg8: memref<1x256xf32, #tpu.memory_space<vmem>>, %arg9: memref<256x256xf32, #tpu.memory_space<vmem>>, %arg10: memref<1x256xf32, #tpu.memory_space<vmem>>, %arg11: memref<2048x256xf32, #tpu.memory_space<vmem>>) attributes {dimension_semantics = [#tpu.dimension_semantics<arbitrary>], iteration_bounds = array<i64: 5>, scalar_prefetch = 0 : i64, scratch_operands = 0 : i64, tpu.core_type = #tpu.core_type<tc>, window_params = [{transform_indices = @transform_0, window_bounds = array<i64: 2048, 128>}, {transform_indices = @transform_1, window_bounds = array<i64: 2048, 128>}, {transform_indices = @transform_2, window_bounds = array<i64: 2048, 128>}, {transform_indices = @transform_3, window_bounds = array<i64: 2048, 128>}, {transform_indices = @transform_4, window_bounds = array<i64: 2048, 1>}, {pipeline_mode = #tpu.pipeline_mode<synchronous>, transform_indices = @transform_5, window_bounds = array<i64: 1, 256>}, {pipeline_mode = #tpu.pipeline_mode<synchronous>, transform_indices = @transform_6, window_bounds = array<i64: 256, 256>}, {pipeline_mode = #tpu.pipeline_mode<synchronous>, transform_indices = @transform_7, window_bounds = array<i64: 1, 256>}, {pipeline_mode = #tpu.pipeline_mode<synchronous>, transform_indices = @transform_8, window_bounds = array<i64: 256, 256>}, {pipeline_mode = #tpu.pipeline_mode<synchronous>, transform_indices = @transform_9, window_bounds = array<i64: 1, 256>}, {transform_indices = @transform_10, window_bounds = array<i64: 2048, 256>}]} {
    %get3A = arith.constant 0 : index
    %get3A_0 = arith.constant 0 : index
    %get3A_1 = vector.load %arg5[%get3A, %get3A_0] : memref<2048x1xf32, #tpu.memory_space<vmem>>, vector<2048x1xf32>
    %get3A_2 = arith.constant 0 : index
    %get3A_3 = arith.constant 0 : index
    %get3A_4 = vector.load %arg5[%get3A_2, %get3A_3] : memref<2048x1xf32, #tpu.memory_space<vmem>>, vector<2048x1xf32>
    %mul3A = arith.mulf %get3A_1, %get3A_4 : vector<2048x1xf32>
    %get3A_5 = arith.constant 0 : index
    %get3A_6 = arith.constant 0 : index
    %get3A_7 = vector.load %arg1[%get3A_5, %get3A_6] : memref<2048x128xf32, #tpu.memory_space<vmem>>, vector<2048x128xf32>
    %get3A_8 = arith.constant 0 : index
    %get3A_9 = arith.constant 0 : index
    %get3A_10 = vector.load %arg3[%get3A_8, %get3A_9] : memref<2048x128xf32, #tpu.memory_space<vmem>>, vector<2048x128xf32>
    %mul3A_11 = vector.broadcast %mul3A : vector<2048x1xf32> to vector<2048x128xf32>
    %mul3A_12 = arith.mulf %mul3A_11, %get3A_10 : vector<2048x128xf32>
    %add3A = arith.addf %get3A_7, %mul3A_12 : vector<2048x128xf32>
    %get3A_13 = arith.constant 0 : index
    %get3A_14 = arith.constant 0 : index
    %get3A_15 = vector.load %arg6[%get3A_13, %get3A_14] : memref<1x256xf32, #tpu.memory_space<vmem>>, vector<1x128xf32>
    %add3A_16 = vector.broadcast %get3A_15 : vector<1x128xf32> to vector<2048x128xf32>
    %add3A_17 = arith.addf %add3A, %add3A_16 : vector<2048x128xf32>
    %get3A_18 = arith.constant 0 : index
    %get3A_19 = arith.constant 0 : index
    %get3A_20 = vector.load %arg2[%get3A_18, %get3A_19] : memref<2048x128xf32, #tpu.memory_space<vmem>>, vector<2048x128xf32>
    %get3A_21 = arith.constant 0 : index
    %get3A_22 = arith.constant 0 : index
    %get3A_23 = vector.load %arg4[%get3A_21, %get3A_22] : memref<2048x128xf32, #tpu.memory_space<vmem>>, vector<2048x128xf32>
    %mul3A_24 = vector.broadcast %mul3A : vector<2048x1xf32> to vector<2048x128xf32>
    %mul3A_25 = arith.mulf %mul3A_24, %get3A_23 : vector<2048x128xf32>
    %add3A_26 = arith.addf %get3A_20, %mul3A_25 : vector<2048x128xf32>
    %get3A_27 = arith.constant 0 : index
    %get3A_28 = arith.constant 128 : index
    %get3A_29 = vector.load %arg6[%get3A_27, %get3A_28] : memref<1x256xf32, #tpu.memory_space<vmem>>, vector<1x128xf32>
    %add3A_30 = vector.broadcast %get3A_29 : vector<1x128xf32> to vector<2048x128xf32>
    %add3A_31 = arith.addf %add3A_26, %add3A_30 : vector<2048x128xf32>
    %get3A_32 = arith.constant 0 : index
    %get3A_33 = arith.constant 0 : index
    %get3A_34 = vector.load %arg7[%get3A_32, %get3A_33] : memref<256x256xf32, #tpu.memory_space<vmem>>, vector<256x256xf32>
    %slice3A = vector.extract_strided_slice %get3A_34 {offsets = [0, 0], sizes = [128, 256], strides = [1, 1]} : vector<256x256xf32> to vector<128x256xf32>
    %dot_general3A = arith.constant dense<0.000000e+00> : vector<2048x256xf32>
    %dot_general3A_35 = tpu.matmul %add3A_17, %slice3A, %dot_general3A {dimension_numbers = #tpu.dot_dimension_numbers<[1], [0], [0], [1], [0, 0, 1, 1], [], []>, transpose_lhs_hint = false} : vector<2048x128xf32>, vector<128x256xf32>, vector<2048x256xf32> -> vector<2048x256xf32>
    %slice3A_36 = vector.extract_strided_slice %get3A_34 {offsets = [128, 0], sizes = [128, 256], strides = [1, 1]} : vector<256x256xf32> to vector<128x256xf32>
    %dot_general3A_37 = arith.constant dense<0.000000e+00> : vector<2048x256xf32>
    %dot_general3A_38 = tpu.matmul %add3A_31, %slice3A_36, %dot_general3A_37 {dimension_numbers = #tpu.dot_dimension_numbers<[1], [0], [0], [1], [0, 0, 1, 1], [], []>, transpose_lhs_hint = false} : vector<2048x128xf32>, vector<128x256xf32>, vector<2048x256xf32> -> vector<2048x256xf32>
    %add3A_39 = arith.addf %dot_general3A_35, %dot_general3A_38 : vector<2048x256xf32>
    %get3A_40 = arith.constant 0 : index
    %get3A_41 = arith.constant 0 : index
    %get3A_42 = vector.load %arg8[%get3A_40, %get3A_41] : memref<1x256xf32, #tpu.memory_space<vmem>>, vector<1x256xf32>
    %add3A_43 = vector.broadcast %get3A_42 : vector<1x256xf32> to vector<2048x256xf32>
    %add3A_44 = arith.addf %add3A_39, %add3A_43 : vector<2048x256xf32>
    %max3A = arith.constant 0.000000e+00 : f32
    %max3A_45 = vector.broadcast %max3A : f32 to vector<2048x256xf32>
    %max3A_46 = arith.maximumf %add3A_44, %max3A_45 : vector<2048x256xf32>
    %get3A_47 = arith.constant 0 : index
    %get3A_48 = arith.constant 0 : index
    %get3A_49 = vector.load %arg9[%get3A_47, %get3A_48] : memref<256x256xf32, #tpu.memory_space<vmem>>, vector<256x256xf32>
    %dot_general3A_50 = arith.constant dense<0.000000e+00> : vector<2048x256xf32>
    %dot_general3A_51 = tpu.matmul %max3A_46, %get3A_49, %dot_general3A_50 {dimension_numbers = #tpu.dot_dimension_numbers<[1], [0], [0], [1], [0, 0, 1, 1], [], []>, transpose_lhs_hint = false} : vector<2048x256xf32>, vector<256x256xf32>, vector<2048x256xf32> -> vector<2048x256xf32>
    %get3A_52 = arith.constant 0 : index
    %get3A_53 = arith.constant 0 : index
    %get3A_54 = vector.load %arg10[%get3A_52, %get3A_53] : memref<1x256xf32, #tpu.memory_space<vmem>>, vector<1x256xf32>
    %add3A_55 = vector.broadcast %get3A_54 : vector<1x256xf32> to vector<2048x256xf32>
    %add3A_56 = arith.addf %dot_general3A_51, %add3A_55 : vector<2048x256xf32>
    %swap3A = arith.constant 0 : index
    %swap3A_57 = arith.constant 0 : index
    %swap3A_58 = vector.load %arg11[%swap3A, %swap3A_57] : memref<2048x256xf32, #tpu.memory_space<vmem>>, vector<2048x256xf32>
    tpu.vector_store %arg11[%swap3A, %swap3A_57], %add3A_56 {strides = array<i32>} : memref<2048x256xf32, #tpu.memory_space<vmem>>, vector<2048x256xf32>,
    return
  }
  func.func @transform_0(%arg0: i32) -> (i32, i32) {
    %c0_i32 = arith.constant 0 : i32
    %c0_i32_0 = arith.constant 0 : i32
    return %arg0, %c0_i32 : i32, i32
  }
  func.func @transform_1(%arg0: i32) -> (i32, i32) {
    %add3A = arith.constant 5 : i32
    %add3A_0 = arith.addi %arg0, %add3A : i32
    %c0_i32 = arith.constant 0 : i32
    %c0_i32_1 = arith.constant 0 : i32
    return %add3A_0, %c0_i32 : i32, i32
  }
  func.func @transform_2(%arg0: i32) -> (i32, i32) {
    %c0_i32 = arith.constant 0 : i32
    %c0_i32_0 = arith.constant 0 : i32
    return %arg0, %c0_i32 : i32, i32
  }
  func.func @transform_3(%arg0: i32) -> (i32, i32) {
    %c0_i32 = arith.constant 0 : i32
    %c0_i32_0 = arith.constant 0 : i32
    return %arg0, %c0_i32 : i32, i32
  }
  func.func @transform_4(%arg0: i32) -> (i32, i32) {
    %c0_i32 = arith.constant 0 : i32
    %c0_i32_0 = arith.constant 0 : i32
    return %arg0, %c0_i32 : i32, i32
  }
  func.func @transform_5(%arg0: i32) -> (i32, i32) {
    %c0_i32 = arith.constant 0 : i32
    %c0_i32_0 = arith.constant 0 : i32
    %c0_i32_1 = arith.constant 0 : i32
    return %c0_i32, %c0_i32_0 : i32, i32
  }
  func.func @transform_6(%arg0: i32) -> (i32, i32) {
    %c0_i32 = arith.constant 0 : i32
    %c0_i32_0 = arith.constant 0 : i32
    %c0_i32_1 = arith.constant 0 : i32
    return %c0_i32, %c0_i32_0 : i32, i32
  }
  func.func @transform_7(%arg0: i32) -> (i32, i32) {
    %c0_i32 = arith.constant 0 : i32
    %c0_i32_0 = arith.constant 0 : i32
    %c0_i32_1 = arith.constant 0 : i32
    return %c0_i32, %c0_i32_0 : i32, i32
  }
  func.func @transform_8(%arg0: i32) -> (i32, i32) {
    %c0_i32 = arith.constant 0 : i32
    %c0_i32_0 = arith.constant 0 : i32
    %c0_i32_1 = arith.constant 0 : i32
    return %c0_i32, %c0_i32_0 : i32, i32
  }
  func.func @transform_9(%arg0: i32) -> (i32, i32) {
    %c0_i32 = arith.constant 0 : i32
    %c0_i32_0 = arith.constant 0 : i32
    %c0_i32_1 = arith.constant 0 : i32
    return %c0_i32, %c0_i32_0 : i32, i32
  }
  func.func @transform_10(%arg0: i32) -> (i32, i32) {
    %c0_i32 = arith.constant 0 : i32
    %c0_i32_0 = arith.constant 0 : i32
    return %arg0, %c0_i32 : i32, i32
  }
}

</mosaic_0001>

<sc_bundles>
// kernel: kernel.6.cloned.1.call-start
scs
__scs_entry_jumppad:
0x0: {  	(pc) =	sbr.rel $0x88, $3  }
0x1: {  	(tag) =	ssettag $0x0;
	lr =	simm.s32 $0x1  }
0x2: {  	[smem:$0x3F98] =	sst lr;
	_ =	strace $0xD0000000  }
0x3: {  	_ = 	snop  }
0x4: {  	_ = 	snop  }
0x5: {  	_ = 	snop  }
0x6: {  	_ = 	snop  }
0x7: {  	_ = 	snop  }
__scs_overlays_trampoline_lowered:
0x8: {  	[smem:$0x3FA7] =	sst s0  }
0x9: {  	[smem:$0x3FA8] =	sst s1  }
0xa: {  	[smem:$0x3FA9] =	sst s2  }
0xb: {  	[smem:$0x3FAA] =	sst s3  }
0xc: {  	[smem:$0x3FAB] =	sst s4  }
0xd: {  	[smem:$0x3FAC] =	sst s5  }
0xe: {  	[smem:$0x3FAD] =	sst s6  }
0xf: {  	[smem:$0x3FAE] =	sst s7  }
0x10: {  	[smem:$0x3FAF] =	sst s8  }
0x11: {  	[smem:$0x3FB0] =	sst s9;
	s0 =	simm.s32 @!p0 $0x0  }
0x12: {  	s1 =	sld [smem:$0x3F96];
	s0 =	simm.s32 @p0 $0x1  }
0x13: {  	[smem:$0x3FB1] =	sst s0;
	s0 =	simm.s32 @!p1 $0x0  }
0x14: {  	s2 =	sld [smem:$0x3F95];
	s0 =	simm.s32 @p1 $0x1  }
0x15: {  	[smem:$0x3FB2] =	sst s0;
	s0 =	simm.s32 @!p2 $0x0  }
0x16: {  	s3 =	sld [smem:$0x3FDB];
	s0 =	simm.s32 @p2 $0x1  }
0x17: {  	s4 =	simm.s32 $0x1BF5;
	[smem:$0x3FB4] =	sst s0  }
0x18: {  	s0 =	sld [smem:$0x3F97];
	_ =	swait.ge [sflag:s4], $0x0  }
0x19: {  	s7 =	sld [smem:$0x3F98]  }
0x1a: {  	s8 =	sadd.s32 $0xFFFFE003, lr  }
0x1b: {  	s9 =	sadd.s32 $0xFFFFFEF7, lr;
	s5 =	simm.s32 $0xFFFFFFFF;
	p2 =	slt.u32 s8, $0xFFFFF086  }
0x1c: {  	p1 =	slt.u32 s9, $0xF7A;
	s5 =	simm.s32 @!p2 $0x0  }
0x1d: {  	s5 =	simm.s32 @p1 $0x1;
	p0 =	seq.s32 s7, s2  }
0x1e: {  	s7 =	smul.u32 @!p0 $0xF7A, s2;
	p2 =	seq.s32 @!p0 s5, $0x0  }
0x1f: {  	s9 =	smul.u32 $0xF7A, s1;
	s8 =	simm.s32 @!p0 $0x1BF5;
	p2 =	por !p2, p0  }
0x20: {  	[sflag:s8] =	ssyncset.s32 @!p0 $0xFFFFF086;
	s6 =	sadd.s32 @!p0 s3, s7;
	s7 =	simm.s32 @!p0 $0x108  }
0x21: {  	s3 =	sadd.s32 s3, s9;
	s6 =	sadd.s32 @!p0 $0x88, s6;
	s7 =	simm.s32 @p2 $0x1082  }
0x22: {  	[simem:s7], [sflag:s8] =	dma.local @!p0 [hbm:s6], $0xF7A  }
0x23: {  	s9 =	sor.u32 $0xD0000000, s2;
	s6 =	simm.s32 $0x108;
	_ =	swait.ge @!p0 [sflag:s8], $0x0  }
0x24: {  	s3 =	sadd.s32 $0x88, s3;
	s6 =	simm.s32 @!p1 $0x1082;
	[sflag:s4] =	ssyncset.s32 $0xFFFFF086  }
0x25: {  	[simem:s6], [sflag:s4] =	dma.local [hbm:s3], $0xF7A  }
0x26: {  	[smem:$0x3F98] =	sst s1;
	(tag) =	ssettag s2;
	_ =	strace s9  }
0x27: {  	s1 =	sld [smem:$0x3FA8]  }
0x28: {  	s2 =	sld [smem:$0x3FA9]  }
0x29: {  	s4 =	sld [smem:$0x3FAB]  }
0x2a: {  	p0 =	seq.s32 s5, $0x0;
	s5 =	sld [smem:$0x3FAC]  }
0x2b: {  	s6 =	sld [smem:$0x3FAD]  }
0x2c: {  	s7 =	sld [smem:$0x3FAE]  }
0x2d: {  	s3 =	simm.s32 $0x108;
	s8 =	sld [smem:$0x3FAF]  }
0x2e: {  	s3 =	simm.s32 @!p0 $0x1082;
	s9 =	sld [smem:$0x3FB0]  }
0x2f: {  	lr =	sadd.s32 s0, s3;
	s0 =	sld [smem:$0x3FA7]  }
0x30: {  	s3 =	sld [smem:$0x3FAA]  }
0x31: {  	[smem:$0x3FB3] =	sst s10  }
0x32: {  	s10 =	sld [smem:$0x3FB1];
	_ =	sdelay $0x3  }
0x33: {  	p0 =	seq.s32 s10, $0x1;
	s10 =	sld [smem:$0x3FB3];
	_ =	sdelay $0x3  }
0x34: {  	[smem:$0x3FB3] =	sst s10  }
0x35: {  	s10 =	sld [smem:$0x3FB2];
	_ =	sdelay $0x3  }
0x36: {  	p1 =	seq.s32 s10, $0x1;
	s10 =	sld [smem:$0x3FB3];
	_ =	sdelay $0x3  }
0x37: {  	[smem:$0x3FB3] =	sst s10  }
0x38: {  	s10 =	sld [smem:$0x3FB4]  }
0x39: {  	_ = 	snop;
	(pc) =	sbr.ind lr, $3  }
0x3a: {  	_ = 	snop  }
0x3b: {  	_ = 	snop  }
0x3c: {  	p2 =	seq.s32 s10, $0x1;
	s10 =	sld [smem:$0x3FB3]  }
0x3d: {  	_ =	shalt  }
0x3e: {  	_ =	shalt  }
0x3f: {  	_ =	shalt  }
0x40: {  	_ =	shalt  }
0x41: {  	_ =	shalt  }
0x42: {  	_ =	shalt  }
0x43: {  	_ =	shalt  }
0x44: {  	_ =	shalt  }
0x45: {  	_ =	shalt  }
0x46: {  	_ =	shalt  }
0x47: {  	_ =	shalt  }
0x48: {  	_ =	shalt  }
0x49: {  	_ =	shalt  }
0x4a: {  	_ =	shalt  }
0x4b: {  	_ =	shalt  }
0x4c: {  	_ =	shalt  }
0x4d: {  	_ =	shalt  }
0x4e: {  	_ =	shalt  }
0x4f: {  	_ =	shalt  }
0x50: {  	_ =	shalt  }
0x51: {  	_ =	shalt  }
0x52: {  	_ =	shalt  }
0x53: {  	_ =	shalt  }
0x54: {  	_ =	shalt  }
0x55: {  	_ =	shalt  }
0x56: {  	_ =	shalt  }
0x57: {  	_ =	shalt  }
0x58: {  	_ =	shalt  }
0x59: {  	_ =	shalt  }
0x5a: {  	_ =	shalt  }
0x5b: {  	_ =	shalt  }
0x5c: {  	_ =	shalt  }
0x5d: {  	_ =	shalt  }
0x5e: {  	_ =	shalt  }
0x5f: {  	_ =	shalt  }
0x60: {  	_ =	shalt  }
0x61: {  	_ =	shalt  }
0x62: {  	_ =	shalt  }
0x63: {  	_ =	shalt  }
0x64: {  	_ =	shalt  }
0x65: {  	_ =	shalt  }
0x66: {  	_ =	shalt  }
0x67: {  	_ =	shalt  }
0x68: {  	_ =	shalt  }
0x69: {  	_ =	shalt  }
0x6a: {  	_ =	shalt  }
0x6b: {  	_ =	shalt  }
0x6c: {  	_ =	shalt  }
0x6d: {  	_ =	shalt  }
0x6e: {  	_ =	shalt  }
0x6f: {  	_ =	shalt  }
0x70: {  	_ =	shalt  }
0x71: {  	_ =	shalt  }
0x72: {  	_ =	shalt  }
0x73: {  	_ =	shalt  }
0x74: {  	_ =	shalt  }
0x75: {  	_ =	shalt  }
0x76: {  	_ =	shalt  }
0x77: {  	_ =	shalt  }
0x78: {  	_ =	shalt  }
0x79: {  	_ =	shalt  }
0x7a: {  	_ =	shalt  }
0x7b: {  	_ =	shalt  }
0x7c: {  	_ =	shalt  }
0x7d: {  	_ =	shalt  }
0x7e: {  	_ =	shalt  }
0x7f: {  	_ =	shalt  }
0x80: {  	_ =	shalt  }
0x81: {  	_ =	shalt  }
0x82: {  	_ =	shalt  }
0x83: {  	_ =	shalt  }
0x84: {  	_ =	shalt  }
0x85: {  	_ =	shalt  }
0x86: {  	_ =	shalt  }
0x87: {  	_ =	shalt  }
.Lfunc_end0:
.L_simem_size_0:
called_computation_lowered:
.L_overlay_start_0:
0x88: {  	s2 =	sld [smem:$0x3FD9]  }
0x89: {  	s3 =	sld [smem:$0x3FFE];
	_ =	sdelay $0x1  }
0x8a: {  	s1 =	srdreg.scid  }
0x8b: {  	s0 =	sand.u32 $0x1, s1  }
0x8c: {  	s16 =	sshll.u32 s0, $0xA;
	s2 =	sadd.s32 s3, s2  }
0x8d: {  	s2 =	sadd.s32 s2, s16  }
0x8e: {  	[smem:$0x3FBF] =	sst s2  }
0x8f: {  	_ = 	snop  }
0x90: {  	(tm) =	ssettm $0x1  }
0x91: {  	s17 =	sld [smem:$0x3FFB];
	_ =	sdelay $0x3  }
0x92: {  	_ =	strace s17  }
0x93: {  	s2 =	sld [smem:$0x3FFC];
	_ =	sdelay $0x3  }
0x94: {  	_ =	strace s2  }
0x95: {  	s2 =	sld [smem:$0x3FFD];
	_ =	sdelay $0x3  }
0x96: {  	_ =	strace s2  }
0x97: {  	_ =	strace $0x8FFFFFFF  }
0x98: {  	s18 =	sld [smem:$0x3FDB];
	_ =	sdelay $0x1  }
0x99: {  	s19 =	simm.s32 $_scs_section_size  }
0x9a: {  	s4 =	simm.s32 $_size__tile_overlayer_lowered;
	s5 =	simm.s32 $_tile_overlayer_lowered  }
0x9b: {  	s22 =	simm.s32 $0x1BFF;
	s21 =	sshll.u32 s5, $0x1;
	s2 =	sadd.s32 s19, s18  }
0x9c: {  	s6 =	simm.s32 $0x0;
	s20 =	sshll.u32 s4, $0x1;
	s4 =	sadd.s32 s21, s2  }
0x9d: {  	[timem:s6], [sflag:s22] =	dma.local [hbm:s4], s20  }
0x9e: {  	_ =	swait.ge [sflag:s22], s20  }
0x9f: {  	s3 =	ssub.s32 $0x0, s20;
	[sflag:s22] =	ssyncset.done $0x0  }
0xa0: {  	[sflag:s22] =	ssyncadd.s32 s3;
	_ =	sdelay $0x1  }
0xa1: {  	s23 =	simm.s32 $0x1B8B  }
0xa2: {  	_ =	swait.ge [sflag:s23], $0x1  }
0xa3: {  	[sflag:s23] =	ssyncset.done $0x0  }
0xa4: {  	s25 =	simm.s32 $0x1B8E;
	s24 =	sld [smem:$0x3FFE];
	[sflag:s23] =	ssyncadd.s32 $0xFFFFFFFF  }
0xa5: {  	s26 =	simm.s32 $execute0_lowered;
	[smem:$0x3FD2] =	sst s25  }
0xa6: {  	s4 =	sshll.u32 s26, $0x1;
	_ =	strace $0x80000046;
	[dreg:$0x1] =	wrdreg $0xFFFFFFFF  }
0xa7: {  	s28 =	simm.s32 $_size_execute0_lowered;
	s2 =	sadd.s32 s2, s4;
	[dreg:$0x0] =	wrdreg $0x0  }
0xa8: {  	s4 =	sshll.u32 s28, $0x1;
	[dreg:$0x2] =	wrdreg s2  }
0xa9: {  	[dreg:$0x3] =	wrdreg s4  }
0xaa: {  	[dreg:$0x4] =	wrdreg $0xC0  }
0xab: {  	_ =	task [dreg:s6], $0x5FFFF  }
0xac: {  	[dreg:$0x1] =	wrdreg $0xFFFFFFFF  }
0xad: {  	[dreg:$0x0] =	wrdreg $0x60  }
0xae: {  	[dreg:$0x2] =	wrdreg s24  }
0xaf: {  	[dreg:$0x3] =	wrdreg $0x95000  }
0xb0: {  	[dreg:$0x4] =	wrdreg $0xBD000  }
0xb1: {  	[dreg:$0x5] =	wrdreg $0x9  }
0xb2: {  	_ =	task.clear_ibuf [dreg:s6], $0x6FFFF;
	_ =	strace $0x90000046  }
0xb3: {  	s29 =	simm.s32 $0x9;
	_ =	strace $0x80000048  }
0xb4: {  	_ =	swait.ge [sflag:s29], $0x1  }
0xb5: {  	[sflag:s29] =	ssyncadd.s32 $0xFFFFFFFF  }
0xb6: {  	_ =	strace $0x90000048  }
0xb7: {  	_ =	sfence  }
0xb8: {  	s30 =	sld [smem:$0x0];
	_ =	sdelay $0x2  }
0xb9: {  	s31 =	sshll.u32 s1, $0xD;
	s1 =	sshrl.u32 s1, $0x2  }
0xba: {  	s3 =	sand.u32 $0x4000, s31;
	s1 =	sadd.s32 s1, s30  }
0xbb: {  	s0 =	sor.u32 s3, s0;
	s1 =	sshll.u32 s1, $0x11  }
0xbc: {  	s0 =	sor.u32 s1, s0  }
0xbd: {  	s0 =	sadd.s32 $0x8F2B, s0  }
0xbe: {  	[sflag:s0] =	ssyncadd.remote.s32 $0x1  }
0xbf: {  	_ =	sfence.sel $0xFFFF  }
0xc0: {  	[dreg:$0x0] =	wrdreg $0xFFFFFFFF;
	(pc) =	sbr.abs _section_cstart, $3  }
0xc1: {  	[dreg:$0x1] =	wrdreg $0xFFFFFFFF  }
0xc2: {  	_ =	task.clear_ibuf [dreg:s6], $0x2FFFF;
	_ =	strace $0x9FFFFFFF  }
0xc3: {  	(tm) =	ssettm $0x7FFFFFFF  }
tec
execute0_lowered:
.L_overlay_start_1:
0x0: {  	(tag) =	ssettag $0x1  }
0x1: {  	s0 =	rddreg [dreg:$0x0]  }
0x2: {  	s1 =	rddreg [dreg:$0x1]  }
0x3: {  	s13 =	rddreg [dreg:$0x2];
	s3 =	simm.s32 $0x0  }
0x4: {  	s15 =	stileid.u32;
	s8 =	srdreg.scid;
	s16 =	simm.s32 $0x1000  }
0x5: {  	s17 =	simm.s32 $0x4000;
	s18 =	simm.s32 $0x80;
	s19 =	simm.s32 $0x400  }
0x6: {  	s20 =	simm.s32 $0x9000;
	s22 =	simm.s32 $0x6800;
	s28 =	simm.s32 $0x0  }
0x7: {  	s29 =	simm.s32 $0x0;
	[smem:$0x7FF] =	sst s3;
	s4 =	sadd.s32 $0x16800, s0  }
0x8: {  	s5 =	sadd.s32 $0xC800, s0;
	s2 =	smul.u32 $0x280, s15;
	s6 =	sadd.s32 $0x2800, s0  }
0x9: {  	s7 =	sadd.s32 $0x20E00, s0;
	s21 =	sand.u32 $0x1, s8;
	s23 =	sshrl.u32 s15, $0x3  }
0xa: {  	s8 =	smul.u32 $0x5000, s15;
	s12 =	sshll.u32 s15, $0x7;
	_ =	strace $0x80000047  }
0xb: {  	s24 =	ssub.s32 $0x2, s21;
	s10 =	smul.u32 $0x50000, s23;
	s25 =	sand.u32 $0x380, s12  }
0xc: {  	s30 =	sshll.u32 s21, $0x4;
	p0 =	sne.s32 s21, $0x0;
	s23 =	simm.s32 $0x2000  }
0xd: {  	s9 =	sshrl.u32 s2, $0x3;
	s11 =	sshrl.u32 s24, $0x1;
	s26 =	sshrl.u32 s8, $0x2  }
0xe: {  	s31 =	sor.u32 s15, s30;
	s15 =	simm.s32 $0x1;
	s0 =	sadd.s32 s9, s0  }
0xf: {  	s14 =	ssub.s32 s24, s11;
	s10 =	sshrl.u32 s10, $0x2;
	s11 =	sadd.s32 s2, s13  }
0x10: {  	s13 =	smul.u32 $0x2800, s31;
	s24 =	simm.s32 $0x2800;
	s10 =	sadd.s32 s10, s1  }
0x11: {  	s12 =	sadd.s32 $0x20800, s0;
	s14 =	smax.u32 s14, $0x1;
	s9 =	sadd.s32 s25, s10  }
0x12: {  	v0 =	vimm.f32 $0.0e+00;
	s10 =	sadd.s32 s26, s1;
	s25 =	simm.s32 $0x3000;
	s26 =	simm.s32 $0x3800  }
.LBB2_1:
0x13: {  	s0 =	simm.s32 $0x40;
	s1 =	simm.s32 $0x0  }
.LBB2_2:
0x14: {  	p1 =	sne.s32 s0, $0x9FC0;
	[tilespmem:s1+$0x4000] =	vst v0;
	s1 =	smov.u32 s0;
	s0 =	sadd.s32 $0x40, s0  }
.Ltmp0:
0x15: {  	(pc) =	sbr.rel @p1 .LBB2_2-.Ltmp0, $2  }
0x16: {  	_ =	sdelay $0x2  }
0x17: {  	s1 =	sshra.s32 s1, $0x2  }
0x18: {  	[tilespmem:s1+$0x4000] =	vst v0;
	s0 =	simm.s32 $0x0;
	s1 =	simm.s32 $0x0  }
.LBB2_4:
0x19: {  	s2 =	sshll.u32 s1, $0xC  }
0x1a: {  	s2 =	sadd.s32 s8, s2  }
0x1b: {  	s2 =	sshrl.u32 s2, $0x3  }
0x1c: {  	s21 =	sadd.s32 s5, s2  }
0x1d: {  	[tilespmem:s0], [sflag:$0x1] =	stream.linear.gather [hbm4b:s21+s0], $0x1000, $0x38;
	[tilespmem:$0xBF80] =	vst v63  }
0x1e: {  	_ =	swait.ge [sflag:s15], $0x1000  }
0x1f: {  	[sflag:s15] =	ssyncset.done $0x0  }
0x20: {  	s2 =	sadd.s32 s6, s2;
	[sflag:s15] =	ssyncadd.s32 $0xFFFFF000  }
0x21: {  	[tilespmem:s16], [sflag:$0x1] =	stream.linear.gather [hbm4b:s2+s0], $0x1000, $0x38;
	[tilespmem:$0xBF80] =	vst v63  }
0x22: {  	_ =	swait.ge [sflag:s15], $0x1000  }
0x23: {  	[sflag:s15] =	ssyncset.done $0x0  }
0x24: {  	s2 =	simm.s32 $0x0;
	[sflag:s15] =	ssyncadd.s32 $0xFFFFF000  }
.LBB2_5:
0x25: {  	s21 =	sshra.s32 s2, $0x2  }
0x26: {  	v1 =	vld [tilespmem:s21+$0x0];
	_ =	sdelay $0x2  }
0x27: {  	v2 =	vld [tilespmem:s21+$0x1000];
	_ =	sdelay $0x4  }
0x28: {  	[tilespmem:v1+s17+$0x0] =	vst.idx.add.f32.msk $0xffff, v2  }
0x29: {  	v1 =	vld [tilespmem:s21+$0x10];
	_ =	sdelay $0x2  }
0x2a: {  	v2 =	vld [tilespmem:s21+$0x1010];
	_ =	sdelay $0x4  }
0x2b: {  	[tilespmem:v1+s17+$0x0] =	vst.idx.add.f32.msk $0xffff, v2  }
0x2c: {  	v1 =	vld [tilespmem:s21+$0x20];
	_ =	sdelay $0x2  }
0x2d: {  	v2 =	vld [tilespmem:s21+$0x1020];
	_ =	sdelay $0x4  }
0x2e: {  	[tilespmem:v1+s17+$0x0] =	vst.idx.add.f32.msk $0xffff, v2  }
0x2f: {  	v1 =	vld [tilespmem:s21+$0x30];
	_ =	sdelay $0x2  }
0x30: {  	v2 =	vld [tilespmem:s21+$0x1030];
	_ =	sdelay $0x4  }
0x31: {  	[tilespmem:v1+s17+$0x0] =	vst.idx.add.f32.msk $0xffff, v2  }
0x32: {  	v1 =	vld [tilespmem:s21+$0x40];
	_ =	sdelay $0x2  }
0x33: {  	v2 =	vld [tilespmem:s21+$0x1040];
	_ =	sdelay $0x4  }
0x34: {  	[tilespmem:v1+s17+$0x0] =	vst.idx.add.f32.msk $0xffff, v2  }
0x35: {  	v1 =	vld [tilespmem:s21+$0x50];
	_ =	sdelay $0x2  }
0x36: {  	v2 =	vld [tilespmem:s21+$0x1050];
	_ =	sdelay $0x4  }
0x37: {  	[tilespmem:v1+s17+$0x0] =	vst.idx.add.f32.msk $0xffff, v2  }
0x38: {  	v1 =	vld [tilespmem:s21+$0x60];
	_ =	sdelay $0x2  }
0x39: {  	v2 =	vld [tilespmem:s21+$0x1060];
	_ =	sdelay $0x4  }
0x3a: {  	[tilespmem:v1+s17+$0x0] =	vst.idx.add.f32.msk $0xffff, v2  }
0x3b: {  	v1 =	vld [tilespmem:s21+$0x70];
	_ =	sdelay $0x2  }
0x3c: {  	p1 =	sne.s32 s2, $0x3E00;
	v2 =	vld [tilespmem:s21+$0x1070]  }
.Ltmp1:
0x3d: {  	_ = 	snop;
	(pc) =	sbr.rel @p1 .LBB2_5-.Ltmp1, $2  }
0x3e: {  	_ =	sdelay $0x2  }
0x3f: {  	s2 =	sadd.s32 $0x200, s2;
	[tilespmem:v1+s17+$0x0] =	vst.idx.add.f32.msk $0xffff, v2  }
0x40: {  	s1 =	sadd.s32 $0x1, s1  }
0x41: {  	p1 =	sne.s32 s1, $0x5  }
.Ltmp2:
0x42: {  	_ = 	snop;
	(pc) =	sbr.rel @p1 .LBB2_4-.Ltmp2, $1  }
0x43: {  	_ =	sdelay $0x3  }
0x44: {  	[spmem:s9] =	stream.strided.scatter [tilespmem:s17], [sflag:$0x1], $0x2800, s19, s18, $0x38;
	[tilespmem:$0xBF80] =	vst v63  }
0x45: {  	_ =	swait.ge [sflag:s15], $0x2800  }
0x46: {  	[sflag:s15] =	ssyncset.done $0x0  }
0x47: {  	[sflag:s15] =	ssyncadd.s32 $0xFFFFD800  }
0x48: {  	[bflag:$0x0] =	sbarrier.arrive $0xFFFF  }
0x49: {  	[tilespmem:$0x9280] =	vst v0  }
0x4a: {  	[tilespmem:$0x9290] =	vst v0  }
0x4b: {  	[tilespmem:$0x92A0] =	vst v0  }
0x4c: {  	[tilespmem:$0x92B0] =	vst v0  }
0x4d: {  	[tilespmem:$0x92C0] =	vst v0  }
0x4e: {  	[tilespmem:$0x92D0] =	vst v0  }
0x4f: {  	[tilespmem:$0x92E0] =	vst v0  }
0x50: {  	[tilespmem:$0x92F0] =	vst v0  }
0x51: {  	[tilespmem:$0x9300] =	vst v0  }
0x52: {  	[tilespmem:$0x9310] =	vst v0  }
0x53: {  	[tilespmem:$0x9320] =	vst v0  }
0x54: {  	[tilespmem:$0x9330] =	vst v0  }
0x55: {  	[tilespmem:$0x9340] =	vst v0  }
0x56: {  	[tilespmem:$0x9350] =	vst v0  }
0x57: {  	[tilespmem:$0x9360] =	vst v0  }
0x58: {  	[tilespmem:$0x9370] =	vst v0  }
0x59: {  	[tilespmem:$0x9380] =	vst v0  }
0x5a: {  	[tilespmem:$0x9390] =	vst v0  }
0x5b: {  	[tilespmem:$0x93A0] =	vst v0  }
0x5c: {  	[tilespmem:$0x93B0] =	vst v0  }
0x5d: {  	[tilespmem:$0x93C0] =	vst v0  }
0x5e: {  	[tilespmem:$0x93D0] =	vst v0  }
0x5f: {  	[tilespmem:$0x93E0] =	vst v0  }
0x60: {  	[tilespmem:$0x93F0] =	vst v0  }
0x61: {  	[tilespmem:$0x9400] =	vst v0  }
0x62: {  	[tilespmem:$0x9410] =	vst v0  }
0x63: {  	[tilespmem:$0x9420] =	vst v0  }
0x64: {  	[tilespmem:$0x9430] =	vst v0  }
0x65: {  	[tilespmem:$0x9440] =	vst v0  }
0x66: {  	[tilespmem:$0x9450] =	vst v0  }
0x67: {  	[tilespmem:$0x9460] =	vst v0  }
0x68: {  	[tilespmem:$0x9470] =	vst v0  }
0x69: {  	[tilespmem:$0x9480] =	vst v0  }
0x6a: {  	[tilespmem:$0x9490] =	vst v0  }
0x6b: {  	[tilespmem:$0x94A0] =	vst v0  }
0x6c: {  	[tilespmem:$0x94B0] =	vst v0  }
0x6d: {  	[tilespmem:$0x94C0] =	vst v0  }
0x6e: {  	[tilespmem:$0x94D0] =	vst v0  }
0x6f: {  	[tilespmem:$0x94E0] =	vst v0  }
0x70: {  	s0 =	simm.s32 $0x0;
	[tilespmem:$0x94F0] =	vst v0  }
.LBB2_8:
0x71: {  	s1 =	sshrl.u32 s0, $0x3  }
0x72: {  	s1 =	smul.u32 $0x50000, s1;
	_ =	sdelay $0x1  }
0x73: {  	s2 =	sshll.u32 s0, $0x7;
	s1 =	sshra.s32 s1, $0x2  }
0x74: {  	s2 =	sand.u32 $0x380, s2;
	s1 =	sadd.s32 s1, s10  }
0x75: {  	s1 =	sadd.s32 s2, s1  }
0x76: {  	[tilespmem:s20], [sflag:$0x1] =	stream.strided.gather [spmem:s1], $0x280, s19, s18, $0x38;
	[tilespmem:$0xBF80] =	vst v63  }
0x77: {  	_ =	swait.ge [sflag:s15], $0x280  }
0x78: {  	[sflag:s15] =	ssyncset.done $0x0  }
0x79: {  	s1 =	simm.s32 $0x0;
	[sflag:s15] =	ssyncadd.s32 $0xFFFFFD80  }
0x7a: {  	s2 =	simm.s32 $0x40;
	v1 =	vld [tilespmem:s1+$0x9000]  }
.LBB2_9:
0x7b: {  	p1 =	sne.s32 s2, $0x9C0;
	v2 =	vld [tilespmem:s1+$0x9280];
	_ =	sdelay $0x2  }
.Ltmp3:
0x7c: {  	(pc) =	sbr.rel @p1 .LBB2_9-.Ltmp3, $4  }
0x7d: {  	_ = 	snop  }
0x7e: {  	v2 =	vadd.f32 v1, v2  }
0x7f: {  	s21 =	sshra.s32 s2, $0x2  }
0x80: {  	s2 =	sadd.s32 $0x40, s2;
	v1 =	vld [tilespmem:s21+$0x9000];
	[tilespmem:s1+$0x9280] =	vst v2;
	s1 =	smov.u32 s21  }
0x81: {  	v2 =	vld [tilespmem:s1+$0x9280]  }
0x82: {  	s0 =	sadd.s32 $0x1, s0  }
0x83: {  	p1 =	sne.s32 s0, $0x10  }
.Ltmp4:
0x84: {  	_ = 	snop;
	(pc) =	sbr.rel @p1 .LBB2_8-.Ltmp4, $3  }
0x85: {  	_ = 	snop  }
0x86: {  	v1 =	vadd.f32 v1, v2;
	_ =	sdelay $0x1  }
0x87: {  	[tilespmem:s1+$0x9280] =	vst v1  }
0x88: {  	s0 =	simm.s32 $0x0;
	s1 =	simm.s32 $0x40  }
.LBB2_12:
0x89: {  	p1 =	sne.s32 s1, $0x9C0;
	v1 =	vld [tilespmem:s0+$0x9280];
	_ =	sdelay $0x4  }
0x8a: {  	v1 =	vadd.f32 $1.000000000e+00, v1;
	_ =	sdelay $0x1  }
0x8b: {  	v2 =	vshra.s32 v1, $0x1;
	v1 =	vmul.f32 $5.000000000e-01, v1  }
0x8c: {  	v2 =	vsub.s32 $0x5F3759DF, v2  }
0x8d: {  	v3 =	vmul.f32 v2, v1;
	_ =	sdelay $0x1  }
0x8e: {  	v3 =	vmul.f32 v2, v3;
	_ =	sdelay $0x1  }
0x8f: {  	v3 =	vsub.f32 $1.500000000e+00, v3;
	_ =	sdelay $0x1  }
0x90: {  	v2 =	vmul.f32 v2, v3;
	_ =	sdelay $0x1  }
0x91: {  	v3 =	vmul.f32 v2, v1;
	_ =	sdelay $0x1  }
0x92: {  	v3 =	vmul.f32 v3, v2;
	_ =	sdelay $0x1  }
0x93: {  	v3 =	vsub.f32 $1.500000000e+00, v3;
	_ =	sdelay $0x1  }
0x94: {  	v2 =	vmul.f32 v3, v2;
	_ =	sdelay $0x1  }
0x95: {  	v1 =	vmul.f32 v2, v1;
	_ =	sdelay $0x1  }
0x96: {  	v1 =	vmul.f32 v1, v2;
	_ =	sdelay $0x1  }
.Ltmp5:
0x97: {  	v1 =	vsub.f32 $1.500000000e+00, v1;
	(pc) =	sbr.rel @p1 .LBB2_12-.Ltmp5, $3  }
0x98: {  	_ = 	snop  }
0x99: {  	v1 =	vmul.f32 v1, v2;
	_ =	sdelay $0x1  }
0x9a: {  	[tilespmem:s0+$0x9280] =	vst v1;
	s0 =	sshra.s32 s1, $0x2;
	s1 =	sadd.s32 $0x40, s1  }
0x9b: {  	v1 =	vld [tilespmem:s0+$0x9280];
	_ =	sdelay $0x4  }
0x9c: {  	v1 =	vadd.f32 $1.000000000e+00, v1;
	_ =	sdelay $0x1  }
0x9d: {  	v2 =	vshra.s32 v1, $0x1;
	v1 =	vmul.f32 $5.000000000e-01, v1  }
0x9e: {  	v2 =	vsub.s32 $0x5F3759DF, v2  }
0x9f: {  	v3 =	vmul.f32 v2, v1;
	_ =	sdelay $0x1  }
0xa0: {  	v3 =	vmul.f32 v2, v3;
	_ =	sdelay $0x1  }
0xa1: {  	v3 =	vsub.f32 $1.500000000e+00, v3;
	_ =	sdelay $0x1  }
0xa2: {  	v2 =	vmul.f32 v2, v3;
	_ =	sdelay $0x1  }
0xa3: {  	v3 =	vmul.f32 v2, v1;
	_ =	sdelay $0x1  }
0xa4: {  	v3 =	vmul.f32 v3, v2;
	_ =	sdelay $0x1  }
0xa5: {  	v3 =	vsub.f32 $1.500000000e+00, v3;
	_ =	sdelay $0x1  }
0xa6: {  	v2 =	vmul.f32 v3, v2;
	_ =	sdelay $0x1  }
0xa7: {  	v1 =	vmul.f32 v2, v1;
	_ =	sdelay $0x1  }
0xa8: {  	v1 =	vmul.f32 v1, v2;
	_ =	sdelay $0x1  }
0xa9: {  	v1 =	vsub.f32 $1.500000000e+00, v1;
	_ =	sdelay $0x1  }
0xaa: {  	v1 =	vmul.f32 v1, v2;
	_ =	sdelay $0x1  }
0xab: {  	s21 =	simm.s32 $0x9280;
	[tilespmem:s0+$0x9280] =	vst v1  }
0xac: {  	[spmem:s11] =	stream.linear.scatter [tilespmem:s21], [sflag:$0x1], $0x280, $0x38;
	[tilespmem:$0xBF80] =	vst v63  }
0xad: {  	_ =	swait.ge [sflag:s15], $0x280  }
0xae: {  	[sflag:s15] =	ssyncset.done $0x0  }
0xaf: {  	s1 =	simm.s32 @!p0 $0x9280;
	s0 =	simm.s32 @!p0 $0x0;
	[sflag:s15] =	ssyncadd.s32 $0xFFFFFD80  }
0xb0: {  	[hbm4b:s12+s0] =	stream.linear.scatter @!p0 [tilespmem:s1], [sflag:$0x1], $0x280, $0x38;
	[tilespmem:$0xBF80] =	vst v63  }
0xb1: {  	s0 =	simm.s32 @!p0 $0x1  }
0xb2: {  	_ =	swait.ge @!p0 [sflag:s0], $0x280  }
0xb3: {  	[sflag:s0] =	ssyncset.done @!p0 $0x0  }
0xb4: {  	[sflag:s0] =	ssyncadd.s32 @!p0 $0xFFFFFD80  }
0xb5: {  	[bflag:$0x0] =	sbarrier.arrive $0xFFFF  }
0xb6: {  	s31 =	rddreg [dreg:$0x2]  }
0xb7: {  	[tilespmem:s22], [sflag:$0x1] =	stream.linear.gather [spmem:s31], $0x2800, $0x38;
	[tilespmem:$0xBF80] =	vst v63  }
0xb8: {  	_ =	swait.ge [sflag:s15], $0x2800  }
0xb9: {  	[sflag:s15] =	ssyncset.done $0x0  }
0xba: {  	s30 =	simm.s32 $0x0;
	[sflag:s15] =	ssyncadd.s32 $0xFFFFD800  }
.LBB2_14:
0xbb: {  	s0 =	sshll.u32 s30, $0xB  }
0xbc: {  	s0 =	sadd.s32 s13, s0  }
0xbd: {  	s31 =	sshrl.u32 s0, $0x3  }
0xbe: {  	s0 =	sadd.s32 s4, s31  }
0xbf: {  	[tilespmem:s23], [sflag:$0x1] =	stream.linear.gather [hbm4b:s0+s29], $0x800, $0x38;
	[tilespmem:$0xBF80] =	vst v63  }
0xc0: {  	_ =	swait.ge [sflag:s15], $0x800  }
0xc1: {  	[sflag:s15] =	ssyncset.done $0x0  }
0xc2: {  	s2 =	sadd.s32 s5, s31;
	[sflag:s15] =	ssyncadd.s32 $0xFFFFF800  }
0xc3: {  	[tilespmem:s24], [sflag:$0x1] =	stream.linear.gather [hbm4b:s2+s29], $0x800, $0x38;
	[tilespmem:$0xBF80] =	vst v63  }
0xc4: {  	_ =	swait.ge [sflag:s15], $0x800  }
0xc5: {  	[sflag:s15] =	ssyncset.done $0x0  }
0xc6: {  	s21 =	sadd.s32 s6, s31;
	[sflag:s15] =	ssyncadd.s32 $0xFFFFF800  }
0xc7: {  	[tilespmem:s25], [sflag:$0x1] =	stream.linear.gather [hbm4b:s21+s29], $0x800, $0x38;
	[tilespmem:$0xBF80] =	vst v63  }
0xc8: {  	_ =	swait.ge [sflag:s15], $0x800  }
0xc9: {  	[sflag:s15] =	ssyncset.done $0x0  }
0xca: {  	s0 =	simm.s32 $0x0;
	[sflag:s15] =	ssyncadd.s32 $0xFFFFF800  }
0xcb: {  	v1 =	vld [tilespmem:s0+$0x2000];
	_ =	sdelay $0x1  }
0xcc: {  	v2 =	vld [tilespmem:s0+$0x2800];
	_ =	sdelay $0x4  }
0xcd: {  	v3 =	vld [tilespmem:s0+$0x3000]  }
0xce: {  	v1 =	vld.idx.msk [tilespmem:v1+s22+$0x0], $0xffff  }
0xcf: {  	v4 =	vld [tilespmem:s0+$0x2010]  }
0xd0: {  	v2 =	vld.idx.msk [tilespmem:v2+s22+$0x0], $0xffff  }
0xd1: {  	v5 =	vld [tilespmem:s0+$0x2810];
	_ =	sdelay $0x1  }
0xd2: {  	v1 =	vmul.f32 v1, v3;
	_ =	sdelay $0x1  }
0xd3: {  	v1 =	vmul.f32 v2, v1;
	_ =	sdelay $0x1  }
0xd4: {  	v2 =	vld [tilespmem:s0+$0x3010];
	[tilespmem:s0+$0x3800] =	vst v1  }
0xd5: {  	v1 =	vld.idx.msk [tilespmem:v4+s22+$0x0], $0xffff  }
0xd6: {  	v3 =	vld.idx.msk [tilespmem:v5+s22+$0x0], $0xffff  }
0xd7: {  	v4 =	vld [tilespmem:s0+$0x2020]  }
0xd8: {  	v5 =	vld [tilespmem:s0+$0x2820];
	_ =	sdelay $0x1  }
0xd9: {  	v1 =	vmul.f32 v1, v2;
	_ =	sdelay $0x1  }
0xda: {  	v1 =	vmul.f32 v3, v1;
	_ =	sdelay $0x1  }
0xdb: {  	v2 =	vld [tilespmem:s0+$0x3020];
	[tilespmem:s0+$0x3810] =	vst v1  }
0xdc: {  	v1 =	vld.idx.msk [tilespmem:v4+s22+$0x0], $0xffff  }
0xdd: {  	v3 =	vld.idx.msk [tilespmem:v5+s22+$0x0], $0xffff  }
0xde: {  	v4 =	vld [tilespmem:s0+$0x2030]  }
0xdf: {  	v5 =	vld [tilespmem:s0+$0x2830];
	_ =	sdelay $0x1  }
0xe0: {  	v1 =	vmul.f32 v1, v2;
	_ =	sdelay $0x1  }
0xe1: {  	v1 =	vmul.f32 v3, v1;
	_ =	sdelay $0x1  }
0xe2: {  	v2 =	vld [tilespmem:s0+$0x3030];
	[tilespmem:s0+$0x3820] =	vst v1  }
0xe3: {  	v1 =	vld.idx.msk [tilespmem:v4+s22+$0x0], $0xffff  }
0xe4: {  	v3 =	vld.idx.msk [tilespmem:v5+s22+$0x0], $0xffff  }
0xe5: {  	v4 =	vld [tilespmem:s0+$0x2040]  }
0xe6: {  	v5 =	vld [tilespmem:s0+$0x2840];
	_ =	sdelay $0x1  }
0xe7: {  	v1 =	vmul.f32 v1, v2;
	_ =	sdelay $0x1  }
0xe8: {  	v1 =	vmul.f32 v3, v1;
	_ =	sdelay $0x1  }
0xe9: {  	v2 =	vld [tilespmem:s0+$0x3040];
	[tilespmem:s0+$0x3830] =	vst v1  }
0xea: {  	v1 =	vld.idx.msk [tilespmem:v4+s22+$0x0], $0xffff  }
0xeb: {  	v3 =	vld.idx.msk [tilespmem:v5+s22+$0x0], $0xffff  }
0xec: {  	v4 =	vld [tilespmem:s0+$0x2050]  }
0xed: {  	v5 =	vld [tilespmem:s0+$0x2850];
	_ =	sdelay $0x1  }
0xee: {  	v1 =	vmul.f32 v1, v2;
	_ =	sdelay $0x1  }
0xef: {  	v1 =	vmul.f32 v3, v1;
	_ =	sdelay $0x1  }
0xf0: {  	[tilespmem:s0+$0x3840] =	vst v1;
	v1 =	vld [tilespmem:s0+$0x3050]  }
0xf1: {  	v2 =	vld.idx.msk [tilespmem:v4+s22+$0x0], $0xffff  }
0xf2: {  	v3 =	vld.idx.msk [tilespmem:v5+s22+$0x0], $0xffff  }
0xf3: {  	v4 =	vld [tilespmem:s0+$0x2060]  }
0xf4: {  	v5 =	vld [tilespmem:s0+$0x2860];
	_ =	sdelay $0x1  }
0xf5: {  	v1 =	vmul.f32 v2, v1;
	_ =	sdelay $0x1  }
0xf6: {  	v1 =	vmul.f32 v3, v1;
	_ =	sdelay $0x1  }
0xf7: {  	[tilespmem:s0+$0x3850] =	vst v1;
	v1 =	vld [tilespmem:s0+$0x3060]  }
0xf8: {  	v2 =	vld.idx.msk [tilespmem:v4+s22+$0x0], $0xffff  }
0xf9: {  	v3 =	vld.idx.msk [tilespmem:v5+s22+$0x0], $0xffff  }
0xfa: {  	v4 =	vld [tilespmem:s0+$0x2070];
	_ =	sdelay $0x2  }
0xfb: {  	v1 =	vmul.f32 v2, v1  }
0xfc: {  	v5 =	vld [tilespmem:s0+$0x2870]  }
0xfd: {  	v1 =	vmul.f32 v3, v1;
	_ =	sdelay $0x1  }
0xfe: {  	[tilespmem:s0+$0x3860] =	vst v1;
	v1 =	vld [tilespmem:s0+$0x3070]  }
0xff: {  	v2 =	vld.idx.msk [tilespmem:v4+s22+$0x0], $0xffff;
	_ =	sdelay $0x3  }
0x100: {  	s21 =	simm.s32 $0x80;
	v3 =	vld.idx.msk [tilespmem:v5+s22+$0x0], $0xffff  }
0x101: {  	v4 =	vmul.f32 v2, v1;
	v2 =	vld [tilespmem:s21+$0x2000];
	_ =	sdelay $0x1  }
0x102: {  	v1 =	vld [tilespmem:s21+$0x2800];
	_ =	sdelay $0x2  }
0x103: {  	s2 =	simm.s32 $0x400;
	v3 =	vmul.f32 v3, v4  }
.LBB2_15:
0x104: {  	_ = 	snop  }
0x105: {  	p1 =	sne.s32 s2, $0x1E00;
	s1 =	smov.u32 s2;
	s2 =	sadd.s32 $0x200, s2;
	[tilespmem:s0+$0x3870] =	vst v3  }
0x106: {  	s0 =	smov.u32 s21;
	v2 =	vld.idx.msk [tilespmem:v2+s22+$0x0], $0xffff  }
0x107: {  	v3 =	vld [tilespmem:s0+$0x3000]  }
0x108: {  	v1 =	vld.idx.msk [tilespmem:v1+s22+$0x0], $0xffff  }
0x109: {  	v4 =	vld [tilespmem:s0+$0x2010];
	_ =	sdelay $0x1  }
0x10a: {  	v5 =	vld [tilespmem:s0+$0x2810]  }
0x10b: {  	v2 =	vmul.f32 v2, v3;
	_ =	sdelay $0x1  }
0x10c: {  	v1 =	vmul.f32 v1, v2;
	_ =	sdelay $0x1  }
0x10d: {  	[tilespmem:s0+$0x3800] =	vst v1  }
0x10e: {  	v1 =	vld.idx.msk [tilespmem:v4+s22+$0x0], $0xffff  }
0x10f: {  	v2 =	vld [tilespmem:s0+$0x3010]  }
0x110: {  	v3 =	vld.idx.msk [tilespmem:v5+s22+$0x0], $0xffff  }
0x111: {  	v4 =	vld [tilespmem:s0+$0x2020];
	_ =	sdelay $0x1  }
0x112: {  	v5 =	vld [tilespmem:s0+$0x2820]  }
0x113: {  	v1 =	vmul.f32 v1, v2;
	_ =	sdelay $0x1  }
0x114: {  	v1 =	vmul.f32 v3, v1;
	_ =	sdelay $0x1  }
0x115: {  	[tilespmem:s0+$0x3810] =	vst v1  }
0x116: {  	v1 =	vld.idx.msk [tilespmem:v4+s22+$0x0], $0xffff  }
0x117: {  	v2 =	vld [tilespmem:s0+$0x3020]  }
0x118: {  	v3 =	vld.idx.msk [tilespmem:v5+s22+$0x0], $0xffff  }
0x119: {  	v4 =	vld [tilespmem:s0+$0x2030];
	_ =	sdelay $0x1  }
0x11a: {  	v5 =	vld [tilespmem:s0+$0x2830]  }
0x11b: {  	v1 =	vmul.f32 v1, v2;
	_ =	sdelay $0x1  }
0x11c: {  	v1 =	vmul.f32 v3, v1;
	_ =	sdelay $0x1  }
0x11d: {  	[tilespmem:s0+$0x3820] =	vst v1  }
0x11e: {  	v1 =	vld.idx.msk [tilespmem:v4+s22+$0x0], $0xffff  }
0x11f: {  	v2 =	vld [tilespmem:s0+$0x3030]  }
0x120: {  	v3 =	vld.idx.msk [tilespmem:v5+s22+$0x0], $0xffff  }
0x121: {  	v4 =	vld [tilespmem:s0+$0x2040];
	_ =	sdelay $0x1  }
0x122: {  	v5 =	vld [tilespmem:s0+$0x2840]  }
0x123: {  	v1 =	vmul.f32 v1, v2;
	_ =	sdelay $0x1  }
0x124: {  	v1 =	vmul.f32 v3, v1;
	_ =	sdelay $0x1  }
0x125: {  	[tilespmem:s0+$0x3830] =	vst v1  }
0x126: {  	v1 =	vld.idx.msk [tilespmem:v4+s22+$0x0], $0xffff  }
0x127: {  	v2 =	vld [tilespmem:s0+$0x3040]  }
0x128: {  	v3 =	vld.idx.msk [tilespmem:v5+s22+$0x0], $0xffff  }
0x129: {  	v4 =	vld [tilespmem:s0+$0x2050]  }
0x12a: {  	v5 =	vld [tilespmem:s0+$0x2850];
	_ =	sdelay $0x1  }
0x12b: {  	v1 =	vmul.f32 v1, v2;
	_ =	sdelay $0x1  }
0x12c: {  	v1 =	vmul.f32 v3, v1;
	_ =	sdelay $0x1  }
0x12d: {  	[tilespmem:s0+$0x3840] =	vst v1;
	v1 =	vld [tilespmem:s0+$0x3050]  }
0x12e: {  	v2 =	vld.idx.msk [tilespmem:v4+s22+$0x0], $0xffff  }
0x12f: {  	v3 =	vld.idx.msk [tilespmem:v5+s22+$0x0], $0xffff;
	_ =	sdelay $0x1  }
0x130: {  	v4 =	vld [tilespmem:s0+$0x2060]  }
0x131: {  	v5 =	vld [tilespmem:s0+$0x2860];
	_ =	sdelay $0x1  }
0x132: {  	v1 =	vmul.f32 v2, v1;
	_ =	sdelay $0x1  }
0x133: {  	v1 =	vmul.f32 v3, v1;
	_ =	sdelay $0x1  }
0x134: {  	[tilespmem:s0+$0x3850] =	vst v1;
	v1 =	vld [tilespmem:s0+$0x3060]  }
0x135: {  	v2 =	vld.idx.msk [tilespmem:v4+s22+$0x0], $0xffff  }
0x136: {  	v3 =	vld.idx.msk [tilespmem:v5+s22+$0x0], $0xffff;
	_ =	sdelay $0x1  }
0x137: {  	v4 =	vld [tilespmem:s0+$0x2070]  }
0x138: {  	v5 =	vld [tilespmem:s0+$0x2870];
	_ =	sdelay $0x1  }
0x139: {  	v1 =	vmul.f32 v2, v1;
	_ =	sdelay $0x1  }
0x13a: {  	v1 =	vmul.f32 v3, v1;
	_ =	sdelay $0x1  }
0x13b: {  	[tilespmem:s0+$0x3860] =	vst v1;
	v3 =	vld [tilespmem:s0+$0x3070]  }
0x13c: {  	v4 =	vld.idx.msk [tilespmem:v4+s22+$0x0], $0xffff  }
0x13d: {  	v5 =	vld.idx.msk [tilespmem:v5+s22+$0x0], $0xffff  }
0x13e: {  	s21 =	sshra.s32 s1, $0x2  }
0x13f: {  	v2 =	vld [tilespmem:s21+$0x2000]  }
.Ltmp6:
0x140: {  	v1 =	vld [tilespmem:s21+$0x2800];
	(pc) =	sbr.rel @p1 .LBB2_15-.Ltmp6, $3  }
0x141: {  	_ = 	snop  }
0x142: {  	v3 =	vmul.f32 v4, v3;
	_ =	sdelay $0x1  }
0x143: {  	v3 =	vmul.f32 v5, v3  }
0x144: {  	_ =	sdelay $0x2  }
0x145: {  	[tilespmem:s0+$0x3870] =	vst v3  }
0x146: {  	v2 =	vld.idx.msk [tilespmem:v2+s22+$0x0], $0xffff  }
0x147: {  	v3 =	vld [tilespmem:s21+$0x3000]  }
0x148: {  	v1 =	vld.idx.msk [tilespmem:v1+s22+$0x0], $0xffff  }
0x149: {  	v4 =	vld [tilespmem:s21+$0x2010];
	_ =	sdelay $0x1  }
0x14a: {  	v5 =	vld [tilespmem:s21+$0x2810]  }
0x14b: {  	v2 =	vmul.f32 v2, v3;
	_ =	sdelay $0x1  }
0x14c: {  	v1 =	vmul.f32 v1, v2;
	_ =	sdelay $0x1  }
0x14d: {  	v2 =	vld [tilespmem:s21+$0x3010];
	[tilespmem:s21+$0x3800] =	vst v1  }
0x14e: {  	v1 =	vld.idx.msk [tilespmem:v4+s22+$0x0], $0xffff  }
0x14f: {  	v52 =	vld [tilespmem:s21+$0x2020]  }
0x150: {  	v3 =	vld.idx.msk [tilespmem:v5+s22+$0x0], $0xffff;
	_ =	sdelay $0x1  }
0x151: {  	v53 =	vld [tilespmem:s21+$0x2820]  }
0x152: {  	v1 =	vmul.f32 v1, v2;
	_ =	sdelay $0x1  }
0x153: {  	v1 =	vmul.f32 v3, v1;
	_ =	sdelay $0x1  }
0x154: {  	v2 =	vld [tilespmem:s21+$0x3020];
	[tilespmem:s21+$0x3810] =	vst v1  }
0x155: {  	v1 =	vld.idx.msk [tilespmem:v52+s22+$0x0], $0xffff  }
0x156: {  	v54 =	vld [tilespmem:s21+$0x2030]  }
0x157: {  	v3 =	vld.idx.msk [tilespmem:v53+s22+$0x0], $0xffff;
	_ =	sdelay $0x1  }
0x158: {  	v55 =	vld [tilespmem:s21+$0x2830]  }
0x159: {  	v1 =	vmul.f32 v1, v2;
	_ =	sdelay $0x1  }
0x15a: {  	v1 =	vmul.f32 v3, v1;
	_ =	sdelay $0x1  }
0x15b: {  	v2 =	vld [tilespmem:s21+$0x3030];
	[tilespmem:s21+$0x3820] =	vst v1  }
0x15c: {  	v1 =	vld.idx.msk [tilespmem:v54+s22+$0x0], $0xffff  }
0x15d: {  	v56 =	vld [tilespmem:s21+$0x2040]  }
0x15e: {  	v3 =	vld.idx.msk [tilespmem:v55+s22+$0x0], $0xffff;
	_ =	sdelay $0x1  }
0x15f: {  	v57 =	vld [tilespmem:s21+$0x2840]  }
0x160: {  	v1 =	vmul.f32 v1, v2;
	_ =	sdelay $0x1  }
0x161: {  	v1 =	vmul.f32 v3, v1;
	_ =	sdelay $0x1  }
0x162: {  	v2 =	vld [tilespmem:s21+$0x3040];
	[tilespmem:s21+$0x3830] =	vst v1  }
0x163: {  	v1 =	vld.idx.msk [tilespmem:v56+s22+$0x0], $0xffff  }
0x164: {  	v58 =	vld [tilespmem:s21+$0x2050]  }
0x165: {  	v3 =	vld.idx.msk [tilespmem:v57+s22+$0x0], $0xffff;
	_ =	sdelay $0x1  }
0x166: {  	v59 =	vld [tilespmem:s21+$0x2850]  }
0x167: {  	v1 =	vmul.f32 v1, v2;
	_ =	sdelay $0x1  }
0x168: {  	v1 =	vmul.f32 v3, v1;
	_ =	sdelay $0x1  }
0x169: {  	[tilespmem:s21+$0x3840] =	vst v1;
	v1 =	vld [tilespmem:s21+$0x3050]  }
0x16a: {  	v2 =	vld.idx.msk [tilespmem:v58+s22+$0x0], $0xffff  }
0x16b: {  	v60 =	vld [tilespmem:s21+$0x2060]  }
0x16c: {  	v3 =	vld.idx.msk [tilespmem:v59+s22+$0x0], $0xffff;
	_ =	sdelay $0x1  }
0x16d: {  	v61 =	vld [tilespmem:s21+$0x2860]  }
0x16e: {  	v1 =	vmul.f32 v2, v1;
	_ =	sdelay $0x1  }
0x16f: {  	v1 =	vmul.f32 v3, v1;
	_ =	sdelay $0x1  }
0x170: {  	[tilespmem:s21+$0x3850] =	vst v1;
	v1 =	vld [tilespmem:s21+$0x3060]  }
0x171: {  	v2 =	vld.idx.msk [tilespmem:v60+s22+$0x0], $0xffff  }
0x172: {  	v62 =	vld [tilespmem:s21+$0x2070]  }
0x173: {  	v3 =	vld.idx.msk [tilespmem:v61+s22+$0x0], $0xffff;
	_ =	sdelay $0x1  }
0x174: {  	v63 =	vld [tilespmem:s21+$0x2870]  }
0x175: {  	v1 =	vmul.f32 v2, v1;
	_ =	sdelay $0x1  }
0x176: {  	v1 =	vmul.f32 v3, v1;
	_ =	sdelay $0x1  }
0x177: {  	[tilespmem:s21+$0x3860] =	vst v1;
	v1 =	vld [tilespmem:s21+$0x3070]  }
0x178: {  	v2 =	vld.idx.msk [tilespmem:v62+s22+$0x0], $0xffff;
	_ =	sdelay $0x1  }
0x179: {  	v3 =	vld.idx.msk [tilespmem:v63+s22+$0x0], $0xffff;
	_ =	sdelay $0x2  }
0x17a: {  	v1 =	vmul.f32 v2, v1;
	_ =	sdelay $0x1  }
0x17b: {  	s30 =	sadd.s32 $0x1, s30;
	v1 =	vmul.f32 v3, v1  }
0x17c: {  	p1 =	sne.s32 s30, $0x5  }
.Ltmp7:
0x17d: {  	s31 =	sadd.s32 s7, s31;
	[tilespmem:s21+$0x3870] =	vst v1;
	(pc) =	sbr.rel @p1 .LBB2_14-.Ltmp7, $4  }
0x17e: {  	[hbm4b:s31+s3] =	stream.linear.scatter [tilespmem:s26], [sflag:$0x1], $0x800, $0x38;
	[tilespmem:$0xBF80] =	vst v63  }
0x17f: {  	_ =	swait.ge [sflag:s15], $0x800  }
0x180: {  	[sflag:s15] =	ssyncset.done $0x0  }
0x181: {  	[sflag:s15] =	ssyncadd.s32 $0xFFFFF800  }
0x182: {  	s28 =	sadd.s32 $0x1, s28  }
0x183: {  	p1 =	sne.s32 s28, s14  }
.Ltmp8:
0x184: {  	_ = 	snop;
	(pc) =	sbr.rel @p1 .LBB2_1-.Ltmp8, $1  }
0x185: {  	_ =	sdelay $0x3  }
0x186: {  	_ =	sfence.sel $0x180000  }
0x187: {  	[bflag:$0x0] =	sbarrier.arrive $0xFFFF  }
0x188: {  	_ =	strace $0x90000047  }
0x189: {  	s0 =	stileid.u32;
	[bflag:$0x2] =	sbarrier.arrive $0xFFFF  }
0x18a: {  	p0 =	sne.s32 s0, $0x0;
	s0 =	rddreg [dreg:$0x3]  }
0x18b: {  	s0 =	sadd.s32 @!p0 $0x100000, s0  }
0x18c: {  	[sflag:s0] =	ssyncadd.tile.s32 @!p0 $0x1;
	_ =	shalt  }
.Lfunc_end2:
_tile_overlayer_lowered:
.L_overlay_start_2:
0x18d: {  	(tag) =	ssettag $0x2  }
0x18e: {  	s0 =	rddreg [dreg:$0x0];
	s2 =	stileid.u32  }
0x18f: {  	s1 =	rddreg [dreg:$0x1];
	p0 =	sne.s32 s2, $0x0  }
0x190: {  	s3 =	rddreg [dreg:$0x2];
	[bflag:$0x3] =	sbarrier.arrive $0xFFFF;
	s2 =	simm.s32 @!p0 $0x1C01  }
0x191: {  	[timem:s3], [sflag:s2] =	dma.local @!p0 [hbm:s0], s1  }
0x192: {  	s0 =	simm.s32 @!p0 $0x1  }
0x193: {  	_ =	swait.ge @!p0 [sflag:s0], s1  }
0x194: {  	s1 =	ssub.s32 @!p0 $0x0, s1;
	[sflag:s0] =	ssyncset.done @!p0 $0x0  }
0x195: {  	[sflag:s0] =	ssyncadd.s32 @!p0 s1  }
0x196: {  	[bflag:$0x3] =	sbarrier.arrive $0xFFFF  }
0x197: {  	_ =	shalt  }

// kernel: kernel.9.cloned.1.call-start
scs
__scs_entry_jumppad:
0x0: {  	(pc) =	sbr.rel $0x88, $3  }
0x1: {  	(tag) =	ssettag $0x0;
	lr =	simm.s32 $0x1  }
0x2: {  	[smem:$0x3F98] =	sst lr;
	_ =	strace $0xD0000000  }
0x3: {  	_ = 	snop  }
0x4: {  	_ = 	snop  }
0x5: {  	_ = 	snop  }
0x6: {  	_ = 	snop  }
0x7: {  	_ = 	snop  }
__scs_overlays_trampoline_lowered:
0x8: {  	[smem:$0x3FA7] =	sst s0  }
0x9: {  	[smem:$0x3FA8] =	sst s1  }
0xa: {  	[smem:$0x3FA9] =	sst s2  }
0xb: {  	[smem:$0x3FAA] =	sst s3  }
0xc: {  	[smem:$0x3FAB] =	sst s4  }
0xd: {  	[smem:$0x3FAC] =	sst s5  }
0xe: {  	[smem:$0x3FAD] =	sst s6  }
0xf: {  	[smem:$0x3FAE] =	sst s7  }
0x10: {  	[smem:$0x3FAF] =	sst s8  }
0x11: {  	[smem:$0x3FB0] =	sst s9;
	s0 =	simm.s32 @!p0 $0x0  }
0x12: {  	s1 =	sld [smem:$0x3F96];
	s0 =	simm.s32 @p0 $0x1  }
0x13: {  	[smem:$0x3FB1] =	sst s0;
	s0 =	simm.s32 @!p1 $0x0  }
0x14: {  	s2 =	sld [smem:$0x3F95];
	s0 =	simm.s32 @p1 $0x1  }
0x15: {  	[smem:$0x3FB2] =	sst s0;
	s0 =	simm.s32 @!p2 $0x0  }
0x16: {  	s3 =	sld [smem:$0x3FDB];
	s0 =	simm.s32 @p2 $0x1  }
0x17: {  	s4 =	simm.s32 $0x1BF5;
	[smem:$0x3FB4] =	sst s0  }
0x18: {  	s0 =	sld [smem:$0x3F97];
	_ =	swait.ge [sflag:s4], $0x0  }
0x19: {  	s7 =	sld [smem:$0x3F98]  }
0x1a: {  	s8 =	sadd.s32 $0xFFFFE003, lr  }
0x1b: {  	s9 =	sadd.s32 $0xFFFFFEF7, lr;
	s5 =	simm.s32 $0xFFFFFFFF;
	p2 =	slt.u32 s8, $0xFFFFF086  }
0x1c: {  	p1 =	slt.u32 s9, $0xF7A;
	s5 =	simm.s32 @!p2 $0x0  }
0x1d: {  	s5 =	simm.s32 @p1 $0x1;
	p0 =	seq.s32 s7, s2  }
0x1e: {  	s7 =	smul.u32 @!p0 $0xF7A, s2;
	p2 =	seq.s32 @!p0 s5, $0x0  }
0x1f: {  	s9 =	smul.u32 $0xF7A, s1;
	s8 =	simm.s32 @!p0 $0x1BF5;
	p2 =	por !p2, p0  }
0x20: {  	[sflag:s8] =	ssyncset.s32 @!p0 $0xFFFFF086;
	s6 =	sadd.s32 @!p0 s3, s7;
	s7 =	simm.s32 @!p0 $0x108  }
0x21: {  	s3 =	sadd.s32 s3, s9;
	s6 =	sadd.s32 @!p0 $0x88, s6;
	s7 =	simm.s32 @p2 $0x1082  }
0x22: {  	[simem:s7], [sflag:s8] =	dma.local @!p0 [hbm:s6], $0xF7A  }
0x23: {  	s9 =	sor.u32 $0xD0000000, s2;
	s6 =	simm.s32 $0x108;
	_ =	swait.ge @!p0 [sflag:s8], $0x0  }
0x24: {  	s3 =	sadd.s32 $0x88, s3;
	s6 =	simm.s32 @!p1 $0x1082;
	[sflag:s4] =	ssyncset.s32 $0xFFFFF086  }
0x25: {  	[simem:s6], [sflag:s4] =	dma.local [hbm:s3], $0xF7A  }
0x26: {  	[smem:$0x3F98] =	sst s1;
	(tag) =	ssettag s2;
	_ =	strace s9  }
0x27: {  	s1 =	sld [smem:$0x3FA8]  }
0x28: {  	s2 =	sld [smem:$0x3FA9]  }
0x29: {  	s4 =	sld [smem:$0x3FAB]  }
0x2a: {  	p0 =	seq.s32 s5, $0x0;
	s5 =	sld [smem:$0x3FAC]  }
0x2b: {  	s6 =	sld [smem:$0x3FAD]  }
0x2c: {  	s7 =	sld [smem:$0x3FAE]  }
0x2d: {  	s3 =	simm.s32 $0x108;
	s8 =	sld [smem:$0x3FAF]  }
0x2e: {  	s3 =	simm.s32 @!p0 $0x1082;
	s9 =	sld [smem:$0x3FB0]  }
0x2f: {  	lr =	sadd.s32 s0, s3;
	s0 =	sld [smem:$0x3FA7]  }
0x30: {  	s3 =	sld [smem:$0x3FAA]  }
0x31: {  	[smem:$0x3FB3] =	sst s10  }
0x32: {  	s10 =	sld [smem:$0x3FB1];
	_ =	sdelay $0x3  }
0x33: {  	p0 =	seq.s32 s10, $0x1;
	s10 =	sld [smem:$0x3FB3];
	_ =	sdelay $0x3  }
0x34: {  	[smem:$0x3FB3] =	sst s10  }
0x35: {  	s10 =	sld [smem:$0x3FB2];
	_ =	sdelay $0x3  }
0x36: {  	p1 =	seq.s32 s10, $0x1;
	s10 =	sld [smem:$0x3FB3];
	_ =	sdelay $0x3  }
0x37: {  	[smem:$0x3FB3] =	sst s10  }
0x38: {  	s10 =	sld [smem:$0x3FB4]  }
0x39: {  	_ = 	snop;
	(pc) =	sbr.ind lr, $3  }
0x3a: {  	_ = 	snop  }
0x3b: {  	_ = 	snop  }
0x3c: {  	p2 =	seq.s32 s10, $0x1;
	s10 =	sld [smem:$0x3FB3]  }
0x3d: {  	_ =	shalt  }
0x3e: {  	_ =	shalt  }
0x3f: {  	_ =	shalt  }
0x40: {  	_ =	shalt  }
0x41: {  	_ =	shalt  }
0x42: {  	_ =	shalt  }
0x43: {  	_ =	shalt  }
0x44: {  	_ =	shalt  }
0x45: {  	_ =	shalt  }
0x46: {  	_ =	shalt  }
0x47: {  	_ =	shalt  }
0x48: {  	_ =	shalt  }
0x49: {  	_ =	shalt  }
0x4a: {  	_ =	shalt  }
0x4b: {  	_ =	shalt  }
0x4c: {  	_ =	shalt  }
0x4d: {  	_ =	shalt  }
0x4e: {  	_ =	shalt  }
0x4f: {  	_ =	shalt  }
0x50: {  	_ =	shalt  }
0x51: {  	_ =	shalt  }
0x52: {  	_ =	shalt  }
0x53: {  	_ =	shalt  }
0x54: {  	_ =	shalt  }
0x55: {  	_ =	shalt  }
0x56: {  	_ =	shalt  }
0x57: {  	_ =	shalt  }
0x58: {  	_ =	shalt  }
0x59: {  	_ =	shalt  }
0x5a: {  	_ =	shalt  }
0x5b: {  	_ =	shalt  }
0x5c: {  	_ =	shalt  }
0x5d: {  	_ =	shalt  }
0x5e: {  	_ =	shalt  }
0x5f: {  	_ =	shalt  }
0x60: {  	_ =	shalt  }
0x61: {  	_ =	shalt  }
0x62: {  	_ =	shalt  }
0x63: {  	_ =	shalt  }
0x64: {  	_ =	shalt  }
0x65: {  	_ =	shalt  }
0x66: {  	_ =	shalt  }
0x67: {  	_ =	shalt  }
0x68: {  	_ =	shalt  }
0x69: {  	_ =	shalt  }
0x6a: {  	_ =	shalt  }
0x6b: {  	_ =	shalt  }
0x6c: {  	_ =	shalt  }
0x6d: {  	_ =	shalt  }
0x6e: {  	_ =	shalt  }
0x6f: {  	_ =	shalt  }
0x70: {  	_ =	shalt  }
0x71: {  	_ =	shalt  }
0x72: {  	_ =	shalt  }
0x73: {  	_ =	shalt  }
0x74: {  	_ =	shalt  }
0x75: {  	_ =	shalt  }
0x76: {  	_ =	shalt  }
0x77: {  	_ =	shalt  }
0x78: {  	_ =	shalt  }
0x79: {  	_ =	shalt  }
0x7a: {  	_ =	shalt  }
0x7b: {  	_ =	shalt  }
0x7c: {  	_ =	shalt  }
0x7d: {  	_ =	shalt  }
0x7e: {  	_ =	shalt  }
0x7f: {  	_ =	shalt  }
0x80: {  	_ =	shalt  }
0x81: {  	_ =	shalt  }
0x82: {  	_ =	shalt  }
0x83: {  	_ =	shalt  }
0x84: {  	_ =	shalt  }
0x85: {  	_ =	shalt  }
0x86: {  	_ =	shalt  }
0x87: {  	_ =	shalt  }
.Lfunc_end0:
.L_simem_size_0:
called_computation.1_lowered:
.L_overlay_start_0:
0x88: {  	s2 =	sld [smem:$0x3FD9]  }
0x89: {  	s3 =	sld [smem:$0x3FFE];
	_ =	sdelay $0x1  }
0x8a: {  	s1 =	srdreg.scid  }
0x8b: {  	s0 =	sand.u32 $0x1, s1  }
0x8c: {  	s17 =	sshll.u32 s0, $0xA;
	s2 =	sadd.s32 s3, s2  }
0x8d: {  	s2 =	sadd.s32 s2, s17  }
0x8e: {  	[smem:$0x3FBF] =	sst s2  }
0x8f: {  	_ = 	snop  }
0x90: {  	s2 =	sld [smem:$0x3FD0];
	(tm) =	ssettm $0x1  }
0x91: {  	s18 =	sld [smem:$0x3FFB];
	_ =	sdelay $0x3  }
0x92: {  	_ =	strace s18  }
0x93: {  	s3 =	sld [smem:$0x3FFC];
	_ =	sdelay $0x3  }
0x94: {  	_ =	strace s3  }
0x95: {  	s3 =	sld [smem:$0x3FFD];
	_ =	sdelay $0x3  }
0x96: {  	_ =	strace s3  }
0x97: {  	_ =	strace $0x8FFFFFFF  }
0x98: {  	s19 =	sld [smem:$0x3FDB];
	_ =	sdelay $0x1  }
0x99: {  	s4 =	simm.s32 $_scs_section_size  }
0x9a: {  	s5 =	simm.s32 $_size__tile_overlayer_lowered;
	s6 =	simm.s32 $_tile_overlayer_lowered  }
0x9b: {  	s22 =	simm.s32 $0x1BFF;
	s21 =	sshll.u32 s6, $0x1;
	s3 =	sadd.s32 s4, s19  }
0x9c: {  	s7 =	simm.s32 $0x0;
	s20 =	sshll.u32 s5, $0x1;
	s5 =	sadd.s32 s21, s3  }
0x9d: {  	[timem:s7], [sflag:s22] =	dma.local [hbm:s5], s20  }
0x9e: {  	_ =	swait.ge [sflag:s22], s20  }
0x9f: {  	s4 =	ssub.s32 $0x0, s20;
	[sflag:s22] =	ssyncset.done $0x0  }
0xa0: {  	[sflag:s22] =	ssyncadd.s32 s4;
	_ =	sdelay $0x1  }
0xa1: {  	s23 =	simm.s32 $0x1B8B  }
0xa2: {  	_ =	swait.ge [sflag:s23], $0x1  }
0xa3: {  	[sflag:s23] =	ssyncset.done $0x0  }
0xa4: {  	s25 =	simm.s32 $0x1B8E;
	s24 =	sld [smem:$0x3FFE];
	[sflag:s23] =	ssyncadd.s32 $0xFFFFFFFF  }
0xa5: {  	s26 =	simm.s32 $execute0_lowered;
	[smem:$0x3FD2] =	sst s25  }
0xa6: {  	s5 =	sshll.u32 s26, $0x1;
	_ =	strace $0x80000049;
	[dreg:$0x1] =	wrdreg $0xFFFFFFFF  }
0xa7: {  	s28 =	simm.s32 $_size_execute0_lowered;
	s3 =	sadd.s32 s3, s5;
	[dreg:$0x0] =	wrdreg $0x0  }
0xa8: {  	s5 =	sshll.u32 s28, $0x1;
	[dreg:$0x2] =	wrdreg s3  }
0xa9: {  	[dreg:$0x3] =	wrdreg s5  }
0xaa: {  	[dreg:$0x4] =	wrdreg $0xC0  }
0xab: {  	_ =	task [dreg:s7], $0x5FFFF  }
0xac: {  	[dreg:$0x1] =	wrdreg $0xFFFFFFFF  }
0xad: {  	[dreg:$0x0] =	wrdreg $0x60  }
0xae: {  	[dreg:$0x2] =	wrdreg s24  }
0xaf: {  	[dreg:$0x3] =	wrdreg s2  }
0xb0: {  	[dreg:$0x4] =	wrdreg $0xB8000  }
0xb1: {  	[dreg:$0x5] =	wrdreg $0x9  }
0xb2: {  	_ =	task.clear_ibuf [dreg:s7], $0x6FFFF;
	_ =	strace $0x90000049  }
0xb3: {  	s29 =	simm.s32 $0x9;
	_ =	strace $0x8000004B  }
0xb4: {  	_ =	swait.ge [sflag:s29], $0x1  }
0xb5: {  	[sflag:s29] =	ssyncadd.s32 $0xFFFFFFFF  }
0xb6: {  	_ =	strace $0x9000004B  }
0xb7: {  	_ =	sfence  }
0xb8: {  	s30 =	sld [smem:$0x0];
	_ =	sdelay $0x2  }
0xb9: {  	s31 =	sshll.u32 s1, $0xD;
	s1 =	sshrl.u32 s1, $0x2  }
0xba: {  	s3 =	sand.u32 $0x4000, s31;
	s1 =	sadd.s32 s1, s30  }
0xbb: {  	s0 =	sor.u32 s3, s0;
	s1 =	sshll.u32 s1, $0x11  }
0xbc: {  	s0 =	sor.u32 s1, s0  }
0xbd: {  	s0 =	sadd.s32 $0x8F2B, s0  }
0xbe: {  	[sflag:s0] =	ssyncadd.remote.s32 $0x1  }
0xbf: {  	_ =	sfence.sel $0xFFFF  }
0xc0: {  	[dreg:$0x0] =	wrdreg $0xFFFFFFFF;
	(pc) =	sbr.abs _section_cstart, $3  }
0xc1: {  	[dreg:$0x1] =	wrdreg $0xFFFFFFFF  }
0xc2: {  	_ =	task.clear_ibuf [dreg:s7], $0x2FFFF;
	_ =	strace $0x9FFFFFFF  }
0xc3: {  	(tm) =	ssettm $0x7FFFFFFF  }
tec
execute0_lowered:
.L_overlay_start_1:
0x0: {  	(tag) =	ssettag $0x1  }
0x1: {  	s0 =	rddreg [dreg:$0x0];
	s13 =	stileid.u32  }
0x2: {  	s4 =	srdreg.scid;
	s8 =	smul.u32 $0x2800, s13  }
0x3: {  	s1 =	rddreg [dreg:$0x1];
	s9 =	sand.u32 $0x1, s4;
	s11 =	smul.u32 $0x50000, s13  }
0x4: {  	s2 =	rddreg [dreg:$0x2];
	s10 =	smul.u32 $0x28000, s9  }
0x5: {  	s3 =	simm.s32 $0x0;
	s4 =	sadd.s32 $0x16800, s0;
	s5 =	sadd.s32 $0xC800, s0  }
0x6: {  	s6 =	sadd.s32 $0x20E00, s0;
	s11 =	sshrl.u32 s11, $0x2;
	s8 =	sadd.s32 s8, s10  }
0x7: {  	s7 =	sadd.s32 $0x2AE00, s0;
	s0 =	sadd.s32 s8, s0;
	s8 =	sadd.s32 s11, s2  }
0x8: {  	[smem:$0x7FF] =	sst s3;
	s11 =	sadd.s32 $0x800, s8  }
0x9: {  	_ =	strace $0x8000004A;
	s24 =	sadd.s32 $0x1000, s8;
	[dreg:$0x4] =	wrdreg s11  }
0xa: {  	s23 =	ssub.s32 $0x2, s9;
	s25 =	sadd.s32 $0x1800, s8;
	[dreg:$0x5] =	wrdreg s24  }
0xb: {  	s12 =	sshrl.u32 s23, $0x1;
	s26 =	sadd.s32 $0x2000, s8;
	[dreg:$0x6] =	wrdreg s25  }
0xc: {  	s10 =	ssub.s32 s23, s12;
	s12 =	sadd.s32 $0x2800, s8;
	[dreg:$0x7] =	wrdreg s26  }
0xd: {  	s14 =	sadd.s32 $0x3000, s8;
	[dreg:$0x8] =	wrdreg s12  }
0xe: {  	s15 =	sadd.s32 $0x3800, s8;
	[dreg:$0x9] =	wrdreg s14  }
0xf: {  	s16 =	sadd.s32 $0x4000, s8;
	[dreg:$0xa] =	wrdreg s15  }
0x10: {  	s17 =	sadd.s32 $0x4800, s8;
	[dreg:$0xb] =	wrdreg s16  }
0x11: {  	s18 =	sadd.s32 $0x5000, s8;
	[dreg:$0xc] =	wrdreg s17  }
0x12: {  	s19 =	sadd.s32 $0x5800, s8;
	[dreg:$0xd] =	wrdreg s18  }
0x13: {  	s20 =	sadd.s32 $0x6000, s8;
	[dreg:$0xe] =	wrdreg s19  }
0x14: {  	s21 =	sadd.s32 $0x6800, s8;
	[dreg:$0xf] =	wrdreg s20  }
0x15: {  	s22 =	sadd.s32 $0x7000, s8;
	[dreg:$0x10] =	wrdreg s21  }
0x16: {  	s23 =	sadd.s32 $0x7800, s8;
	[dreg:$0x11] =	wrdreg s22  }
0x17: {  	p0 =	seq.s32 s9, $0x0;
	s0 =	sadd.s32 $0x52E00, s0;
	[dreg:$0x12] =	wrdreg s23  }
0x18: {  	s7 =	smov.u32 @p0 s1;
	s1 =	sadd.s32 $0x9000, s8;
	[dreg:$0x13] =	wrdreg s0  }
0x19: {  	s9 =	sadd.s32 $0x9800, s8;
	[dreg:$0x17] =	wrdreg s1  }
0x1a: {  	s24 =	smax.u32 s10, $0x1;
	[dreg:$0x18] =	wrdreg s9  }
0x1b: {  	s25 =	sadd.s32 $0x8000, s8;
	[dreg:$0x14] =	wrdreg s24  }
0x1c: {  	s26 =	sadd.s32 $0x8800, s8;
	[dreg:$0x15] =	wrdreg s25  }
0x1d: {  	s10 =	sadd.s32 $0xA000, s8;
	[dreg:$0x16] =	wrdreg s26  }
0x1e: {  	s11 =	sadd.s32 $0xA800, s8;
	[dreg:$0x19] =	wrdreg s10  }
0x1f: {  	s12 =	sadd.s32 $0xB000, s8;
	[dreg:$0x1a] =	wrdreg s11  }
0x20: {  	s14 =	sadd.s32 $0xB800, s8;
	[dreg:$0x1b] =	wrdreg s12  }
0x21: {  	s15 =	sadd.s32 $0xC000, s8;
	[dreg:$0x1c] =	wrdreg s14  }
0x22: {  	s16 =	sadd.s32 $0xC800, s8;
	[dreg:$0x1d] =	wrdreg s15  }
0x23: {  	s28 =	simm.s32 $0xB000;
	s17 =	sadd.s32 $0xD000, s8;
	[dreg:$0x1e] =	wrdreg s16  }
0x24: {  	s29 =	simm.s32 $0x5;
	s18 =	sadd.s32 $0xD800, s8;
	[dreg:$0x1f] =	wrdreg s17  }
0x25: {  	s30 =	simm.s32 $0x1000;
	s19 =	sadd.s32 $0xE000, s8;
	[smem:$0x7F5] =	sst s18  }
0x26: {  	s31 =	simm.s32 $0x2000;
	s20 =	sadd.s32 $0xE800, s8;
	[smem:$0x7F6] =	sst s19  }
0x27: {  	s21 =	sadd.s32 $0xF000, s8;
	s22 =	sadd.s32 $0xF800, s8;
	[smem:$0x7F7] =	sst s20  }
0x28: {  	s23 =	sadd.s32 $0x10000, s8;
	s0 =	simm.s32 $0x80;
	[smem:$0x7F8] =	sst s21  }
0x29: {  	s1 =	simm.s32 $0x3000;
	s9 =	simm.s32 $0x7000;
	[smem:$0x7F9] =	sst s22  }
0x2a: {  	v0 =	vimm.f32 $0.0e+00;
	v1 =	vimm.s32 $0x0;
	[smem:$0x7FA] =	sst s23;
	s24 =	sadd.s32 $0x10800, s8;
	s25 =	sadd.s32 $0x11000, s8  }
.Ltmp0:
0x2b: {  	v2 =	vimm.s32 $0x1;
	v3 =	vimm.s32 $0x2;
	v4 =	vimm.s32 $0x3;
	s26 =	sadd.s32 $0x11800, s8;
	s22 =	sadd.s32 $0x12000, s8;
	(pc) =	sbr.rel .LBB2_1-.Ltmp0, $4  }
0x2c: {  	v5 =	vimm.s32 $0x4;
	v6 =	vimm.s32 $0x5;
	v7 =	vimm.s32 $0x6;
	s23 =	sadd.s32 $0x12800, s8;
	s10 =	simm.s32 $0x1;
	[smem:$0x7FB] =	sst s24  }
0x2d: {  	v8 =	vimm.s32 $0x7;
	v9 =	vimm.s32 $0x8;
	v10 =	vimm.s32 $0x9;
	s11 =	simm.s32 $0x2;
	s12 =	simm.s32 $0x3;
	[smem:$0x7FC] =	sst s25  }
0x2e: {  	v11 =	vimm.s32 $0xA;
	v12 =	vimm.s32 $0xB;
	v13 =	vimm.s32 $0xC;
	s14 =	simm.s32 $0x0;
	[smem:$0x7FD] =	sst s26;
	s24 =	sadd.s32 $0x13000, s8  }
0x2f: {  	v14 =	vimm.s32 $0xD;
	v15 =	vimm.s32 $0xE;
	v16 =	vimm.s32 $0xF;
	s25 =	sadd.s32 $0x13800, s8;
	s26 =	smul.u32 $0x5000, s13;
	s13 =	simm.s32 $0x4  }
.LBB2_12:
0x30: {  	_ =	swait.ge [sflag:s12], $0x4000  }
0x31: {  	[sflag:s12] =	ssyncset.done $0x0  }
0x32: {  	[sflag:s12] =	ssyncadd.s32 $0xFFFFC000  }
0x33: {  	_ =	swait.ge [sflag:s13], $0x4000  }
0x34: {  	[sflag:s13] =	ssyncset.done $0x0  }
0x35: {  	s15 =	stileid.u32;
	[sflag:s13] =	ssyncadd.s32 $0xFFFFC000  }
0x36: {  	s15 =	sshll.u32 s15, $0x6;
	[bflag:$0x0] =	sbarrier.arrive $0xFFFF  }
0x37: {  	s16 =	sshrl.u32 s8, $0x3;
	s15 =	sor.u32 $0x1C05, s15;
	s17 =	rddreg [dreg:$0x13]  }
0x38: {  	[hbm:s17], [sflag:s15] =	dma.local [spmem:s16], $0x2800  }
0x39: {  	_ =	swait.ge [sflag:s29], $0x2800  }
0x3a: {  	s14 =	sadd.s32 $0x1, s14;
	s21 =	rddreg [dreg:$0x14]  }
0x3b: {  	p0 =	sne.s32 s14, s21  }
.Ltmp1:
0x3c: {  	_ = 	snop;
	(pc) =	sbr.rel @!p0 .LBB2_13-.Ltmp1, $3  }
0x3d: {  	_ =	sdelay $0x1  }
0x3e: {  	[sflag:s29] =	ssyncset.done $0x0  }
0x3f: {  	[sflag:s29] =	ssyncadd.s32 $0xFFFFD800  }
.LBB2_1:
0x40: {  	s15 =	sand.u32 $0x1E00, s3  }
0x41: {  	s16 =	sand.u32 $0x70, s3;
	s17 =	sshrl.u32 s15, $0x2  }
0x42: {  	s15 =	simm.s32 $0x40;
	s17 =	sor.u32 s16, s17;
	s16 =	simm.s32 $0x0  }
.LBB2_2:
0x43: {  	p0 =	sne.s32 s15, $0x1FC0  }
0x44: {  	[tilespmem:s17+$0xB000] =	vst v0;
	s16 =	sadd.s32 $0x10, s16;
	s17 =	smov.u32 s15;
	s15 =	sadd.s32 $0x40, s15  }
.Ltmp2:
0x45: {  	(pc) =	sbr.rel @p0 .LBB2_2-.Ltmp2, $4  }
0x46: {  	_ = 	snop  }
0x47: {  	s17 =	sand.u32 $0x1E00, s17  }
0x48: {  	s18 =	sand.u32 $0x70, s16;
	s17 =	sshrl.u32 s17, $0x2  }
0x49: {  	s17 =	sor.u32 s18, s17  }
0x4a: {  	[tilespmem:s17+$0xB000] =	vst v0  }
0x4b: {  	[spmem:s8] =	stream.linear.scatter [tilespmem:s28], [sflag:$0x5], $0x800, $0x38;
	[tilespmem:$0x1F800] =	vst v63  }
0x4c: {  	_ =	swait.ge [sflag:s29], $0x800  }
0x4d: {  	[sflag:s29] =	ssyncset.done $0x0  }
0x4e: {  	s15 =	rddreg [dreg:$0x4];
	[sflag:s29] =	ssyncadd.s32 $0xFFFFF800  }
0x4f: {  	[spmem:s15] =	stream.linear.scatter [tilespmem:s28], [sflag:$0x5], $0x800, $0x38;
	[tilespmem:$0x1F800] =	vst v63  }
0x50: {  	_ =	swait.ge [sflag:s29], $0x800  }
0x51: {  	[sflag:s29] =	ssyncset.done $0x0  }
0x52: {  	s18 =	rddreg [dreg:$0x5];
	[sflag:s29] =	ssyncadd.s32 $0xFFFFF800  }
0x53: {  	[spmem:s18] =	stream.linear.scatter [tilespmem:s28], [sflag:$0x5], $0x800, $0x38;
	[tilespmem:$0x1F800] =	vst v63  }
0x54: {  	_ =	swait.ge [sflag:s29], $0x800  }
0x55: {  	[sflag:s29] =	ssyncset.done $0x0  }
0x56: {  	s19 =	rddreg [dreg:$0x6];
	[sflag:s29] =	ssyncadd.s32 $0xFFFFF800  }
0x57: {  	[spmem:s19] =	stream.linear.scatter [tilespmem:s28], [sflag:$0x5], $0x800, $0x38;
	[tilespmem:$0x1F800] =	vst v63  }
0x58: {  	_ =	swait.ge [sflag:s29], $0x800  }
0x59: {  	[sflag:s29] =	ssyncset.done $0x0  }
0x5a: {  	s20 =	rddreg [dreg:$0x7];
	[sflag:s29] =	ssyncadd.s32 $0xFFFFF800  }
0x5b: {  	[spmem:s20] =	stream.linear.scatter [tilespmem:s28], [sflag:$0x5], $0x800, $0x38;
	[tilespmem:$0x1F800] =	vst v63  }
0x5c: {  	_ =	swait.ge [sflag:s29], $0x800  }
0x5d: {  	[sflag:s29] =	ssyncset.done $0x0  }
0x5e: {  	s21 =	rddreg [dreg:$0x8];
	[sflag:s29] =	ssyncadd.s32 $0xFFFFF800  }
0x5f: {  	[spmem:s21] =	stream.linear.scatter [tilespmem:s28], [sflag:$0x5], $0x800, $0x38;
	[tilespmem:$0x1F800] =	vst v63  }
0x60: {  	_ =	swait.ge [sflag:s29], $0x800  }
0x61: {  	[sflag:s29] =	ssyncset.done $0x0  }
0x62: {  	s16 =	rddreg [dreg:$0x9];
	[sflag:s29] =	ssyncadd.s32 $0xFFFFF800  }
0x63: {  	[spmem:s16] =	stream.linear.scatter [tilespmem:s28], [sflag:$0x5], $0x800, $0x38;
	[tilespmem:$0x1F800] =	vst v63  }
0x64: {  	_ =	swait.ge [sflag:s29], $0x800  }
0x65: {  	[sflag:s29] =	ssyncset.done $0x0  }
0x66: {  	s17 =	rddreg [dreg:$0xa];
	[sflag:s29] =	ssyncadd.s32 $0xFFFFF800  }
0x67: {  	[spmem:s17] =	stream.linear.scatter [tilespmem:s28], [sflag:$0x5], $0x800, $0x38;
	[tilespmem:$0x1F800] =	vst v63  }
0x68: {  	_ =	swait.ge [sflag:s29], $0x800  }
0x69: {  	[sflag:s29] =	ssyncset.done $0x0  }
0x6a: {  	s18 =	rddreg [dreg:$0xb];
	[sflag:s29] =	ssyncadd.s32 $0xFFFFF800  }
0x6b: {  	[spmem:s18] =	stream.linear.scatter [tilespmem:s28], [sflag:$0x5], $0x800, $0x38;
	[tilespmem:$0x1F800] =	vst v63  }
0x6c: {  	_ =	swait.ge [sflag:s29], $0x800  }
0x6d: {  	[sflag:s29] =	ssyncset.done $0x0  }
0x6e: {  	s19 =	rddreg [dreg:$0xc];
	[sflag:s29] =	ssyncadd.s32 $0xFFFFF800  }
0x6f: {  	[spmem:s19] =	stream.linear.scatter [tilespmem:s28], [sflag:$0x5], $0x800, $0x38;
	[tilespmem:$0x1F800] =	vst v63  }
0x70: {  	_ =	swait.ge [sflag:s29], $0x800  }
0x71: {  	[sflag:s29] =	ssyncset.done $0x0  }
0x72: {  	s20 =	rddreg [dreg:$0xd];
	[sflag:s29] =	ssyncadd.s32 $0xFFFFF800  }
0x73: {  	[spmem:s20] =	stream.linear.scatter [tilespmem:s28], [sflag:$0x5], $0x800, $0x38;
	[tilespmem:$0x1F800] =	vst v63  }
0x74: {  	_ =	swait.ge [sflag:s29], $0x800  }
0x75: {  	[sflag:s29] =	ssyncset.done $0x0  }
0x76: {  	s21 =	rddreg [dreg:$0xe];
	[sflag:s29] =	ssyncadd.s32 $0xFFFFF800  }
0x77: {  	[spmem:s21] =	stream.linear.scatter [tilespmem:s28], [sflag:$0x5], $0x800, $0x38;
	[tilespmem:$0x1F800] =	vst v63  }
0x78: {  	_ =	swait.ge [sflag:s29], $0x800  }
0x79: {  	[sflag:s29] =	ssyncset.done $0x0  }
0x7a: {  	s16 =	rddreg [dreg:$0xf];
	[sflag:s29] =	ssyncadd.s32 $0xFFFFF800  }
0x7b: {  	[spmem:s16] =	stream.linear.scatter [tilespmem:s28], [sflag:$0x5], $0x800, $0x38;
	[tilespmem:$0x1F800] =	vst v63  }
0x7c: {  	_ =	swait.ge [sflag:s29], $0x800  }
0x7d: {  	[sflag:s29] =	ssyncset.done $0x0  }
0x7e: {  	s17 =	rddreg [dreg:$0x10];
	[sflag:s29] =	ssyncadd.s32 $0xFFFFF800  }
0x7f: {  	[spmem:s17] =	stream.linear.scatter [tilespmem:s28], [sflag:$0x5], $0x800, $0x38;
	[tilespmem:$0x1F800] =	vst v63  }
0x80: {  	_ =	swait.ge [sflag:s29], $0x800  }
0x81: {  	[sflag:s29] =	ssyncset.done $0x0  }
0x82: {  	s18 =	rddreg [dreg:$0x11];
	[sflag:s29] =	ssyncadd.s32 $0xFFFFF800  }
0x83: {  	[spmem:s18] =	stream.linear.scatter [tilespmem:s28], [sflag:$0x5], $0x800, $0x38;
	[tilespmem:$0x1F800] =	vst v63  }
0x84: {  	_ =	swait.ge [sflag:s29], $0x800  }
0x85: {  	[sflag:s29] =	ssyncset.done $0x0  }
0x86: {  	s19 =	rddreg [dreg:$0x12];
	[sflag:s29] =	ssyncadd.s32 $0xFFFFF800  }
0x87: {  	[spmem:s19] =	stream.linear.scatter [tilespmem:s28], [sflag:$0x5], $0x800, $0x38;
	[tilespmem:$0x1F800] =	vst v63  }
0x88: {  	_ =	swait.ge [sflag:s29], $0x800  }
0x89: {  	[sflag:s29] =	ssyncset.done $0x0  }
0x8a: {  	s20 =	rddreg [dreg:$0x15];
	[sflag:s29] =	ssyncadd.s32 $0xFFFFF800  }
0x8b: {  	[spmem:s20] =	stream.linear.scatter [tilespmem:s28], [sflag:$0x5], $0x800, $0x38;
	[tilespmem:$0x1F800] =	vst v63  }
0x8c: {  	_ =	swait.ge [sflag:s29], $0x800  }
0x8d: {  	[sflag:s29] =	ssyncset.done $0x0  }
0x8e: {  	s21 =	rddreg [dreg:$0x16];
	[sflag:s29] =	ssyncadd.s32 $0xFFFFF800  }
0x8f: {  	[spmem:s21] =	stream.linear.scatter [tilespmem:s28], [sflag:$0x5], $0x800, $0x38;
	[tilespmem:$0x1F800] =	vst v63  }
0x90: {  	_ =	swait.ge [sflag:s29], $0x800  }
0x91: {  	[sflag:s29] =	ssyncset.done $0x0  }
0x92: {  	s16 =	rddreg [dreg:$0x17];
	[sflag:s29] =	ssyncadd.s32 $0xFFFFF800  }
0x93: {  	[spmem:s16] =	stream.linear.scatter [tilespmem:s28], [sflag:$0x5], $0x800, $0x38;
	[tilespmem:$0x1F800] =	vst v63  }
0x94: {  	_ =	swait.ge [sflag:s29], $0x800  }
0x95: {  	[sflag:s29] =	ssyncset.done $0x0  }
0x96: {  	s17 =	rddreg [dreg:$0x18];
	[sflag:s29] =	ssyncadd.s32 $0xFFFFF800  }
0x97: {  	[spmem:s17] =	stream.linear.scatter [tilespmem:s28], [sflag:$0x5], $0x800, $0x38;
	[tilespmem:$0x1F800] =	vst v63  }
0x98: {  	_ =	swait.ge [sflag:s29], $0x800  }
0x99: {  	[sflag:s29] =	ssyncset.done $0x0  }
0x9a: {  	s18 =	rddreg [dreg:$0x19];
	[sflag:s29] =	ssyncadd.s32 $0xFFFFF800  }
0x9b: {  	[spmem:s18] =	stream.linear.scatter [tilespmem:s28], [sflag:$0x5], $0x800, $0x38;
	[tilespmem:$0x1F800] =	vst v63  }
0x9c: {  	_ =	swait.ge [sflag:s29], $0x800  }
0x9d: {  	[sflag:s29] =	ssyncset.done $0x0  }
0x9e: {  	s19 =	rddreg [dreg:$0x1a];
	[sflag:s29] =	ssyncadd.s32 $0xFFFFF800  }
0x9f: {  	[spmem:s19] =	stream.linear.scatter [tilespmem:s28], [sflag:$0x5], $0x800, $0x38;
	[tilespmem:$0x1F800] =	vst v63  }
0xa0: {  	_ =	swait.ge [sflag:s29], $0x800  }
0xa1: {  	[sflag:s29] =	ssyncset.done $0x0  }
0xa2: {  	s20 =	rddreg [dreg:$0x1b];
	[sflag:s29] =	ssyncadd.s32 $0xFFFFF800  }
0xa3: {  	[spmem:s20] =	stream.linear.scatter [tilespmem:s28], [sflag:$0x5], $0x800, $0x38;
	[tilespmem:$0x1F800] =	vst v63  }
0xa4: {  	_ =	swait.ge [sflag:s29], $0x800  }
0xa5: {  	[sflag:s29] =	ssyncset.done $0x0  }
0xa6: {  	s21 =	rddreg [dreg:$0x1c];
	[sflag:s29] =	ssyncadd.s32 $0xFFFFF800  }
0xa7: {  	[spmem:s21] =	stream.linear.scatter [tilespmem:s28], [sflag:$0x5], $0x800, $0x38;
	[tilespmem:$0x1F800] =	vst v63  }
0xa8: {  	_ =	swait.ge [sflag:s29], $0x800  }
0xa9: {  	[sflag:s29] =	ssyncset.done $0x0  }
0xaa: {  	s16 =	rddreg [dreg:$0x1d];
	[sflag:s29] =	ssyncadd.s32 $0xFFFFF800  }
0xab: {  	[spmem:s16] =	stream.linear.scatter [tilespmem:s28], [sflag:$0x5], $0x800, $0x38;
	[tilespmem:$0x1F800] =	vst v63  }
0xac: {  	_ =	swait.ge [sflag:s29], $0x800  }
0xad: {  	[sflag:s29] =	ssyncset.done $0x0  }
0xae: {  	s17 =	rddreg [dreg:$0x1e];
	[sflag:s29] =	ssyncadd.s32 $0xFFFFF800  }
0xaf: {  	[spmem:s17] =	stream.linear.scatter [tilespmem:s28], [sflag:$0x5], $0x800, $0x38;
	[tilespmem:$0x1F800] =	vst v63  }
0xb0: {  	_ =	swait.ge [sflag:s29], $0x800  }
0xb1: {  	[sflag:s29] =	ssyncset.done $0x0  }
0xb2: {  	s18 =	rddreg [dreg:$0x1f];
	[sflag:s29] =	ssyncadd.s32 $0xFFFFF800  }
0xb3: {  	[spmem:s18] =	stream.linear.scatter [tilespmem:s28], [sflag:$0x5], $0x800, $0x38;
	[tilespmem:$0x1F800] =	vst v63  }
0xb4: {  	_ =	swait.ge [sflag:s29], $0x800  }
0xb5: {  	s19 =	sld [smem:$0x7F5]  }
0xb6: {  	[sflag:s29] =	ssyncset.done $0x0  }
0xb7: {  	[sflag:s29] =	ssyncadd.s32 $0xFFFFF800  }
0xb8: {  	[spmem:s19] =	stream.linear.scatter [tilespmem:s28], [sflag:$0x5], $0x800, $0x38;
	[tilespmem:$0x1F800] =	vst v63  }
0xb9: {  	_ =	swait.ge [sflag:s29], $0x800  }
0xba: {  	s20 =	sld [smem:$0x7F6]  }
0xbb: {  	[sflag:s29] =	ssyncset.done $0x0  }
0xbc: {  	[sflag:s29] =	ssyncadd.s32 $0xFFFFF800  }
0xbd: {  	[spmem:s20] =	stream.linear.scatter [tilespmem:s28], [sflag:$0x5], $0x800, $0x38;
	[tilespmem:$0x1F800] =	vst v63  }
0xbe: {  	_ =	swait.ge [sflag:s29], $0x800  }
0xbf: {  	s21 =	sld [smem:$0x7F7]  }
0xc0: {  	[sflag:s29] =	ssyncset.done $0x0  }
0xc1: {  	[sflag:s29] =	ssyncadd.s32 $0xFFFFF800  }
0xc2: {  	[spmem:s21] =	stream.linear.scatter [tilespmem:s28], [sflag:$0x5], $0x800, $0x38;
	[tilespmem:$0x1F800] =	vst v63  }
0xc3: {  	_ =	swait.ge [sflag:s29], $0x800  }
0xc4: {  	s16 =	sld [smem:$0x7F8]  }
0xc5: {  	[sflag:s29] =	ssyncset.done $0x0  }
0xc6: {  	[sflag:s29] =	ssyncadd.s32 $0xFFFFF800  }
0xc7: {  	[spmem:s16] =	stream.linear.scatter [tilespmem:s28], [sflag:$0x5], $0x800, $0x38;
	[tilespmem:$0x1F800] =	vst v63  }
0xc8: {  	_ =	swait.ge [sflag:s29], $0x800  }
0xc9: {  	s17 =	sld [smem:$0x7F9]  }
0xca: {  	[sflag:s29] =	ssyncset.done $0x0  }
0xcb: {  	[sflag:s29] =	ssyncadd.s32 $0xFFFFF800  }
0xcc: {  	[spmem:s17] =	stream.linear.scatter [tilespmem:s28], [sflag:$0x5], $0x800, $0x38;
	[tilespmem:$0x1F800] =	vst v63  }
0xcd: {  	_ =	swait.ge [sflag:s29], $0x800  }
0xce: {  	s18 =	sld [smem:$0x7FA]  }
0xcf: {  	[sflag:s29] =	ssyncset.done $0x0  }
0xd0: {  	[sflag:s29] =	ssyncadd.s32 $0xFFFFF800  }
0xd1: {  	[spmem:s18] =	stream.linear.scatter [tilespmem:s28], [sflag:$0x5], $0x800, $0x38;
	[tilespmem:$0x1F800] =	vst v63  }
0xd2: {  	_ =	swait.ge [sflag:s29], $0x800  }
0xd3: {  	s19 =	sld [smem:$0x7FB]  }
0xd4: {  	[sflag:s29] =	ssyncset.done $0x0  }
0xd5: {  	[sflag:s29] =	ssyncadd.s32 $0xFFFFF800  }
0xd6: {  	[spmem:s19] =	stream.linear.scatter [tilespmem:s28], [sflag:$0x5], $0x800, $0x38;
	[tilespmem:$0x1F800] =	vst v63  }
0xd7: {  	_ =	swait.ge [sflag:s29], $0x800  }
0xd8: {  	s20 =	sld [smem:$0x7FC]  }
0xd9: {  	[sflag:s29] =	ssyncset.done $0x0  }
0xda: {  	[sflag:s29] =	ssyncadd.s32 $0xFFFFF800  }
0xdb: {  	[spmem:s20] =	stream.linear.scatter [tilespmem:s28], [sflag:$0x5], $0x800, $0x38;
	[tilespmem:$0x1F800] =	vst v63  }
0xdc: {  	_ =	swait.ge [sflag:s29], $0x800  }
0xdd: {  	s21 =	sld [smem:$0x7FD]  }
0xde: {  	[sflag:s29] =	ssyncset.done $0x0  }
0xdf: {  	[sflag:s29] =	ssyncadd.s32 $0xFFFFF800  }
0xe0: {  	[spmem:s21] =	stream.linear.scatter [tilespmem:s28], [sflag:$0x5], $0x800, $0x38;
	[tilespmem:$0x1F800] =	vst v63  }
0xe1: {  	_ =	swait.ge [sflag:s29], $0x800  }
0xe2: {  	[sflag:s29] =	ssyncset.done $0x0  }
0xe3: {  	[sflag:s29] =	ssyncadd.s32 $0xFFFFF800  }
0xe4: {  	[spmem:s22] =	stream.linear.scatter [tilespmem:s28], [sflag:$0x5], $0x800, $0x38;
	[tilespmem:$0x1F800] =	vst v63  }
0xe5: {  	_ =	swait.ge [sflag:s29], $0x800  }
0xe6: {  	[sflag:s29] =	ssyncset.done $0x0  }
0xe7: {  	[sflag:s29] =	ssyncadd.s32 $0xFFFFF800  }
0xe8: {  	[spmem:s23] =	stream.linear.scatter [tilespmem:s28], [sflag:$0x5], $0x800, $0x38;
	[tilespmem:$0x1F800] =	vst v63  }
0xe9: {  	_ =	swait.ge [sflag:s29], $0x800  }
0xea: {  	[sflag:s29] =	ssyncset.done $0x0  }
0xeb: {  	[sflag:s29] =	ssyncadd.s32 $0xFFFFF800  }
0xec: {  	[spmem:s24] =	stream.linear.scatter [tilespmem:s28], [sflag:$0x5], $0x800, $0x38;
	[tilespmem:$0x1F800] =	vst v63  }
0xed: {  	_ =	swait.ge [sflag:s29], $0x800  }
0xee: {  	[sflag:s29] =	ssyncset.done $0x0  }
0xef: {  	[sflag:s29] =	ssyncadd.s32 $0xFFFFF800  }
0xf0: {  	[spmem:s25] =	stream.linear.scatter [tilespmem:s28], [sflag:$0x5], $0x800, $0x38;
	[tilespmem:$0x1F800] =	vst v63  }
.Ltmp3:
0xf1: {  	_ =	swait.ge [sflag:s29], $0x800;
	(pc) =	sbr.rel .LBB2_4-.Ltmp3, $4  }
0xf2: {  	[sflag:s29] =	ssyncset.done $0x0  }
0xf3: {  	[sflag:s29] =	ssyncadd.s32 $0xFFFFF800  }
0xf4: {  	[bflag:$0x0] =	sbarrier.arrive $0xFFFF  }
0xf5: {  	s15 =	simm.s32 $0x0;
	s16 =	simm.s32 $0x0  }
.LBB2_11:
0xf6: {  	s16 =	sadd.s32 $0x1, s16  }
0xf7: {  	p0 =	sne.s32 s16, $0x5  }
.Ltmp4:
0xf8: {  	_ = 	snop;
	(pc) =	sbr.rel @!p0 .LBB2_12-.Ltmp4, $2  }
0xf9: {  	_ =	sdelay $0x2  }
0xfa: {  	[spmem:s2] =	stream.indirect.scatter.add.f32 [tilespmem:s9], [sflag:$0x4], $0x80, s19, s0, $0xb8;
	[tilespmem:$0x1F800] =	vst v63  }
.LBB2_4:
0xfb: {  	s17 =	sshll.u32 s16, $0xC  }
0xfc: {  	s17 =	sadd.s32 s26, s17  }
0xfd: {  	s17 =	sshrl.u32 s17, $0x3  }
0xfe: {  	s18 =	sadd.s32 s4, s17  }
0xff: {  	[tilespmem:s3], [sflag:$0x5] =	stream.linear.gather [hbm4b:s18+s3], $0x1000, $0x38;
	[tilespmem:$0x1F800] =	vst v63  }
0x100: {  	_ =	swait.ge [sflag:s29], $0x1000  }
0x101: {  	[sflag:s29] =	ssyncset.done $0x0  }
0x102: {  	s21 =	sadd.s32 s5, s17;
	[sflag:s29] =	ssyncadd.s32 $0xFFFFF000  }
0x103: {  	[tilespmem:s30], [sflag:$0x5] =	stream.linear.gather [hbm4b:s21+s3], $0x1000, $0x38;
	[tilespmem:$0x1F800] =	vst v63  }
0x104: {  	_ =	swait.ge [sflag:s29], $0x1000  }
0x105: {  	[sflag:s29] =	ssyncset.done $0x0  }
0x106: {  	s17 =	sadd.s32 s6, s17;
	[sflag:s29] =	ssyncadd.s32 $0xFFFFF000  }
0x107: {  	[tilespmem:s31], [sflag:$0x5] =	stream.linear.gather [hbm4b:s17+s3], $0x1000, $0x38;
	[tilespmem:$0x1F800] =	vst v63  }
0x108: {  	_ =	swait.ge [sflag:s29], $0x1000  }
0x109: {  	p0 =	seq.s32 s16, $0x0;
	[sflag:s29] =	ssyncset.done $0x0  }
0x10a: {  	s17 =	simm.s32 @!p0 $0x3;
	[sflag:s29] =	ssyncadd.s32 $0xFFFFF000  }
0x10b: {  	_ =	swait.ge @!p0 [sflag:s17], $0x4000  }
0x10c: {  	[sflag:s17] =	ssyncset.done @!p0 $0x0  }
0x10d: {  	[sflag:s17] =	ssyncadd.s32 @!p0 $0xFFFFC000;
	s17 =	simm.s32 $0x0  }
0x10e: {  	[tilespmem:s1], [sflag:$0x1] =	stream.indirect.gather [hbm4b:s7+s0], $0x80, s15, s0, $0xb8;
	[tilespmem:$0x1F800] =	vst v63  }
.LBB2_5:
0x10f: {  	s18 =	sor.u32 s16, s17  }
0x110: {  	p0 =	seq.s32 s18, $0x0  }
0x111: {  	s18 =	simm.s32 @!p0 $0x4  }
0x112: {  	s20 =	sshll.u32 s17, $0xA;
	_ =	swait.ge @!p0 [sflag:s18], $0x4000  }
0x113: {  	s19 =	sor.u32 $0x200, s20;
	[sflag:s18] =	ssyncset.done @!p0 $0x0  }
0x114: {  	s19 =	sshra.s32 s19, $0x2;
	[sflag:s18] =	ssyncadd.s32 @!p0 $0xFFFFC000;
	s18 =	sshra.s32 s20, $0x2  }
0x115: {  	[tilespmem:s9], [sflag:$0x2] =	stream.indirect.gather [hbm4b:s7+s0], $0x80, s19, s0, $0xb8;
	[tilespmem:$0x1F800] =	vst v63  }
0x116: {  	s21 =	sadd.s32 $0x2000, s18  }
0x117: {  	_ =	swait.ge [sflag:s10], $0x4000;
	v17 =	vmov s21  }
0x118: {  	[sflag:s10] =	ssyncset.done $0x0  }
0x119: {  	s20 =	simm.s32 $0x0;
	[sflag:s10] =	ssyncadd.s32 $0xFFFFC000  }
.LBB2_6:
0x11a: {  	s21 =	sshll.u32 s20, $0x4  }
0x11b: {  	s21 =	sand.u32 $0x3FFFFFF0, s21  }
0x11c: {  	v18 =	vld.idx.msk [tilespmem:v17+s21+$0x0 ss:$0x1], $0xffff;
	s21 =	sshll.u32 s20, $0xB  }
0x11d: {  	s21 =	sand.u32 $0x3FFFF800, s21  }
0x11e: {  	v19 =	vld [tilespmem:s21+$0x3000]  }
0x11f: {  	v20 =	vld [tilespmem:s21+$0x3010]  }
0x120: {  	v21 =	vld [tilespmem:s21+$0x3020]  }
0x121: {  	v23 =	vld [tilespmem:s21+$0x3030];
	v22 =	vperm.xlane v18, v1  }
0x122: {  	v24 =	vld [tilespmem:s21+$0x3040]  }
0x123: {  	v25 =	vld [tilespmem:s21+$0x3050];
	v19 =	vmul.f32 v19, v22  }
0x124: {  	v26 =	vld [tilespmem:s21+$0x3060];
	v20 =	vmul.f32 v20, v22  }
0x125: {  	v43 =	vld [tilespmem:s21+$0x3070];
	[tilespmem:s21+$0x3000] =	vst v19;
	v19 =	vmul.f32 v21, v22  }
0x126: {  	v45 =	vld [tilespmem:s21+$0x3080];
	v44 =	vmul.f32 v23, v22;
	[tilespmem:s21+$0x3010] =	vst v20  }
0x127: {  	v46 =	vld [tilespmem:s21+$0x3090];
	[tilespmem:s21+$0x3020] =	vst v19;
	v19 =	vmul.f32 v24, v22  }
0x128: {  	v48 =	vld [tilespmem:s21+$0x30A0];
	v47 =	vmul.f32 v25, v22;
	[tilespmem:s21+$0x3030] =	vst v44  }
0x129: {  	v27 =	vld [tilespmem:s21+$0x30B0];
	v49 =	vperm.xlane v18, v2;
	[tilespmem:s21+$0x3040] =	vst v19;
	v19 =	vmul.f32 v26, v22  }
0x12a: {  	v51 =	vld [tilespmem:s21+$0x30C0];
	v50 =	vmul.f32 v43, v22;
	[tilespmem:s21+$0x3050] =	vst v47  }
0x12b: {  	v52 =	vld [tilespmem:s21+$0x30D0];
	[tilespmem:s21+$0x3060] =	vst v19;
	v19 =	vmul.f32 v45, v49  }
0x12c: {  	v54 =	vld [tilespmem:s21+$0x30E0];
	v53 =	vmul.f32 v46, v49;
	[tilespmem:s21+$0x3070] =	vst v50  }
0x12d: {  	v55 =	vld [tilespmem:s21+$0x30F0];
	[tilespmem:s21+$0x3080] =	vst v19;
	v19 =	vmul.f32 v48, v49  }
0x12e: {  	v57 =	vld [tilespmem:s21+$0x3100];
	v56 =	vmul.f32 v27, v49;
	[tilespmem:s21+$0x3090] =	vst v53  }
0x12f: {  	v58 =	vld [tilespmem:s21+$0x3110];
	[tilespmem:s21+$0x30A0] =	vst v19;
	v19 =	vmul.f32 v51, v49  }
0x130: {  	v60 =	vld [tilespmem:s21+$0x3120];
	v59 =	vmul.f32 v52, v49;
	[tilespmem:s21+$0x30B0] =	vst v56  }
0x131: {  	v62 =	vld [tilespmem:s21+$0x3130];
	v61 =	vperm.xlane v18, v3;
	[tilespmem:s21+$0x30C0] =	vst v19;
	v19 =	vmul.f32 v54, v49  }
0x132: {  	v28 =	vld [tilespmem:s21+$0x3140];
	v63 =	vmul.f32 v55, v49;
	[tilespmem:s21+$0x30D0] =	vst v59  }
0x133: {  	v29 =	vld [tilespmem:s21+$0x3150];
	[tilespmem:s21+$0x30E0] =	vst v19;
	v19 =	vmul.f32 v57, v61  }
0x134: {  	v31 =	vld [tilespmem:s21+$0x3160];
	v30 =	vmul.f32 v58, v61;
	[tilespmem:s21+$0x30F0] =	vst v63  }
0x135: {  	v32 =	vld [tilespmem:s21+$0x3170];
	[tilespmem:s21+$0x3100] =	vst v19;
	v19 =	vmul.f32 v60, v61  }
0x136: {  	v34 =	vld [tilespmem:s21+$0x3180];
	v33 =	vmul.f32 v62, v61;
	[tilespmem:s21+$0x3110] =	vst v30  }
0x137: {  	v35 =	vld [tilespmem:s21+$0x3190];
	[tilespmem:s21+$0x3120] =	vst v19;
	v19 =	vmul.f32 v28, v61  }
0x138: {  	v37 =	vld [tilespmem:s21+$0x31A0];
	v36 =	vmul.f32 v29, v61;
	[tilespmem:s21+$0x3130] =	vst v33  }
0x139: {  	v39 =	vld [tilespmem:s21+$0x31B0];
	v38 =	vperm.xlane v18, v4;
	[tilespmem:s21+$0x3140] =	vst v19;
	v19 =	vmul.f32 v31, v61  }
0x13a: {  	v41 =	vld [tilespmem:s21+$0x31C0];
	v40 =	vmul.f32 v32, v61;
	[tilespmem:s21+$0x3150] =	vst v36  }
0x13b: {  	v45 =	vld [tilespmem:s21+$0x31F0];
	[tilespmem:s21+$0x3160] =	vst v19;
	v19 =	vmul.f32 v34, v38  }
0x13c: {  	v43 =	vmul.f32 v35, v38;
	[tilespmem:s21+$0x3170] =	vst v40;
	v44 =	vld [tilespmem:s21+$0x31E0]  }
0x13d: {  	v42 =	vld [tilespmem:s21+$0x31D0];
	[tilespmem:s21+$0x3180] =	vst v19;
	v19 =	vmul.f32 v37, v38  }
0x13e: {  	v46 =	vmul.f32 v39, v38;
	[tilespmem:s21+$0x3190] =	vst v43;
	v47 =	vld [tilespmem:s21+$0x3200]  }
0x13f: {  	v52 =	vld [tilespmem:s21+$0x3230];
	[tilespmem:s21+$0x31A0] =	vst v19;
	v19 =	vmul.f32 v41, v38  }
0x140: {  	[tilespmem:s21+$0x31B0] =	vst v46;
	v50 =	vld [tilespmem:s21+$0x3220];
	v53 =	vmul.f32 v45, v38  }
0x141: {  	v55 =	vld [tilespmem:s21+$0x3250];
	v51 =	vperm.xlane v18, v5;
	[tilespmem:s21+$0x31C0] =	vst v19;
	v19 =	vmul.f32 v44, v38  }
0x142: {  	v49 =	vmul.f32 v42, v38;
	v54 =	vld [tilespmem:s21+$0x3240];
	[tilespmem:s21+$0x31F0] =	vst v53  }
0x143: {  	v58 =	vld [tilespmem:s21+$0x3270];
	[tilespmem:s21+$0x31E0] =	vst v19;
	v19 =	vmul.f32 v47, v51  }
0x144: {  	v59 =	vmul.f32 v52, v51;
	[tilespmem:s21+$0x31D0] =	vst v49;
	v57 =	vld [tilespmem:s21+$0x3260]  }
0x145: {  	v48 =	vld [tilespmem:s21+$0x3210];
	[tilespmem:s21+$0x3200] =	vst v19;
	v19 =	vmul.f32 v50, v51  }
0x146: {  	v62 =	vmul.f32 v55, v51;
	[tilespmem:s21+$0x3230] =	vst v59;
	v60 =	vld [tilespmem:s21+$0x3280]  }
0x147: {  	v40 =	vld [tilespmem:s21+$0x3310];
	[tilespmem:s21+$0x3220] =	vst v19;
	v19 =	vmul.f32 v54, v51  }
0x148: {  	v63 =	vld [tilespmem:s21+$0x32A0];
	v32 =	vmul.f32 v58, v51;
	[tilespmem:s21+$0x3250] =	vst v62  }
0x149: {  	v30 =	vperm.xlane v18, v6;
	v61 =	vld [tilespmem:s21+$0x3290];
	[tilespmem:s21+$0x3240] =	vst v19;
	v19 =	vmul.f32 v57, v51  }
0x14a: {  	v33 =	vld [tilespmem:s21+$0x32C0];
	v43 =	vperm.xlane v18, v7;
	v56 =	vmul.f32 v48, v51;
	[tilespmem:s21+$0x3270] =	vst v32  }
0x14b: {  	v53 =	vld [tilespmem:s21+$0x3390];
	[tilespmem:s21+$0x3260] =	vst v19;
	v19 =	vmul.f32 v60, v30  }
0x14c: {  	v36 =	vld [tilespmem:s21+$0x32E0];
	v48 =	vmul.f32 v40, v43;
	[tilespmem:s21+$0x3210] =	vst v56  }
0x14d: {  	v31 =	vld [tilespmem:s21+$0x32B0];
	[tilespmem:s21+$0x3280] =	vst v19;
	v19 =	vmul.f32 v63, v30  }
0x14e: {  	v39 =	vld [tilespmem:s21+$0x3300];
	[tilespmem:s21+$0x3310] =	vst v48;
	v56 =	vperm.xlane v18, v8;
	v35 =	vmul.f32 v61, v30  }
0x14f: {  	v34 =	vld [tilespmem:s21+$0x32D0];
	[tilespmem:s21+$0x32A0] =	vst v19;
	v19 =	vmul.f32 v33, v30  }
0x150: {  	v42 =	vld [tilespmem:s21+$0x3320];
	v61 =	vmul.f32 v53, v56;
	[tilespmem:s21+$0x3290] =	vst v35  }
0x151: {  	v37 =	vld [tilespmem:s21+$0x32F0];
	[tilespmem:s21+$0x32C0] =	vst v19;
	v19 =	vmul.f32 v36, v30  }
0x152: {  	v46 =	vld [tilespmem:s21+$0x3340];
	[tilespmem:s21+$0x3390] =	vst v61;
	v38 =	vmul.f32 v31, v30  }
0x153: {  	v47 =	vld [tilespmem:s21+$0x3350];
	[tilespmem:s21+$0x32E0] =	vst v19;
	v19 =	vmul.f32 v39, v43  }
0x154: {  	v49 =	vld [tilespmem:s21+$0x3360];
	v41 =	vmul.f32 v34, v30;
	[tilespmem:s21+$0x32B0] =	vst v38  }
0x155: {  	v38 =	vld [tilespmem:s21+$0x3450];
	[tilespmem:s21+$0x3300] =	vst v19;
	v19 =	vmul.f32 v42, v43  }
0x156: {  	v52 =	vld [tilespmem:s21+$0x3380];
	[tilespmem:s21+$0x32D0] =	vst v41;
	v45 =	vmul.f32 v37, v30  }
0x157: {  	v44 =	vld [tilespmem:s21+$0x3330];
	[tilespmem:s21+$0x3320] =	vst v19;
	v19 =	vmul.f32 v46, v43  }
0x158: {  	v55 =	vld [tilespmem:s21+$0x33A0];
	v34 =	vperm.xlane v18, v9;
	[tilespmem:s21+$0x32F0] =	vst v45;
	v54 =	vmul.f32 v47, v43  }
0x159: {  	v50 =	vld [tilespmem:s21+$0x3370];
	[tilespmem:s21+$0x3340] =	vst v19;
	v19 =	vmul.f32 v49, v43  }
0x15a: {  	v59 =	vld [tilespmem:s21+$0x33C0];
	v45 =	vmul.f32 v38, v34;
	[tilespmem:s21+$0x3350] =	vst v54  }
0x15b: {  	v57 =	vld [tilespmem:s21+$0x33B0];
	[tilespmem:s21+$0x3360] =	vst v19;
	v19 =	vmul.f32 v52, v56  }
0x15c: {  	v62 =	vld [tilespmem:s21+$0x33E0];
	v51 =	vmul.f32 v44, v43;
	[tilespmem:s21+$0x3450] =	vst v45  }
0x15d: {  	v60 =	vld [tilespmem:s21+$0x33D0];
	[tilespmem:s21+$0x3380] =	vst v19;
	v19 =	vmul.f32 v55, v56  }
0x15e: {  	v58 =	vmul.f32 v50, v43;
	[tilespmem:s21+$0x3330] =	vst v51;
	v30 =	vld [tilespmem:s21+$0x3400]  }
0x15f: {  	v51 =	vld [tilespmem:s21+$0x34D0];
	[tilespmem:s21+$0x33A0] =	vst v19;
	v19 =	vmul.f32 v59, v56  }
0x160: {  	[tilespmem:s21+$0x3370] =	vst v58;
	v29 =	vmul.f32 v57, v56;
	v33 =	vld [tilespmem:s21+$0x3420]  }
0x161: {  	v63 =	vld [tilespmem:s21+$0x33F0];
	[tilespmem:s21+$0x33C0] =	vst v19;
	v19 =	vmul.f32 v62, v56  }
0x162: {  	v37 =	vld [tilespmem:s21+$0x3440];
	v47 =	vperm.xlane v18, v10;
	[tilespmem:s21+$0x33B0] =	vst v29;
	v32 =	vmul.f32 v60, v56  }
0x163: {  	v61 =	vld [tilespmem:s21+$0x3530];
	[tilespmem:s21+$0x33E0] =	vst v19;
	v19 =	vmul.f32 v30, v34  }
0x164: {  	v40 =	vld [tilespmem:s21+$0x3460];
	v58 =	vmul.f32 v51, v47;
	[tilespmem:s21+$0x33D0] =	vst v32  }
0x165: {  	v31 =	vld [tilespmem:s21+$0x3410];
	[tilespmem:s21+$0x3400] =	vst v19;
	v19 =	vmul.f32 v33, v34  }
0x166: {  	v60 =	vperm.xlane v18, v11;
	v36 =	vmul.f32 v63, v56;
	[tilespmem:s21+$0x34D0] =	vst v58;
	v43 =	vld [tilespmem:s21+$0x3480]  }
0x167: {  	v57 =	vld [tilespmem:s21+$0x3510];
	[tilespmem:s21+$0x3420] =	vst v19;
	v19 =	vmul.f32 v37, v34  }
0x168: {  	v32 =	vmul.f32 v61, v60;
	[tilespmem:s21+$0x33F0] =	vst v36;
	v46 =	vld [tilespmem:s21+$0x34A0]  }
0x169: {  	v35 =	vld [tilespmem:s21+$0x3430];
	[tilespmem:s21+$0x3440] =	vst v19;
	v19 =	vmul.f32 v40, v34  }
0x16a: {  	v50 =	vld [tilespmem:s21+$0x34C0];
	v39 =	vmul.f32 v31, v34;
	[tilespmem:s21+$0x3530] =	vst v32  }
0x16b: {  	v28 =	vld [tilespmem:s21+$0x3550];
	[tilespmem:s21+$0x3460] =	vst v19;
	v19 =	vmul.f32 v43, v47  }
0x16c: {  	v53 =	vld [tilespmem:s21+$0x34E0];
	v29 =	vmul.f32 v57, v60;
	[tilespmem:s21+$0x3410] =	vst v39  }
0x16d: {  	v31 =	vld [tilespmem:s21+$0x3570];
	[tilespmem:s21+$0x3480] =	vst v19;
	v19 =	vmul.f32 v46, v47  }
0x16e: {  	v42 =	vmul.f32 v35, v34;
	[tilespmem:s21+$0x3510] =	vst v29;
	v56 =	vld [tilespmem:s21+$0x3500]  }
0x16f: {  	v41 =	vld [tilespmem:s21+$0x3470];
	[tilespmem:s21+$0x34A0] =	vst v19;
	v19 =	vmul.f32 v50, v47  }
0x170: {  	v35 =	vmul.f32 v28, v60;
	[tilespmem:s21+$0x3430] =	vst v42;
	v59 =	vld [tilespmem:s21+$0x3520]  }
0x171: {  	v44 =	vld [tilespmem:s21+$0x3490];
	[tilespmem:s21+$0x34C0] =	vst v19;
	v19 =	vmul.f32 v53, v47  }
0x172: {  	v63 =	vld [tilespmem:s21+$0x3540];
	[tilespmem:s21+$0x3550] =	vst v35;
	v39 =	vmul.f32 v31, v60  }
0x173: {  	v48 =	vld [tilespmem:s21+$0x34B0];
	[tilespmem:s21+$0x34E0] =	vst v19;
	v19 =	vmul.f32 v56, v60  }
0x174: {  	v49 =	vmul.f32 v41, v34;
	[tilespmem:s21+$0x3570] =	vst v39;
	v30 =	vld [tilespmem:s21+$0x3560]  }
0x175: {  	v54 =	vld [tilespmem:s21+$0x34F0];
	[tilespmem:s21+$0x3500] =	vst v19;
	v19 =	vmul.f32 v59, v60  }
0x176: {  	[tilespmem:s21+$0x3470] =	vst v49;
	v52 =	vmul.f32 v44, v47;
	v33 =	vld [tilespmem:s21+$0x3580]  }
0x177: {  	v38 =	vld [tilespmem:s21+$0x35B0];
	[tilespmem:s21+$0x3520] =	vst v19;
	v19 =	vmul.f32 v63, v60  }
0x178: {  	v36 =	vld [tilespmem:s21+$0x35A0];
	[tilespmem:s21+$0x3490] =	vst v52;
	v55 =	vmul.f32 v48, v47  }
0x179: {  	v41 =	vld [tilespmem:s21+$0x35D0];
	v37 =	vperm.xlane v18, v12;
	[tilespmem:s21+$0x3540] =	vst v19;
	v19 =	vmul.f32 v30, v60  }
0x17a: {  	[tilespmem:s21+$0x34B0] =	vst v55;
	v62 =	vmul.f32 v54, v47;
	v40 =	vld [tilespmem:s21+$0x35C0]  }
0x17b: {  	v44 =	vld [tilespmem:s21+$0x35F0];
	[tilespmem:s21+$0x3560] =	vst v19;
	v19 =	vmul.f32 v33, v37  }
0x17c: {  	[tilespmem:s21+$0x34F0] =	vst v62;
	v45 =	vmul.f32 v38, v37;
	v43 =	vld [tilespmem:s21+$0x35E0]  }
0x17d: {  	v34 =	vld [tilespmem:s21+$0x3590];
	[tilespmem:s21+$0x3580] =	vst v19;
	v19 =	vmul.f32 v36, v37  }
0x17e: {  	v48 =	vmul.f32 v41, v37;
	[tilespmem:s21+$0x35B0] =	vst v45;
	v46 =	vld [tilespmem:s21+$0x3600]  }
0x17f: {  	v51 =	vld [tilespmem:s21+$0x3630];
	[tilespmem:s21+$0x35A0] =	vst v19;
	v19 =	vmul.f32 v40, v37  }
0x180: {  	v49 =	vld [tilespmem:s21+$0x3620];
	v52 =	vmul.f32 v44, v37;
	[tilespmem:s21+$0x35D0] =	vst v48  }
0x181: {  	v54 =	vld [tilespmem:s21+$0x3650];
	v50 =	vperm.xlane v18, v13;
	[tilespmem:s21+$0x35C0] =	vst v19;
	v19 =	vmul.f32 v43, v37  }
0x182: {  	[tilespmem:s21+$0x35F0] =	vst v52;
	v42 =	vmul.f32 v34, v37;
	v53 =	vld [tilespmem:s21+$0x3640]  }
0x183: {  	v57 =	vld [tilespmem:s21+$0x3670];
	[tilespmem:s21+$0x35E0] =	vst v19;
	v19 =	vmul.f32 v46, v50  }
0x184: {  	[tilespmem:s21+$0x3590] =	vst v42;
	v58 =	vmul.f32 v51, v50;
	v56 =	vld [tilespmem:s21+$0x3660]  }
0x185: {  	v47 =	vld [tilespmem:s21+$0x3610];
	[tilespmem:s21+$0x3600] =	vst v19;
	v19 =	vmul.f32 v49, v50  }
0x186: {  	v61 =	vmul.f32 v54, v50;
	[tilespmem:s21+$0x3630] =	vst v58;
	v59 =	vld [tilespmem:s21+$0x3680]  }
0x187: {  	v39 =	vld [tilespmem:s21+$0x3710];
	[tilespmem:s21+$0x3620] =	vst v19;
	v19 =	vmul.f32 v53, v50  }
0x188: {  	v62 =	vld [tilespmem:s21+$0x36A0];
	v31 =	vmul.f32 v57, v50;
	[tilespmem:s21+$0x3650] =	vst v61  }
0x189: {  	v63 =	vperm.xlane v18, v14;
	v60 =	vld [tilespmem:s21+$0x3690];
	[tilespmem:s21+$0x3640] =	vst v19;
	v19 =	vmul.f32 v56, v50  }
0x18a: {  	v32 =	vld [tilespmem:s21+$0x36C0];
	v42 =	vperm.xlane v18, v15;
	[tilespmem:s21+$0x3670] =	vst v31;
	v55 =	vmul.f32 v47, v50  }
0x18b: {  	v33 =	vld [tilespmem:s21+$0x36D0];
	[tilespmem:s21+$0x3660] =	vst v19;
	v19 =	vmul.f32 v59, v63  }
0x18c: {  	v35 =	vld [tilespmem:s21+$0x36E0];
	v47 =	vmul.f32 v39, v42;
	[tilespmem:s21+$0x3610] =	vst v55  }
0x18d: {  	v30 =	vld [tilespmem:s21+$0x36B0];
	[tilespmem:s21+$0x3680] =	vst v19;
	v19 =	vmul.f32 v62, v63  }
0x18e: {  	v38 =	vld [tilespmem:s21+$0x3700];
	[tilespmem:s21+$0x3710] =	vst v47;
	v34 =	vmul.f32 v60, v63  }
0x18f: {  	v36 =	vld [tilespmem:s21+$0x36F0];
	[tilespmem:s21+$0x36A0] =	vst v19;
	v19 =	vmul.f32 v32, v63  }
0x190: {  	v41 =	vld [tilespmem:s21+$0x3720];
	[tilespmem:s21+$0x3690] =	vst v34;
	v40 =	vmul.f32 v33, v63  }
0x191: {  	v46 =	vld [tilespmem:s21+$0x3750];
	[tilespmem:s21+$0x36C0] =	vst v19;
	v19 =	vmul.f32 v35, v63  }
0x192: {  	v45 =	vld [tilespmem:s21+$0x3740];
	v37 =	vmul.f32 v30, v63;
	[tilespmem:s21+$0x36D0] =	vst v40  }
0x193: {  	v43 =	vld [tilespmem:s21+$0x3730];
	[tilespmem:s21+$0x36E0] =	vst v19;
	v19 =	vmul.f32 v38, v42  }
0x194: {  	v48 =	vld [tilespmem:s21+$0x3760];
	v44 =	vmul.f32 v36, v63;
	[tilespmem:s21+$0x36B0] =	vst v37  }
0x195: {  	v49 =	vld [tilespmem:s21+$0x3770];
	[tilespmem:s21+$0x3700] =	vst v19;
	v19 =	vmul.f32 v41, v42  }
0x196: {  	v51 =	vld [tilespmem:s21+$0x3780];
	[tilespmem:s21+$0x36F0] =	vst v44;
	v53 =	vmul.f32 v46, v42  }
0x197: {  	v52 =	vld [tilespmem:s21+$0x3790];
	[tilespmem:s21+$0x3720] =	vst v19;
	v19 =	vmul.f32 v45, v42  }
0x198: {  	v54 =	vld [tilespmem:s21+$0x37A0];
	v50 =	vmul.f32 v43, v42;
	[tilespmem:s21+$0x3750] =	vst v53  }
0x199: {  	v18 =	vperm.xlane v18, v16;
	v55 =	vld [tilespmem:s21+$0x37B0];
	[tilespmem:s21+$0x3740] =	vst v19;
	v19 =	vmul.f32 v48, v42  }
0x19a: {  	v57 =	vld [tilespmem:s21+$0x37C0];
	v56 =	vmul.f32 v49, v42;
	[tilespmem:s21+$0x3730] =	vst v50  }
0x19b: {  	v58 =	vld [tilespmem:s21+$0x37D0];
	[tilespmem:s21+$0x3760] =	vst v19;
	v19 =	vmul.f32 v51, v18  }
0x19c: {  	v60 =	vld [tilespmem:s21+$0x37E0];
	v59 =	vmul.f32 v52, v18;
	[tilespmem:s21+$0x3770] =	vst v56  }
0x19d: {  	v61 =	vld [tilespmem:s21+$0x37F0];
	[tilespmem:s21+$0x3780] =	vst v19;
	v19 =	vmul.f32 v54, v18  }
0x19e: {  	[tilespmem:s21+$0x3790] =	vst v59;
	v62 =	vmul.f32 v55, v18  }
0x19f: {  	p0 =	sne.s32 s20, $0x7;
	[tilespmem:s21+$0x37A0] =	vst v19;
	v19 =	vmul.f32 v57, v18  }
.Ltmp5:
0x1a0: {  	[tilespmem:s21+$0x37B0] =	vst v62;
	v63 =	vmul.f32 v58, v18;
	(pc) =	sbr.rel @p0 .LBB2_6-.Ltmp5, $4  }
0x1a1: {  	[tilespmem:s21+$0x37C0] =	vst v19;
	v19 =	vmul.f32 v60, v18  }
0x1a2: {  	[tilespmem:s21+$0x37D0] =	vst v63;
	v18 =	vmul.f32 v61, v18  }
0x1a3: {  	[tilespmem:s21+$0x37E0] =	vst v19  }
0x1a4: {  	s20 =	sadd.s32 $0x1, s20;
	[tilespmem:s21+$0x37F0] =	vst v18  }
0x1a5: {  	s20 =	sadd.s32 $0x1000, s18;
	s21 =	sadd.s32 $0x2000, s19  }
0x1a6: {  	[spmem:s2] =	stream.indirect.scatter.add.f32 [tilespmem:s1], [sflag:$0x3], $0x80, s20, s0, $0xb8;
	[tilespmem:$0x1F800] =	vst v63  }
0x1a7: {  	v17 =	vmov s21;
	_ =	swait.ge [sflag:s11], $0x4000  }
0x1a8: {  	[sflag:s11] =	ssyncset.done $0x0  }
0x1a9: {  	s20 =	simm.s32 $0x0;
	[sflag:s11] =	ssyncadd.s32 $0xFFFFC000  }
.LBB2_8:
0x1aa: {  	s21 =	sshll.u32 s20, $0x4  }
0x1ab: {  	s21 =	sand.u32 $0x3FFFFFF0, s21  }
0x1ac: {  	v18 =	vld.idx.msk [tilespmem:v17+s21+$0x0 ss:$0x1], $0xffff;
	s21 =	sshll.u32 s20, $0xB  }
0x1ad: {  	s21 =	sand.u32 $0x3FFFF800, s21  }
0x1ae: {  	v19 =	vld [tilespmem:s21+$0x7000]  }
0x1af: {  	v20 =	vld [tilespmem:s21+$0x7010]  }
0x1b0: {  	v21 =	vld [tilespmem:s21+$0x7020]  }
0x1b1: {  	v23 =	vld [tilespmem:s21+$0x7030];
	v22 =	vperm.xlane v18, v1  }
0x1b2: {  	v24 =	vld [tilespmem:s21+$0x7040]  }
0x1b3: {  	v25 =	vld [tilespmem:s21+$0x7050];
	v19 =	vmul.f32 v19, v22  }
0x1b4: {  	v26 =	vld [tilespmem:s21+$0x7060];
	v20 =	vmul.f32 v20, v22  }
0x1b5: {  	v43 =	vld [tilespmem:s21+$0x7070];
	[tilespmem:s21+$0x7000] =	vst v19;
	v19 =	vmul.f32 v21, v22  }
0x1b6: {  	v45 =	vld [tilespmem:s21+$0x7080];
	v44 =	vmul.f32 v23, v22;
	[tilespmem:s21+$0x7010] =	vst v20  }
0x1b7: {  	v46 =	vld [tilespmem:s21+$0x7090];
	[tilespmem:s21+$0x7020] =	vst v19;
	v19 =	vmul.f32 v24, v22  }
0x1b8: {  	v48 =	vld [tilespmem:s21+$0x70A0];
	v47 =	vmul.f32 v25, v22;
	[tilespmem:s21+$0x7030] =	vst v44  }
0x1b9: {  	v27 =	vld [tilespmem:s21+$0x70B0];
	v49 =	vperm.xlane v18, v2;
	[tilespmem:s21+$0x7040] =	vst v19;
	v19 =	vmul.f32 v26, v22  }
0x1ba: {  	v51 =	vld [tilespmem:s21+$0x70C0];
	v50 =	vmul.f32 v43, v22;
	[tilespmem:s21+$0x7050] =	vst v47  }
0x1bb: {  	v52 =	vld [tilespmem:s21+$0x70D0];
	[tilespmem:s21+$0x7060] =	vst v19;
	v19 =	vmul.f32 v45, v49  }
0x1bc: {  	v54 =	vld [tilespmem:s21+$0x70E0];
	v53 =	vmul.f32 v46, v49;
	[tilespmem:s21+$0x7070] =	vst v50  }
0x1bd: {  	v55 =	vld [tilespmem:s21+$0x70F0];
	[tilespmem:s21+$0x7080] =	vst v19;
	v19 =	vmul.f32 v48, v49  }
0x1be: {  	v57 =	vld [tilespmem:s21+$0x7100];
	v56 =	vmul.f32 v27, v49;
	[tilespmem:s21+$0x7090] =	vst v53  }
0x1bf: {  	v58 =	vld [tilespmem:s21+$0x7110];
	[tilespmem:s21+$0x70A0] =	vst v19;
	v19 =	vmul.f32 v51, v49  }
0x1c0: {  	v60 =	vld [tilespmem:s21+$0x7120];
	v59 =	vmul.f32 v52, v49;
	[tilespmem:s21+$0x70B0] =	vst v56  }
0x1c1: {  	v62 =	vld [tilespmem:s21+$0x7130];
	v61 =	vperm.xlane v18, v3;
	[tilespmem:s21+$0x70C0] =	vst v19;
	v19 =	vmul.f32 v54, v49  }
0x1c2: {  	v28 =	vld [tilespmem:s21+$0x7140];
	v63 =	vmul.f32 v55, v49;
	[tilespmem:s21+$0x70D0] =	vst v59  }
0x1c3: {  	v29 =	vld [tilespmem:s21+$0x7150];
	[tilespmem:s21+$0x70E0] =	vst v19;
	v19 =	vmul.f32 v57, v61  }
0x1c4: {  	v31 =	vld [tilespmem:s21+$0x7160];
	v30 =	vmul.f32 v58, v61;
	[tilespmem:s21+$0x70F0] =	vst v63  }
0x1c5: {  	v32 =	vld [tilespmem:s21+$0x7170];
	[tilespmem:s21+$0x7100] =	vst v19;
	v19 =	vmul.f32 v60, v61  }
0x1c6: {  	v34 =	vld [tilespmem:s21+$0x7180];
	v33 =	vmul.f32 v62, v61;
	[tilespmem:s21+$0x7110] =	vst v30  }
0x1c7: {  	v35 =	vld [tilespmem:s21+$0x7190];
	[tilespmem:s21+$0x7120] =	vst v19;
	v19 =	vmul.f32 v28, v61  }
0x1c8: {  	v37 =	vld [tilespmem:s21+$0x71A0];
	v36 =	vmul.f32 v29, v61;
	[tilespmem:s21+$0x7130] =	vst v33  }
0x1c9: {  	v39 =	vld [tilespmem:s21+$0x71B0];
	v38 =	vperm.xlane v18, v4;
	[tilespmem:s21+$0x7140] =	vst v19;
	v19 =	vmul.f32 v31, v61  }
0x1ca: {  	v41 =	vld [tilespmem:s21+$0x71C0];
	v40 =	vmul.f32 v32, v61;
	[tilespmem:s21+$0x7150] =	vst v36  }
0x1cb: {  	v45 =	vld [tilespmem:s21+$0x71F0];
	[tilespmem:s21+$0x7160] =	vst v19;
	v19 =	vmul.f32 v34, v38  }
0x1cc: {  	v43 =	vmul.f32 v35, v38;
	[tilespmem:s21+$0x7170] =	vst v40;
	v44 =	vld [tilespmem:s21+$0x71E0]  }
0x1cd: {  	v42 =	vld [tilespmem:s21+$0x71D0];
	[tilespmem:s21+$0x7180] =	vst v19;
	v19 =	vmul.f32 v37, v38  }
0x1ce: {  	v46 =	vmul.f32 v39, v38;
	[tilespmem:s21+$0x7190] =	vst v43;
	v47 =	vld [tilespmem:s21+$0x7200]  }
0x1cf: {  	v52 =	vld [tilespmem:s21+$0x7230];
	[tilespmem:s21+$0x71A0] =	vst v19;
	v19 =	vmul.f32 v41, v38  }
0x1d0: {  	[tilespmem:s21+$0x71B0] =	vst v46;
	v50 =	vld [tilespmem:s21+$0x7220];
	v53 =	vmul.f32 v45, v38  }
0x1d1: {  	v55 =	vld [tilespmem:s21+$0x7250];
	v51 =	vperm.xlane v18, v5;
	[tilespmem:s21+$0x71C0] =	vst v19;
	v19 =	vmul.f32 v44, v38  }
0x1d2: {  	v49 =	vmul.f32 v42, v38;
	v54 =	vld [tilespmem:s21+$0x7240];
	[tilespmem:s21+$0x71F0] =	vst v53  }
0x1d3: {  	v58 =	vld [tilespmem:s21+$0x7270];
	[tilespmem:s21+$0x71E0] =	vst v19;
	v19 =	vmul.f32 v47, v51  }
0x1d4: {  	v59 =	vmul.f32 v52, v51;
	[tilespmem:s21+$0x71D0] =	vst v49;
	v57 =	vld [tilespmem:s21+$0x7260]  }
0x1d5: {  	v48 =	vld [tilespmem:s21+$0x7210];
	[tilespmem:s21+$0x7200] =	vst v19;
	v19 =	vmul.f32 v50, v51  }
0x1d6: {  	v62 =	vmul.f32 v55, v51;
	[tilespmem:s21+$0x7230] =	vst v59;
	v60 =	vld [tilespmem:s21+$0x7280]  }
0x1d7: {  	v40 =	vld [tilespmem:s21+$0x7310];
	[tilespmem:s21+$0x7220] =	vst v19;
	v19 =	vmul.f32 v54, v51  }
0x1d8: {  	v63 =	vld [tilespmem:s21+$0x72A0];
	v32 =	vmul.f32 v58, v51;
	[tilespmem:s21+$0x7250] =	vst v62  }
0x1d9: {  	v30 =	vperm.xlane v18, v6;
	v61 =	vld [tilespmem:s21+$0x7290];
	[tilespmem:s21+$0x7240] =	vst v19;
	v19 =	vmul.f32 v57, v51  }
0x1da: {  	v33 =	vld [tilespmem:s21+$0x72C0];
	v43 =	vperm.xlane v18, v7;
	v56 =	vmul.f32 v48, v51;
	[tilespmem:s21+$0x7270] =	vst v32  }
0x1db: {  	v53 =	vld [tilespmem:s21+$0x7390];
	[tilespmem:s21+$0x7260] =	vst v19;
	v19 =	vmul.f32 v60, v30  }
0x1dc: {  	v36 =	vld [tilespmem:s21+$0x72E0];
	v48 =	vmul.f32 v40, v43;
	[tilespmem:s21+$0x7210] =	vst v56  }
0x1dd: {  	v31 =	vld [tilespmem:s21+$0x72B0];
	[tilespmem:s21+$0x7280] =	vst v19;
	v19 =	vmul.f32 v63, v30  }
0x1de: {  	v39 =	vld [tilespmem:s21+$0x7300];
	[tilespmem:s21+$0x7310] =	vst v48;
	v56 =	vperm.xlane v18, v8;
	v35 =	vmul.f32 v61, v30  }
0x1df: {  	v34 =	vld [tilespmem:s21+$0x72D0];
	[tilespmem:s21+$0x72A0] =	vst v19;
	v19 =	vmul.f32 v33, v30  }
0x1e0: {  	v42 =	vld [tilespmem:s21+$0x7320];
	v61 =	vmul.f32 v53, v56;
	[tilespmem:s21+$0x7290] =	vst v35  }
0x1e1: {  	v37 =	vld [tilespmem:s21+$0x72F0];
	[tilespmem:s21+$0x72C0] =	vst v19;
	v19 =	vmul.f32 v36, v30  }
0x1e2: {  	v46 =	vld [tilespmem:s21+$0x7340];
	[tilespmem:s21+$0x7390] =	vst v61;
	v38 =	vmul.f32 v31, v30  }
0x1e3: {  	v47 =	vld [tilespmem:s21+$0x7350];
	[tilespmem:s21+$0x72E0] =	vst v19;
	v19 =	vmul.f32 v39, v43  }
0x1e4: {  	v49 =	vld [tilespmem:s21+$0x7360];
	v41 =	vmul.f32 v34, v30;
	[tilespmem:s21+$0x72B0] =	vst v38  }
0x1e5: {  	v38 =	vld [tilespmem:s21+$0x7450];
	[tilespmem:s21+$0x7300] =	vst v19;
	v19 =	vmul.f32 v42, v43  }
0x1e6: {  	v52 =	vld [tilespmem:s21+$0x7380];
	[tilespmem:s21+$0x72D0] =	vst v41;
	v45 =	vmul.f32 v37, v30  }
0x1e7: {  	v44 =	vld [tilespmem:s21+$0x7330];
	[tilespmem:s21+$0x7320] =	vst v19;
	v19 =	vmul.f32 v46, v43  }
0x1e8: {  	v55 =	vld [tilespmem:s21+$0x73A0];
	v34 =	vperm.xlane v18, v9;
	[tilespmem:s21+$0x72F0] =	vst v45;
	v54 =	vmul.f32 v47, v43  }
0x1e9: {  	v50 =	vld [tilespmem:s21+$0x7370];
	[tilespmem:s21+$0x7340] =	vst v19;
	v19 =	vmul.f32 v49, v43  }
0x1ea: {  	v59 =	vld [tilespmem:s21+$0x73C0];
	v45 =	vmul.f32 v38, v34;
	[tilespmem:s21+$0x7350] =	vst v54  }
0x1eb: {  	v57 =	vld [tilespmem:s21+$0x73B0];
	[tilespmem:s21+$0x7360] =	vst v19;
	v19 =	vmul.f32 v52, v56  }
0x1ec: {  	v62 =	vld [tilespmem:s21+$0x73E0];
	v51 =	vmul.f32 v44, v43;
	[tilespmem:s21+$0x7450] =	vst v45  }
0x1ed: {  	v60 =	vld [tilespmem:s21+$0x73D0];
	[tilespmem:s21+$0x7380] =	vst v19;
	v19 =	vmul.f32 v55, v56  }
0x1ee: {  	v58 =	vmul.f32 v50, v43;
	[tilespmem:s21+$0x7330] =	vst v51;
	v30 =	vld [tilespmem:s21+$0x7400]  }
0x1ef: {  	v51 =	vld [tilespmem:s21+$0x74D0];
	[tilespmem:s21+$0x73A0] =	vst v19;
	v19 =	vmul.f32 v59, v56  }
0x1f0: {  	[tilespmem:s21+$0x7370] =	vst v58;
	v29 =	vmul.f32 v57, v56;
	v33 =	vld [tilespmem:s21+$0x7420]  }
0x1f1: {  	v63 =	vld [tilespmem:s21+$0x73F0];
	[tilespmem:s21+$0x73C0] =	vst v19;
	v19 =	vmul.f32 v62, v56  }
0x1f2: {  	v37 =	vld [tilespmem:s21+$0x7440];
	v47 =	vperm.xlane v18, v10;
	[tilespmem:s21+$0x73B0] =	vst v29;
	v32 =	vmul.f32 v60, v56  }
0x1f3: {  	v61 =	vld [tilespmem:s21+$0x7530];
	[tilespmem:s21+$0x73E0] =	vst v19;
	v19 =	vmul.f32 v30, v34  }
0x1f4: {  	v40 =	vld [tilespmem:s21+$0x7460];
	v58 =	vmul.f32 v51, v47;
	[tilespmem:s21+$0x73D0] =	vst v32  }
0x1f5: {  	v31 =	vld [tilespmem:s21+$0x7410];
	[tilespmem:s21+$0x7400] =	vst v19;
	v19 =	vmul.f32 v33, v34  }
0x1f6: {  	v60 =	vperm.xlane v18, v11;
	v36 =	vmul.f32 v63, v56;
	[tilespmem:s21+$0x74D0] =	vst v58;
	v43 =	vld [tilespmem:s21+$0x7480]  }
0x1f7: {  	v57 =	vld [tilespmem:s21+$0x7510];
	[tilespmem:s21+$0x7420] =	vst v19;
	v19 =	vmul.f32 v37, v34  }
0x1f8: {  	v32 =	vmul.f32 v61, v60;
	[tilespmem:s21+$0x73F0] =	vst v36;
	v46 =	vld [tilespmem:s21+$0x74A0]  }
0x1f9: {  	v35 =	vld [tilespmem:s21+$0x7430];
	[tilespmem:s21+$0x7440] =	vst v19;
	v19 =	vmul.f32 v40, v34  }
0x1fa: {  	v50 =	vld [tilespmem:s21+$0x74C0];
	v39 =	vmul.f32 v31, v34;
	[tilespmem:s21+$0x7530] =	vst v32  }
0x1fb: {  	v28 =	vld [tilespmem:s21+$0x7550];
	[tilespmem:s21+$0x7460] =	vst v19;
	v19 =	vmul.f32 v43, v47  }
0x1fc: {  	v53 =	vld [tilespmem:s21+$0x74E0];
	v29 =	vmul.f32 v57, v60;
	[tilespmem:s21+$0x7410] =	vst v39  }
0x1fd: {  	v31 =	vld [tilespmem:s21+$0x7570];
	[tilespmem:s21+$0x7480] =	vst v19;
	v19 =	vmul.f32 v46, v47  }
0x1fe: {  	v42 =	vmul.f32 v35, v34;
	[tilespmem:s21+$0x7510] =	vst v29;
	v56 =	vld [tilespmem:s21+$0x7500]  }
0x1ff: {  	v41 =	vld [tilespmem:s21+$0x7470];
	[tilespmem:s21+$0x74A0] =	vst v19;
	v19 =	vmul.f32 v50, v47  }
0x200: {  	v35 =	vmul.f32 v28, v60;
	[tilespmem:s21+$0x7430] =	vst v42;
	v59 =	vld [tilespmem:s21+$0x7520]  }
0x201: {  	v44 =	vld [tilespmem:s21+$0x7490];
	[tilespmem:s21+$0x74C0] =	vst v19;
	v19 =	vmul.f32 v53, v47  }
0x202: {  	v63 =	vld [tilespmem:s21+$0x7540];
	[tilespmem:s21+$0x7550] =	vst v35;
	v39 =	vmul.f32 v31, v60  }
0x203: {  	v48 =	vld [tilespmem:s21+$0x74B0];
	[tilespmem:s21+$0x74E0] =	vst v19;
	v19 =	vmul.f32 v56, v60  }
0x204: {  	v49 =	vmul.f32 v41, v34;
	[tilespmem:s21+$0x7570] =	vst v39;
	v30 =	vld [tilespmem:s21+$0x7560]  }
0x205: {  	v54 =	vld [tilespmem:s21+$0x74F0];
	[tilespmem:s21+$0x7500] =	vst v19;
	v19 =	vmul.f32 v59, v60  }
0x206: {  	[tilespmem:s21+$0x7470] =	vst v49;
	v52 =	vmul.f32 v44, v47;
	v33 =	vld [tilespmem:s21+$0x7580]  }
0x207: {  	v38 =	vld [tilespmem:s21+$0x75B0];
	[tilespmem:s21+$0x7520] =	vst v19;
	v19 =	vmul.f32 v63, v60  }
0x208: {  	v36 =	vld [tilespmem:s21+$0x75A0];
	[tilespmem:s21+$0x7490] =	vst v52;
	v55 =	vmul.f32 v48, v47  }
0x209: {  	v41 =	vld [tilespmem:s21+$0x75D0];
	v37 =	vperm.xlane v18, v12;
	[tilespmem:s21+$0x7540] =	vst v19;
	v19 =	vmul.f32 v30, v60  }
0x20a: {  	[tilespmem:s21+$0x74B0] =	vst v55;
	v62 =	vmul.f32 v54, v47;
	v40 =	vld [tilespmem:s21+$0x75C0]  }
0x20b: {  	v44 =	vld [tilespmem:s21+$0x75F0];
	[tilespmem:s21+$0x7560] =	vst v19;
	v19 =	vmul.f32 v33, v37  }
0x20c: {  	[tilespmem:s21+$0x74F0] =	vst v62;
	v45 =	vmul.f32 v38, v37;
	v43 =	vld [tilespmem:s21+$0x75E0]  }
0x20d: {  	v34 =	vld [tilespmem:s21+$0x7590];
	[tilespmem:s21+$0x7580] =	vst v19;
	v19 =	vmul.f32 v36, v37  }
0x20e: {  	v48 =	vmul.f32 v41, v37;
	[tilespmem:s21+$0x75B0] =	vst v45;
	v46 =	vld [tilespmem:s21+$0x7600]  }
0x20f: {  	v51 =	vld [tilespmem:s21+$0x7630];
	[tilespmem:s21+$0x75A0] =	vst v19;
	v19 =	vmul.f32 v40, v37  }
0x210: {  	v49 =	vld [tilespmem:s21+$0x7620];
	v52 =	vmul.f32 v44, v37;
	[tilespmem:s21+$0x75D0] =	vst v48  }
0x211: {  	v54 =	vld [tilespmem:s21+$0x7650];
	v50 =	vperm.xlane v18, v13;
	[tilespmem:s21+$0x75C0] =	vst v19;
	v19 =	vmul.f32 v43, v37  }
0x212: {  	[tilespmem:s21+$0x75F0] =	vst v52;
	v42 =	vmul.f32 v34, v37;
	v53 =	vld [tilespmem:s21+$0x7640]  }
0x213: {  	v57 =	vld [tilespmem:s21+$0x7670];
	[tilespmem:s21+$0x75E0] =	vst v19;
	v19 =	vmul.f32 v46, v50  }
0x214: {  	[tilespmem:s21+$0x7590] =	vst v42;
	v58 =	vmul.f32 v51, v50;
	v56 =	vld [tilespmem:s21+$0x7660]  }
0x215: {  	v47 =	vld [tilespmem:s21+$0x7610];
	[tilespmem:s21+$0x7600] =	vst v19;
	v19 =	vmul.f32 v49, v50  }
0x216: {  	v61 =	vmul.f32 v54, v50;
	[tilespmem:s21+$0x7630] =	vst v58;
	v59 =	vld [tilespmem:s21+$0x7680]  }
0x217: {  	v39 =	vld [tilespmem:s21+$0x7710];
	[tilespmem:s21+$0x7620] =	vst v19;
	v19 =	vmul.f32 v53, v50  }
0x218: {  	v62 =	vld [tilespmem:s21+$0x76A0];
	v31 =	vmul.f32 v57, v50;
	[tilespmem:s21+$0x7650] =	vst v61  }
0x219: {  	v63 =	vperm.xlane v18, v14;
	v60 =	vld [tilespmem:s21+$0x7690];
	[tilespmem:s21+$0x7640] =	vst v19;
	v19 =	vmul.f32 v56, v50  }
0x21a: {  	v32 =	vld [tilespmem:s21+$0x76C0];
	v42 =	vperm.xlane v18, v15;
	[tilespmem:s21+$0x7670] =	vst v31;
	v55 =	vmul.f32 v47, v50  }
0x21b: {  	v33 =	vld [tilespmem:s21+$0x76D0];
	[tilespmem:s21+$0x7660] =	vst v19;
	v19 =	vmul.f32 v59, v63  }
0x21c: {  	v35 =	vld [tilespmem:s21+$0x76E0];
	v47 =	vmul.f32 v39, v42;
	[tilespmem:s21+$0x7610] =	vst v55  }
0x21d: {  	v30 =	vld [tilespmem:s21+$0x76B0];
	[tilespmem:s21+$0x7680] =	vst v19;
	v19 =	vmul.f32 v62, v63  }
0x21e: {  	v38 =	vld [tilespmem:s21+$0x7700];
	[tilespmem:s21+$0x7710] =	vst v47;
	v34 =	vmul.f32 v60, v63  }
0x21f: {  	v36 =	vld [tilespmem:s21+$0x76F0];
	[tilespmem:s21+$0x76A0] =	vst v19;
	v19 =	vmul.f32 v32, v63  }
0x220: {  	v41 =	vld [tilespmem:s21+$0x7720];
	[tilespmem:s21+$0x7690] =	vst v34;
	v40 =	vmul.f32 v33, v63  }
0x221: {  	v46 =	vld [tilespmem:s21+$0x7750];
	[tilespmem:s21+$0x76C0] =	vst v19;
	v19 =	vmul.f32 v35, v63  }
0x222: {  	v45 =	vld [tilespmem:s21+$0x7740];
	v37 =	vmul.f32 v30, v63;
	[tilespmem:s21+$0x76D0] =	vst v40  }
0x223: {  	v43 =	vld [tilespmem:s21+$0x7730];
	[tilespmem:s21+$0x76E0] =	vst v19;
	v19 =	vmul.f32 v38, v42  }
0x224: {  	v48 =	vld [tilespmem:s21+$0x7760];
	v44 =	vmul.f32 v36, v63;
	[tilespmem:s21+$0x76B0] =	vst v37  }
0x225: {  	v49 =	vld [tilespmem:s21+$0x7770];
	[tilespmem:s21+$0x7700] =	vst v19;
	v19 =	vmul.f32 v41, v42  }
0x226: {  	v51 =	vld [tilespmem:s21+$0x7780];
	[tilespmem:s21+$0x76F0] =	vst v44;
	v53 =	vmul.f32 v46, v42  }
0x227: {  	v52 =	vld [tilespmem:s21+$0x7790];
	[tilespmem:s21+$0x7720] =	vst v19;
	v19 =	vmul.f32 v45, v42  }
0x228: {  	v54 =	vld [tilespmem:s21+$0x77A0];
	v50 =	vmul.f32 v43, v42;
	[tilespmem:s21+$0x7750] =	vst v53  }
0x229: {  	v18 =	vperm.xlane v18, v16;
	v55 =	vld [tilespmem:s21+$0x77B0];
	[tilespmem:s21+$0x7740] =	vst v19;
	v19 =	vmul.f32 v48, v42  }
0x22a: {  	v57 =	vld [tilespmem:s21+$0x77C0];
	v56 =	vmul.f32 v49, v42;
	[tilespmem:s21+$0x7730] =	vst v50  }
0x22b: {  	v58 =	vld [tilespmem:s21+$0x77D0];
	[tilespmem:s21+$0x7760] =	vst v19;
	v19 =	vmul.f32 v51, v18  }
0x22c: {  	v60 =	vld [tilespmem:s21+$0x77E0];
	v59 =	vmul.f32 v52, v18;
	[tilespmem:s21+$0x7770] =	vst v56  }
0x22d: {  	v61 =	vld [tilespmem:s21+$0x77F0];
	[tilespmem:s21+$0x7780] =	vst v19;
	v19 =	vmul.f32 v54, v18  }
0x22e: {  	[tilespmem:s21+$0x7790] =	vst v59;
	v62 =	vmul.f32 v55, v18  }
0x22f: {  	p0 =	sne.s32 s20, $0x7;
	[tilespmem:s21+$0x77A0] =	vst v19;
	v19 =	vmul.f32 v57, v18  }
.Ltmp6:
0x230: {  	[tilespmem:s21+$0x77B0] =	vst v62;
	v63 =	vmul.f32 v58, v18;
	(pc) =	sbr.rel @p0 .LBB2_8-.Ltmp6, $4  }
0x231: {  	[tilespmem:s21+$0x77C0] =	vst v19;
	v19 =	vmul.f32 v60, v18  }
0x232: {  	[tilespmem:s21+$0x77D0] =	vst v63;
	v18 =	vmul.f32 v61, v18  }
0x233: {  	[tilespmem:s21+$0x77E0] =	vst v19  }
0x234: {  	s20 =	sadd.s32 $0x1, s20;
	[tilespmem:s21+$0x77F0] =	vst v18  }
0x235: {  	p0 =	seq.s32 s17, $0xF  }
.Ltmp7:
0x236: {  	_ = 	snop;
	(pc) =	sbr.rel @p0 .LBB2_11-.Ltmp7, $2  }
0x237: {  	_ =	sdelay $0x2  }
0x238: {  	s19 =	sadd.s32 $0x1000, s19  }
0x239: {  	_ =	swait.ge [sflag:s12], $0x4000  }
.Ltmp8:
0x23a: {  	[sflag:s12] =	ssyncset.done $0x0;
	(pc) =	sbr.rel .LBB2_5-.Ltmp8, $4  }
0x23b: {  	s18 =	sadd.s32 $0x100, s18;
	[sflag:s12] =	ssyncadd.s32 $0xFFFFC000  }
0x23c: {  	[tilespmem:s1], [sflag:$0x1] =	stream.indirect.gather [hbm4b:s7+s0], $0x80, s18, s0, $0xb8;
	[tilespmem:$0x1F800] =	vst v63  }
0x23d: {  	s17 =	sadd.s32 $0x1, s17  }
0x23e: {  	[spmem:s2] =	stream.indirect.scatter.add.f32 [tilespmem:s9], [sflag:$0x4], $0x80, s19, s0, $0xb8;
	[tilespmem:$0x1F800] =	vst v63  }
.LBB2_13:
0x23f: {  	_ =	sfence.sel $0x180000  }
0x240: {  	[bflag:$0x0] =	sbarrier.arrive $0xFFFF  }
0x241: {  	_ =	strace $0x9000004A  }
0x242: {  	s0 =	stileid.u32;
	[bflag:$0x2] =	sbarrier.arrive $0xFFFF  }
0x243: {  	p0 =	sne.s32 s0, $0x0;
	s0 =	rddreg [dreg:$0x3]  }
0x244: {  	s0 =	sadd.s32 @!p0 $0x100000, s0  }
0x245: {  	[sflag:s0] =	ssyncadd.tile.s32 @!p0 $0x1;
	_ =	shalt  }
.Lfunc_end2:
_tile_overlayer_lowered:
.L_overlay_start_2:
0x246: {  	(tag) =	ssettag $0x2  }
0x247: {  	s0 =	rddreg [dreg:$0x0];
	s2 =	stileid.u32  }
0x248: {  	s1 =	rddreg [dreg:$0x1];
	p0 =	sne.s32 s2, $0x0  }
0x249: {  	s3 =	rddreg [dreg:$0x2];
	[bflag:$0x3] =	sbarrier.arrive $0xFFFF;
	s2 =	simm.s32 @!p0 $0x1C05  }
0x24a: {  	[timem:s3], [sflag:s2] =	dma.local @!p0 [hbm:s0], s1  }
0x24b: {  	s0 =	simm.s32 @!p0 $0x5  }
0x24c: {  	_ =	swait.ge @!p0 [sflag:s0], s1  }
0x24d: {  	s1 =	ssub.s32 @!p0 $0x0, s1;
	[sflag:s0] =	ssyncset.done @!p0 $0x0  }
0x24e: {  	[sflag:s0] =	ssyncadd.s32 @!p0 s1  }
0x24f: {  	[bflag:$0x3] =	sbarrier.arrive $0xFFFF  }
0x250: {  	_ =	shalt  }

</sc_bundles>
